<compile_context>
chip_gen: v7x
topology: tpu7x:2x2x1
jax: 0.10.2.dev20260603
libtpu: 0.0.44.dev20260713+nightly
codegen_flags: <defaults>
</compile_context>

<pallas_src>
import jax
import jax.numpy as jnp
from jax import lax
from jax.experimental import pallas as pl
from jax.experimental.pallas import tpu as pltpu
from jax.experimental.pallas import tpu_sc as plsc

N_NODES = 10000
N_EDGES = 320000
D_FEAT = 128

NC = 2
NS = 16
B_EDGE = 128
T_TILES = N_EDGES // B_EDGE
HALF = 5120
Y_ROWS = 5248
ZPT = Y_ROWS // NS
WPT = HALF // NS
LANES = 16
CPD = D_FEAT // LANES


def _sc_body(x_hbm, wij_hbm, idx_hbm, t0_hbm, out_hbm,
             idx_v, idxw_v, wij_v, xr_v, prod_v, t0_v, y_sh,
             in0, in1, si0, si1, si2, si3, sc_sem):
    c = lax.axis_index("c")
    s = lax.axis_index("s")
    in_sems = (in0, in1)
    idx_sems = (si0, si1, si2, si3)

    def _zero_row(r, _):
        for cc in range(CPD):
            wij_v[0, r, pl.ds(cc * LANES, LANES)] = jnp.zeros((LANES,), jnp.float32)
        return 0
    lax.fori_loop(0, B_EDGE, _zero_row, 0)

    zbase = s * ZPT
    pltpu.sync_copy(wij_v.at[0], y_sh.at[pl.ds(zbase, 128)])
    pltpu.sync_copy(wij_v.at[0], y_sh.at[pl.ds(zbase + 128, 128)])
    pltpu.sync_copy(wij_v.at[0, pl.ds(0, ZPT - 256)],
                    y_sh.at[pl.ds(zbase + 256, ZPT - 256)])
    plsc.subcore_barrier()

    pltpu.sync_copy(t0_hbm, t0_v)
    t0 = t0_v[0, pl.ds(0, LANES)][0]
    n_tiles = jnp.where(c == 0, t0 + 1, T_TILES - t0)
    count = (n_tiles - s + (NS - 1)) // NS
    tbase = c * t0 + s
    row_lo = c * HALF

    def tile_at(m):
        return jnp.minimum(tbase + m * NS, T_TILES - 1)

    def issue_inputs(m, slot, b):
        pltpu.async_copy(x_hbm.at[idx_v.at[slot, 1]], xr_v.at[b], in_sems[b])
        pltpu.async_copy(wij_hbm.at[tile_at(m)], wij_v.at[b], in_sems[b])

    def wait_inputs(b):
        pltpu.make_async_copy(wij_hbm.at[0], xr_v.at[b], in_sems[b]).wait()
        pltpu.make_async_copy(wij_hbm.at[0], wij_v.at[b], in_sems[b]).wait()

    def issue_idx(m, slot):
        pltpu.async_copy(idx_hbm.at[tile_at(m)], idx_v.at[slot], idx_sems[slot])

    def wait_idx(slot):
        pltpu.make_async_copy(idx_hbm.at[0], idx_v.at[slot], idx_sems[slot]).wait()

    pltpu.sync_copy(idx_hbm.at[tile_at(0)], idx_v.at[0])
    pltpu.sync_copy(idx_hbm.at[tile_at(1)], idx_v.at[1])
    issue_idx(2, 2)
    issue_idx(3, 3)
    issue_inputs(0, 0, 0)
    issue_inputs(1, 1, 1)

    def _edge_quad(q, _):
        for i in range(4):
            k = q * 4 + i
            b = i % 2
            slot = i
            wait_inputs(b)

            for cc in range(CPD):
                sl = pl.ds(cc * LANES, LANES)
                local = idx_v[slot, 0, sl] - row_lo
                keep = (local >= 0) & (local < HALF)
                idxw_v[b, 0, sl] = jnp.where(keep, local, HALF)

            issue_idx(k + 4, slot)

            @pl.when((k >= 1) & (k - 1 < count))
            def _():
                pltpu.make_async_copy(
                    prod_v, y_sh.at[idxw_v.at[1 - b, 0]], sc_sem).wait()

            def _mul_row(r, _):
                for cc in range(CPD):
                    sl = pl.ds(cc * LANES, LANES)
                    prod_v[r, sl] = xr_v[b, r, sl] * wij_v[b, r, sl]
                return 0
            lax.fori_loop(0, B_EDGE, _mul_row, 0)

            @pl.when(k < count)
            def _():
                pltpu.async_copy(prod_v, y_sh.at[idxw_v.at[b, 0]], sc_sem,
                                 add=True)

            wait_idx((i + 2) % 4)
            issue_inputs(k + 2, (i + 2) % 4, b)
        return 0
    lax.fori_loop(0, (count + 3) // 4, _edge_quad, 0)

    @pl.when((count > 0) & (count % 4 == 0))
    def _():
        pltpu.make_async_copy(
            prod_v, y_sh.at[idxw_v.at[(count - 1) % 2, 0]], sc_sem).wait()
    wait_inputs(0)
    wait_inputs(1)
    wait_idx(2)
    wait_idx(3)

    plsc.subcore_barrier()

    wbase = s * WPT
    pltpu.sync_copy(y_sh.at[pl.ds(wbase, WPT)],
                    out_hbm.at[pl.ds(row_lo + wbase, WPT)])


_sc_call = pl.kernel(
    _sc_body,
    out_type=jax.ShapeDtypeStruct((NC * HALF, D_FEAT), jnp.float32),
    mesh=plsc.VectorSubcoreMesh(core_axis_name="c", subcore_axis_name="s"),
    scratch_types=[
        pltpu.VMEM((4, 2, B_EDGE), jnp.int32),
        pltpu.VMEM((2, 1, B_EDGE), jnp.int32),
        pltpu.VMEM((2, B_EDGE, D_FEAT), jnp.float32),
        pltpu.VMEM((2, B_EDGE, D_FEAT), jnp.float32),
        pltpu.VMEM((B_EDGE, D_FEAT), jnp.float32),
        pltpu.VMEM((1, LANES), jnp.int32),
        pltpu.VMEM_SHARED((Y_ROWS, D_FEAT), jnp.float32),
        pltpu.SemaphoreType.DMA,
        pltpu.SemaphoreType.DMA,
        pltpu.SemaphoreType.DMA,
        pltpu.SemaphoreType.DMA,
        pltpu.SemaphoreType.DMA,
        pltpu.SemaphoreType.DMA,
        pltpu.SemaphoreType.DMA,
    ],
)


def kernel(x, Wij, idx_i, idx_j):
    idx_i = idx_i.astype(jnp.int32)
    idx2 = jnp.concatenate(
        [idx_i.reshape(T_TILES, 1, B_EDGE),
         idx_j.astype(jnp.int32).reshape(T_TILES, 1, B_EDGE)], axis=1)
    wij3 = Wij.reshape(T_TILES, B_EDGE, D_FEAT)
    split = jnp.searchsorted(idx_i, HALF).astype(jnp.int32)
    t0 = jnp.full((1, LANES), jnp.minimum(split // B_EDGE, T_TILES - 1),
                  dtype=jnp.int32)
    y = _sc_call(x, wij3, idx2, t0)
    return y[:N_NODES]

# --- scband reference (transcript-rebuilt; emitter-appended) ---
"""Pipeline reference for scband-cfconv-71408126263663 (READ-ONLY COPY).

The authoritative reference and input builder live on the scoring server;
editing this copy changes nothing except your own understanding.
"""

import jax, jax.numpy as jnp
import numpy as np

N_NODES = 10000
N_EDGES = 320000
D_FEAT = 128


def setup_inputs(seed: int = 0) -> dict:
    key = jax.random.key(seed)
    k1, k2, k3, k4 = jax.random.split(key, 4)
    x = jax.random.normal(k1, (N_NODES, D_FEAT), dtype=jnp.float32)
    Wij = jax.random.normal(k2, (N_EDGES, D_FEAT), dtype=jnp.float32)
    idx_i = jnp.sort(jax.random.randint(k3, (N_EDGES,), 0, N_NODES, dtype=jnp.int64))
    idx_j = jax.random.randint(k4, (N_EDGES,), 0, N_NODES, dtype=jnp.int64)
    return {"x": x, "Wij": Wij, "idx_i": idx_i, "idx_j": idx_j}


def reference(x, Wij, idx_i, idx_j):
    # Continuous-filter convolution: gather neighbor features, modulate by
    # continuous filter, scatter-sum into center atoms (segment_coo, reduce='sum').
    x_ij = jnp.take(x, idx_j, axis=0) * Wij
    y = jax.ops.segment_sum(x_ij, idx_i, num_segments=N_NODES)
    return y

if __name__ == "__main__":
    import jax
    _d = setup_inputs()
    print(jax.jit(kernel)(*tuple(_d.values())))

</pallas_src>

<mosaic_0001>
#map = affine_map<(d0, d1) -> (0, 0)>
#map1 = affine_map<(d0, d1) -> (0, 0, 0)>
module attributes {stable_mosaic.version = 14 : i64} {
  func.func @_sc_body(%arg0: i32, %arg1: i32, %arg2: memref<10000x128xf32, #tpu.memory_space<hbm>>, %arg3: memref<2500x128x128xf32, #tpu.memory_space<hbm>>, %arg4: memref<2500x2x128xi32, #tpu.memory_space<hbm>>, %arg5: memref<1x16xi32, #tpu.memory_space<hbm>>, %arg6: memref<10240x128xf32, #tpu.memory_space<hbm>>, %arg7: memref<4x2x128xi32, #tpu.memory_space<vmem>>, %arg8: memref<2x1x128xi32, #tpu.memory_space<vmem>>, %arg9: memref<2x128x128xf32, #tpu.memory_space<vmem>>, %arg10: memref<2x128x128xf32, #tpu.memory_space<vmem>>, %arg11: memref<128x128xf32, #tpu.memory_space<vmem>>, %arg12: memref<1x16xi32, #tpu.memory_space<vmem>>, %arg13: memref<5248x128xf32, #tpu.memory_space<vmem_shared>>, %arg14: memref<!tpu.dma_semaphore, #tpu.memory_space<semaphore_mem>>, %arg15: memref<!tpu.dma_semaphore, #tpu.memory_space<semaphore_mem>>, %arg16: memref<!tpu.dma_semaphore, #tpu.memory_space<semaphore_mem>>, %arg17: memref<!tpu.dma_semaphore, #tpu.memory_space<semaphore_mem>>, %arg18: memref<!tpu.dma_semaphore, #tpu.memory_space<semaphore_mem>>, %arg19: memref<!tpu.dma_semaphore, #tpu.memory_space<semaphore_mem>>, %arg20: memref<!tpu.dma_semaphore, #tpu.memory_space<semaphore_mem>>) attributes {dimension_semantics = [#tpu.dimension_semantics<core_parallel>, #tpu.dimension_semantics<subcore_parallel>], iteration_bounds = array<i64: 2, 16>, scalar_prefetch = 0 : i64, scratch_operands = 14 : i64, tpu.core_type = #tpu.core_type<sc_vector_subcore>, window_params = [{transform_indices = #map}, {transform_indices = #map1}, {transform_indices = #map1}, {transform_indices = #map}, {transform_indices = #map}]} {
    %scan3A = arith.constant 0 : i32
    %scan3A_0 = arith.constant 0 : i32
    %scan3A_1 = arith.constant 128 : i32
    %scan3A_2 = arith.addi %scan3A_0, %scan3A_1 : i32
    %scan3A_3 = arith.constant 1 : i32
    %scan3A_4 = scf.for %scan3A_331 = %scan3A_0 to %scan3A_2 step %scan3A_3 iter_args(%scan3A_332 = %scan3A) -> (i32)  : i32 {
      %broadcast_in_dim3A = arith.constant 0.000000e+00 : f32
      %broadcast_in_dim3A_333 = vector.broadcast %broadcast_in_dim3A : f32 to vector<16xf32>
      %swap3A = arith.constant 0 : i32
      %swap3A_334 = arith.index_cast %swap3A : i32 to index
      %swap3A_335 = arith.index_cast %scan3A_331 : i32 to index
      %swap3A_336 = arith.constant 0 : index
      %swap3A_337 = tpu.vector_load %arg9[%swap3A_334, %swap3A_335, %swap3A_336] {strides = array<i32>} : memref<2x128x128xf32, #tpu.memory_space<vmem>>, vector<1x1x16xf32>,
      %swap3A_338 = vector.shape_cast %swap3A_337 : vector<1x1x16xf32> to vector<16xf32>
      %swap3A_339 = vector.shape_cast %broadcast_in_dim3A_333 : vector<16xf32> to vector<1x1x16xf32>
      tpu.vector_store %arg9[%swap3A_334, %swap3A_335, %swap3A_336], %swap3A_339 {strides = array<i32>} : memref<2x128x128xf32, #tpu.memory_space<vmem>>, vector<1x1x16xf32>,
      %broadcast_in_dim3A_340 = arith.constant 0.000000e+00 : f32
      %broadcast_in_dim3A_341 = vector.broadcast %broadcast_in_dim3A_340 : f32 to vector<16xf32>
      %swap3A_342 = arith.constant 0 : i32
      %swap3A_343 = arith.index_cast %swap3A_342 : i32 to index
      %swap3A_344 = arith.index_cast %scan3A_331 : i32 to index
      %swap3A_345 = arith.constant 16 : index
      %swap3A_346 = tpu.vector_load %arg9[%swap3A_343, %swap3A_344, %swap3A_345] {strides = array<i32>} : memref<2x128x128xf32, #tpu.memory_space<vmem>>, vector<1x1x16xf32>,
      %swap3A_347 = vector.shape_cast %swap3A_346 : vector<1x1x16xf32> to vector<16xf32>
      %swap3A_348 = vector.shape_cast %broadcast_in_dim3A_341 : vector<16xf32> to vector<1x1x16xf32>
      tpu.vector_store %arg9[%swap3A_343, %swap3A_344, %swap3A_345], %swap3A_348 {strides = array<i32>} : memref<2x128x128xf32, #tpu.memory_space<vmem>>, vector<1x1x16xf32>,
      %broadcast_in_dim3A_349 = arith.constant 0.000000e+00 : f32
      %broadcast_in_dim3A_350 = vector.broadcast %broadcast_in_dim3A_349 : f32 to vector<16xf32>
      %swap3A_351 = arith.constant 0 : i32
      %swap3A_352 = arith.index_cast %swap3A_351 : i32 to index
      %swap3A_353 = arith.index_cast %scan3A_331 : i32 to index
      %swap3A_354 = arith.constant 32 : index
      %swap3A_355 = tpu.vector_load %arg9[%swap3A_352, %swap3A_353, %swap3A_354] {strides = array<i32>} : memref<2x128x128xf32, #tpu.memory_space<vmem>>, vector<1x1x16xf32>,
      %swap3A_356 = vector.shape_cast %swap3A_355 : vector<1x1x16xf32> to vector<16xf32>
      %swap3A_357 = vector.shape_cast %broadcast_in_dim3A_350 : vector<16xf32> to vector<1x1x16xf32>
      tpu.vector_store %arg9[%swap3A_352, %swap3A_353, %swap3A_354], %swap3A_357 {strides = array<i32>} : memref<2x128x128xf32, #tpu.memory_space<vmem>>, vector<1x1x16xf32>,
      %broadcast_in_dim3A_358 = arith.constant 0.000000e+00 : f32
      %broadcast_in_dim3A_359 = vector.broadcast %broadcast_in_dim3A_358 : f32 to vector<16xf32>
      %swap3A_360 = arith.constant 0 : i32
      %swap3A_361 = arith.index_cast %swap3A_360 : i32 to index
      %swap3A_362 = arith.index_cast %scan3A_331 : i32 to index
      %swap3A_363 = arith.constant 48 : index
      %swap3A_364 = tpu.vector_load %arg9[%swap3A_361, %swap3A_362, %swap3A_363] {strides = array<i32>} : memref<2x128x128xf32, #tpu.memory_space<vmem>>, vector<1x1x16xf32>,
      %swap3A_365 = vector.shape_cast %swap3A_364 : vector<1x1x16xf32> to vector<16xf32>
      %swap3A_366 = vector.shape_cast %broadcast_in_dim3A_359 : vector<16xf32> to vector<1x1x16xf32>
      tpu.vector_store %arg9[%swap3A_361, %swap3A_362, %swap3A_363], %swap3A_366 {strides = array<i32>} : memref<2x128x128xf32, #tpu.memory_space<vmem>>, vector<1x1x16xf32>,
      %broadcast_in_dim3A_367 = arith.constant 0.000000e+00 : f32
      %broadcast_in_dim3A_368 = vector.broadcast %broadcast_in_dim3A_367 : f32 to vector<16xf32>
      %swap3A_369 = arith.constant 0 : i32
      %swap3A_370 = arith.index_cast %swap3A_369 : i32 to index
      %swap3A_371 = arith.index_cast %scan3A_331 : i32 to index
      %swap3A_372 = arith.constant 64 : index
      %swap3A_373 = tpu.vector_load %arg9[%swap3A_370, %swap3A_371, %swap3A_372] {strides = array<i32>} : memref<2x128x128xf32, #tpu.memory_space<vmem>>, vector<1x1x16xf32>,
      %swap3A_374 = vector.shape_cast %swap3A_373 : vector<1x1x16xf32> to vector<16xf32>
      %swap3A_375 = vector.shape_cast %broadcast_in_dim3A_368 : vector<16xf32> to vector<1x1x16xf32>
      tpu.vector_store %arg9[%swap3A_370, %swap3A_371, %swap3A_372], %swap3A_375 {strides = array<i32>} : memref<2x128x128xf32, #tpu.memory_space<vmem>>, vector<1x1x16xf32>,
      %broadcast_in_dim3A_376 = arith.constant 0.000000e+00 : f32
      %broadcast_in_dim3A_377 = vector.broadcast %broadcast_in_dim3A_376 : f32 to vector<16xf32>
      %swap3A_378 = arith.constant 0 : i32
      %swap3A_379 = arith.index_cast %swap3A_378 : i32 to index
      %swap3A_380 = arith.index_cast %scan3A_331 : i32 to index
      %swap3A_381 = arith.constant 80 : index
      %swap3A_382 = tpu.vector_load %arg9[%swap3A_379, %swap3A_380, %swap3A_381] {strides = array<i32>} : memref<2x128x128xf32, #tpu.memory_space<vmem>>, vector<1x1x16xf32>,
      %swap3A_383 = vector.shape_cast %swap3A_382 : vector<1x1x16xf32> to vector<16xf32>
      %swap3A_384 = vector.shape_cast %broadcast_in_dim3A_377 : vector<16xf32> to vector<1x1x16xf32>
      tpu.vector_store %arg9[%swap3A_379, %swap3A_380, %swap3A_381], %swap3A_384 {strides = array<i32>} : memref<2x128x128xf32, #tpu.memory_space<vmem>>, vector<1x1x16xf32>,
      %broadcast_in_dim3A_385 = arith.constant 0.000000e+00 : f32
      %broadcast_in_dim3A_386 = vector.broadcast %broadcast_in_dim3A_385 : f32 to vector<16xf32>
      %swap3A_387 = arith.constant 0 : i32
      %swap3A_388 = arith.index_cast %swap3A_387 : i32 to index
      %swap3A_389 = arith.index_cast %scan3A_331 : i32 to index
      %swap3A_390 = arith.constant 96 : index
      %swap3A_391 = tpu.vector_load %arg9[%swap3A_388, %swap3A_389, %swap3A_390] {strides = array<i32>} : memref<2x128x128xf32, #tpu.memory_space<vmem>>, vector<1x1x16xf32>,
      %swap3A_392 = vector.shape_cast %swap3A_391 : vector<1x1x16xf32> to vector<16xf32>
      %swap3A_393 = vector.shape_cast %broadcast_in_dim3A_386 : vector<16xf32> to vector<1x1x16xf32>
      tpu.vector_store %arg9[%swap3A_388, %swap3A_389, %swap3A_390], %swap3A_393 {strides = array<i32>} : memref<2x128x128xf32, #tpu.memory_space<vmem>>, vector<1x1x16xf32>,
      %broadcast_in_dim3A_394 = arith.constant 0.000000e+00 : f32
      %broadcast_in_dim3A_395 = vector.broadcast %broadcast_in_dim3A_394 : f32 to vector<16xf32>
      %swap3A_396 = arith.constant 0 : i32
      %swap3A_397 = arith.index_cast %swap3A_396 : i32 to index
      %swap3A_398 = arith.index_cast %scan3A_331 : i32 to index
      %swap3A_399 = arith.constant 112 : index
      %swap3A_400 = tpu.vector_load %arg9[%swap3A_397, %swap3A_398, %swap3A_399] {strides = array<i32>} : memref<2x128x128xf32, #tpu.memory_space<vmem>>, vector<1x1x16xf32>,
      %swap3A_401 = vector.shape_cast %swap3A_400 : vector<1x1x16xf32> to vector<16xf32>
      %swap3A_402 = vector.shape_cast %broadcast_in_dim3A_395 : vector<16xf32> to vector<1x1x16xf32>
      tpu.vector_store %arg9[%swap3A_397, %swap3A_398, %swap3A_399], %swap3A_402 {strides = array<i32>} : memref<2x128x128xf32, #tpu.memory_space<vmem>>, vector<1x1x16xf32>,
      %scan3A_403 = arith.constant 0 : i32
      scf.yield %scan3A_403 : i32
    }
    %scan3A_5 = arith.constant 128 : i32
    %mul3A = arith.constant 328 : i32
    %mul3A_6 = arith.muli %arg1, %mul3A : i32
    %run_scoped3A = arith.constant 0 : i32
    "tpu.region"() ({
      %run_scoped3A_331 = tpu.sem_alloc : memref<!tpu.dma_semaphore, #tpu.memory_space<semaphore_mem>>
      %dma_start3A_332 = arith.constant 0 : i32
      %dma_start3A_333 = arith.constant 0 : i32
      %dma_start3A_334 = tpu.memref_slice %arg9[%run_scoped3A, %dma_start3A_332, %dma_start3A_333] : memref<2x128x128xf32, #tpu.memory_space<vmem>> -> memref<1x128x128xf32, #tpu.memory_space<vmem>>
      %dma_start3A_335 = tpu.memref_squeeze %dma_start3A_334 : memref<1x128x128xf32, #tpu.memory_space<vmem>> -> memref<128x128xf32, #tpu.memory_space<vmem>>
      %dma_start3A_336 = arith.constant 0 : i32
      %dma_start3A_337 = tpu.memref_slice %arg13[%mul3A_6, %dma_start3A_336] : memref<5248x128xf32, #tpu.memory_space<vmem_shared>> -> memref<128x128xf32, #tpu.memory_space<vmem_shared>>
      %dma_start3A_338 = arith.constant 0 : i32
      %dma_start3A_339 = tpu.memref_slice %arg13[%mul3A_6, %dma_start3A_338] : memref<5248x128xf32, #tpu.memory_space<vmem_shared>> -> memref<128x128xf32, #tpu.memory_space<vmem_shared>>
      %dma_start3A_340 = arith.constant 0 : i32
      %dma_start3A_341 = arith.constant 0 : i32
      %dma_start3A_342 = tpu.memref_slice %arg9[%run_scoped3A, %dma_start3A_340, %dma_start3A_341] : memref<2x128x128xf32, #tpu.memory_space<vmem>> -> memref<1x128x128xf32, #tpu.memory_space<vmem>>
      %dma_start3A_343 = tpu.memref_squeeze %dma_start3A_342 : memref<1x128x128xf32, #tpu.memory_space<vmem>> -> memref<128x128xf32, #tpu.memory_space<vmem>>
      tpu.enqueue_dma source(%dma_start3A_343 : memref<128x128xf32, #tpu.memory_space<vmem>>) target(%dma_start3A_339 : memref<128x128xf32, #tpu.memory_space<vmem_shared>>) target_semaphore(%run_scoped3A_331 : memref<!tpu.dma_semaphore, #tpu.memory_space<semaphore_mem>>)
      %dma_wait3A_344 = arith.constant 0 : i32
      %dma_wait3A_345 = arith.constant 0 : i32
      %dma_wait3A_346 = tpu.memref_slice %arg9[%run_scoped3A, %dma_wait3A_344, %dma_wait3A_345] : memref<2x128x128xf32, #tpu.memory_space<vmem>> -> memref<1x128x128xf32, #tpu.memory_space<vmem>>
      %dma_wait3A_347 = tpu.memref_squeeze %dma_wait3A_346 : memref<1x128x128xf32, #tpu.memory_space<vmem>> -> memref<128x128xf32, #tpu.memory_space<vmem>>
      %dma_wait3A_348 = arith.constant 0 : i32
      %dma_wait3A_349 = tpu.memref_slice %arg13[%mul3A_6, %dma_wait3A_348] : memref<5248x128xf32, #tpu.memory_space<vmem_shared>> -> memref<128x128xf32, #tpu.memory_space<vmem_shared>>
      %dma_wait3A_350 = arith.constant 0 : i32
      %dma_wait3A_351 = tpu.memref_slice %arg13[%mul3A_6, %dma_wait3A_350] : memref<5248x128xf32, #tpu.memory_space<vmem_shared>> -> memref<128x128xf32, #tpu.memory_space<vmem_shared>>
      %dma_wait3A_352 = arith.constant 0 : i32
      %dma_wait3A_353 = arith.constant 0 : i32
      %dma_wait3A_354 = tpu.memref_slice %arg9[%run_scoped3A, %dma_wait3A_352, %dma_wait3A_353] : memref<2x128x128xf32, #tpu.memory_space<vmem>> -> memref<1x128x128xf32, #tpu.memory_space<vmem>>
      %dma_wait3A_355 = tpu.memref_squeeze %dma_wait3A_354 : memref<1x128x128xf32, #tpu.memory_space<vmem>> -> memref<128x128xf32, #tpu.memory_space<vmem>>
      tpu.wait_dma2 semaphore(%run_scoped3A_331 : memref<!tpu.dma_semaphore, #tpu.memory_space<semaphore_mem>>) src(%dma_wait3A_355 : memref<128x128xf32, #tpu.memory_space<vmem>>) dst(%dma_wait3A_351 : memref<128x128xf32, #tpu.memory_space<vmem_shared>>)
      tpu.yield
    }) : () -> ()
    %add3A = arith.constant 128 : i32
    %add3A_7 = arith.addi %mul3A_6, %add3A : i32
    %run_scoped3A_8 = arith.constant 0 : i32
    "tpu.region"() ({
      %run_scoped3A_331 = tpu.sem_alloc : memref<!tpu.dma_semaphore, #tpu.memory_space<semaphore_mem>>
      %dma_start3A_332 = arith.constant 0 : i32
      %dma_start3A_333 = arith.constant 0 : i32
      %dma_start3A_334 = tpu.memref_slice %arg9[%run_scoped3A_8, %dma_start3A_332, %dma_start3A_333] : memref<2x128x128xf32, #tpu.memory_space<vmem>> -> memref<1x128x128xf32, #tpu.memory_space<vmem>>
      %dma_start3A_335 = tpu.memref_squeeze %dma_start3A_334 : memref<1x128x128xf32, #tpu.memory_space<vmem>> -> memref<128x128xf32, #tpu.memory_space<vmem>>
      %dma_start3A_336 = arith.constant 0 : i32
      %dma_start3A_337 = tpu.memref_slice %arg13[%add3A_7, %dma_start3A_336] : memref<5248x128xf32, #tpu.memory_space<vmem_shared>> -> memref<128x128xf32, #tpu.memory_space<vmem_shared>>
      %dma_start3A_338 = arith.constant 0 : i32
      %dma_start3A_339 = tpu.memref_slice %arg13[%add3A_7, %dma_start3A_338] : memref<5248x128xf32, #tpu.memory_space<vmem_shared>> -> memref<128x128xf32, #tpu.memory_space<vmem_shared>>
      %dma_start3A_340 = arith.constant 0 : i32
      %dma_start3A_341 = arith.constant 0 : i32
      %dma_start3A_342 = tpu.memref_slice %arg9[%run_scoped3A_8, %dma_start3A_340, %dma_start3A_341] : memref<2x128x128xf32, #tpu.memory_space<vmem>> -> memref<1x128x128xf32, #tpu.memory_space<vmem>>
      %dma_start3A_343 = tpu.memref_squeeze %dma_start3A_342 : memref<1x128x128xf32, #tpu.memory_space<vmem>> -> memref<128x128xf32, #tpu.memory_space<vmem>>
      tpu.enqueue_dma source(%dma_start3A_343 : memref<128x128xf32, #tpu.memory_space<vmem>>) target(%dma_start3A_339 : memref<128x128xf32, #tpu.memory_space<vmem_shared>>) target_semaphore(%run_scoped3A_331 : memref<!tpu.dma_semaphore, #tpu.memory_space<semaphore_mem>>)
      %dma_wait3A_344 = arith.constant 0 : i32
      %dma_wait3A_345 = arith.constant 0 : i32
      %dma_wait3A_346 = tpu.memref_slice %arg9[%run_scoped3A_8, %dma_wait3A_344, %dma_wait3A_345] : memref<2x128x128xf32, #tpu.memory_space<vmem>> -> memref<1x128x128xf32, #tpu.memory_space<vmem>>
      %dma_wait3A_347 = tpu.memref_squeeze %dma_wait3A_346 : memref<1x128x128xf32, #tpu.memory_space<vmem>> -> memref<128x128xf32, #tpu.memory_space<vmem>>
      %dma_wait3A_348 = arith.constant 0 : i32
      %dma_wait3A_349 = tpu.memref_slice %arg13[%add3A_7, %dma_wait3A_348] : memref<5248x128xf32, #tpu.memory_space<vmem_shared>> -> memref<128x128xf32, #tpu.memory_space<vmem_shared>>
      %dma_wait3A_350 = arith.constant 0 : i32
      %dma_wait3A_351 = tpu.memref_slice %arg13[%add3A_7, %dma_wait3A_350] : memref<5248x128xf32, #tpu.memory_space<vmem_shared>> -> memref<128x128xf32, #tpu.memory_space<vmem_shared>>
      %dma_wait3A_352 = arith.constant 0 : i32
      %dma_wait3A_353 = arith.constant 0 : i32
      %dma_wait3A_354 = tpu.memref_slice %arg9[%run_scoped3A_8, %dma_wait3A_352, %dma_wait3A_353] : memref<2x128x128xf32, #tpu.memory_space<vmem>> -> memref<1x128x128xf32, #tpu.memory_space<vmem>>
      %dma_wait3A_355 = tpu.memref_squeeze %dma_wait3A_354 : memref<1x128x128xf32, #tpu.memory_space<vmem>> -> memref<128x128xf32, #tpu.memory_space<vmem>>
      tpu.wait_dma2 semaphore(%run_scoped3A_331 : memref<!tpu.dma_semaphore, #tpu.memory_space<semaphore_mem>>) src(%dma_wait3A_355 : memref<128x128xf32, #tpu.memory_space<vmem>>) dst(%dma_wait3A_351 : memref<128x128xf32, #tpu.memory_space<vmem_shared>>)
      tpu.yield
    }) : () -> ()
    %add3A_9 = arith.constant 256 : i32
    %add3A_10 = arith.addi %mul3A_6, %add3A_9 : i32
    %run_scoped3A_11 = arith.constant 0 : i32
    "tpu.region"() ({
      %run_scoped3A_331 = tpu.sem_alloc : memref<!tpu.dma_semaphore, #tpu.memory_space<semaphore_mem>>
      %dma_start3A_332 = arith.constant 0 : i32
      %dma_start3A_333 = arith.constant 0 : i32
      %dma_start3A_334 = tpu.memref_slice %arg9[%run_scoped3A_11, %dma_start3A_332, %dma_start3A_333] : memref<2x128x128xf32, #tpu.memory_space<vmem>> -> memref<1x72x128xf32, #tpu.memory_space<vmem>>
      %dma_start3A_335 = tpu.memref_squeeze %dma_start3A_334 : memref<1x72x128xf32, #tpu.memory_space<vmem>> -> memref<72x128xf32, #tpu.memory_space<vmem>>
      %dma_start3A_336 = arith.constant 0 : i32
      %dma_start3A_337 = tpu.memref_slice %arg13[%add3A_10, %dma_start3A_336] : memref<5248x128xf32, #tpu.memory_space<vmem_shared>> -> memref<72x128xf32, #tpu.memory_space<vmem_shared>>
      %dma_start3A_338 = arith.constant 0 : i32
      %dma_start3A_339 = tpu.memref_slice %arg13[%add3A_10, %dma_start3A_338] : memref<5248x128xf32, #tpu.memory_space<vmem_shared>> -> memref<72x128xf32, #tpu.memory_space<vmem_shared>>
      %dma_start3A_340 = arith.constant 0 : i32
      %dma_start3A_341 = arith.constant 0 : i32
      %dma_start3A_342 = tpu.memref_slice %arg9[%run_scoped3A_11, %dma_start3A_340, %dma_start3A_341] : memref<2x128x128xf32, #tpu.memory_space<vmem>> -> memref<1x72x128xf32, #tpu.memory_space<vmem>>
      %dma_start3A_343 = tpu.memref_squeeze %dma_start3A_342 : memref<1x72x128xf32, #tpu.memory_space<vmem>> -> memref<72x128xf32, #tpu.memory_space<vmem>>
      tpu.enqueue_dma source(%dma_start3A_343 : memref<72x128xf32, #tpu.memory_space<vmem>>) target(%dma_start3A_339 : memref<72x128xf32, #tpu.memory_space<vmem_shared>>) target_semaphore(%run_scoped3A_331 : memref<!tpu.dma_semaphore, #tpu.memory_space<semaphore_mem>>)
      %dma_wait3A_344 = arith.constant 0 : i32
      %dma_wait3A_345 = arith.constant 0 : i32
      %dma_wait3A_346 = tpu.memref_slice %arg9[%run_scoped3A_11, %dma_wait3A_344, %dma_wait3A_345] : memref<2x128x128xf32, #tpu.memory_space<vmem>> -> memref<1x72x128xf32, #tpu.memory_space<vmem>>
      %dma_wait3A_347 = tpu.memref_squeeze %dma_wait3A_346 : memref<1x72x128xf32, #tpu.memory_space<vmem>> -> memref<72x128xf32, #tpu.memory_space<vmem>>
      %dma_wait3A_348 = arith.constant 0 : i32
      %dma_wait3A_349 = tpu.memref_slice %arg13[%add3A_10, %dma_wait3A_348] : memref<5248x128xf32, #tpu.memory_space<vmem_shared>> -> memref<72x128xf32, #tpu.memory_space<vmem_shared>>
      %dma_wait3A_350 = arith.constant 0 : i32
      %dma_wait3A_351 = tpu.memref_slice %arg13[%add3A_10, %dma_wait3A_350] : memref<5248x128xf32, #tpu.memory_space<vmem_shared>> -> memref<72x128xf32, #tpu.memory_space<vmem_shared>>
      %dma_wait3A_352 = arith.constant 0 : i32
      %dma_wait3A_353 = arith.constant 0 : i32
      %dma_wait3A_354 = tpu.memref_slice %arg9[%run_scoped3A_11, %dma_wait3A_352, %dma_wait3A_353] : memref<2x128x128xf32, #tpu.memory_space<vmem>> -> memref<1x72x128xf32, #tpu.memory_space<vmem>>
      %dma_wait3A_355 = tpu.memref_squeeze %dma_wait3A_354 : memref<1x72x128xf32, #tpu.memory_space<vmem>> -> memref<72x128xf32, #tpu.memory_space<vmem>>
      tpu.wait_dma2 semaphore(%run_scoped3A_331 : memref<!tpu.dma_semaphore, #tpu.memory_space<semaphore_mem>>) src(%dma_wait3A_355 : memref<72x128xf32, #tpu.memory_space<vmem>>) dst(%dma_wait3A_351 : memref<72x128xf32, #tpu.memory_space<vmem_shared>>)
      tpu.yield
    }) : () -> ()
    %barrier3A = arith.constant 0 : index
    tpu.barrier barrier_id(%barrier3A)
    "tpu.region"() ({
      %run_scoped3A_331 = tpu.sem_alloc : memref<!tpu.dma_semaphore, #tpu.memory_space<semaphore_mem>>
      tpu.enqueue_dma source(%arg5 : memref<1x16xi32, #tpu.memory_space<hbm>>) target(%arg12 : memref<1x16xi32, #tpu.memory_space<vmem>>) target_semaphore(%run_scoped3A_331 : memref<!tpu.dma_semaphore, #tpu.memory_space<semaphore_mem>>)
      tpu.wait_dma2 semaphore(%run_scoped3A_331 : memref<!tpu.dma_semaphore, #tpu.memory_space<semaphore_mem>>) src(%arg5 : memref<1x16xi32, #tpu.memory_space<hbm>>) dst(%arg12 : memref<1x16xi32, #tpu.memory_space<vmem>>)
      tpu.yield
    }) : () -> ()
    %get3A = arith.constant 0 : i32
    %get3A_12 = arith.index_cast %get3A : i32 to index
    %get3A_13 = arith.constant 0 : index
    %get3A_14 = tpu.vector_load %arg12[%get3A_12, %get3A_13] {strides = array<i32>} : memref<1x16xi32, #tpu.memory_space<vmem>>, vector<1x16xi32>,
    %get3A_15 = vector.shape_cast %get3A_14 : vector<1x16xi32> to vector<16xi32>
    %slice3A = vector.extract_strided_slice %get3A_15 {offsets = [0], sizes = [1], strides = [1]} : vector<16xi32> to vector<1xi32>
    %squeeze3A = vector.extract %slice3A[0] : i32 from vector<1xi32>
    %eq3A = arith.constant 0 : i32
    %eq3A_16 = arith.cmpi eq, %arg0, %eq3A : i32
    %add3A_17 = arith.constant 1 : i32
    %add3A_18 = arith.addi %squeeze3A, %add3A_17 : i32
    %sub3A = arith.constant 2500 : i32
    %sub3A_19 = arith.subi %sub3A, %squeeze3A : i32
    %select_n3A = arith.select %eq3A_16, %add3A_18, %sub3A_19 : i32
    %sub3A_20 = arith.subi %select_n3A, %arg1 : i32
    %add3A_21 = arith.constant 15 : i32
    %add3A_22 = arith.addi %sub3A_20, %add3A_21 : i32
    %jit3A = arith.constant 16 : i32
    %div3A = arith.divsi %add3A_22, %jit3A : i32
    %sign3A = arith.constant 0 : i32
    %sign3A_23 = arith.cmpi sgt, %add3A_22, %sign3A : i32
    %sign3A_24 = arith.extui %sign3A_23 : i1 to i32
    %sign3A_25 = arith.constant 0 : i32
    %sign3A_26 = arith.cmpi slt, %add3A_22, %sign3A_25 : i32
    %sign3A_27 = arith.extui %sign3A_26 : i1 to i32
    %sign3A_28 = arith.subi %sign3A_24, %sign3A_27 : i32
    %sign3A_29 = arith.constant 0 : i32
    %sign3A_30 = arith.cmpi sgt, %jit3A, %sign3A_29 : i32
    %sign3A_31 = arith.extui %sign3A_30 : i1 to i32
    %sign3A_32 = arith.constant 0 : i32
    %sign3A_33 = arith.cmpi slt, %jit3A, %sign3A_32 : i32
    %sign3A_34 = arith.extui %sign3A_33 : i1 to i32
    %sign3A_35 = arith.subi %sign3A_31, %sign3A_34 : i32
    %ne3A = arith.cmpi ne, %sign3A_28, %sign3A_35 : i32
    %rem3A = arith.remsi %add3A_22, %jit3A : i32
    %ne3A_36 = arith.constant 0 : i32
    %ne3A_37 = arith.cmpi ne, %rem3A, %ne3A_36 : i32
    %and3A = arith.andi %ne3A, %ne3A_37 : i1
    %sub3A_38 = arith.constant 1 : i32
    %sub3A_39 = arith.subi %div3A, %sub3A_38 : i32
    %select_n3A_40 = arith.select %and3A, %sub3A_39, %div3A : i32
    %mul3A_41 = arith.muli %arg0, %squeeze3A : i32
    %add3A_42 = arith.addi %mul3A_41, %arg1 : i32
    %mul3A_43 = arith.constant 5120 : i32
    %mul3A_44 = arith.muli %arg0, %mul3A_43 : i32
    %add3A_45 = arith.constant 0 : i32
    %add3A_46 = arith.addi %add3A_42, %add3A_45 : i32
    %min3A = arith.constant 2499 : i32
    %min3A_47 = arith.minsi %add3A_46, %min3A : i32
    %run_scoped3A_48 = arith.constant 0 : i32
    "tpu.region"() ({
      %run_scoped3A_331 = tpu.sem_alloc : memref<!tpu.dma_semaphore, #tpu.memory_space<semaphore_mem>>
      %dma_start3A_332 = arith.constant 0 : i32
      %dma_start3A_333 = arith.constant 0 : i32
      %dma_start3A_334 = tpu.memref_slice %arg7[%run_scoped3A_48, %dma_start3A_332, %dma_start3A_333] : memref<4x2x128xi32, #tpu.memory_space<vmem>> -> memref<1x2x128xi32, #tpu.memory_space<vmem>>
      %dma_start3A_335 = tpu.memref_squeeze %dma_start3A_334 : memref<1x2x128xi32, #tpu.memory_space<vmem>> -> memref<2x128xi32, #tpu.memory_space<vmem>>
      %dma_start3A_336 = arith.constant 0 : i32
      %dma_start3A_337 = arith.constant 0 : i32
      %dma_start3A_338 = tpu.memref_slice %arg4[%min3A_47, %dma_start3A_336, %dma_start3A_337] : memref<2500x2x128xi32, #tpu.memory_space<hbm>> -> memref<1x2x128xi32, #tpu.memory_space<hbm>>
      %dma_start3A_339 = tpu.memref_squeeze %dma_start3A_338 : memref<1x2x128xi32, #tpu.memory_space<hbm>> -> memref<2x128xi32, #tpu.memory_space<hbm>>
      %dma_start3A_340 = arith.constant 0 : i32
      %dma_start3A_341 = arith.constant 0 : i32
      %dma_start3A_342 = tpu.memref_slice %arg7[%run_scoped3A_48, %dma_start3A_340, %dma_start3A_341] : memref<4x2x128xi32, #tpu.memory_space<vmem>> -> memref<1x2x128xi32, #tpu.memory_space<vmem>>
      %dma_start3A_343 = tpu.memref_squeeze %dma_start3A_342 : memref<1x2x128xi32, #tpu.memory_space<vmem>> -> memref<2x128xi32, #tpu.memory_space<vmem>>
      %dma_start3A_344 = arith.constant 0 : i32
      %dma_start3A_345 = arith.constant 0 : i32
      %dma_start3A_346 = tpu.memref_slice %arg4[%min3A_47, %dma_start3A_344, %dma_start3A_345] : memref<2500x2x128xi32, #tpu.memory_space<hbm>> -> memref<1x2x128xi32, #tpu.memory_space<hbm>>
      %dma_start3A_347 = tpu.memref_squeeze %dma_start3A_346 : memref<1x2x128xi32, #tpu.memory_space<hbm>> -> memref<2x128xi32, #tpu.memory_space<hbm>>
      tpu.enqueue_dma source(%dma_start3A_347 : memref<2x128xi32, #tpu.memory_space<hbm>>) target(%dma_start3A_343 : memref<2x128xi32, #tpu.memory_space<vmem>>) target_semaphore(%run_scoped3A_331 : memref<!tpu.dma_semaphore, #tpu.memory_space<semaphore_mem>>)
      %dma_wait3A_348 = arith.constant 0 : i32
      %dma_wait3A_349 = arith.constant 0 : i32
      %dma_wait3A_350 = tpu.memref_slice %arg7[%run_scoped3A_48, %dma_wait3A_348, %dma_wait3A_349] : memref<4x2x128xi32, #tpu.memory_space<vmem>> -> memref<1x2x128xi32, #tpu.memory_space<vmem>>
      %dma_wait3A_351 = tpu.memref_squeeze %dma_wait3A_350 : memref<1x2x128xi32, #tpu.memory_space<vmem>> -> memref<2x128xi32, #tpu.memory_space<vmem>>
      %dma_wait3A_352 = arith.constant 0 : i32
      %dma_wait3A_353 = arith.constant 0 : i32
      %dma_wait3A_354 = tpu.memref_slice %arg4[%min3A_47, %dma_wait3A_352, %dma_wait3A_353] : memref<2500x2x128xi32, #tpu.memory_space<hbm>> -> memref<1x2x128xi32, #tpu.memory_space<hbm>>
      %dma_wait3A_355 = tpu.memref_squeeze %dma_wait3A_354 : memref<1x2x128xi32, #tpu.memory_space<hbm>> -> memref<2x128xi32, #tpu.memory_space<hbm>>
      %dma_wait3A_356 = arith.constant 0 : i32
      %dma_wait3A_357 = arith.constant 0 : i32
      %dma_wait3A_358 = tpu.memref_slice %arg7[%run_scoped3A_48, %dma_wait3A_356, %dma_wait3A_357] : memref<4x2x128xi32, #tpu.memory_space<vmem>> -> memref<1x2x128xi32, #tpu.memory_space<vmem>>
      %dma_wait3A_359 = tpu.memref_squeeze %dma_wait3A_358 : memref<1x2x128xi32, #tpu.memory_space<vmem>> -> memref<2x128xi32, #tpu.memory_space<vmem>>
      %dma_wait3A_360 = arith.constant 0 : i32
      %dma_wait3A_361 = arith.constant 0 : i32
      %dma_wait3A_362 = tpu.memref_slice %arg4[%min3A_47, %dma_wait3A_360, %dma_wait3A_361] : memref<2500x2x128xi32, #tpu.memory_space<hbm>> -> memref<1x2x128xi32, #tpu.memory_space<hbm>>
      %dma_wait3A_363 = tpu.memref_squeeze %dma_wait3A_362 : memref<1x2x128xi32, #tpu.memory_space<hbm>> -> memref<2x128xi32, #tpu.memory_space<hbm>>
      tpu.wait_dma2 semaphore(%run_scoped3A_331 : memref<!tpu.dma_semaphore, #tpu.memory_space<semaphore_mem>>) src(%dma_wait3A_363 : memref<2x128xi32, #tpu.memory_space<hbm>>) dst(%dma_wait3A_359 : memref<2x128xi32, #tpu.memory_space<vmem>>)
      tpu.yield
    }) : () -> ()
    %add3A_49 = arith.constant 16 : i32
    %add3A_50 = arith.addi %add3A_42, %add3A_49 : i32
    %min3A_51 = arith.constant 2499 : i32
    %min3A_52 = arith.minsi %add3A_50, %min3A_51 : i32
    %run_scoped3A_53 = arith.constant 1 : i32
    "tpu.region"() ({
      %run_scoped3A_331 = tpu.sem_alloc : memref<!tpu.dma_semaphore, #tpu.memory_space<semaphore_mem>>
      %dma_start3A_332 = arith.constant 0 : i32
      %dma_start3A_333 = arith.constant 0 : i32
      %dma_start3A_334 = tpu.memref_slice %arg7[%run_scoped3A_53, %dma_start3A_332, %dma_start3A_333] : memref<4x2x128xi32, #tpu.memory_space<vmem>> -> memref<1x2x128xi32, #tpu.memory_space<vmem>>
      %dma_start3A_335 = tpu.memref_squeeze %dma_start3A_334 : memref<1x2x128xi32, #tpu.memory_space<vmem>> -> memref<2x128xi32, #tpu.memory_space<vmem>>
      %dma_start3A_336 = arith.constant 0 : i32
      %dma_start3A_337 = arith.constant 0 : i32
      %dma_start3A_338 = tpu.memref_slice %arg4[%min3A_52, %dma_start3A_336, %dma_start3A_337] : memref<2500x2x128xi32, #tpu.memory_space<hbm>> -> memref<1x2x128xi32, #tpu.memory_space<hbm>>
      %dma_start3A_339 = tpu.memref_squeeze %dma_start3A_338 : memref<1x2x128xi32, #tpu.memory_space<hbm>> -> memref<2x128xi32, #tpu.memory_space<hbm>>
      %dma_start3A_340 = arith.constant 0 : i32
      %dma_start3A_341 = arith.constant 0 : i32
      %dma_start3A_342 = tpu.memref_slice %arg7[%run_scoped3A_53, %dma_start3A_340, %dma_start3A_341] : memref<4x2x128xi32, #tpu.memory_space<vmem>> -> memref<1x2x128xi32, #tpu.memory_space<vmem>>
      %dma_start3A_343 = tpu.memref_squeeze %dma_start3A_342 : memref<1x2x128xi32, #tpu.memory_space<vmem>> -> memref<2x128xi32, #tpu.memory_space<vmem>>
      %dma_start3A_344 = arith.constant 0 : i32
      %dma_start3A_345 = arith.constant 0 : i32
      %dma_start3A_346 = tpu.memref_slice %arg4[%min3A_52, %dma_start3A_344, %dma_start3A_345] : memref<2500x2x128xi32, #tpu.memory_space<hbm>> -> memref<1x2x128xi32, #tpu.memory_space<hbm>>
      %dma_start3A_347 = tpu.memref_squeeze %dma_start3A_346 : memref<1x2x128xi32, #tpu.memory_space<hbm>> -> memref<2x128xi32, #tpu.memory_space<hbm>>
      tpu.enqueue_dma source(%dma_start3A_347 : memref<2x128xi32, #tpu.memory_space<hbm>>) target(%dma_start3A_343 : memref<2x128xi32, #tpu.memory_space<vmem>>) target_semaphore(%run_scoped3A_331 : memref<!tpu.dma_semaphore, #tpu.memory_space<semaphore_mem>>)
      %dma_wait3A_348 = arith.constant 0 : i32
      %dma_wait3A_349 = arith.constant 0 : i32
      %dma_wait3A_350 = tpu.memref_slice %arg7[%run_scoped3A_53, %dma_wait3A_348, %dma_wait3A_349] : memref<4x2x128xi32, #tpu.memory_space<vmem>> -> memref<1x2x128xi32, #tpu.memory_space<vmem>>
      %dma_wait3A_351 = tpu.memref_squeeze %dma_wait3A_350 : memref<1x2x128xi32, #tpu.memory_space<vmem>> -> memref<2x128xi32, #tpu.memory_space<vmem>>
      %dma_wait3A_352 = arith.constant 0 : i32
      %dma_wait3A_353 = arith.constant 0 : i32
      %dma_wait3A_354 = tpu.memref_slice %arg4[%min3A_52, %dma_wait3A_352, %dma_wait3A_353] : memref<2500x2x128xi32, #tpu.memory_space<hbm>> -> memref<1x2x128xi32, #tpu.memory_space<hbm>>
      %dma_wait3A_355 = tpu.memref_squeeze %dma_wait3A_354 : memref<1x2x128xi32, #tpu.memory_space<hbm>> -> memref<2x128xi32, #tpu.memory_space<hbm>>
      %dma_wait3A_356 = arith.constant 0 : i32
      %dma_wait3A_357 = arith.constant 0 : i32
      %dma_wait3A_358 = tpu.memref_slice %arg7[%run_scoped3A_53, %dma_wait3A_356, %dma_wait3A_357] : memref<4x2x128xi32, #tpu.memory_space<vmem>> -> memref<1x2x128xi32, #tpu.memory_space<vmem>>
      %dma_wait3A_359 = tpu.memref_squeeze %dma_wait3A_358 : memref<1x2x128xi32, #tpu.memory_space<vmem>> -> memref<2x128xi32, #tpu.memory_space<vmem>>
      %dma_wait3A_360 = arith.constant 0 : i32
      %dma_wait3A_361 = arith.constant 0 : i32
      %dma_wait3A_362 = tpu.memref_slice %arg4[%min3A_52, %dma_wait3A_360, %dma_wait3A_361] : memref<2500x2x128xi32, #tpu.memory_space<hbm>> -> memref<1x2x128xi32, #tpu.memory_space<hbm>>
      %dma_wait3A_363 = tpu.memref_squeeze %dma_wait3A_362 : memref<1x2x128xi32, #tpu.memory_space<hbm>> -> memref<2x128xi32, #tpu.memory_space<hbm>>
      tpu.wait_dma2 semaphore(%run_scoped3A_331 : memref<!tpu.dma_semaphore, #tpu.memory_space<semaphore_mem>>) src(%dma_wait3A_363 : memref<2x128xi32, #tpu.memory_space<hbm>>) dst(%dma_wait3A_359 : memref<2x128xi32, #tpu.memory_space<vmem>>)
      tpu.yield
    }) : () -> ()
    %add3A_54 = arith.constant 32 : i32
    %add3A_55 = arith.addi %add3A_42, %add3A_54 : i32
    %min3A_56 = arith.constant 2499 : i32
    %min3A_57 = arith.minsi %add3A_55, %min3A_56 : i32
    %dma_start3A = arith.constant 2 : i32
    %dma_start3A_58 = arith.constant 0 : i32
    %dma_start3A_59 = arith.constant 0 : i32
    %dma_start3A_60 = tpu.memref_slice %arg7[%dma_start3A, %dma_start3A_58, %dma_start3A_59] : memref<4x2x128xi32, #tpu.memory_space<vmem>> -> memref<1x2x128xi32, #tpu.memory_space<vmem>>
    %dma_start3A_61 = tpu.memref_squeeze %dma_start3A_60 : memref<1x2x128xi32, #tpu.memory_space<vmem>> -> memref<2x128xi32, #tpu.memory_space<vmem>>
    %dma_start3A_62 = arith.constant 0 : i32
    %dma_start3A_63 = arith.constant 0 : i32
    %dma_start3A_64 = tpu.memref_slice %arg4[%min3A_57, %dma_start3A_62, %dma_start3A_63] : memref<2500x2x128xi32, #tpu.memory_space<hbm>> -> memref<1x2x128xi32, #tpu.memory_space<hbm>>
    %dma_start3A_65 = tpu.memref_squeeze %dma_start3A_64 : memref<1x2x128xi32, #tpu.memory_space<hbm>> -> memref<2x128xi32, #tpu.memory_space<hbm>>
    %dma_start3A_66 = arith.constant 0 : i32
    %dma_start3A_67 = arith.constant 0 : i32
    %dma_start3A_68 = tpu.memref_slice %arg7[%dma_start3A, %dma_start3A_66, %dma_start3A_67] : memref<4x2x128xi32, #tpu.memory_space<vmem>> -> memref<1x2x128xi32, #tpu.memory_space<vmem>>
    %dma_start3A_69 = tpu.memref_squeeze %dma_start3A_68 : memref<1x2x128xi32, #tpu.memory_space<vmem>> -> memref<2x128xi32, #tpu.memory_space<vmem>>
    %dma_start3A_70 = arith.constant 0 : i32
    %dma_start3A_71 = arith.constant 0 : i32
    %dma_start3A_72 = tpu.memref_slice %arg4[%min3A_57, %dma_start3A_70, %dma_start3A_71] : memref<2500x2x128xi32, #tpu.memory_space<hbm>> -> memref<1x2x128xi32, #tpu.memory_space<hbm>>
    %dma_start3A_73 = tpu.memref_squeeze %dma_start3A_72 : memref<1x2x128xi32, #tpu.memory_space<hbm>> -> memref<2x128xi32, #tpu.memory_space<hbm>>
    tpu.enqueue_dma source(%dma_start3A_73 : memref<2x128xi32, #tpu.memory_space<hbm>>) target(%dma_start3A_69 : memref<2x128xi32, #tpu.memory_space<vmem>>) target_semaphore(%arg18 : memref<!tpu.dma_semaphore, #tpu.memory_space<semaphore_mem>>)
    %add3A_74 = arith.constant 48 : i32
    %add3A_75 = arith.addi %add3A_42, %add3A_74 : i32
    %min3A_76 = arith.constant 2499 : i32
    %min3A_77 = arith.minsi %add3A_75, %min3A_76 : i32
    %dma_start3A_78 = arith.constant 3 : i32
    %dma_start3A_79 = arith.constant 0 : i32
    %dma_start3A_80 = arith.constant 0 : i32
    %dma_start3A_81 = tpu.memref_slice %arg7[%dma_start3A_78, %dma_start3A_79, %dma_start3A_80] : memref<4x2x128xi32, #tpu.memory_space<vmem>> -> memref<1x2x128xi32, #tpu.memory_space<vmem>>
    %dma_start3A_82 = tpu.memref_squeeze %dma_start3A_81 : memref<1x2x128xi32, #tpu.memory_space<vmem>> -> memref<2x128xi32, #tpu.memory_space<vmem>>
    %dma_start3A_83 = arith.constant 0 : i32
    %dma_start3A_84 = arith.constant 0 : i32
    %dma_start3A_85 = tpu.memref_slice %arg4[%min3A_77, %dma_start3A_83, %dma_start3A_84] : memref<2500x2x128xi32, #tpu.memory_space<hbm>> -> memref<1x2x128xi32, #tpu.memory_space<hbm>>
    %dma_start3A_86 = tpu.memref_squeeze %dma_start3A_85 : memref<1x2x128xi32, #tpu.memory_space<hbm>> -> memref<2x128xi32, #tpu.memory_space<hbm>>
    %dma_start3A_87 = arith.constant 0 : i32
    %dma_start3A_88 = arith.constant 0 : i32
    %dma_start3A_89 = tpu.memref_slice %arg7[%dma_start3A_78, %dma_start3A_87, %dma_start3A_88] : memref<4x2x128xi32, #tpu.memory_space<vmem>> -> memref<1x2x128xi32, #tpu.memory_space<vmem>>
    %dma_start3A_90 = tpu.memref_squeeze %dma_start3A_89 : memref<1x2x128xi32, #tpu.memory_space<vmem>> -> memref<2x128xi32, #tpu.memory_space<vmem>>
    %dma_start3A_91 = arith.constant 0 : i32
    %dma_start3A_92 = arith.constant 0 : i32
    %dma_start3A_93 = tpu.memref_slice %arg4[%min3A_77, %dma_start3A_91, %dma_start3A_92] : memref<2500x2x128xi32, #tpu.memory_space<hbm>> -> memref<1x2x128xi32, #tpu.memory_space<hbm>>
    %dma_start3A_94 = tpu.memref_squeeze %dma_start3A_93 : memref<1x2x128xi32, #tpu.memory_space<hbm>> -> memref<2x128xi32, #tpu.memory_space<hbm>>
    tpu.enqueue_dma source(%dma_start3A_94 : memref<2x128xi32, #tpu.memory_space<hbm>>) target(%dma_start3A_90 : memref<2x128xi32, #tpu.memory_space<vmem>>) target_semaphore(%arg19 : memref<!tpu.dma_semaphore, #tpu.memory_space<semaphore_mem>>)
    %dma_start3A_95 = arith.constant 0 : i32
    %dma_start3A_96 = arith.constant 1 : i32
    %dma_start3A_97 = arith.constant 0 : i32
    %dma_start3A_98 = arith.constant 0 : i32
    %dma_start3A_99 = arith.constant 0 : i32
    %dma_start3A_100 = tpu.memref_slice %arg10[%dma_start3A_97, %dma_start3A_98, %dma_start3A_99] : memref<2x128x128xf32, #tpu.memory_space<vmem>> -> memref<1x128x128xf32, #tpu.memory_space<vmem>>
    %dma_start3A_101 = tpu.memref_squeeze %dma_start3A_100 : memref<1x128x128xf32, #tpu.memory_space<vmem>> -> memref<128x128xf32, #tpu.memory_space<vmem>>
    %dma_start3A_102 = arith.constant 0 : i32
    %dma_start3A_103 = tpu.memref_slice %arg7[%dma_start3A_95, %dma_start3A_96, %dma_start3A_102] : memref<4x2x128xi32, #tpu.memory_space<vmem>> -> memref<1x1x128xi32, #tpu.memory_space<vmem>>
    %dma_start3A_104 = tpu.memref_squeeze %dma_start3A_103 : memref<1x1x128xi32, #tpu.memory_space<vmem>> -> memref<128xi32, #tpu.memory_space<vmem>>
    %dma_start3A_105 = arith.constant 0 : i32
    %dma_start3A_106 = arith.constant 0 : i32
    %dma_start3A_107 = tpu.memref_slice %arg2[%dma_start3A_105, %dma_start3A_106] : memref<10000x128xf32, #tpu.memory_space<hbm>> -> memref<10000x128xf32, #tpu.memory_space<hbm>>
    tpu.enqueue_indirect_dma source(%dma_start3A_107 : memref<10000x128xf32, #tpu.memory_space<hbm>>) target(%dma_start3A_101 : memref<128x128xf32, #tpu.memory_space<vmem>>) offsets(%dma_start3A_104 : memref<128xi32, #tpu.memory_space<vmem>>) semaphore(%arg14 : memref<!tpu.dma_semaphore, #tpu.memory_space<semaphore_mem>>)
    %add3A_108 = arith.constant 0 : i32
    %add3A_109 = arith.addi %add3A_42, %add3A_108 : i32
    %min3A_110 = arith.constant 2499 : i32
    %min3A_111 = arith.minsi %add3A_109, %min3A_110 : i32
    %dma_start3A_112 = arith.constant 0 : i32
    %dma_start3A_113 = arith.constant 0 : i32
    %dma_start3A_114 = arith.constant 0 : i32
    %dma_start3A_115 = tpu.memref_slice %arg9[%dma_start3A_112, %dma_start3A_113, %dma_start3A_114] : memref<2x128x128xf32, #tpu.memory_space<vmem>> -> memref<1x128x128xf32, #tpu.memory_space<vmem>>
    %dma_start3A_116 = tpu.memref_squeeze %dma_start3A_115 : memref<1x128x128xf32, #tpu.memory_space<vmem>> -> memref<128x128xf32, #tpu.memory_space<vmem>>
    %dma_start3A_117 = arith.constant 0 : i32
    %dma_start3A_118 = arith.constant 0 : i32
    %dma_start3A_119 = tpu.memref_slice %arg3[%min3A_111, %dma_start3A_117, %dma_start3A_118] : memref<2500x128x128xf32, #tpu.memory_space<hbm>> -> memref<1x128x128xf32, #tpu.memory_space<hbm>>
    %dma_start3A_120 = tpu.memref_squeeze %dma_start3A_119 : memref<1x128x128xf32, #tpu.memory_space<hbm>> -> memref<128x128xf32, #tpu.memory_space<hbm>>
    %dma_start3A_121 = arith.constant 0 : i32
    %dma_start3A_122 = arith.constant 0 : i32
    %dma_start3A_123 = tpu.memref_slice %arg9[%dma_start3A_112, %dma_start3A_121, %dma_start3A_122] : memref<2x128x128xf32, #tpu.memory_space<vmem>> -> memref<1x128x128xf32, #tpu.memory_space<vmem>>
    %dma_start3A_124 = tpu.memref_squeeze %dma_start3A_123 : memref<1x128x128xf32, #tpu.memory_space<vmem>> -> memref<128x128xf32, #tpu.memory_space<vmem>>
    %dma_start3A_125 = arith.constant 0 : i32
    %dma_start3A_126 = arith.constant 0 : i32
    %dma_start3A_127 = tpu.memref_slice %arg3[%min3A_111, %dma_start3A_125, %dma_start3A_126] : memref<2500x128x128xf32, #tpu.memory_space<hbm>> -> memref<1x128x128xf32, #tpu.memory_space<hbm>>
    %dma_start3A_128 = tpu.memref_squeeze %dma_start3A_127 : memref<1x128x128xf32, #tpu.memory_space<hbm>> -> memref<128x128xf32, #tpu.memory_space<hbm>>
    tpu.enqueue_dma source(%dma_start3A_128 : memref<128x128xf32, #tpu.memory_space<hbm>>) target(%dma_start3A_124 : memref<128x128xf32, #tpu.memory_space<vmem>>) target_semaphore(%arg14 : memref<!tpu.dma_semaphore, #tpu.memory_space<semaphore_mem>>)
    %dma_start3A_129 = arith.constant 1 : i32
    %dma_start3A_130 = arith.constant 1 : i32
    %dma_start3A_131 = arith.constant 1 : i32
    %dma_start3A_132 = arith.constant 0 : i32
    %dma_start3A_133 = arith.constant 0 : i32
    %dma_start3A_134 = tpu.memref_slice %arg10[%dma_start3A_131, %dma_start3A_132, %dma_start3A_133] : memref<2x128x128xf32, #tpu.memory_space<vmem>> -> memref<1x128x128xf32, #tpu.memory_space<vmem>>
    %dma_start3A_135 = tpu.memref_squeeze %dma_start3A_134 : memref<1x128x128xf32, #tpu.memory_space<vmem>> -> memref<128x128xf32, #tpu.memory_space<vmem>>
    %dma_start3A_136 = arith.constant 0 : i32
    %dma_start3A_137 = tpu.memref_slice %arg7[%dma_start3A_129, %dma_start3A_130, %dma_start3A_136] : memref<4x2x128xi32, #tpu.memory_space<vmem>> -> memref<1x1x128xi32, #tpu.memory_space<vmem>>
    %dma_start3A_138 = tpu.memref_squeeze %dma_start3A_137 : memref<1x1x128xi32, #tpu.memory_space<vmem>> -> memref<128xi32, #tpu.memory_space<vmem>>
    %dma_start3A_139 = arith.constant 0 : i32
    %dma_start3A_140 = arith.constant 0 : i32
    %dma_start3A_141 = tpu.memref_slice %arg2[%dma_start3A_139, %dma_start3A_140] : memref<10000x128xf32, #tpu.memory_space<hbm>> -> memref<10000x128xf32, #tpu.memory_space<hbm>>
    tpu.enqueue_indirect_dma source(%dma_start3A_141 : memref<10000x128xf32, #tpu.memory_space<hbm>>) target(%dma_start3A_135 : memref<128x128xf32, #tpu.memory_space<vmem>>) offsets(%dma_start3A_138 : memref<128xi32, #tpu.memory_space<vmem>>) semaphore(%arg15 : memref<!tpu.dma_semaphore, #tpu.memory_space<semaphore_mem>>)
    %add3A_142 = arith.constant 16 : i32
    %add3A_143 = arith.addi %add3A_42, %add3A_142 : i32
    %min3A_144 = arith.constant 2499 : i32
    %min3A_145 = arith.minsi %add3A_143, %min3A_144 : i32
    %dma_start3A_146 = arith.constant 1 : i32
    %dma_start3A_147 = arith.constant 0 : i32
    %dma_start3A_148 = arith.constant 0 : i32
    %dma_start3A_149 = tpu.memref_slice %arg9[%dma_start3A_146, %dma_start3A_147, %dma_start3A_148] : memref<2x128x128xf32, #tpu.memory_space<vmem>> -> memref<1x128x128xf32, #tpu.memory_space<vmem>>
    %dma_start3A_150 = tpu.memref_squeeze %dma_start3A_149 : memref<1x128x128xf32, #tpu.memory_space<vmem>> -> memref<128x128xf32, #tpu.memory_space<vmem>>
    %dma_start3A_151 = arith.constant 0 : i32
    %dma_start3A_152 = arith.constant 0 : i32
    %dma_start3A_153 = tpu.memref_slice %arg3[%min3A_145, %dma_start3A_151, %dma_start3A_152] : memref<2500x128x128xf32, #tpu.memory_space<hbm>> -> memref<1x128x128xf32, #tpu.memory_space<hbm>>
    %dma_start3A_154 = tpu.memref_squeeze %dma_start3A_153 : memref<1x128x128xf32, #tpu.memory_space<hbm>> -> memref<128x128xf32, #tpu.memory_space<hbm>>
    %dma_start3A_155 = arith.constant 0 : i32
    %dma_start3A_156 = arith.constant 0 : i32
    %dma_start3A_157 = tpu.memref_slice %arg9[%dma_start3A_146, %dma_start3A_155, %dma_start3A_156] : memref<2x128x128xf32, #tpu.memory_space<vmem>> -> memref<1x128x128xf32, #tpu.memory_space<vmem>>
    %dma_start3A_158 = tpu.memref_squeeze %dma_start3A_157 : memref<1x128x128xf32, #tpu.memory_space<vmem>> -> memref<128x128xf32, #tpu.memory_space<vmem>>
    %dma_start3A_159 = arith.constant 0 : i32
    %dma_start3A_160 = arith.constant 0 : i32
    %dma_start3A_161 = tpu.memref_slice %arg3[%min3A_145, %dma_start3A_159, %dma_start3A_160] : memref<2500x128x128xf32, #tpu.memory_space<hbm>> -> memref<1x128x128xf32, #tpu.memory_space<hbm>>
    %dma_start3A_162 = tpu.memref_squeeze %dma_start3A_161 : memref<1x128x128xf32, #tpu.memory_space<hbm>> -> memref<128x128xf32, #tpu.memory_space<hbm>>
    tpu.enqueue_dma source(%dma_start3A_162 : memref<128x128xf32, #tpu.memory_space<hbm>>) target(%dma_start3A_158 : memref<128x128xf32, #tpu.memory_space<vmem>>) target_semaphore(%arg15 : memref<!tpu.dma_semaphore, #tpu.memory_space<semaphore_mem>>)
    %add3A_163 = arith.constant 3 : i32
    %add3A_164 = arith.addi %select_n3A_40, %add3A_163 : i32
    %jit3A_165 = arith.constant 4 : i32
    %div3A_166 = arith.divsi %add3A_164, %jit3A_165 : i32
    %sign3A_167 = arith.constant 0 : i32
    %sign3A_168 = arith.cmpi sgt, %add3A_164, %sign3A_167 : i32
    %sign3A_169 = arith.extui %sign3A_168 : i1 to i32
    %sign3A_170 = arith.constant 0 : i32
    %sign3A_171 = arith.cmpi slt, %add3A_164, %sign3A_170 : i32
    %sign3A_172 = arith.extui %sign3A_171 : i1 to i32
    %sign3A_173 = arith.subi %sign3A_169, %sign3A_172 : i32
    %sign3A_174 = arith.constant 0 : i32
    %sign3A_175 = arith.cmpi sgt, %jit3A_165, %sign3A_174 : i32
    %sign3A_176 = arith.extui %sign3A_175 : i1 to i32
    %sign3A_177 = arith.constant 0 : i32
    %sign3A_178 = arith.cmpi slt, %jit3A_165, %sign3A_177 : i32
    %sign3A_179 = arith.extui %sign3A_178 : i1 to i32
    %sign3A_180 = arith.subi %sign3A_176, %sign3A_179 : i32
    %ne3A_181 = arith.cmpi ne, %sign3A_173, %sign3A_180 : i32
    %rem3A_182 = arith.remsi %add3A_164, %jit3A_165 : i32
    %ne3A_183 = arith.constant 0 : i32
    %ne3A_184 = arith.cmpi ne, %rem3A_182, %ne3A_183 : i32
    %and3A_185 = arith.andi %ne3A_181, %ne3A_184 : i1
    %sub3A_186 = arith.constant 1 : i32
    %sub3A_187 = arith.subi %div3A_166, %sub3A_186 : i32
    %select_n3A_188 = arith.select %and3A_185, %sub3A_187, %div3A_166 : i32
    %while3A = arith.constant 0 : i32
    %while3A_189 = arith.constant 0 : i32
    %while3A_190 = arith.subi %select_n3A_188, %while3A : i32
    %while3A_191 = arith.addi %while3A, %while3A_190 : i32
    %while3A_192 = arith.constant 1 : i32
    %while3A_193 = arith.divsi %while3A_190, %while3A_192 : i32
    %while3A_194 = arith.muli %while3A_193, %while3A_192 : i32
    %while3A_195 = arith.addi %while3A, %while3A_194 : i32
    %while3A_196 = arith.constant 1 : i32
    %while3A_197 = scf.for %while3A_331 = %while3A to %while3A_195 step %while3A_196 iter_args(%while3A_332 = %while3A_189) -> (i32)  : i32 {
      %mul3A_333 = arith.constant 4 : i32
      %mul3A_334 = arith.muli %while3A_331, %mul3A_333 : i32
      %add3A_335 = arith.constant 0 : i32
      %add3A_336 = arith.addi %mul3A_334, %add3A_335 : i32
      %dma_wait3A_337 = arith.constant 0 : i32
      %dma_wait3A_338 = arith.constant 0 : i32
      %dma_wait3A_339 = arith.constant 0 : i32
      %dma_wait3A_340 = arith.constant 0 : i32
      %dma_wait3A_341 = tpu.memref_slice %arg10[%dma_wait3A_338, %dma_wait3A_339, %dma_wait3A_340] : memref<2x128x128xf32, #tpu.memory_space<vmem>> -> memref<1x128x128xf32, #tpu.memory_space<vmem>>
      %dma_wait3A_342 = tpu.memref_squeeze %dma_wait3A_341 : memref<1x128x128xf32, #tpu.memory_space<vmem>> -> memref<128x128xf32, #tpu.memory_space<vmem>>
      %dma_wait3A_343 = arith.constant 0 : i32
      %dma_wait3A_344 = arith.constant 0 : i32
      %dma_wait3A_345 = tpu.memref_slice %arg3[%dma_wait3A_337, %dma_wait3A_343, %dma_wait3A_344] : memref<2500x128x128xf32, #tpu.memory_space<hbm>> -> memref<1x128x128xf32, #tpu.memory_space<hbm>>
      %dma_wait3A_346 = tpu.memref_squeeze %dma_wait3A_345 : memref<1x128x128xf32, #tpu.memory_space<hbm>> -> memref<128x128xf32, #tpu.memory_space<hbm>>
      %dma_wait3A_347 = arith.constant 0 : i32
      %dma_wait3A_348 = arith.constant 0 : i32
      %dma_wait3A_349 = tpu.memref_slice %arg10[%dma_wait3A_338, %dma_wait3A_347, %dma_wait3A_348] : memref<2x128x128xf32, #tpu.memory_space<vmem>> -> memref<1x128x128xf32, #tpu.memory_space<vmem>>
      %dma_wait3A_350 = tpu.memref_squeeze %dma_wait3A_349 : memref<1x128x128xf32, #tpu.memory_space<vmem>> -> memref<128x128xf32, #tpu.memory_space<vmem>>
      %dma_wait3A_351 = arith.constant 0 : i32
      %dma_wait3A_352 = arith.constant 0 : i32
      %dma_wait3A_353 = tpu.memref_slice %arg3[%dma_wait3A_337, %dma_wait3A_351, %dma_wait3A_352] : memref<2500x128x128xf32, #tpu.memory_space<hbm>> -> memref<1x128x128xf32, #tpu.memory_space<hbm>>
      %dma_wait3A_354 = tpu.memref_squeeze %dma_wait3A_353 : memref<1x128x128xf32, #tpu.memory_space<hbm>> -> memref<128x128xf32, #tpu.memory_space<hbm>>
      tpu.wait_dma2 semaphore(%arg14 : memref<!tpu.dma_semaphore, #tpu.memory_space<semaphore_mem>>) src(%dma_wait3A_354 : memref<128x128xf32, #tpu.memory_space<hbm>>) dst(%dma_wait3A_350 : memref<128x128xf32, #tpu.memory_space<vmem>>)
      %dma_wait3A_355 = arith.constant 0 : i32
      %dma_wait3A_356 = arith.constant 0 : i32
      %dma_wait3A_357 = arith.constant 0 : i32
      %dma_wait3A_358 = arith.constant 0 : i32
      %dma_wait3A_359 = tpu.memref_slice %arg9[%dma_wait3A_356, %dma_wait3A_357, %dma_wait3A_358] : memref<2x128x128xf32, #tpu.memory_space<vmem>> -> memref<1x128x128xf32, #tpu.memory_space<vmem>>
      %dma_wait3A_360 = tpu.memref_squeeze %dma_wait3A_359 : memref<1x128x128xf32, #tpu.memory_space<vmem>> -> memref<128x128xf32, #tpu.memory_space<vmem>>
      %dma_wait3A_361 = arith.constant 0 : i32
      %dma_wait3A_362 = arith.constant 0 : i32
      %dma_wait3A_363 = tpu.memref_slice %arg3[%dma_wait3A_355, %dma_wait3A_361, %dma_wait3A_362] : memref<2500x128x128xf32, #tpu.memory_space<hbm>> -> memref<1x128x128xf32, #tpu.memory_space<hbm>>
      %dma_wait3A_364 = tpu.memref_squeeze %dma_wait3A_363 : memref<1x128x128xf32, #tpu.memory_space<hbm>> -> memref<128x128xf32, #tpu.memory_space<hbm>>
      %dma_wait3A_365 = arith.constant 0 : i32
      %dma_wait3A_366 = arith.constant 0 : i32
      %dma_wait3A_367 = tpu.memref_slice %arg9[%dma_wait3A_356, %dma_wait3A_365, %dma_wait3A_366] : memref<2x128x128xf32, #tpu.memory_space<vmem>> -> memref<1x128x128xf32, #tpu.memory_space<vmem>>
      %dma_wait3A_368 = tpu.memref_squeeze %dma_wait3A_367 : memref<1x128x128xf32, #tpu.memory_space<vmem>> -> memref<128x128xf32, #tpu.memory_space<vmem>>
      %dma_wait3A_369 = arith.constant 0 : i32
      %dma_wait3A_370 = arith.constant 0 : i32
      %dma_wait3A_371 = tpu.memref_slice %arg3[%dma_wait3A_355, %dma_wait3A_369, %dma_wait3A_370] : memref<2500x128x128xf32, #tpu.memory_space<hbm>> -> memref<1x128x128xf32, #tpu.memory_space<hbm>>
      %dma_wait3A_372 = tpu.memref_squeeze %dma_wait3A_371 : memref<1x128x128xf32, #tpu.memory_space<hbm>> -> memref<128x128xf32, #tpu.memory_space<hbm>>
      tpu.wait_dma2 semaphore(%arg14 : memref<!tpu.dma_semaphore, #tpu.memory_space<semaphore_mem>>) src(%dma_wait3A_372 : memref<128x128xf32, #tpu.memory_space<hbm>>) dst(%dma_wait3A_368 : memref<128x128xf32, #tpu.memory_space<vmem>>)
      %get3A_373 = arith.constant 0 : i32
      %get3A_374 = arith.constant 0 : i32
      %get3A_375 = arith.index_cast %get3A_373 : i32 to index
      %get3A_376 = arith.index_cast %get3A_374 : i32 to index
      %get3A_377 = arith.constant 0 : index
      %get3A_378 = tpu.vector_load %arg7[%get3A_375, %get3A_376, %get3A_377] {strides = array<i32>} : memref<4x2x128xi32, #tpu.memory_space<vmem>>, vector<1x1x16xi32>,
      %get3A_379 = vector.shape_cast %get3A_378 : vector<1x1x16xi32> to vector<16xi32>
      %sub3A_380 = vector.broadcast %mul3A_44 : i32 to vector<16xi32>
      %sub3A_381 = arith.subi %get3A_379, %sub3A_380 : vector<16xi32>
      %ge3A = arith.constant 0 : i32
      %ge3A_382 = vector.broadcast %ge3A : i32 to vector<16xi32>
      %ge3A_383 = arith.cmpi sge, %sub3A_381, %ge3A_382 : vector<16xi32>
      %lt3A_384 = arith.constant 5120 : i32
      %lt3A_385 = vector.broadcast %lt3A_384 : i32 to vector<16xi32>
      %lt3A_386 = arith.cmpi slt, %sub3A_381, %lt3A_385 : vector<16xi32>
      %and3A_387 = arith.andi %ge3A_383, %lt3A_386 : vector<16xi1>
      %jit3A_388 = arith.constant 5120 : i32
      %broadcast_in_dim3A = vector.broadcast %jit3A_388 : i32 to vector<16xi32>
      %select_n3A_389 = arith.select %and3A_387, %sub3A_381, %broadcast_in_dim3A : vector<16xi1>, vector<16xi32>
      %swap3A = arith.constant 0 : i32
      %swap3A_390 = arith.constant 0 : i32
      %swap3A_391 = arith.index_cast %swap3A : i32 to index
      %swap3A_392 = arith.index_cast %swap3A_390 : i32 to index
      %swap3A_393 = arith.constant 0 : index
      %swap3A_394 = tpu.vector_load %arg8[%swap3A_391, %swap3A_392, %swap3A_393] {strides = array<i32>} : memref<2x1x128xi32, #tpu.memory_space<vmem>>, vector<1x1x16xi32>,
      %swap3A_395 = vector.shape_cast %swap3A_394 : vector<1x1x16xi32> to vector<16xi32>
      %swap3A_396 = vector.shape_cast %select_n3A_389 : vector<16xi32> to vector<1x1x16xi32>
      tpu.vector_store %arg8[%swap3A_391, %swap3A_392, %swap3A_393], %swap3A_396 {strides = array<i32>} : memref<2x1x128xi32, #tpu.memory_space<vmem>>, vector<1x1x16xi32>,
      %get3A_397 = arith.constant 0 : i32
      %get3A_398 = arith.constant 0 : i32
      %get3A_399 = arith.index_cast %get3A_397 : i32 to index
      %get3A_400 = arith.index_cast %get3A_398 : i32 to index
      %get3A_401 = arith.constant 16 : index
      %get3A_402 = tpu.vector_load %arg7[%get3A_399, %get3A_400, %get3A_401] {strides = array<i32>} : memref<4x2x128xi32, #tpu.memory_space<vmem>>, vector<1x1x16xi32>,
      %get3A_403 = vector.shape_cast %get3A_402 : vector<1x1x16xi32> to vector<16xi32>
      %sub3A_404 = vector.broadcast %mul3A_44 : i32 to vector<16xi32>
      %sub3A_405 = arith.subi %get3A_403, %sub3A_404 : vector<16xi32>
      %ge3A_406 = arith.constant 0 : i32
      %ge3A_407 = vector.broadcast %ge3A_406 : i32 to vector<16xi32>
      %ge3A_408 = arith.cmpi sge, %sub3A_405, %ge3A_407 : vector<16xi32>
      %lt3A_409 = arith.constant 5120 : i32
      %lt3A_410 = vector.broadcast %lt3A_409 : i32 to vector<16xi32>
      %lt3A_411 = arith.cmpi slt, %sub3A_405, %lt3A_410 : vector<16xi32>
      %and3A_412 = arith.andi %ge3A_408, %lt3A_411 : vector<16xi1>
      %jit3A_413 = arith.constant 5120 : i32
      %broadcast_in_dim3A_414 = vector.broadcast %jit3A_413 : i32 to vector<16xi32>
      %select_n3A_415 = arith.select %and3A_412, %sub3A_405, %broadcast_in_dim3A_414 : vector<16xi1>, vector<16xi32>
      %swap3A_416 = arith.constant 0 : i32
      %swap3A_417 = arith.constant 0 : i32
      %swap3A_418 = arith.index_cast %swap3A_416 : i32 to index
      %swap3A_419 = arith.index_cast %swap3A_417 : i32 to index
      %swap3A_420 = arith.constant 16 : index
      %swap3A_421 = tpu.vector_load %arg8[%swap3A_418, %swap3A_419, %swap3A_420] {strides = array<i32>} : memref<2x1x128xi32, #tpu.memory_space<vmem>>, vector<1x1x16xi32>,
      %swap3A_422 = vector.shape_cast %swap3A_421 : vector<1x1x16xi32> to vector<16xi32>
      %swap3A_423 = vector.shape_cast %select_n3A_415 : vector<16xi32> to vector<1x1x16xi32>
      tpu.vector_store %arg8[%swap3A_418, %swap3A_419, %swap3A_420], %swap3A_423 {strides = array<i32>} : memref<2x1x128xi32, #tpu.memory_space<vmem>>, vector<1x1x16xi32>,
      %get3A_424 = arith.constant 0 : i32
      %get3A_425 = arith.constant 0 : i32
      %get3A_426 = arith.index_cast %get3A_424 : i32 to index
      %get3A_427 = arith.index_cast %get3A_425 : i32 to index
      %get3A_428 = arith.constant 32 : index
      %get3A_429 = tpu.vector_load %arg7[%get3A_426, %get3A_427, %get3A_428] {strides = array<i32>} : memref<4x2x128xi32, #tpu.memory_space<vmem>>, vector<1x1x16xi32>,
      %get3A_430 = vector.shape_cast %get3A_429 : vector<1x1x16xi32> to vector<16xi32>
      %sub3A_431 = vector.broadcast %mul3A_44 : i32 to vector<16xi32>
      %sub3A_432 = arith.subi %get3A_430, %sub3A_431 : vector<16xi32>
      %ge3A_433 = arith.constant 0 : i32
      %ge3A_434 = vector.broadcast %ge3A_433 : i32 to vector<16xi32>
      %ge3A_435 = arith.cmpi sge, %sub3A_432, %ge3A_434 : vector<16xi32>
      %lt3A_436 = arith.constant 5120 : i32
      %lt3A_437 = vector.broadcast %lt3A_436 : i32 to vector<16xi32>
      %lt3A_438 = arith.cmpi slt, %sub3A_432, %lt3A_437 : vector<16xi32>
      %and3A_439 = arith.andi %ge3A_435, %lt3A_438 : vector<16xi1>
      %jit3A_440 = arith.constant 5120 : i32
      %broadcast_in_dim3A_441 = vector.broadcast %jit3A_440 : i32 to vector<16xi32>
      %select_n3A_442 = arith.select %and3A_439, %sub3A_432, %broadcast_in_dim3A_441 : vector<16xi1>, vector<16xi32>
      %swap3A_443 = arith.constant 0 : i32
      %swap3A_444 = arith.constant 0 : i32
      %swap3A_445 = arith.index_cast %swap3A_443 : i32 to index
      %swap3A_446 = arith.index_cast %swap3A_444 : i32 to index
      %swap3A_447 = arith.constant 32 : index
      %swap3A_448 = tpu.vector_load %arg8[%swap3A_445, %swap3A_446, %swap3A_447] {strides = array<i32>} : memref<2x1x128xi32, #tpu.memory_space<vmem>>, vector<1x1x16xi32>,
      %swap3A_449 = vector.shape_cast %swap3A_448 : vector<1x1x16xi32> to vector<16xi32>
      %swap3A_450 = vector.shape_cast %select_n3A_442 : vector<16xi32> to vector<1x1x16xi32>
      tpu.vector_store %arg8[%swap3A_445, %swap3A_446, %swap3A_447], %swap3A_450 {strides = array<i32>} : memref<2x1x128xi32, #tpu.memory_space<vmem>>, vector<1x1x16xi32>,
      %get3A_451 = arith.constant 0 : i32
      %get3A_452 = arith.constant 0 : i32
      %get3A_453 = arith.index_cast %get3A_451 : i32 to index
      %get3A_454 = arith.index_cast %get3A_452 : i32 to index
      %get3A_455 = arith.constant 48 : index
      %get3A_456 = tpu.vector_load %arg7[%get3A_453, %get3A_454, %get3A_455] {strides = array<i32>} : memref<4x2x128xi32, #tpu.memory_space<vmem>>, vector<1x1x16xi32>,
      %get3A_457 = vector.shape_cast %get3A_456 : vector<1x1x16xi32> to vector<16xi32>
      %sub3A_458 = vector.broadcast %mul3A_44 : i32 to vector<16xi32>
      %sub3A_459 = arith.subi %get3A_457, %sub3A_458 : vector<16xi32>
      %ge3A_460 = arith.constant 0 : i32
      %ge3A_461 = vector.broadcast %ge3A_460 : i32 to vector<16xi32>
      %ge3A_462 = arith.cmpi sge, %sub3A_459, %ge3A_461 : vector<16xi32>
      %lt3A_463 = arith.constant 5120 : i32
      %lt3A_464 = vector.broadcast %lt3A_463 : i32 to vector<16xi32>
      %lt3A_465 = arith.cmpi slt, %sub3A_459, %lt3A_464 : vector<16xi32>
      %and3A_466 = arith.andi %ge3A_462, %lt3A_465 : vector<16xi1>
      %jit3A_467 = arith.constant 5120 : i32
      %broadcast_in_dim3A_468 = vector.broadcast %jit3A_467 : i32 to vector<16xi32>
      %select_n3A_469 = arith.select %and3A_466, %sub3A_459, %broadcast_in_dim3A_468 : vector<16xi1>, vector<16xi32>
      %swap3A_470 = arith.constant 0 : i32
      %swap3A_471 = arith.constant 0 : i32
      %swap3A_472 = arith.index_cast %swap3A_470 : i32 to index
      %swap3A_473 = arith.index_cast %swap3A_471 : i32 to index
      %swap3A_474 = arith.constant 48 : index
      %swap3A_475 = tpu.vector_load %arg8[%swap3A_472, %swap3A_473, %swap3A_474] {strides = array<i32>} : memref<2x1x128xi32, #tpu.memory_space<vmem>>, vector<1x1x16xi32>,
      %swap3A_476 = vector.shape_cast %swap3A_475 : vector<1x1x16xi32> to vector<16xi32>
      %swap3A_477 = vector.shape_cast %select_n3A_469 : vector<16xi32> to vector<1x1x16xi32>
      tpu.vector_store %arg8[%swap3A_472, %swap3A_473, %swap3A_474], %swap3A_477 {strides = array<i32>} : memref<2x1x128xi32, #tpu.memory_space<vmem>>, vector<1x1x16xi32>,
      %get3A_478 = arith.constant 0 : i32
      %get3A_479 = arith.constant 0 : i32
      %get3A_480 = arith.index_cast %get3A_478 : i32 to index
      %get3A_481 = arith.index_cast %get3A_479 : i32 to index
      %get3A_482 = arith.constant 64 : index
      %get3A_483 = tpu.vector_load %arg7[%get3A_480, %get3A_481, %get3A_482] {strides = array<i32>} : memref<4x2x128xi32, #tpu.memory_space<vmem>>, vector<1x1x16xi32>,
      %get3A_484 = vector.shape_cast %get3A_483 : vector<1x1x16xi32> to vector<16xi32>
      %sub3A_485 = vector.broadcast %mul3A_44 : i32 to vector<16xi32>
      %sub3A_486 = arith.subi %get3A_484, %sub3A_485 : vector<16xi32>
      %ge3A_487 = arith.constant 0 : i32
      %ge3A_488 = vector.broadcast %ge3A_487 : i32 to vector<16xi32>
      %ge3A_489 = arith.cmpi sge, %sub3A_486, %ge3A_488 : vector<16xi32>
      %lt3A_490 = arith.constant 5120 : i32
      %lt3A_491 = vector.broadcast %lt3A_490 : i32 to vector<16xi32>
      %lt3A_492 = arith.cmpi slt, %sub3A_486, %lt3A_491 : vector<16xi32>
      %and3A_493 = arith.andi %ge3A_489, %lt3A_492 : vector<16xi1>
      %jit3A_494 = arith.constant 5120 : i32
      %broadcast_in_dim3A_495 = vector.broadcast %jit3A_494 : i32 to vector<16xi32>
      %select_n3A_496 = arith.select %and3A_493, %sub3A_486, %broadcast_in_dim3A_495 : vector<16xi1>, vector<16xi32>
      %swap3A_497 = arith.constant 0 : i32
      %swap3A_498 = arith.constant 0 : i32
      %swap3A_499 = arith.index_cast %swap3A_497 : i32 to index
      %swap3A_500 = arith.index_cast %swap3A_498 : i32 to index
      %swap3A_501 = arith.constant 64 : index
      %swap3A_502 = tpu.vector_load %arg8[%swap3A_499, %swap3A_500, %swap3A_501] {strides = array<i32>} : memref<2x1x128xi32, #tpu.memory_space<vmem>>, vector<1x1x16xi32>,
      %swap3A_503 = vector.shape_cast %swap3A_502 : vector<1x1x16xi32> to vector<16xi32>
      %swap3A_504 = vector.shape_cast %select_n3A_496 : vector<16xi32> to vector<1x1x16xi32>
      tpu.vector_store %arg8[%swap3A_499, %swap3A_500, %swap3A_501], %swap3A_504 {strides = array<i32>} : memref<2x1x128xi32, #tpu.memory_space<vmem>>, vector<1x1x16xi32>,
      %get3A_505 = arith.constant 0 : i32
      %get3A_506 = arith.constant 0 : i32
      %get3A_507 = arith.index_cast %get3A_505 : i32 to index
      %get3A_508 = arith.index_cast %get3A_506 : i32 to index
      %get3A_509 = arith.constant 80 : index
      %get3A_510 = tpu.vector_load %arg7[%get3A_507, %get3A_508, %get3A_509] {strides = array<i32>} : memref<4x2x128xi32, #tpu.memory_space<vmem>>, vector<1x1x16xi32>,
      %get3A_511 = vector.shape_cast %get3A_510 : vector<1x1x16xi32> to vector<16xi32>
      %sub3A_512 = vector.broadcast %mul3A_44 : i32 to vector<16xi32>
      %sub3A_513 = arith.subi %get3A_511, %sub3A_512 : vector<16xi32>
      %ge3A_514 = arith.constant 0 : i32
      %ge3A_515 = vector.broadcast %ge3A_514 : i32 to vector<16xi32>
      %ge3A_516 = arith.cmpi sge, %sub3A_513, %ge3A_515 : vector<16xi32>
      %lt3A_517 = arith.constant 5120 : i32
      %lt3A_518 = vector.broadcast %lt3A_517 : i32 to vector<16xi32>
      %lt3A_519 = arith.cmpi slt, %sub3A_513, %lt3A_518 : vector<16xi32>
      %and3A_520 = arith.andi %ge3A_516, %lt3A_519 : vector<16xi1>
      %jit3A_521 = arith.constant 5120 : i32
      %broadcast_in_dim3A_522 = vector.broadcast %jit3A_521 : i32 to vector<16xi32>
      %select_n3A_523 = arith.select %and3A_520, %sub3A_513, %broadcast_in_dim3A_522 : vector<16xi1>, vector<16xi32>
      %swap3A_524 = arith.constant 0 : i32
      %swap3A_525 = arith.constant 0 : i32
      %swap3A_526 = arith.index_cast %swap3A_524 : i32 to index
      %swap3A_527 = arith.index_cast %swap3A_525 : i32 to index
      %swap3A_528 = arith.constant 80 : index
      %swap3A_529 = tpu.vector_load %arg8[%swap3A_526, %swap3A_527, %swap3A_528] {strides = array<i32>} : memref<2x1x128xi32, #tpu.memory_space<vmem>>, vector<1x1x16xi32>,
      %swap3A_530 = vector.shape_cast %swap3A_529 : vector<1x1x16xi32> to vector<16xi32>
      %swap3A_531 = vector.shape_cast %select_n3A_523 : vector<16xi32> to vector<1x1x16xi32>
      tpu.vector_store %arg8[%swap3A_526, %swap3A_527, %swap3A_528], %swap3A_531 {strides = array<i32>} : memref<2x1x128xi32, #tpu.memory_space<vmem>>, vector<1x1x16xi32>,
      %get3A_532 = arith.constant 0 : i32
      %get3A_533 = arith.constant 0 : i32
      %get3A_534 = arith.index_cast %get3A_532 : i32 to index
      %get3A_535 = arith.index_cast %get3A_533 : i32 to index
      %get3A_536 = arith.constant 96 : index
      %get3A_537 = tpu.vector_load %arg7[%get3A_534, %get3A_535, %get3A_536] {strides = array<i32>} : memref<4x2x128xi32, #tpu.memory_space<vmem>>, vector<1x1x16xi32>,
      %get3A_538 = vector.shape_cast %get3A_537 : vector<1x1x16xi32> to vector<16xi32>
      %sub3A_539 = vector.broadcast %mul3A_44 : i32 to vector<16xi32>
      %sub3A_540 = arith.subi %get3A_538, %sub3A_539 : vector<16xi32>
      %ge3A_541 = arith.constant 0 : i32
      %ge3A_542 = vector.broadcast %ge3A_541 : i32 to vector<16xi32>
      %ge3A_543 = arith.cmpi sge, %sub3A_540, %ge3A_542 : vector<16xi32>
      %lt3A_544 = arith.constant 5120 : i32
      %lt3A_545 = vector.broadcast %lt3A_544 : i32 to vector<16xi32>
      %lt3A_546 = arith.cmpi slt, %sub3A_540, %lt3A_545 : vector<16xi32>
      %and3A_547 = arith.andi %ge3A_543, %lt3A_546 : vector<16xi1>
      %jit3A_548 = arith.constant 5120 : i32
      %broadcast_in_dim3A_549 = vector.broadcast %jit3A_548 : i32 to vector<16xi32>
      %select_n3A_550 = arith.select %and3A_547, %sub3A_540, %broadcast_in_dim3A_549 : vector<16xi1>, vector<16xi32>
      %swap3A_551 = arith.constant 0 : i32
      %swap3A_552 = arith.constant 0 : i32
      %swap3A_553 = arith.index_cast %swap3A_551 : i32 to index
      %swap3A_554 = arith.index_cast %swap3A_552 : i32 to index
      %swap3A_555 = arith.constant 96 : index
      %swap3A_556 = tpu.vector_load %arg8[%swap3A_553, %swap3A_554, %swap3A_555] {strides = array<i32>} : memref<2x1x128xi32, #tpu.memory_space<vmem>>, vector<1x1x16xi32>,
      %swap3A_557 = vector.shape_cast %swap3A_556 : vector<1x1x16xi32> to vector<16xi32>
      %swap3A_558 = vector.shape_cast %select_n3A_550 : vector<16xi32> to vector<1x1x16xi32>
      tpu.vector_store %arg8[%swap3A_553, %swap3A_554, %swap3A_555], %swap3A_558 {strides = array<i32>} : memref<2x1x128xi32, #tpu.memory_space<vmem>>, vector<1x1x16xi32>,
      %get3A_559 = arith.constant 0 : i32
      %get3A_560 = arith.constant 0 : i32
      %get3A_561 = arith.index_cast %get3A_559 : i32 to index
      %get3A_562 = arith.index_cast %get3A_560 : i32 to index
      %get3A_563 = arith.constant 112 : index
      %get3A_564 = tpu.vector_load %arg7[%get3A_561, %get3A_562, %get3A_563] {strides = array<i32>} : memref<4x2x128xi32, #tpu.memory_space<vmem>>, vector<1x1x16xi32>,
      %get3A_565 = vector.shape_cast %get3A_564 : vector<1x1x16xi32> to vector<16xi32>
      %sub3A_566 = vector.broadcast %mul3A_44 : i32 to vector<16xi32>
      %sub3A_567 = arith.subi %get3A_565, %sub3A_566 : vector<16xi32>
      %ge3A_568 = arith.constant 0 : i32
      %ge3A_569 = vector.broadcast %ge3A_568 : i32 to vector<16xi32>
      %ge3A_570 = arith.cmpi sge, %sub3A_567, %ge3A_569 : vector<16xi32>
      %lt3A_571 = arith.constant 5120 : i32
      %lt3A_572 = vector.broadcast %lt3A_571 : i32 to vector<16xi32>
      %lt3A_573 = arith.cmpi slt, %sub3A_567, %lt3A_572 : vector<16xi32>
      %and3A_574 = arith.andi %ge3A_570, %lt3A_573 : vector<16xi1>
      %jit3A_575 = arith.constant 5120 : i32
      %broadcast_in_dim3A_576 = vector.broadcast %jit3A_575 : i32 to vector<16xi32>
      %select_n3A_577 = arith.select %and3A_574, %sub3A_567, %broadcast_in_dim3A_576 : vector<16xi1>, vector<16xi32>
      %swap3A_578 = arith.constant 0 : i32
      %swap3A_579 = arith.constant 0 : i32
      %swap3A_580 = arith.index_cast %swap3A_578 : i32 to index
      %swap3A_581 = arith.index_cast %swap3A_579 : i32 to index
      %swap3A_582 = arith.constant 112 : index
      %swap3A_583 = tpu.vector_load %arg8[%swap3A_580, %swap3A_581, %swap3A_582] {strides = array<i32>} : memref<2x1x128xi32, #tpu.memory_space<vmem>>, vector<1x1x16xi32>,
      %swap3A_584 = vector.shape_cast %swap3A_583 : vector<1x1x16xi32> to vector<16xi32>
      %swap3A_585 = vector.shape_cast %select_n3A_577 : vector<16xi32> to vector<1x1x16xi32>
      tpu.vector_store %arg8[%swap3A_580, %swap3A_581, %swap3A_582], %swap3A_585 {strides = array<i32>} : memref<2x1x128xi32, #tpu.memory_space<vmem>>, vector<1x1x16xi32>,
      %add3A_586 = arith.constant 4 : i32
      %add3A_587 = arith.addi %add3A_336, %add3A_586 : i32
      %mul3A_588 = arith.constant 16 : i32
      %mul3A_589 = arith.muli %add3A_587, %mul3A_588 : i32
      %add3A_590 = arith.addi %add3A_42, %mul3A_589 : i32
      %min3A_591 = arith.constant 2499 : i32
      %min3A_592 = arith.minsi %add3A_590, %min3A_591 : i32
      %dma_start3A_593 = arith.constant 0 : i32
      %dma_start3A_594 = arith.constant 0 : i32
      %dma_start3A_595 = arith.constant 0 : i32
      %dma_start3A_596 = tpu.memref_slice %arg7[%dma_start3A_593, %dma_start3A_594, %dma_start3A_595] : memref<4x2x128xi32, #tpu.memory_space<vmem>> -> memref<1x2x128xi32, #tpu.memory_space<vmem>>
      %dma_start3A_597 = tpu.memref_squeeze %dma_start3A_596 : memref<1x2x128xi32, #tpu.memory_space<vmem>> -> memref<2x128xi32, #tpu.memory_space<vmem>>
      %dma_start3A_598 = arith.constant 0 : i32
      %dma_start3A_599 = arith.constant 0 : i32
      %dma_start3A_600 = tpu.memref_slice %arg4[%min3A_592, %dma_start3A_598, %dma_start3A_599] : memref<2500x2x128xi32, #tpu.memory_space<hbm>> -> memref<1x2x128xi32, #tpu.memory_space<hbm>>
      %dma_start3A_601 = tpu.memref_squeeze %dma_start3A_600 : memref<1x2x128xi32, #tpu.memory_space<hbm>> -> memref<2x128xi32, #tpu.memory_space<hbm>>
      %dma_start3A_602 = arith.constant 0 : i32
      %dma_start3A_603 = arith.constant 0 : i32
      %dma_start3A_604 = tpu.memref_slice %arg7[%dma_start3A_593, %dma_start3A_602, %dma_start3A_603] : memref<4x2x128xi32, #tpu.memory_space<vmem>> -> memref<1x2x128xi32, #tpu.memory_space<vmem>>
      %dma_start3A_605 = tpu.memref_squeeze %dma_start3A_604 : memref<1x2x128xi32, #tpu.memory_space<vmem>> -> memref<2x128xi32, #tpu.memory_space<vmem>>
      %dma_start3A_606 = arith.constant 0 : i32
      %dma_start3A_607 = arith.constant 0 : i32
      %dma_start3A_608 = tpu.memref_slice %arg4[%min3A_592, %dma_start3A_606, %dma_start3A_607] : memref<2500x2x128xi32, #tpu.memory_space<hbm>> -> memref<1x2x128xi32, #tpu.memory_space<hbm>>
      %dma_start3A_609 = tpu.memref_squeeze %dma_start3A_608 : memref<1x2x128xi32, #tpu.memory_space<hbm>> -> memref<2x128xi32, #tpu.memory_space<hbm>>
      tpu.enqueue_dma source(%dma_start3A_609 : memref<2x128xi32, #tpu.memory_space<hbm>>) target(%dma_start3A_605 : memref<2x128xi32, #tpu.memory_space<vmem>>) target_semaphore(%arg16 : memref<!tpu.dma_semaphore, #tpu.memory_space<semaphore_mem>>)
      %ge3A_610 = arith.constant 1 : i32
      %ge3A_611 = arith.cmpi sge, %add3A_336, %ge3A_610 : i32
      %sub3A_612 = arith.constant 1 : i32
      %sub3A_613 = arith.subi %add3A_336, %sub3A_612 : i32
      %lt3A_614 = arith.cmpi slt, %sub3A_613, %select_n3A_40 : i32
      %and3A_615 = arith.andi %ge3A_611, %lt3A_614 : i1
      %convert_element_type3A_616 = arith.extui %and3A_615 : i1 to i32
      %cond3A_617 = arith.constant 0 : i32
      %cond3A_618 = arith.cmpi ne, %convert_element_type3A_616, %cond3A_617 : i32
      scf.if %cond3A_618 {
        %dma_wait3A_1751 = arith.constant 1 : i32
        %dma_wait3A_1752 = arith.constant 0 : i32
        %dma_wait3A_1753 = arith.constant 0 : i32
        %dma_wait3A_1754 = tpu.memref_slice %arg8[%dma_wait3A_1751, %dma_wait3A_1752, %dma_wait3A_1753] : memref<2x1x128xi32, #tpu.memory_space<vmem>> -> memref<1x1x128xi32, #tpu.memory_space<vmem>>
        %dma_wait3A_1755 = tpu.memref_squeeze %dma_wait3A_1754 : memref<1x1x128xi32, #tpu.memory_space<vmem>> -> memref<128xi32, #tpu.memory_space<vmem>>
        %dma_wait3A_1756 = arith.constant 0 : i32
        %dma_wait3A_1757 = arith.constant 0 : i32
        %dma_wait3A_1758 = tpu.memref_slice %arg13[%dma_wait3A_1756, %dma_wait3A_1757] : memref<5248x128xf32, #tpu.memory_space<vmem_shared>> -> memref<5248x128xf32, #tpu.memory_space<vmem_shared>>
        tpu.wait_indirect_dma semaphore(%arg20 : memref<!tpu.dma_semaphore, #tpu.memory_space<semaphore_mem>>) src(%arg11 : memref<128x128xf32, #tpu.memory_space<vmem>>) dst(%dma_wait3A_1758 : memref<5248x128xf32, #tpu.memory_space<vmem_shared>>)
      } else {
      }
      %scan3A_619 = arith.constant 0 : i32
      %scan3A_620 = arith.constant 0 : i32
      %scan3A_621 = arith.constant 128 : i32
      %scan3A_622 = arith.addi %scan3A_620, %scan3A_621 : i32
      %scan3A_623 = arith.constant 1 : i32
      %scan3A_624 = scf.for %scan3A_1751 = %scan3A_620 to %scan3A_622 step %scan3A_623 iter_args(%scan3A_1752 = %scan3A_619) -> (i32)  : i32 {
        %get3A_1753 = arith.constant 0 : i32
        %get3A_1754 = arith.index_cast %get3A_1753 : i32 to index
        %get3A_1755 = arith.index_cast %scan3A_1751 : i32 to index
        %get3A_1756 = arith.constant 0 : index
        %get3A_1757 = tpu.vector_load %arg10[%get3A_1754, %get3A_1755, %get3A_1756] {strides = array<i32>} : memref<2x128x128xf32, #tpu.memory_space<vmem>>, vector<1x1x16xf32>,
        %get3A_1758 = vector.shape_cast %get3A_1757 : vector<1x1x16xf32> to vector<16xf32>
        %get3A_1759 = arith.constant 0 : i32
        %get3A_1760 = arith.index_cast %get3A_1759 : i32 to index
        %get3A_1761 = arith.index_cast %scan3A_1751 : i32 to index
        %get3A_1762 = arith.constant 0 : index
        %get3A_1763 = tpu.vector_load %arg9[%get3A_1760, %get3A_1761, %get3A_1762] {strides = array<i32>} : memref<2x128x128xf32, #tpu.memory_space<vmem>>, vector<1x1x16xf32>,
        %get3A_1764 = vector.shape_cast %get3A_1763 : vector<1x1x16xf32> to vector<16xf32>
        %mul3A_1765 = arith.mulf %get3A_1758, %get3A_1764 : vector<16xf32>
        %swap3A_1766 = arith.index_cast %scan3A_1751 : i32 to index
        %swap3A_1767 = arith.constant 0 : index
        %swap3A_1768 = tpu.vector_load %arg11[%swap3A_1766, %swap3A_1767] {strides = array<i32>} : memref<128x128xf32, #tpu.memory_space<vmem>>, vector<1x16xf32>,
        %swap3A_1769 = vector.shape_cast %swap3A_1768 : vector<1x16xf32> to vector<16xf32>
        %swap3A_1770 = vector.shape_cast %mul3A_1765 : vector<16xf32> to vector<1x16xf32>
        tpu.vector_store %arg11[%swap3A_1766, %swap3A_1767], %swap3A_1770 {strides = array<i32>} : memref<128x128xf32, #tpu.memory_space<vmem>>, vector<1x16xf32>,
        %get3A_1771 = arith.constant 0 : i32
        %get3A_1772 = arith.index_cast %get3A_1771 : i32 to index
        %get3A_1773 = arith.index_cast %scan3A_1751 : i32 to index
        %get3A_1774 = arith.constant 16 : index
        %get3A_1775 = tpu.vector_load %arg10[%get3A_1772, %get3A_1773, %get3A_1774] {strides = array<i32>} : memref<2x128x128xf32, #tpu.memory_space<vmem>>, vector<1x1x16xf32>,
        %get3A_1776 = vector.shape_cast %get3A_1775 : vector<1x1x16xf32> to vector<16xf32>
        %get3A_1777 = arith.constant 0 : i32
        %get3A_1778 = arith.index_cast %get3A_1777 : i32 to index
        %get3A_1779 = arith.index_cast %scan3A_1751 : i32 to index
        %get3A_1780 = arith.constant 16 : index
        %get3A_1781 = tpu.vector_load %arg9[%get3A_1778, %get3A_1779, %get3A_1780] {strides = array<i32>} : memref<2x128x128xf32, #tpu.memory_space<vmem>>, vector<1x1x16xf32>,
        %get3A_1782 = vector.shape_cast %get3A_1781 : vector<1x1x16xf32> to vector<16xf32>
        %mul3A_1783 = arith.mulf %get3A_1776, %get3A_1782 : vector<16xf32>
        %swap3A_1784 = arith.index_cast %scan3A_1751 : i32 to index
        %swap3A_1785 = arith.constant 16 : index
        %swap3A_1786 = tpu.vector_load %arg11[%swap3A_1784, %swap3A_1785] {strides = array<i32>} : memref<128x128xf32, #tpu.memory_space<vmem>>, vector<1x16xf32>,
        %swap3A_1787 = vector.shape_cast %swap3A_1786 : vector<1x16xf32> to vector<16xf32>
        %swap3A_1788 = vector.shape_cast %mul3A_1783 : vector<16xf32> to vector<1x16xf32>
        tpu.vector_store %arg11[%swap3A_1784, %swap3A_1785], %swap3A_1788 {strides = array<i32>} : memref<128x128xf32, #tpu.memory_space<vmem>>, vector<1x16xf32>,
        %get3A_1789 = arith.constant 0 : i32
        %get3A_1790 = arith.index_cast %get3A_1789 : i32 to index
        %get3A_1791 = arith.index_cast %scan3A_1751 : i32 to index
        %get3A_1792 = arith.constant 32 : index
        %get3A_1793 = tpu.vector_load %arg10[%get3A_1790, %get3A_1791, %get3A_1792] {strides = array<i32>} : memref<2x128x128xf32, #tpu.memory_space<vmem>>, vector<1x1x16xf32>,
        %get3A_1794 = vector.shape_cast %get3A_1793 : vector<1x1x16xf32> to vector<16xf32>
        %get3A_1795 = arith.constant 0 : i32
        %get3A_1796 = arith.index_cast %get3A_1795 : i32 to index
        %get3A_1797 = arith.index_cast %scan3A_1751 : i32 to index
        %get3A_1798 = arith.constant 32 : index
        %get3A_1799 = tpu.vector_load %arg9[%get3A_1796, %get3A_1797, %get3A_1798] {strides = array<i32>} : memref<2x128x128xf32, #tpu.memory_space<vmem>>, vector<1x1x16xf32>,
        %get3A_1800 = vector.shape_cast %get3A_1799 : vector<1x1x16xf32> to vector<16xf32>
        %mul3A_1801 = arith.mulf %get3A_1794, %get3A_1800 : vector<16xf32>
        %swap3A_1802 = arith.index_cast %scan3A_1751 : i32 to index
        %swap3A_1803 = arith.constant 32 : index
        %swap3A_1804 = tpu.vector_load %arg11[%swap3A_1802, %swap3A_1803] {strides = array<i32>} : memref<128x128xf32, #tpu.memory_space<vmem>>, vector<1x16xf32>,
        %swap3A_1805 = vector.shape_cast %swap3A_1804 : vector<1x16xf32> to vector<16xf32>
        %swap3A_1806 = vector.shape_cast %mul3A_1801 : vector<16xf32> to vector<1x16xf32>
        tpu.vector_store %arg11[%swap3A_1802, %swap3A_1803], %swap3A_1806 {strides = array<i32>} : memref<128x128xf32, #tpu.memory_space<vmem>>, vector<1x16xf32>,
        %get3A_1807 = arith.constant 0 : i32
        %get3A_1808 = arith.index_cast %get3A_1807 : i32 to index
        %get3A_1809 = arith.index_cast %scan3A_1751 : i32 to index
        %get3A_1810 = arith.constant 48 : index
        %get3A_1811 = tpu.vector_load %arg10[%get3A_1808, %get3A_1809, %get3A_1810] {strides = array<i32>} : memref<2x128x128xf32, #tpu.memory_space<vmem>>, vector<1x1x16xf32>,
        %get3A_1812 = vector.shape_cast %get3A_1811 : vector<1x1x16xf32> to vector<16xf32>
        %get3A_1813 = arith.constant 0 : i32
        %get3A_1814 = arith.index_cast %get3A_1813 : i32 to index
        %get3A_1815 = arith.index_cast %scan3A_1751 : i32 to index
        %get3A_1816 = arith.constant 48 : index
        %get3A_1817 = tpu.vector_load %arg9[%get3A_1814, %get3A_1815, %get3A_1816] {strides = array<i32>} : memref<2x128x128xf32, #tpu.memory_space<vmem>>, vector<1x1x16xf32>,
        %get3A_1818 = vector.shape_cast %get3A_1817 : vector<1x1x16xf32> to vector<16xf32>
        %mul3A_1819 = arith.mulf %get3A_1812, %get3A_1818 : vector<16xf32>
        %swap3A_1820 = arith.index_cast %scan3A_1751 : i32 to index
        %swap3A_1821 = arith.constant 48 : index
        %swap3A_1822 = tpu.vector_load %arg11[%swap3A_1820, %swap3A_1821] {strides = array<i32>} : memref<128x128xf32, #tpu.memory_space<vmem>>, vector<1x16xf32>,
        %swap3A_1823 = vector.shape_cast %swap3A_1822 : vector<1x16xf32> to vector<16xf32>
        %swap3A_1824 = vector.shape_cast %mul3A_1819 : vector<16xf32> to vector<1x16xf32>
        tpu.vector_store %arg11[%swap3A_1820, %swap3A_1821], %swap3A_1824 {strides = array<i32>} : memref<128x128xf32, #tpu.memory_space<vmem>>, vector<1x16xf32>,
        %get3A_1825 = arith.constant 0 : i32
        %get3A_1826 = arith.index_cast %get3A_1825 : i32 to index
        %get3A_1827 = arith.index_cast %scan3A_1751 : i32 to index
        %get3A_1828 = arith.constant 64 : index
        %get3A_1829 = tpu.vector_load %arg10[%get3A_1826, %get3A_1827, %get3A_1828] {strides = array<i32>} : memref<2x128x128xf32, #tpu.memory_space<vmem>>, vector<1x1x16xf32>,
        %get3A_1830 = vector.shape_cast %get3A_1829 : vector<1x1x16xf32> to vector<16xf32>
        %get3A_1831 = arith.constant 0 : i32
        %get3A_1832 = arith.index_cast %get3A_1831 : i32 to index
        %get3A_1833 = arith.index_cast %scan3A_1751 : i32 to index
        %get3A_1834 = arith.constant 64 : index
        %get3A_1835 = tpu.vector_load %arg9[%get3A_1832, %get3A_1833, %get3A_1834] {strides = array<i32>} : memref<2x128x128xf32, #tpu.memory_space<vmem>>, vector<1x1x16xf32>,
        %get3A_1836 = vector.shape_cast %get3A_1835 : vector<1x1x16xf32> to vector<16xf32>
        %mul3A_1837 = arith.mulf %get3A_1830, %get3A_1836 : vector<16xf32>
        %swap3A_1838 = arith.index_cast %scan3A_1751 : i32 to index
        %swap3A_1839 = arith.constant 64 : index
        %swap3A_1840 = tpu.vector_load %arg11[%swap3A_1838, %swap3A_1839] {strides = array<i32>} : memref<128x128xf32, #tpu.memory_space<vmem>>, vector<1x16xf32>,
        %swap3A_1841 = vector.shape_cast %swap3A_1840 : vector<1x16xf32> to vector<16xf32>
        %swap3A_1842 = vector.shape_cast %mul3A_1837 : vector<16xf32> to vector<1x16xf32>
        tpu.vector_store %arg11[%swap3A_1838, %swap3A_1839], %swap3A_1842 {strides = array<i32>} : memref<128x128xf32, #tpu.memory_space<vmem>>, vector<1x16xf32>,
        %get3A_1843 = arith.constant 0 : i32
        %get3A_1844 = arith.index_cast %get3A_1843 : i32 to index
        %get3A_1845 = arith.index_cast %scan3A_1751 : i32 to index
        %get3A_1846 = arith.constant 80 : index
        %get3A_1847 = tpu.vector_load %arg10[%get3A_1844, %get3A_1845, %get3A_1846] {strides = array<i32>} : memref<2x128x128xf32, #tpu.memory_space<vmem>>, vector<1x1x16xf32>,
        %get3A_1848 = vector.shape_cast %get3A_1847 : vector<1x1x16xf32> to vector<16xf32>
        %get3A_1849 = arith.constant 0 : i32
        %get3A_1850 = arith.index_cast %get3A_1849 : i32 to index
        %get3A_1851 = arith.index_cast %scan3A_1751 : i32 to index
        %get3A_1852 = arith.constant 80 : index
        %get3A_1853 = tpu.vector_load %arg9[%get3A_1850, %get3A_1851, %get3A_1852] {strides = array<i32>} : memref<2x128x128xf32, #tpu.memory_space<vmem>>, vector<1x1x16xf32>,
        %get3A_1854 = vector.shape_cast %get3A_1853 : vector<1x1x16xf32> to vector<16xf32>
        %mul3A_1855 = arith.mulf %get3A_1848, %get3A_1854 : vector<16xf32>
        %swap3A_1856 = arith.index_cast %scan3A_1751 : i32 to index
        %swap3A_1857 = arith.constant 80 : index
        %swap3A_1858 = tpu.vector_load %arg11[%swap3A_1856, %swap3A_1857] {strides = array<i32>} : memref<128x128xf32, #tpu.memory_space<vmem>>, vector<1x16xf32>,
        %swap3A_1859 = vector.shape_cast %swap3A_1858 : vector<1x16xf32> to vector<16xf32>
        %swap3A_1860 = vector.shape_cast %mul3A_1855 : vector<16xf32> to vector<1x16xf32>
        tpu.vector_store %arg11[%swap3A_1856, %swap3A_1857], %swap3A_1860 {strides = array<i32>} : memref<128x128xf32, #tpu.memory_space<vmem>>, vector<1x16xf32>,
        %get3A_1861 = arith.constant 0 : i32
        %get3A_1862 = arith.index_cast %get3A_1861 : i32 to index
        %get3A_1863 = arith.index_cast %scan3A_1751 : i32 to index
        %get3A_1864 = arith.constant 96 : index
        %get3A_1865 = tpu.vector_load %arg10[%get3A_1862, %get3A_1863, %get3A_1864] {strides = array<i32>} : memref<2x128x128xf32, #tpu.memory_space<vmem>>, vector<1x1x16xf32>,
        %get3A_1866 = vector.shape_cast %get3A_1865 : vector<1x1x16xf32> to vector<16xf32>
        %get3A_1867 = arith.constant 0 : i32
        %get3A_1868 = arith.index_cast %get3A_1867 : i32 to index
        %get3A_1869 = arith.index_cast %scan3A_1751 : i32 to index
        %get3A_1870 = arith.constant 96 : index
        %get3A_1871 = tpu.vector_load %arg9[%get3A_1868, %get3A_1869, %get3A_1870] {strides = array<i32>} : memref<2x128x128xf32, #tpu.memory_space<vmem>>, vector<1x1x16xf32>,
        %get3A_1872 = vector.shape_cast %get3A_1871 : vector<1x1x16xf32> to vector<16xf32>
        %mul3A_1873 = arith.mulf %get3A_1866, %get3A_1872 : vector<16xf32>
        %swap3A_1874 = arith.index_cast %scan3A_1751 : i32 to index
        %swap3A_1875 = arith.constant 96 : index
        %swap3A_1876 = tpu.vector_load %arg11[%swap3A_1874, %swap3A_1875] {strides = array<i32>} : memref<128x128xf32, #tpu.memory_space<vmem>>, vector<1x16xf32>,
        %swap3A_1877 = vector.shape_cast %swap3A_1876 : vector<1x16xf32> to vector<16xf32>
        %swap3A_1878 = vector.shape_cast %mul3A_1873 : vector<16xf32> to vector<1x16xf32>
        tpu.vector_store %arg11[%swap3A_1874, %swap3A_1875], %swap3A_1878 {strides = array<i32>} : memref<128x128xf32, #tpu.memory_space<vmem>>, vector<1x16xf32>,
        %get3A_1879 = arith.constant 0 : i32
        %get3A_1880 = arith.index_cast %get3A_1879 : i32 to index
        %get3A_1881 = arith.index_cast %scan3A_1751 : i32 to index
        %get3A_1882 = arith.constant 112 : index
        %get3A_1883 = tpu.vector_load %arg10[%get3A_1880, %get3A_1881, %get3A_1882] {strides = array<i32>} : memref<2x128x128xf32, #tpu.memory_space<vmem>>, vector<1x1x16xf32>,
        %get3A_1884 = vector.shape_cast %get3A_1883 : vector<1x1x16xf32> to vector<16xf32>
        %get3A_1885 = arith.constant 0 : i32
        %get3A_1886 = arith.index_cast %get3A_1885 : i32 to index
        %get3A_1887 = arith.index_cast %scan3A_1751 : i32 to index
        %get3A_1888 = arith.constant 112 : index
        %get3A_1889 = tpu.vector_load %arg9[%get3A_1886, %get3A_1887, %get3A_1888] {strides = array<i32>} : memref<2x128x128xf32, #tpu.memory_space<vmem>>, vector<1x1x16xf32>,
        %get3A_1890 = vector.shape_cast %get3A_1889 : vector<1x1x16xf32> to vector<16xf32>
        %mul3A_1891 = arith.mulf %get3A_1884, %get3A_1890 : vector<16xf32>
        %swap3A_1892 = arith.index_cast %scan3A_1751 : i32 to index
        %swap3A_1893 = arith.constant 112 : index
        %swap3A_1894 = tpu.vector_load %arg11[%swap3A_1892, %swap3A_1893] {strides = array<i32>} : memref<128x128xf32, #tpu.memory_space<vmem>>, vector<1x16xf32>,
        %swap3A_1895 = vector.shape_cast %swap3A_1894 : vector<1x16xf32> to vector<16xf32>
        %swap3A_1896 = vector.shape_cast %mul3A_1891 : vector<16xf32> to vector<1x16xf32>
        tpu.vector_store %arg11[%swap3A_1892, %swap3A_1893], %swap3A_1896 {strides = array<i32>} : memref<128x128xf32, #tpu.memory_space<vmem>>, vector<1x16xf32>,
        %scan3A_1897 = arith.constant 0 : i32
        scf.yield %scan3A_1897 : i32
      }
      %scan3A_625 = arith.constant 128 : i32
      %lt3A_626 = arith.cmpi slt, %add3A_336, %select_n3A_40 : i32
      %convert_element_type3A_627 = arith.extui %lt3A_626 : i1 to i32
      %cond3A_628 = arith.constant 0 : i32
      %cond3A_629 = arith.cmpi ne, %convert_element_type3A_627, %cond3A_628 : i32
      scf.if %cond3A_629 {
        %dma_start3A_1751 = arith.constant 0 : i32
        %dma_start3A_1752 = arith.constant 0 : i32
        %dma_start3A_1753 = arith.constant 0 : i32
        %dma_start3A_1754 = tpu.memref_slice %arg8[%dma_start3A_1751, %dma_start3A_1752, %dma_start3A_1753] : memref<2x1x128xi32, #tpu.memory_space<vmem>> -> memref<1x1x128xi32, #tpu.memory_space<vmem>>
        %dma_start3A_1755 = tpu.memref_squeeze %dma_start3A_1754 : memref<1x1x128xi32, #tpu.memory_space<vmem>> -> memref<128xi32, #tpu.memory_space<vmem>>
        %dma_start3A_1756 = arith.constant 0 : i32
        %dma_start3A_1757 = arith.constant 0 : i32
        %dma_start3A_1758 = tpu.memref_slice %arg13[%dma_start3A_1756, %dma_start3A_1757] : memref<5248x128xf32, #tpu.memory_space<vmem_shared>> -> memref<5248x128xf32, #tpu.memory_space<vmem_shared>>
        tpu.enqueue_indirect_dma source(%arg11 : memref<128x128xf32, #tpu.memory_space<vmem>>) target(%dma_start3A_1758 : memref<5248x128xf32, #tpu.memory_space<vmem_shared>>) offsets(%dma_start3A_1755 : memref<128xi32, #tpu.memory_space<vmem>>) semaphore(%arg20 : memref<!tpu.dma_semaphore, #tpu.memory_space<semaphore_mem>>) {add = true}
      } else {
      }
      %dma_wait3A_630 = arith.constant 0 : i32
      %dma_wait3A_631 = arith.constant 2 : i32
      %dma_wait3A_632 = arith.constant 0 : i32
      %dma_wait3A_633 = arith.constant 0 : i32
      %dma_wait3A_634 = tpu.memref_slice %arg7[%dma_wait3A_631, %dma_wait3A_632, %dma_wait3A_633] : memref<4x2x128xi32, #tpu.memory_space<vmem>> -> memref<1x2x128xi32, #tpu.memory_space<vmem>>
      %dma_wait3A_635 = tpu.memref_squeeze %dma_wait3A_634 : memref<1x2x128xi32, #tpu.memory_space<vmem>> -> memref<2x128xi32, #tpu.memory_space<vmem>>
      %dma_wait3A_636 = arith.constant 0 : i32
      %dma_wait3A_637 = arith.constant 0 : i32
      %dma_wait3A_638 = tpu.memref_slice %arg4[%dma_wait3A_630, %dma_wait3A_636, %dma_wait3A_637] : memref<2500x2x128xi32, #tpu.memory_space<hbm>> -> memref<1x2x128xi32, #tpu.memory_space<hbm>>
      %dma_wait3A_639 = tpu.memref_squeeze %dma_wait3A_638 : memref<1x2x128xi32, #tpu.memory_space<hbm>> -> memref<2x128xi32, #tpu.memory_space<hbm>>
      %dma_wait3A_640 = arith.constant 0 : i32
      %dma_wait3A_641 = arith.constant 0 : i32
      %dma_wait3A_642 = tpu.memref_slice %arg7[%dma_wait3A_631, %dma_wait3A_640, %dma_wait3A_641] : memref<4x2x128xi32, #tpu.memory_space<vmem>> -> memref<1x2x128xi32, #tpu.memory_space<vmem>>
      %dma_wait3A_643 = tpu.memref_squeeze %dma_wait3A_642 : memref<1x2x128xi32, #tpu.memory_space<vmem>> -> memref<2x128xi32, #tpu.memory_space<vmem>>
      %dma_wait3A_644 = arith.constant 0 : i32
      %dma_wait3A_645 = arith.constant 0 : i32
      %dma_wait3A_646 = tpu.memref_slice %arg4[%dma_wait3A_630, %dma_wait3A_644, %dma_wait3A_645] : memref<2500x2x128xi32, #tpu.memory_space<hbm>> -> memref<1x2x128xi32, #tpu.memory_space<hbm>>
      %dma_wait3A_647 = tpu.memref_squeeze %dma_wait3A_646 : memref<1x2x128xi32, #tpu.memory_space<hbm>> -> memref<2x128xi32, #tpu.memory_space<hbm>>
      tpu.wait_dma2 semaphore(%arg18 : memref<!tpu.dma_semaphore, #tpu.memory_space<semaphore_mem>>) src(%dma_wait3A_647 : memref<2x128xi32, #tpu.memory_space<hbm>>) dst(%dma_wait3A_643 : memref<2x128xi32, #tpu.memory_space<vmem>>)
      %add3A_648 = arith.constant 2 : i32
      %add3A_649 = arith.addi %add3A_336, %add3A_648 : i32
      %dma_start3A_650 = arith.constant 2 : i32
      %dma_start3A_651 = arith.constant 1 : i32
      %dma_start3A_652 = arith.constant 0 : i32
      %dma_start3A_653 = arith.constant 0 : i32
      %dma_start3A_654 = arith.constant 0 : i32
      %dma_start3A_655 = tpu.memref_slice %arg10[%dma_start3A_652, %dma_start3A_653, %dma_start3A_654] : memref<2x128x128xf32, #tpu.memory_space<vmem>> -> memref<1x128x128xf32, #tpu.memory_space<vmem>>
      %dma_start3A_656 = tpu.memref_squeeze %dma_start3A_655 : memref<1x128x128xf32, #tpu.memory_space<vmem>> -> memref<128x128xf32, #tpu.memory_space<vmem>>
      %dma_start3A_657 = arith.constant 0 : i32
      %dma_start3A_658 = tpu.memref_slice %arg7[%dma_start3A_650, %dma_start3A_651, %dma_start3A_657] : memref<4x2x128xi32, #tpu.memory_space<vmem>> -> memref<1x1x128xi32, #tpu.memory_space<vmem>>
      %dma_start3A_659 = tpu.memref_squeeze %dma_start3A_658 : memref<1x1x128xi32, #tpu.memory_space<vmem>> -> memref<128xi32, #tpu.memory_space<vmem>>
      %dma_start3A_660 = arith.constant 0 : i32
      %dma_start3A_661 = arith.constant 0 : i32
      %dma_start3A_662 = tpu.memref_slice %arg2[%dma_start3A_660, %dma_start3A_661] : memref<10000x128xf32, #tpu.memory_space<hbm>> -> memref<10000x128xf32, #tpu.memory_space<hbm>>
      tpu.enqueue_indirect_dma source(%dma_start3A_662 : memref<10000x128xf32, #tpu.memory_space<hbm>>) target(%dma_start3A_656 : memref<128x128xf32, #tpu.memory_space<vmem>>) offsets(%dma_start3A_659 : memref<128xi32, #tpu.memory_space<vmem>>) semaphore(%arg14 : memref<!tpu.dma_semaphore, #tpu.memory_space<semaphore_mem>>)
      %mul3A_663 = arith.constant 16 : i32
      %mul3A_664 = arith.muli %add3A_649, %mul3A_663 : i32
      %add3A_665 = arith.addi %add3A_42, %mul3A_664 : i32
      %min3A_666 = arith.constant 2499 : i32
      %min3A_667 = arith.minsi %add3A_665, %min3A_666 : i32
      %dma_start3A_668 = arith.constant 0 : i32
      %dma_start3A_669 = arith.constant 0 : i32
      %dma_start3A_670 = arith.constant 0 : i32
      %dma_start3A_671 = tpu.memref_slice %arg9[%dma_start3A_668, %dma_start3A_669, %dma_start3A_670] : memref<2x128x128xf32, #tpu.memory_space<vmem>> -> memref<1x128x128xf32, #tpu.memory_space<vmem>>
      %dma_start3A_672 = tpu.memref_squeeze %dma_start3A_671 : memref<1x128x128xf32, #tpu.memory_space<vmem>> -> memref<128x128xf32, #tpu.memory_space<vmem>>
      %dma_start3A_673 = arith.constant 0 : i32
      %dma_start3A_674 = arith.constant 0 : i32
      %dma_start3A_675 = tpu.memref_slice %arg3[%min3A_667, %dma_start3A_673, %dma_start3A_674] : memref<2500x128x128xf32, #tpu.memory_space<hbm>> -> memref<1x128x128xf32, #tpu.memory_space<hbm>>
      %dma_start3A_676 = tpu.memref_squeeze %dma_start3A_675 : memref<1x128x128xf32, #tpu.memory_space<hbm>> -> memref<128x128xf32, #tpu.memory_space<hbm>>
      %dma_start3A_677 = arith.constant 0 : i32
      %dma_start3A_678 = arith.constant 0 : i32
      %dma_start3A_679 = tpu.memref_slice %arg9[%dma_start3A_668, %dma_start3A_677, %dma_start3A_678] : memref<2x128x128xf32, #tpu.memory_space<vmem>> -> memref<1x128x128xf32, #tpu.memory_space<vmem>>
      %dma_start3A_680 = tpu.memref_squeeze %dma_start3A_679 : memref<1x128x128xf32, #tpu.memory_space<vmem>> -> memref<128x128xf32, #tpu.memory_space<vmem>>
      %dma_start3A_681 = arith.constant 0 : i32
      %dma_start3A_682 = arith.constant 0 : i32
      %dma_start3A_683 = tpu.memref_slice %arg3[%min3A_667, %dma_start3A_681, %dma_start3A_682] : memref<2500x128x128xf32, #tpu.memory_space<hbm>> -> memref<1x128x128xf32, #tpu.memory_space<hbm>>
      %dma_start3A_684 = tpu.memref_squeeze %dma_start3A_683 : memref<1x128x128xf32, #tpu.memory_space<hbm>> -> memref<128x128xf32, #tpu.memory_space<hbm>>
      tpu.enqueue_dma source(%dma_start3A_684 : memref<128x128xf32, #tpu.memory_space<hbm>>) target(%dma_start3A_680 : memref<128x128xf32, #tpu.memory_space<vmem>>) target_semaphore(%arg14 : memref<!tpu.dma_semaphore, #tpu.memory_space<semaphore_mem>>)
      %mul3A_685 = arith.constant 4 : i32
      %mul3A_686 = arith.muli %while3A_331, %mul3A_685 : i32
      %add3A_687 = arith.constant 1 : i32
      %add3A_688 = arith.addi %mul3A_686, %add3A_687 : i32
      %dma_wait3A_689 = arith.constant 0 : i32
      %dma_wait3A_690 = arith.constant 1 : i32
      %dma_wait3A_691 = arith.constant 0 : i32
      %dma_wait3A_692 = arith.constant 0 : i32
      %dma_wait3A_693 = tpu.memref_slice %arg10[%dma_wait3A_690, %dma_wait3A_691, %dma_wait3A_692] : memref<2x128x128xf32, #tpu.memory_space<vmem>> -> memref<1x128x128xf32, #tpu.memory_space<vmem>>
      %dma_wait3A_694 = tpu.memref_squeeze %dma_wait3A_693 : memref<1x128x128xf32, #tpu.memory_space<vmem>> -> memref<128x128xf32, #tpu.memory_space<vmem>>
      %dma_wait3A_695 = arith.constant 0 : i32
      %dma_wait3A_696 = arith.constant 0 : i32
      %dma_wait3A_697 = tpu.memref_slice %arg3[%dma_wait3A_689, %dma_wait3A_695, %dma_wait3A_696] : memref<2500x128x128xf32, #tpu.memory_space<hbm>> -> memref<1x128x128xf32, #tpu.memory_space<hbm>>
      %dma_wait3A_698 = tpu.memref_squeeze %dma_wait3A_697 : memref<1x128x128xf32, #tpu.memory_space<hbm>> -> memref<128x128xf32, #tpu.memory_space<hbm>>
      %dma_wait3A_699 = arith.constant 0 : i32
      %dma_wait3A_700 = arith.constant 0 : i32
      %dma_wait3A_701 = tpu.memref_slice %arg10[%dma_wait3A_690, %dma_wait3A_699, %dma_wait3A_700] : memref<2x128x128xf32, #tpu.memory_space<vmem>> -> memref<1x128x128xf32, #tpu.memory_space<vmem>>
      %dma_wait3A_702 = tpu.memref_squeeze %dma_wait3A_701 : memref<1x128x128xf32, #tpu.memory_space<vmem>> -> memref<128x128xf32, #tpu.memory_space<vmem>>
      %dma_wait3A_703 = arith.constant 0 : i32
      %dma_wait3A_704 = arith.constant 0 : i32
      %dma_wait3A_705 = tpu.memref_slice %arg3[%dma_wait3A_689, %dma_wait3A_703, %dma_wait3A_704] : memref<2500x128x128xf32, #tpu.memory_space<hbm>> -> memref<1x128x128xf32, #tpu.memory_space<hbm>>
      %dma_wait3A_706 = tpu.memref_squeeze %dma_wait3A_705 : memref<1x128x128xf32, #tpu.memory_space<hbm>> -> memref<128x128xf32, #tpu.memory_space<hbm>>
      tpu.wait_dma2 semaphore(%arg15 : memref<!tpu.dma_semaphore, #tpu.memory_space<semaphore_mem>>) src(%dma_wait3A_706 : memref<128x128xf32, #tpu.memory_space<hbm>>) dst(%dma_wait3A_702 : memref<128x128xf32, #tpu.memory_space<vmem>>)
      %dma_wait3A_707 = arith.constant 0 : i32
      %dma_wait3A_708 = arith.constant 1 : i32
      %dma_wait3A_709 = arith.constant 0 : i32
      %dma_wait3A_710 = arith.constant 0 : i32
      %dma_wait3A_711 = tpu.memref_slice %arg9[%dma_wait3A_708, %dma_wait3A_709, %dma_wait3A_710] : memref<2x128x128xf32, #tpu.memory_space<vmem>> -> memref<1x128x128xf32, #tpu.memory_space<vmem>>
      %dma_wait3A_712 = tpu.memref_squeeze %dma_wait3A_711 : memref<1x128x128xf32, #tpu.memory_space<vmem>> -> memref<128x128xf32, #tpu.memory_space<vmem>>
      %dma_wait3A_713 = arith.constant 0 : i32
      %dma_wait3A_714 = arith.constant 0 : i32
      %dma_wait3A_715 = tpu.memref_slice %arg3[%dma_wait3A_707, %dma_wait3A_713, %dma_wait3A_714] : memref<2500x128x128xf32, #tpu.memory_space<hbm>> -> memref<1x128x128xf32, #tpu.memory_space<hbm>>
      %dma_wait3A_716 = tpu.memref_squeeze %dma_wait3A_715 : memref<1x128x128xf32, #tpu.memory_space<hbm>> -> memref<128x128xf32, #tpu.memory_space<hbm>>
      %dma_wait3A_717 = arith.constant 0 : i32
      %dma_wait3A_718 = arith.constant 0 : i32
      %dma_wait3A_719 = tpu.memref_slice %arg9[%dma_wait3A_708, %dma_wait3A_717, %dma_wait3A_718] : memref<2x128x128xf32, #tpu.memory_space<vmem>> -> memref<1x128x128xf32, #tpu.memory_space<vmem>>
      %dma_wait3A_720 = tpu.memref_squeeze %dma_wait3A_719 : memref<1x128x128xf32, #tpu.memory_space<vmem>> -> memref<128x128xf32, #tpu.memory_space<vmem>>
      %dma_wait3A_721 = arith.constant 0 : i32
      %dma_wait3A_722 = arith.constant 0 : i32
      %dma_wait3A_723 = tpu.memref_slice %arg3[%dma_wait3A_707, %dma_wait3A_721, %dma_wait3A_722] : memref<2500x128x128xf32, #tpu.memory_space<hbm>> -> memref<1x128x128xf32, #tpu.memory_space<hbm>>
      %dma_wait3A_724 = tpu.memref_squeeze %dma_wait3A_723 : memref<1x128x128xf32, #tpu.memory_space<hbm>> -> memref<128x128xf32, #tpu.memory_space<hbm>>
      tpu.wait_dma2 semaphore(%arg15 : memref<!tpu.dma_semaphore, #tpu.memory_space<semaphore_mem>>) src(%dma_wait3A_724 : memref<128x128xf32, #tpu.memory_space<hbm>>) dst(%dma_wait3A_720 : memref<128x128xf32, #tpu.memory_space<vmem>>)
      %get3A_725 = arith.constant 1 : i32
      %get3A_726 = arith.constant 0 : i32
      %get3A_727 = arith.index_cast %get3A_725 : i32 to index
      %get3A_728 = arith.index_cast %get3A_726 : i32 to index
      %get3A_729 = arith.constant 0 : index
      %get3A_730 = tpu.vector_load %arg7[%get3A_727, %get3A_728, %get3A_729] {strides = array<i32>} : memref<4x2x128xi32, #tpu.memory_space<vmem>>, vector<1x1x16xi32>,
      %get3A_731 = vector.shape_cast %get3A_730 : vector<1x1x16xi32> to vector<16xi32>
      %sub3A_732 = vector.broadcast %mul3A_44 : i32 to vector<16xi32>
      %sub3A_733 = arith.subi %get3A_731, %sub3A_732 : vector<16xi32>
      %ge3A_734 = arith.constant 0 : i32
      %ge3A_735 = vector.broadcast %ge3A_734 : i32 to vector<16xi32>
      %ge3A_736 = arith.cmpi sge, %sub3A_733, %ge3A_735 : vector<16xi32>
      %lt3A_737 = arith.constant 5120 : i32
      %lt3A_738 = vector.broadcast %lt3A_737 : i32 to vector<16xi32>
      %lt3A_739 = arith.cmpi slt, %sub3A_733, %lt3A_738 : vector<16xi32>
      %and3A_740 = arith.andi %ge3A_736, %lt3A_739 : vector<16xi1>
      %jit3A_741 = arith.constant 5120 : i32
      %broadcast_in_dim3A_742 = vector.broadcast %jit3A_741 : i32 to vector<16xi32>
      %select_n3A_743 = arith.select %and3A_740, %sub3A_733, %broadcast_in_dim3A_742 : vector<16xi1>, vector<16xi32>
      %swap3A_744 = arith.constant 1 : i32
      %swap3A_745 = arith.constant 0 : i32
      %swap3A_746 = arith.index_cast %swap3A_744 : i32 to index
      %swap3A_747 = arith.index_cast %swap3A_745 : i32 to index
      %swap3A_748 = arith.constant 0 : index
      %swap3A_749 = tpu.vector_load %arg8[%swap3A_746, %swap3A_747, %swap3A_748] {strides = array<i32>} : memref<2x1x128xi32, #tpu.memory_space<vmem>>, vector<1x1x16xi32>,
      %swap3A_750 = vector.shape_cast %swap3A_749 : vector<1x1x16xi32> to vector<16xi32>
      %swap3A_751 = vector.shape_cast %select_n3A_743 : vector<16xi32> to vector<1x1x16xi32>
      tpu.vector_store %arg8[%swap3A_746, %swap3A_747, %swap3A_748], %swap3A_751 {strides = array<i32>} : memref<2x1x128xi32, #tpu.memory_space<vmem>>, vector<1x1x16xi32>,
      %get3A_752 = arith.constant 1 : i32
      %get3A_753 = arith.constant 0 : i32
      %get3A_754 = arith.index_cast %get3A_752 : i32 to index
      %get3A_755 = arith.index_cast %get3A_753 : i32 to index
      %get3A_756 = arith.constant 16 : index
      %get3A_757 = tpu.vector_load %arg7[%get3A_754, %get3A_755, %get3A_756] {strides = array<i32>} : memref<4x2x128xi32, #tpu.memory_space<vmem>>, vector<1x1x16xi32>,
      %get3A_758 = vector.shape_cast %get3A_757 : vector<1x1x16xi32> to vector<16xi32>
      %sub3A_759 = vector.broadcast %mul3A_44 : i32 to vector<16xi32>
      %sub3A_760 = arith.subi %get3A_758, %sub3A_759 : vector<16xi32>
      %ge3A_761 = arith.constant 0 : i32
      %ge3A_762 = vector.broadcast %ge3A_761 : i32 to vector<16xi32>
      %ge3A_763 = arith.cmpi sge, %sub3A_760, %ge3A_762 : vector<16xi32>
      %lt3A_764 = arith.constant 5120 : i32
      %lt3A_765 = vector.broadcast %lt3A_764 : i32 to vector<16xi32>
      %lt3A_766 = arith.cmpi slt, %sub3A_760, %lt3A_765 : vector<16xi32>
      %and3A_767 = arith.andi %ge3A_763, %lt3A_766 : vector<16xi1>
      %jit3A_768 = arith.constant 5120 : i32
      %broadcast_in_dim3A_769 = vector.broadcast %jit3A_768 : i32 to vector<16xi32>
      %select_n3A_770 = arith.select %and3A_767, %sub3A_760, %broadcast_in_dim3A_769 : vector<16xi1>, vector<16xi32>
      %swap3A_771 = arith.constant 1 : i32
      %swap3A_772 = arith.constant 0 : i32
      %swap3A_773 = arith.index_cast %swap3A_771 : i32 to index
      %swap3A_774 = arith.index_cast %swap3A_772 : i32 to index
      %swap3A_775 = arith.constant 16 : index
      %swap3A_776 = tpu.vector_load %arg8[%swap3A_773, %swap3A_774, %swap3A_775] {strides = array<i32>} : memref<2x1x128xi32, #tpu.memory_space<vmem>>, vector<1x1x16xi32>,
      %swap3A_777 = vector.shape_cast %swap3A_776 : vector<1x1x16xi32> to vector<16xi32>
      %swap3A_778 = vector.shape_cast %select_n3A_770 : vector<16xi32> to vector<1x1x16xi32>
      tpu.vector_store %arg8[%swap3A_773, %swap3A_774, %swap3A_775], %swap3A_778 {strides = array<i32>} : memref<2x1x128xi32, #tpu.memory_space<vmem>>, vector<1x1x16xi32>,
      %get3A_779 = arith.constant 1 : i32
      %get3A_780 = arith.constant 0 : i32
      %get3A_781 = arith.index_cast %get3A_779 : i32 to index
      %get3A_782 = arith.index_cast %get3A_780 : i32 to index
      %get3A_783 = arith.constant 32 : index
      %get3A_784 = tpu.vector_load %arg7[%get3A_781, %get3A_782, %get3A_783] {strides = array<i32>} : memref<4x2x128xi32, #tpu.memory_space<vmem>>, vector<1x1x16xi32>,
      %get3A_785 = vector.shape_cast %get3A_784 : vector<1x1x16xi32> to vector<16xi32>
      %sub3A_786 = vector.broadcast %mul3A_44 : i32 to vector<16xi32>
      %sub3A_787 = arith.subi %get3A_785, %sub3A_786 : vector<16xi32>
      %ge3A_788 = arith.constant 0 : i32
      %ge3A_789 = vector.broadcast %ge3A_788 : i32 to vector<16xi32>
      %ge3A_790 = arith.cmpi sge, %sub3A_787, %ge3A_789 : vector<16xi32>
      %lt3A_791 = arith.constant 5120 : i32
      %lt3A_792 = vector.broadcast %lt3A_791 : i32 to vector<16xi32>
      %lt3A_793 = arith.cmpi slt, %sub3A_787, %lt3A_792 : vector<16xi32>
      %and3A_794 = arith.andi %ge3A_790, %lt3A_793 : vector<16xi1>
      %jit3A_795 = arith.constant 5120 : i32
      %broadcast_in_dim3A_796 = vector.broadcast %jit3A_795 : i32 to vector<16xi32>
      %select_n3A_797 = arith.select %and3A_794, %sub3A_787, %broadcast_in_dim3A_796 : vector<16xi1>, vector<16xi32>
      %swap3A_798 = arith.constant 1 : i32
      %swap3A_799 = arith.constant 0 : i32
      %swap3A_800 = arith.index_cast %swap3A_798 : i32 to index
      %swap3A_801 = arith.index_cast %swap3A_799 : i32 to index
      %swap3A_802 = arith.constant 32 : index
      %swap3A_803 = tpu.vector_load %arg8[%swap3A_800, %swap3A_801, %swap3A_802] {strides = array<i32>} : memref<2x1x128xi32, #tpu.memory_space<vmem>>, vector<1x1x16xi32>,
      %swap3A_804 = vector.shape_cast %swap3A_803 : vector<1x1x16xi32> to vector<16xi32>
      %swap3A_805 = vector.shape_cast %select_n3A_797 : vector<16xi32> to vector<1x1x16xi32>
      tpu.vector_store %arg8[%swap3A_800, %swap3A_801, %swap3A_802], %swap3A_805 {strides = array<i32>} : memref<2x1x128xi32, #tpu.memory_space<vmem>>, vector<1x1x16xi32>,
      %get3A_806 = arith.constant 1 : i32
      %get3A_807 = arith.constant 0 : i32
      %get3A_808 = arith.index_cast %get3A_806 : i32 to index
      %get3A_809 = arith.index_cast %get3A_807 : i32 to index
      %get3A_810 = arith.constant 48 : index
      %get3A_811 = tpu.vector_load %arg7[%get3A_808, %get3A_809, %get3A_810] {strides = array<i32>} : memref<4x2x128xi32, #tpu.memory_space<vmem>>, vector<1x1x16xi32>,
      %get3A_812 = vector.shape_cast %get3A_811 : vector<1x1x16xi32> to vector<16xi32>
      %sub3A_813 = vector.broadcast %mul3A_44 : i32 to vector<16xi32>
      %sub3A_814 = arith.subi %get3A_812, %sub3A_813 : vector<16xi32>
      %ge3A_815 = arith.constant 0 : i32
      %ge3A_816 = vector.broadcast %ge3A_815 : i32 to vector<16xi32>
      %ge3A_817 = arith.cmpi sge, %sub3A_814, %ge3A_816 : vector<16xi32>
      %lt3A_818 = arith.constant 5120 : i32
      %lt3A_819 = vector.broadcast %lt3A_818 : i32 to vector<16xi32>
      %lt3A_820 = arith.cmpi slt, %sub3A_814, %lt3A_819 : vector<16xi32>
      %and3A_821 = arith.andi %ge3A_817, %lt3A_820 : vector<16xi1>
      %jit3A_822 = arith.constant 5120 : i32
      %broadcast_in_dim3A_823 = vector.broadcast %jit3A_822 : i32 to vector<16xi32>
      %select_n3A_824 = arith.select %and3A_821, %sub3A_814, %broadcast_in_dim3A_823 : vector<16xi1>, vector<16xi32>
      %swap3A_825 = arith.constant 1 : i32
      %swap3A_826 = arith.constant 0 : i32
      %swap3A_827 = arith.index_cast %swap3A_825 : i32 to index
      %swap3A_828 = arith.index_cast %swap3A_826 : i32 to index
      %swap3A_829 = arith.constant 48 : index
      %swap3A_830 = tpu.vector_load %arg8[%swap3A_827, %swap3A_828, %swap3A_829] {strides = array<i32>} : memref<2x1x128xi32, #tpu.memory_space<vmem>>, vector<1x1x16xi32>,
      %swap3A_831 = vector.shape_cast %swap3A_830 : vector<1x1x16xi32> to vector<16xi32>
      %swap3A_832 = vector.shape_cast %select_n3A_824 : vector<16xi32> to vector<1x1x16xi32>
      tpu.vector_store %arg8[%swap3A_827, %swap3A_828, %swap3A_829], %swap3A_832 {strides = array<i32>} : memref<2x1x128xi32, #tpu.memory_space<vmem>>, vector<1x1x16xi32>,
      %get3A_833 = arith.constant 1 : i32
      %get3A_834 = arith.constant 0 : i32
      %get3A_835 = arith.index_cast %get3A_833 : i32 to index
      %get3A_836 = arith.index_cast %get3A_834 : i32 to index
      %get3A_837 = arith.constant 64 : index
      %get3A_838 = tpu.vector_load %arg7[%get3A_835, %get3A_836, %get3A_837] {strides = array<i32>} : memref<4x2x128xi32, #tpu.memory_space<vmem>>, vector<1x1x16xi32>,
      %get3A_839 = vector.shape_cast %get3A_838 : vector<1x1x16xi32> to vector<16xi32>
      %sub3A_840 = vector.broadcast %mul3A_44 : i32 to vector<16xi32>
      %sub3A_841 = arith.subi %get3A_839, %sub3A_840 : vector<16xi32>
      %ge3A_842 = arith.constant 0 : i32
      %ge3A_843 = vector.broadcast %ge3A_842 : i32 to vector<16xi32>
      %ge3A_844 = arith.cmpi sge, %sub3A_841, %ge3A_843 : vector<16xi32>
      %lt3A_845 = arith.constant 5120 : i32
      %lt3A_846 = vector.broadcast %lt3A_845 : i32 to vector<16xi32>
      %lt3A_847 = arith.cmpi slt, %sub3A_841, %lt3A_846 : vector<16xi32>
      %and3A_848 = arith.andi %ge3A_844, %lt3A_847 : vector<16xi1>
      %jit3A_849 = arith.constant 5120 : i32
      %broadcast_in_dim3A_850 = vector.broadcast %jit3A_849 : i32 to vector<16xi32>
      %select_n3A_851 = arith.select %and3A_848, %sub3A_841, %broadcast_in_dim3A_850 : vector<16xi1>, vector<16xi32>
      %swap3A_852 = arith.constant 1 : i32
      %swap3A_853 = arith.constant 0 : i32
      %swap3A_854 = arith.index_cast %swap3A_852 : i32 to index
      %swap3A_855 = arith.index_cast %swap3A_853 : i32 to index
      %swap3A_856 = arith.constant 64 : index
      %swap3A_857 = tpu.vector_load %arg8[%swap3A_854, %swap3A_855, %swap3A_856] {strides = array<i32>} : memref<2x1x128xi32, #tpu.memory_space<vmem>>, vector<1x1x16xi32>,
      %swap3A_858 = vector.shape_cast %swap3A_857 : vector<1x1x16xi32> to vector<16xi32>
      %swap3A_859 = vector.shape_cast %select_n3A_851 : vector<16xi32> to vector<1x1x16xi32>
      tpu.vector_store %arg8[%swap3A_854, %swap3A_855, %swap3A_856], %swap3A_859 {strides = array<i32>} : memref<2x1x128xi32, #tpu.memory_space<vmem>>, vector<1x1x16xi32>,
      %get3A_860 = arith.constant 1 : i32
      %get3A_861 = arith.constant 0 : i32
      %get3A_862 = arith.index_cast %get3A_860 : i32 to index
      %get3A_863 = arith.index_cast %get3A_861 : i32 to index
      %get3A_864 = arith.constant 80 : index
      %get3A_865 = tpu.vector_load %arg7[%get3A_862, %get3A_863, %get3A_864] {strides = array<i32>} : memref<4x2x128xi32, #tpu.memory_space<vmem>>, vector<1x1x16xi32>,
      %get3A_866 = vector.shape_cast %get3A_865 : vector<1x1x16xi32> to vector<16xi32>
      %sub3A_867 = vector.broadcast %mul3A_44 : i32 to vector<16xi32>
      %sub3A_868 = arith.subi %get3A_866, %sub3A_867 : vector<16xi32>
      %ge3A_869 = arith.constant 0 : i32
      %ge3A_870 = vector.broadcast %ge3A_869 : i32 to vector<16xi32>
      %ge3A_871 = arith.cmpi sge, %sub3A_868, %ge3A_870 : vector<16xi32>
      %lt3A_872 = arith.constant 5120 : i32
      %lt3A_873 = vector.broadcast %lt3A_872 : i32 to vector<16xi32>
      %lt3A_874 = arith.cmpi slt, %sub3A_868, %lt3A_873 : vector<16xi32>
      %and3A_875 = arith.andi %ge3A_871, %lt3A_874 : vector<16xi1>
      %jit3A_876 = arith.constant 5120 : i32
      %broadcast_in_dim3A_877 = vector.broadcast %jit3A_876 : i32 to vector<16xi32>
      %select_n3A_878 = arith.select %and3A_875, %sub3A_868, %broadcast_in_dim3A_877 : vector<16xi1>, vector<16xi32>
      %swap3A_879 = arith.constant 1 : i32
      %swap3A_880 = arith.constant 0 : i32
      %swap3A_881 = arith.index_cast %swap3A_879 : i32 to index
      %swap3A_882 = arith.index_cast %swap3A_880 : i32 to index
      %swap3A_883 = arith.constant 80 : index
      %swap3A_884 = tpu.vector_load %arg8[%swap3A_881, %swap3A_882, %swap3A_883] {strides = array<i32>} : memref<2x1x128xi32, #tpu.memory_space<vmem>>, vector<1x1x16xi32>,
      %swap3A_885 = vector.shape_cast %swap3A_884 : vector<1x1x16xi32> to vector<16xi32>
      %swap3A_886 = vector.shape_cast %select_n3A_878 : vector<16xi32> to vector<1x1x16xi32>
      tpu.vector_store %arg8[%swap3A_881, %swap3A_882, %swap3A_883], %swap3A_886 {strides = array<i32>} : memref<2x1x128xi32, #tpu.memory_space<vmem>>, vector<1x1x16xi32>,
      %get3A_887 = arith.constant 1 : i32
      %get3A_888 = arith.constant 0 : i32
      %get3A_889 = arith.index_cast %get3A_887 : i32 to index
      %get3A_890 = arith.index_cast %get3A_888 : i32 to index
      %get3A_891 = arith.constant 96 : index
      %get3A_892 = tpu.vector_load %arg7[%get3A_889, %get3A_890, %get3A_891] {strides = array<i32>} : memref<4x2x128xi32, #tpu.memory_space<vmem>>, vector<1x1x16xi32>,
      %get3A_893 = vector.shape_cast %get3A_892 : vector<1x1x16xi32> to vector<16xi32>
      %sub3A_894 = vector.broadcast %mul3A_44 : i32 to vector<16xi32>
      %sub3A_895 = arith.subi %get3A_893, %sub3A_894 : vector<16xi32>
      %ge3A_896 = arith.constant 0 : i32
      %ge3A_897 = vector.broadcast %ge3A_896 : i32 to vector<16xi32>
      %ge3A_898 = arith.cmpi sge, %sub3A_895, %ge3A_897 : vector<16xi32>
      %lt3A_899 = arith.constant 5120 : i32
      %lt3A_900 = vector.broadcast %lt3A_899 : i32 to vector<16xi32>
      %lt3A_901 = arith.cmpi slt, %sub3A_895, %lt3A_900 : vector<16xi32>
      %and3A_902 = arith.andi %ge3A_898, %lt3A_901 : vector<16xi1>
      %jit3A_903 = arith.constant 5120 : i32
      %broadcast_in_dim3A_904 = vector.broadcast %jit3A_903 : i32 to vector<16xi32>
      %select_n3A_905 = arith.select %and3A_902, %sub3A_895, %broadcast_in_dim3A_904 : vector<16xi1>, vector<16xi32>
      %swap3A_906 = arith.constant 1 : i32
      %swap3A_907 = arith.constant 0 : i32
      %swap3A_908 = arith.index_cast %swap3A_906 : i32 to index
      %swap3A_909 = arith.index_cast %swap3A_907 : i32 to index
      %swap3A_910 = arith.constant 96 : index
      %swap3A_911 = tpu.vector_load %arg8[%swap3A_908, %swap3A_909, %swap3A_910] {strides = array<i32>} : memref<2x1x128xi32, #tpu.memory_space<vmem>>, vector<1x1x16xi32>,
      %swap3A_912 = vector.shape_cast %swap3A_911 : vector<1x1x16xi32> to vector<16xi32>
      %swap3A_913 = vector.shape_cast %select_n3A_905 : vector<16xi32> to vector<1x1x16xi32>
      tpu.vector_store %arg8[%swap3A_908, %swap3A_909, %swap3A_910], %swap3A_913 {strides = array<i32>} : memref<2x1x128xi32, #tpu.memory_space<vmem>>, vector<1x1x16xi32>,
      %get3A_914 = arith.constant 1 : i32
      %get3A_915 = arith.constant 0 : i32
      %get3A_916 = arith.index_cast %get3A_914 : i32 to index
      %get3A_917 = arith.index_cast %get3A_915 : i32 to index
      %get3A_918 = arith.constant 112 : index
      %get3A_919 = tpu.vector_load %arg7[%get3A_916, %get3A_917, %get3A_918] {strides = array<i32>} : memref<4x2x128xi32, #tpu.memory_space<vmem>>, vector<1x1x16xi32>,
      %get3A_920 = vector.shape_cast %get3A_919 : vector<1x1x16xi32> to vector<16xi32>
      %sub3A_921 = vector.broadcast %mul3A_44 : i32 to vector<16xi32>
      %sub3A_922 = arith.subi %get3A_920, %sub3A_921 : vector<16xi32>
      %ge3A_923 = arith.constant 0 : i32
      %ge3A_924 = vector.broadcast %ge3A_923 : i32 to vector<16xi32>
      %ge3A_925 = arith.cmpi sge, %sub3A_922, %ge3A_924 : vector<16xi32>
      %lt3A_926 = arith.constant 5120 : i32
      %lt3A_927 = vector.broadcast %lt3A_926 : i32 to vector<16xi32>
      %lt3A_928 = arith.cmpi slt, %sub3A_922, %lt3A_927 : vector<16xi32>
      %and3A_929 = arith.andi %ge3A_925, %lt3A_928 : vector<16xi1>
      %jit3A_930 = arith.constant 5120 : i32
      %broadcast_in_dim3A_931 = vector.broadcast %jit3A_930 : i32 to vector<16xi32>
      %select_n3A_932 = arith.select %and3A_929, %sub3A_922, %broadcast_in_dim3A_931 : vector<16xi1>, vector<16xi32>
      %swap3A_933 = arith.constant 1 : i32
      %swap3A_934 = arith.constant 0 : i32
      %swap3A_935 = arith.index_cast %swap3A_933 : i32 to index
      %swap3A_936 = arith.index_cast %swap3A_934 : i32 to index
      %swap3A_937 = arith.constant 112 : index
      %swap3A_938 = tpu.vector_load %arg8[%swap3A_935, %swap3A_936, %swap3A_937] {strides = array<i32>} : memref<2x1x128xi32, #tpu.memory_space<vmem>>, vector<1x1x16xi32>,
      %swap3A_939 = vector.shape_cast %swap3A_938 : vector<1x1x16xi32> to vector<16xi32>
      %swap3A_940 = vector.shape_cast %select_n3A_932 : vector<16xi32> to vector<1x1x16xi32>
      tpu.vector_store %arg8[%swap3A_935, %swap3A_936, %swap3A_937], %swap3A_940 {strides = array<i32>} : memref<2x1x128xi32, #tpu.memory_space<vmem>>, vector<1x1x16xi32>,
      %add3A_941 = arith.constant 4 : i32
      %add3A_942 = arith.addi %add3A_688, %add3A_941 : i32
      %mul3A_943 = arith.constant 16 : i32
      %mul3A_944 = arith.muli %add3A_942, %mul3A_943 : i32
      %add3A_945 = arith.addi %add3A_42, %mul3A_944 : i32
      %min3A_946 = arith.constant 2499 : i32
      %min3A_947 = arith.minsi %add3A_945, %min3A_946 : i32
      %dma_start3A_948 = arith.constant 1 : i32
      %dma_start3A_949 = arith.constant 0 : i32
      %dma_start3A_950 = arith.constant 0 : i32
      %dma_start3A_951 = tpu.memref_slice %arg7[%dma_start3A_948, %dma_start3A_949, %dma_start3A_950] : memref<4x2x128xi32, #tpu.memory_space<vmem>> -> memref<1x2x128xi32, #tpu.memory_space<vmem>>
      %dma_start3A_952 = tpu.memref_squeeze %dma_start3A_951 : memref<1x2x128xi32, #tpu.memory_space<vmem>> -> memref<2x128xi32, #tpu.memory_space<vmem>>
      %dma_start3A_953 = arith.constant 0 : i32
      %dma_start3A_954 = arith.constant 0 : i32
      %dma_start3A_955 = tpu.memref_slice %arg4[%min3A_947, %dma_start3A_953, %dma_start3A_954] : memref<2500x2x128xi32, #tpu.memory_space<hbm>> -> memref<1x2x128xi32, #tpu.memory_space<hbm>>
      %dma_start3A_956 = tpu.memref_squeeze %dma_start3A_955 : memref<1x2x128xi32, #tpu.memory_space<hbm>> -> memref<2x128xi32, #tpu.memory_space<hbm>>
      %dma_start3A_957 = arith.constant 0 : i32
      %dma_start3A_958 = arith.constant 0 : i32
      %dma_start3A_959 = tpu.memref_slice %arg7[%dma_start3A_948, %dma_start3A_957, %dma_start3A_958] : memref<4x2x128xi32, #tpu.memory_space<vmem>> -> memref<1x2x128xi32, #tpu.memory_space<vmem>>
      %dma_start3A_960 = tpu.memref_squeeze %dma_start3A_959 : memref<1x2x128xi32, #tpu.memory_space<vmem>> -> memref<2x128xi32, #tpu.memory_space<vmem>>
      %dma_start3A_961 = arith.constant 0 : i32
      %dma_start3A_962 = arith.constant 0 : i32
      %dma_start3A_963 = tpu.memref_slice %arg4[%min3A_947, %dma_start3A_961, %dma_start3A_962] : memref<2500x2x128xi32, #tpu.memory_space<hbm>> -> memref<1x2x128xi32, #tpu.memory_space<hbm>>
      %dma_start3A_964 = tpu.memref_squeeze %dma_start3A_963 : memref<1x2x128xi32, #tpu.memory_space<hbm>> -> memref<2x128xi32, #tpu.memory_space<hbm>>
      tpu.enqueue_dma source(%dma_start3A_964 : memref<2x128xi32, #tpu.memory_space<hbm>>) target(%dma_start3A_960 : memref<2x128xi32, #tpu.memory_space<vmem>>) target_semaphore(%arg17 : memref<!tpu.dma_semaphore, #tpu.memory_space<semaphore_mem>>)
      %ge3A_965 = arith.constant 1 : i32
      %ge3A_966 = arith.cmpi sge, %add3A_688, %ge3A_965 : i32
      %sub3A_967 = arith.constant 1 : i32
      %sub3A_968 = arith.subi %add3A_688, %sub3A_967 : i32
      %lt3A_969 = arith.cmpi slt, %sub3A_968, %select_n3A_40 : i32
      %and3A_970 = arith.andi %ge3A_966, %lt3A_969 : i1
      %convert_element_type3A_971 = arith.extui %and3A_970 : i1 to i32
      %cond3A_972 = arith.constant 0 : i32
      %cond3A_973 = arith.cmpi ne, %convert_element_type3A_971, %cond3A_972 : i32
      scf.if %cond3A_973 {
        %dma_wait3A_1751 = arith.constant 0 : i32
        %dma_wait3A_1752 = arith.constant 0 : i32
        %dma_wait3A_1753 = arith.constant 0 : i32
        %dma_wait3A_1754 = tpu.memref_slice %arg8[%dma_wait3A_1751, %dma_wait3A_1752, %dma_wait3A_1753] : memref<2x1x128xi32, #tpu.memory_space<vmem>> -> memref<1x1x128xi32, #tpu.memory_space<vmem>>
        %dma_wait3A_1755 = tpu.memref_squeeze %dma_wait3A_1754 : memref<1x1x128xi32, #tpu.memory_space<vmem>> -> memref<128xi32, #tpu.memory_space<vmem>>
        %dma_wait3A_1756 = arith.constant 0 : i32
        %dma_wait3A_1757 = arith.constant 0 : i32
        %dma_wait3A_1758 = tpu.memref_slice %arg13[%dma_wait3A_1756, %dma_wait3A_1757] : memref<5248x128xf32, #tpu.memory_space<vmem_shared>> -> memref<5248x128xf32, #tpu.memory_space<vmem_shared>>
        tpu.wait_indirect_dma semaphore(%arg20 : memref<!tpu.dma_semaphore, #tpu.memory_space<semaphore_mem>>) src(%arg11 : memref<128x128xf32, #tpu.memory_space<vmem>>) dst(%dma_wait3A_1758 : memref<5248x128xf32, #tpu.memory_space<vmem_shared>>)
      } else {
      }
      %scan3A_974 = arith.constant 0 : i32
      %scan3A_975 = arith.constant 0 : i32
      %scan3A_976 = arith.constant 128 : i32
      %scan3A_977 = arith.addi %scan3A_975, %scan3A_976 : i32
      %scan3A_978 = arith.constant 1 : i32
      %scan3A_979 = scf.for %scan3A_1751 = %scan3A_975 to %scan3A_977 step %scan3A_978 iter_args(%scan3A_1752 = %scan3A_974) -> (i32)  : i32 {
        %get3A_1753 = arith.constant 1 : i32
        %get3A_1754 = arith.index_cast %get3A_1753 : i32 to index
        %get3A_1755 = arith.index_cast %scan3A_1751 : i32 to index
        %get3A_1756 = arith.constant 0 : index
        %get3A_1757 = tpu.vector_load %arg10[%get3A_1754, %get3A_1755, %get3A_1756] {strides = array<i32>} : memref<2x128x128xf32, #tpu.memory_space<vmem>>, vector<1x1x16xf32>,
        %get3A_1758 = vector.shape_cast %get3A_1757 : vector<1x1x16xf32> to vector<16xf32>
        %get3A_1759 = arith.constant 1 : i32
        %get3A_1760 = arith.index_cast %get3A_1759 : i32 to index
        %get3A_1761 = arith.index_cast %scan3A_1751 : i32 to index
        %get3A_1762 = arith.constant 0 : index
        %get3A_1763 = tpu.vector_load %arg9[%get3A_1760, %get3A_1761, %get3A_1762] {strides = array<i32>} : memref<2x128x128xf32, #tpu.memory_space<vmem>>, vector<1x1x16xf32>,
        %get3A_1764 = vector.shape_cast %get3A_1763 : vector<1x1x16xf32> to vector<16xf32>
        %mul3A_1765 = arith.mulf %get3A_1758, %get3A_1764 : vector<16xf32>
        %swap3A_1766 = arith.index_cast %scan3A_1751 : i32 to index
        %swap3A_1767 = arith.constant 0 : index
        %swap3A_1768 = tpu.vector_load %arg11[%swap3A_1766, %swap3A_1767] {strides = array<i32>} : memref<128x128xf32, #tpu.memory_space<vmem>>, vector<1x16xf32>,
        %swap3A_1769 = vector.shape_cast %swap3A_1768 : vector<1x16xf32> to vector<16xf32>
        %swap3A_1770 = vector.shape_cast %mul3A_1765 : vector<16xf32> to vector<1x16xf32>
        tpu.vector_store %arg11[%swap3A_1766, %swap3A_1767], %swap3A_1770 {strides = array<i32>} : memref<128x128xf32, #tpu.memory_space<vmem>>, vector<1x16xf32>,
        %get3A_1771 = arith.constant 1 : i32
        %get3A_1772 = arith.index_cast %get3A_1771 : i32 to index
        %get3A_1773 = arith.index_cast %scan3A_1751 : i32 to index
        %get3A_1774 = arith.constant 16 : index
        %get3A_1775 = tpu.vector_load %arg10[%get3A_1772, %get3A_1773, %get3A_1774] {strides = array<i32>} : memref<2x128x128xf32, #tpu.memory_space<vmem>>, vector<1x1x16xf32>,
        %get3A_1776 = vector.shape_cast %get3A_1775 : vector<1x1x16xf32> to vector<16xf32>
        %get3A_1777 = arith.constant 1 : i32
        %get3A_1778 = arith.index_cast %get3A_1777 : i32 to index
        %get3A_1779 = arith.index_cast %scan3A_1751 : i32 to index
        %get3A_1780 = arith.constant 16 : index
        %get3A_1781 = tpu.vector_load %arg9[%get3A_1778, %get3A_1779, %get3A_1780] {strides = array<i32>} : memref<2x128x128xf32, #tpu.memory_space<vmem>>, vector<1x1x16xf32>,
        %get3A_1782 = vector.shape_cast %get3A_1781 : vector<1x1x16xf32> to vector<16xf32>
        %mul3A_1783 = arith.mulf %get3A_1776, %get3A_1782 : vector<16xf32>
        %swap3A_1784 = arith.index_cast %scan3A_1751 : i32 to index
        %swap3A_1785 = arith.constant 16 : index
        %swap3A_1786 = tpu.vector_load %arg11[%swap3A_1784, %swap3A_1785] {strides = array<i32>} : memref<128x128xf32, #tpu.memory_space<vmem>>, vector<1x16xf32>,
        %swap3A_1787 = vector.shape_cast %swap3A_1786 : vector<1x16xf32> to vector<16xf32>
        %swap3A_1788 = vector.shape_cast %mul3A_1783 : vector<16xf32> to vector<1x16xf32>
        tpu.vector_store %arg11[%swap3A_1784, %swap3A_1785], %swap3A_1788 {strides = array<i32>} : memref<128x128xf32, #tpu.memory_space<vmem>>, vector<1x16xf32>,
        %get3A_1789 = arith.constant 1 : i32
        %get3A_1790 = arith.index_cast %get3A_1789 : i32 to index
        %get3A_1791 = arith.index_cast %scan3A_1751 : i32 to index
        %get3A_1792 = arith.constant 32 : index
        %get3A_1793 = tpu.vector_load %arg10[%get3A_1790, %get3A_1791, %get3A_1792] {strides = array<i32>} : memref<2x128x128xf32, #tpu.memory_space<vmem>>, vector<1x1x16xf32>,
        %get3A_1794 = vector.shape_cast %get3A_1793 : vector<1x1x16xf32> to vector<16xf32>
        %get3A_1795 = arith.constant 1 : i32
        %get3A_1796 = arith.index_cast %get3A_1795 : i32 to index
        %get3A_1797 = arith.index_cast %scan3A_1751 : i32 to index
        %get3A_1798 = arith.constant 32 : index
        %get3A_1799 = tpu.vector_load %arg9[%get3A_1796, %get3A_1797, %get3A_1798] {strides = array<i32>} : memref<2x128x128xf32, #tpu.memory_space<vmem>>, vector<1x1x16xf32>,
        %get3A_1800 = vector.shape_cast %get3A_1799 : vector<1x1x16xf32> to vector<16xf32>
        %mul3A_1801 = arith.mulf %get3A_1794, %get3A_1800 : vector<16xf32>
        %swap3A_1802 = arith.index_cast %scan3A_1751 : i32 to index
        %swap3A_1803 = arith.constant 32 : index
        %swap3A_1804 = tpu.vector_load %arg11[%swap3A_1802, %swap3A_1803] {strides = array<i32>} : memref<128x128xf32, #tpu.memory_space<vmem>>, vector<1x16xf32>,
        %swap3A_1805 = vector.shape_cast %swap3A_1804 : vector<1x16xf32> to vector<16xf32>
        %swap3A_1806 = vector.shape_cast %mul3A_1801 : vector<16xf32> to vector<1x16xf32>
        tpu.vector_store %arg11[%swap3A_1802, %swap3A_1803], %swap3A_1806 {strides = array<i32>} : memref<128x128xf32, #tpu.memory_space<vmem>>, vector<1x16xf32>,
        %get3A_1807 = arith.constant 1 : i32
        %get3A_1808 = arith.index_cast %get3A_1807 : i32 to index
        %get3A_1809 = arith.index_cast %scan3A_1751 : i32 to index
        %get3A_1810 = arith.constant 48 : index
        %get3A_1811 = tpu.vector_load %arg10[%get3A_1808, %get3A_1809, %get3A_1810] {strides = array<i32>} : memref<2x128x128xf32, #tpu.memory_space<vmem>>, vector<1x1x16xf32>,
        %get3A_1812 = vector.shape_cast %get3A_1811 : vector<1x1x16xf32> to vector<16xf32>
        %get3A_1813 = arith.constant 1 : i32
        %get3A_1814 = arith.index_cast %get3A_1813 : i32 to index
        %get3A_1815 = arith.index_cast %scan3A_1751 : i32 to index
        %get3A_1816 = arith.constant 48 : index
        %get3A_1817 = tpu.vector_load %arg9[%get3A_1814, %get3A_1815, %get3A_1816] {strides = array<i32>} : memref<2x128x128xf32, #tpu.memory_space<vmem>>, vector<1x1x16xf32>,
        %get3A_1818 = vector.shape_cast %get3A_1817 : vector<1x1x16xf32> to vector<16xf32>
        %mul3A_1819 = arith.mulf %get3A_1812, %get3A_1818 : vector<16xf32>
        %swap3A_1820 = arith.index_cast %scan3A_1751 : i32 to index
        %swap3A_1821 = arith.constant 48 : index
        %swap3A_1822 = tpu.vector_load %arg11[%swap3A_1820, %swap3A_1821] {strides = array<i32>} : memref<128x128xf32, #tpu.memory_space<vmem>>, vector<1x16xf32>,
        %swap3A_1823 = vector.shape_cast %swap3A_1822 : vector<1x16xf32> to vector<16xf32>
        %swap3A_1824 = vector.shape_cast %mul3A_1819 : vector<16xf32> to vector<1x16xf32>
        tpu.vector_store %arg11[%swap3A_1820, %swap3A_1821], %swap3A_1824 {strides = array<i32>} : memref<128x128xf32, #tpu.memory_space<vmem>>, vector<1x16xf32>,
        %get3A_1825 = arith.constant 1 : i32
        %get3A_1826 = arith.index_cast %get3A_1825 : i32 to index
        %get3A_1827 = arith.index_cast %scan3A_1751 : i32 to index
        %get3A_1828 = arith.constant 64 : index
        %get3A_1829 = tpu.vector_load %arg10[%get3A_1826, %get3A_1827, %get3A_1828] {strides = array<i32>} : memref<2x128x128xf32, #tpu.memory_space<vmem>>, vector<1x1x16xf32>,
        %get3A_1830 = vector.shape_cast %get3A_1829 : vector<1x1x16xf32> to vector<16xf32>
        %get3A_1831 = arith.constant 1 : i32
        %get3A_1832 = arith.index_cast %get3A_1831 : i32 to index
        %get3A_1833 = arith.index_cast %scan3A_1751 : i32 to index
        %get3A_1834 = arith.constant 64 : index
        %get3A_1835 = tpu.vector_load %arg9[%get3A_1832, %get3A_1833, %get3A_1834] {strides = array<i32>} : memref<2x128x128xf32, #tpu.memory_space<vmem>>, vector<1x1x16xf32>,
        %get3A_1836 = vector.shape_cast %get3A_1835 : vector<1x1x16xf32> to vector<16xf32>
        %mul3A_1837 = arith.mulf %get3A_1830, %get3A_1836 : vector<16xf32>
        %swap3A_1838 = arith.index_cast %scan3A_1751 : i32 to index
        %swap3A_1839 = arith.constant 64 : index
        %swap3A_1840 = tpu.vector_load %arg11[%swap3A_1838, %swap3A_1839] {strides = array<i32>} : memref<128x128xf32, #tpu.memory_space<vmem>>, vector<1x16xf32>,
        %swap3A_1841 = vector.shape_cast %swap3A_1840 : vector<1x16xf32> to vector<16xf32>
        %swap3A_1842 = vector.shape_cast %mul3A_1837 : vector<16xf32> to vector<1x16xf32>
        tpu.vector_store %arg11[%swap3A_1838, %swap3A_1839], %swap3A_1842 {strides = array<i32>} : memref<128x128xf32, #tpu.memory_space<vmem>>, vector<1x16xf32>,
        %get3A_1843 = arith.constant 1 : i32
        %get3A_1844 = arith.index_cast %get3A_1843 : i32 to index
        %get3A_1845 = arith.index_cast %scan3A_1751 : i32 to index
        %get3A_1846 = arith.constant 80 : index
        %get3A_1847 = tpu.vector_load %arg10[%get3A_1844, %get3A_1845, %get3A_1846] {strides = array<i32>} : memref<2x128x128xf32, #tpu.memory_space<vmem>>, vector<1x1x16xf32>,
        %get3A_1848 = vector.shape_cast %get3A_1847 : vector<1x1x16xf32> to vector<16xf32>
        %get3A_1849 = arith.constant 1 : i32
        %get3A_1850 = arith.index_cast %get3A_1849 : i32 to index
        %get3A_1851 = arith.index_cast %scan3A_1751 : i32 to index
        %get3A_1852 = arith.constant 80 : index
        %get3A_1853 = tpu.vector_load %arg9[%get3A_1850, %get3A_1851, %get3A_1852] {strides = array<i32>} : memref<2x128x128xf32, #tpu.memory_space<vmem>>, vector<1x1x16xf32>,
        %get3A_1854 = vector.shape_cast %get3A_1853 : vector<1x1x16xf32> to vector<16xf32>
        %mul3A_1855 = arith.mulf %get3A_1848, %get3A_1854 : vector<16xf32>
        %swap3A_1856 = arith.index_cast %scan3A_1751 : i32 to index
        %swap3A_1857 = arith.constant 80 : index
        %swap3A_1858 = tpu.vector_load %arg11[%swap3A_1856, %swap3A_1857] {strides = array<i32>} : memref<128x128xf32, #tpu.memory_space<vmem>>, vector<1x16xf32>,
        %swap3A_1859 = vector.shape_cast %swap3A_1858 : vector<1x16xf32> to vector<16xf32>
        %swap3A_1860 = vector.shape_cast %mul3A_1855 : vector<16xf32> to vector<1x16xf32>
        tpu.vector_store %arg11[%swap3A_1856, %swap3A_1857], %swap3A_1860 {strides = array<i32>} : memref<128x128xf32, #tpu.memory_space<vmem>>, vector<1x16xf32>,
        %get3A_1861 = arith.constant 1 : i32
        %get3A_1862 = arith.index_cast %get3A_1861 : i32 to index
        %get3A_1863 = arith.index_cast %scan3A_1751 : i32 to index
        %get3A_1864 = arith.constant 96 : index
        %get3A_1865 = tpu.vector_load %arg10[%get3A_1862, %get3A_1863, %get3A_1864] {strides = array<i32>} : memref<2x128x128xf32, #tpu.memory_space<vmem>>, vector<1x1x16xf32>,
        %get3A_1866 = vector.shape_cast %get3A_1865 : vector<1x1x16xf32> to vector<16xf32>
        %get3A_1867 = arith.constant 1 : i32
        %get3A_1868 = arith.index_cast %get3A_1867 : i32 to index
        %get3A_1869 = arith.index_cast %scan3A_1751 : i32 to index
        %get3A_1870 = arith.constant 96 : index
        %get3A_1871 = tpu.vector_load %arg9[%get3A_1868, %get3A_1869, %get3A_1870] {strides = array<i32>} : memref<2x128x128xf32, #tpu.memory_space<vmem>>, vector<1x1x16xf32>,
        %get3A_1872 = vector.shape_cast %get3A_1871 : vector<1x1x16xf32> to vector<16xf32>
        %mul3A_1873 = arith.mulf %get3A_1866, %get3A_1872 : vector<16xf32>
        %swap3A_1874 = arith.index_cast %scan3A_1751 : i32 to index
        %swap3A_1875 = arith.constant 96 : index
        %swap3A_1876 = tpu.vector_load %arg11[%swap3A_1874, %swap3A_1875] {strides = array<i32>} : memref<128x128xf32, #tpu.memory_space<vmem>>, vector<1x16xf32>,
        %swap3A_1877 = vector.shape_cast %swap3A_1876 : vector<1x16xf32> to vector<16xf32>
        %swap3A_1878 = vector.shape_cast %mul3A_1873 : vector<16xf32> to vector<1x16xf32>
        tpu.vector_store %arg11[%swap3A_1874, %swap3A_1875], %swap3A_1878 {strides = array<i32>} : memref<128x128xf32, #tpu.memory_space<vmem>>, vector<1x16xf32>,
        %get3A_1879 = arith.constant 1 : i32
        %get3A_1880 = arith.index_cast %get3A_1879 : i32 to index
        %get3A_1881 = arith.index_cast %scan3A_1751 : i32 to index
        %get3A_1882 = arith.constant 112 : index
        %get3A_1883 = tpu.vector_load %arg10[%get3A_1880, %get3A_1881, %get3A_1882] {strides = array<i32>} : memref<2x128x128xf32, #tpu.memory_space<vmem>>, vector<1x1x16xf32>,
        %get3A_1884 = vector.shape_cast %get3A_1883 : vector<1x1x16xf32> to vector<16xf32>
        %get3A_1885 = arith.constant 1 : i32
        %get3A_1886 = arith.index_cast %get3A_1885 : i32 to index
        %get3A_1887 = arith.index_cast %scan3A_1751 : i32 to index
        %get3A_1888 = arith.constant 112 : index
        %get3A_1889 = tpu.vector_load %arg9[%get3A_1886, %get3A_1887, %get3A_1888] {strides = array<i32>} : memref<2x128x128xf32, #tpu.memory_space<vmem>>, vector<1x1x16xf32>,
        %get3A_1890 = vector.shape_cast %get3A_1889 : vector<1x1x16xf32> to vector<16xf32>
        %mul3A_1891 = arith.mulf %get3A_1884, %get3A_1890 : vector<16xf32>
        %swap3A_1892 = arith.index_cast %scan3A_1751 : i32 to index
        %swap3A_1893 = arith.constant 112 : index
        %swap3A_1894 = tpu.vector_load %arg11[%swap3A_1892, %swap3A_1893] {strides = array<i32>} : memref<128x128xf32, #tpu.memory_space<vmem>>, vector<1x16xf32>,
        %swap3A_1895 = vector.shape_cast %swap3A_1894 : vector<1x16xf32> to vector<16xf32>
        %swap3A_1896 = vector.shape_cast %mul3A_1891 : vector<16xf32> to vector<1x16xf32>
        tpu.vector_store %arg11[%swap3A_1892, %swap3A_1893], %swap3A_1896 {strides = array<i32>} : memref<128x128xf32, #tpu.memory_space<vmem>>, vector<1x16xf32>,
        %scan3A_1897 = arith.constant 0 : i32
        scf.yield %scan3A_1897 : i32
      }
      %scan3A_980 = arith.constant 128 : i32
      %lt3A_981 = arith.cmpi slt, %add3A_688, %select_n3A_40 : i32
      %convert_element_type3A_982 = arith.extui %lt3A_981 : i1 to i32
      %cond3A_983 = arith.constant 0 : i32
      %cond3A_984 = arith.cmpi ne, %convert_element_type3A_982, %cond3A_983 : i32
      scf.if %cond3A_984 {
        %dma_start3A_1751 = arith.constant 1 : i32
        %dma_start3A_1752 = arith.constant 0 : i32
        %dma_start3A_1753 = arith.constant 0 : i32
        %dma_start3A_1754 = tpu.memref_slice %arg8[%dma_start3A_1751, %dma_start3A_1752, %dma_start3A_1753] : memref<2x1x128xi32, #tpu.memory_space<vmem>> -> memref<1x1x128xi32, #tpu.memory_space<vmem>>
        %dma_start3A_1755 = tpu.memref_squeeze %dma_start3A_1754 : memref<1x1x128xi32, #tpu.memory_space<vmem>> -> memref<128xi32, #tpu.memory_space<vmem>>
        %dma_start3A_1756 = arith.constant 0 : i32
        %dma_start3A_1757 = arith.constant 0 : i32
        %dma_start3A_1758 = tpu.memref_slice %arg13[%dma_start3A_1756, %dma_start3A_1757] : memref<5248x128xf32, #tpu.memory_space<vmem_shared>> -> memref<5248x128xf32, #tpu.memory_space<vmem_shared>>
        tpu.enqueue_indirect_dma source(%arg11 : memref<128x128xf32, #tpu.memory_space<vmem>>) target(%dma_start3A_1758 : memref<5248x128xf32, #tpu.memory_space<vmem_shared>>) offsets(%dma_start3A_1755 : memref<128xi32, #tpu.memory_space<vmem>>) semaphore(%arg20 : memref<!tpu.dma_semaphore, #tpu.memory_space<semaphore_mem>>) {add = true}
      } else {
      }
      %dma_wait3A_985 = arith.constant 0 : i32
      %dma_wait3A_986 = arith.constant 3 : i32
      %dma_wait3A_987 = arith.constant 0 : i32
      %dma_wait3A_988 = arith.constant 0 : i32
      %dma_wait3A_989 = tpu.memref_slice %arg7[%dma_wait3A_986, %dma_wait3A_987, %dma_wait3A_988] : memref<4x2x128xi32, #tpu.memory_space<vmem>> -> memref<1x2x128xi32, #tpu.memory_space<vmem>>
      %dma_wait3A_990 = tpu.memref_squeeze %dma_wait3A_989 : memref<1x2x128xi32, #tpu.memory_space<vmem>> -> memref<2x128xi32, #tpu.memory_space<vmem>>
      %dma_wait3A_991 = arith.constant 0 : i32
      %dma_wait3A_992 = arith.constant 0 : i32
      %dma_wait3A_993 = tpu.memref_slice %arg4[%dma_wait3A_985, %dma_wait3A_991, %dma_wait3A_992] : memref<2500x2x128xi32, #tpu.memory_space<hbm>> -> memref<1x2x128xi32, #tpu.memory_space<hbm>>
      %dma_wait3A_994 = tpu.memref_squeeze %dma_wait3A_993 : memref<1x2x128xi32, #tpu.memory_space<hbm>> -> memref<2x128xi32, #tpu.memory_space<hbm>>
      %dma_wait3A_995 = arith.constant 0 : i32
      %dma_wait3A_996 = arith.constant 0 : i32
      %dma_wait3A_997 = tpu.memref_slice %arg7[%dma_wait3A_986, %dma_wait3A_995, %dma_wait3A_996] : memref<4x2x128xi32, #tpu.memory_space<vmem>> -> memref<1x2x128xi32, #tpu.memory_space<vmem>>
      %dma_wait3A_998 = tpu.memref_squeeze %dma_wait3A_997 : memref<1x2x128xi32, #tpu.memory_space<vmem>> -> memref<2x128xi32, #tpu.memory_space<vmem>>
      %dma_wait3A_999 = arith.constant 0 : i32
      %dma_wait3A_1000 = arith.constant 0 : i32
      %dma_wait3A_1001 = tpu.memref_slice %arg4[%dma_wait3A_985, %dma_wait3A_999, %dma_wait3A_1000] : memref<2500x2x128xi32, #tpu.memory_space<hbm>> -> memref<1x2x128xi32, #tpu.memory_space<hbm>>
      %dma_wait3A_1002 = tpu.memref_squeeze %dma_wait3A_1001 : memref<1x2x128xi32, #tpu.memory_space<hbm>> -> memref<2x128xi32, #tpu.memory_space<hbm>>
      tpu.wait_dma2 semaphore(%arg19 : memref<!tpu.dma_semaphore, #tpu.memory_space<semaphore_mem>>) src(%dma_wait3A_1002 : memref<2x128xi32, #tpu.memory_space<hbm>>) dst(%dma_wait3A_998 : memref<2x128xi32, #tpu.memory_space<vmem>>)
      %add3A_1003 = arith.constant 2 : i32
      %add3A_1004 = arith.addi %add3A_688, %add3A_1003 : i32
      %dma_start3A_1005 = arith.constant 3 : i32
      %dma_start3A_1006 = arith.constant 1 : i32
      %dma_start3A_1007 = arith.constant 1 : i32
      %dma_start3A_1008 = arith.constant 0 : i32
      %dma_start3A_1009 = arith.constant 0 : i32
      %dma_start3A_1010 = tpu.memref_slice %arg10[%dma_start3A_1007, %dma_start3A_1008, %dma_start3A_1009] : memref<2x128x128xf32, #tpu.memory_space<vmem>> -> memref<1x128x128xf32, #tpu.memory_space<vmem>>
      %dma_start3A_1011 = tpu.memref_squeeze %dma_start3A_1010 : memref<1x128x128xf32, #tpu.memory_space<vmem>> -> memref<128x128xf32, #tpu.memory_space<vmem>>
      %dma_start3A_1012 = arith.constant 0 : i32
      %dma_start3A_1013 = tpu.memref_slice %arg7[%dma_start3A_1005, %dma_start3A_1006, %dma_start3A_1012] : memref<4x2x128xi32, #tpu.memory_space<vmem>> -> memref<1x1x128xi32, #tpu.memory_space<vmem>>
      %dma_start3A_1014 = tpu.memref_squeeze %dma_start3A_1013 : memref<1x1x128xi32, #tpu.memory_space<vmem>> -> memref<128xi32, #tpu.memory_space<vmem>>
      %dma_start3A_1015 = arith.constant 0 : i32
      %dma_start3A_1016 = arith.constant 0 : i32
      %dma_start3A_1017 = tpu.memref_slice %arg2[%dma_start3A_1015, %dma_start3A_1016] : memref<10000x128xf32, #tpu.memory_space<hbm>> -> memref<10000x128xf32, #tpu.memory_space<hbm>>
      tpu.enqueue_indirect_dma source(%dma_start3A_1017 : memref<10000x128xf32, #tpu.memory_space<hbm>>) target(%dma_start3A_1011 : memref<128x128xf32, #tpu.memory_space<vmem>>) offsets(%dma_start3A_1014 : memref<128xi32, #tpu.memory_space<vmem>>) semaphore(%arg15 : memref<!tpu.dma_semaphore, #tpu.memory_space<semaphore_mem>>)
      %mul3A_1018 = arith.constant 16 : i32
      %mul3A_1019 = arith.muli %add3A_1004, %mul3A_1018 : i32
      %add3A_1020 = arith.addi %add3A_42, %mul3A_1019 : i32
      %min3A_1021 = arith.constant 2499 : i32
      %min3A_1022 = arith.minsi %add3A_1020, %min3A_1021 : i32
      %dma_start3A_1023 = arith.constant 1 : i32
      %dma_start3A_1024 = arith.constant 0 : i32
      %dma_start3A_1025 = arith.constant 0 : i32
      %dma_start3A_1026 = tpu.memref_slice %arg9[%dma_start3A_1023, %dma_start3A_1024, %dma_start3A_1025] : memref<2x128x128xf32, #tpu.memory_space<vmem>> -> memref<1x128x128xf32, #tpu.memory_space<vmem>>
      %dma_start3A_1027 = tpu.memref_squeeze %dma_start3A_1026 : memref<1x128x128xf32, #tpu.memory_space<vmem>> -> memref<128x128xf32, #tpu.memory_space<vmem>>
      %dma_start3A_1028 = arith.constant 0 : i32
      %dma_start3A_1029 = arith.constant 0 : i32
      %dma_start3A_1030 = tpu.memref_slice %arg3[%min3A_1022, %dma_start3A_1028, %dma_start3A_1029] : memref<2500x128x128xf32, #tpu.memory_space<hbm>> -> memref<1x128x128xf32, #tpu.memory_space<hbm>>
      %dma_start3A_1031 = tpu.memref_squeeze %dma_start3A_1030 : memref<1x128x128xf32, #tpu.memory_space<hbm>> -> memref<128x128xf32, #tpu.memory_space<hbm>>
      %dma_start3A_1032 = arith.constant 0 : i32
      %dma_start3A_1033 = arith.constant 0 : i32
      %dma_start3A_1034 = tpu.memref_slice %arg9[%dma_start3A_1023, %dma_start3A_1032, %dma_start3A_1033] : memref<2x128x128xf32, #tpu.memory_space<vmem>> -> memref<1x128x128xf32, #tpu.memory_space<vmem>>
      %dma_start3A_1035 = tpu.memref_squeeze %dma_start3A_1034 : memref<1x128x128xf32, #tpu.memory_space<vmem>> -> memref<128x128xf32, #tpu.memory_space<vmem>>
      %dma_start3A_1036 = arith.constant 0 : i32
      %dma_start3A_1037 = arith.constant 0 : i32
      %dma_start3A_1038 = tpu.memref_slice %arg3[%min3A_1022, %dma_start3A_1036, %dma_start3A_1037] : memref<2500x128x128xf32, #tpu.memory_space<hbm>> -> memref<1x128x128xf32, #tpu.memory_space<hbm>>
      %dma_start3A_1039 = tpu.memref_squeeze %dma_start3A_1038 : memref<1x128x128xf32, #tpu.memory_space<hbm>> -> memref<128x128xf32, #tpu.memory_space<hbm>>
      tpu.enqueue_dma source(%dma_start3A_1039 : memref<128x128xf32, #tpu.memory_space<hbm>>) target(%dma_start3A_1035 : memref<128x128xf32, #tpu.memory_space<vmem>>) target_semaphore(%arg15 : memref<!tpu.dma_semaphore, #tpu.memory_space<semaphore_mem>>)
      %mul3A_1040 = arith.constant 4 : i32
      %mul3A_1041 = arith.muli %while3A_331, %mul3A_1040 : i32
      %add3A_1042 = arith.constant 2 : i32
      %add3A_1043 = arith.addi %mul3A_1041, %add3A_1042 : i32
      %dma_wait3A_1044 = arith.constant 0 : i32
      %dma_wait3A_1045 = arith.constant 0 : i32
      %dma_wait3A_1046 = arith.constant 0 : i32
      %dma_wait3A_1047 = arith.constant 0 : i32
      %dma_wait3A_1048 = tpu.memref_slice %arg10[%dma_wait3A_1045, %dma_wait3A_1046, %dma_wait3A_1047] : memref<2x128x128xf32, #tpu.memory_space<vmem>> -> memref<1x128x128xf32, #tpu.memory_space<vmem>>
      %dma_wait3A_1049 = tpu.memref_squeeze %dma_wait3A_1048 : memref<1x128x128xf32, #tpu.memory_space<vmem>> -> memref<128x128xf32, #tpu.memory_space<vmem>>
      %dma_wait3A_1050 = arith.constant 0 : i32
      %dma_wait3A_1051 = arith.constant 0 : i32
      %dma_wait3A_1052 = tpu.memref_slice %arg3[%dma_wait3A_1044, %dma_wait3A_1050, %dma_wait3A_1051] : memref<2500x128x128xf32, #tpu.memory_space<hbm>> -> memref<1x128x128xf32, #tpu.memory_space<hbm>>
      %dma_wait3A_1053 = tpu.memref_squeeze %dma_wait3A_1052 : memref<1x128x128xf32, #tpu.memory_space<hbm>> -> memref<128x128xf32, #tpu.memory_space<hbm>>
      %dma_wait3A_1054 = arith.constant 0 : i32
      %dma_wait3A_1055 = arith.constant 0 : i32
      %dma_wait3A_1056 = tpu.memref_slice %arg10[%dma_wait3A_1045, %dma_wait3A_1054, %dma_wait3A_1055] : memref<2x128x128xf32, #tpu.memory_space<vmem>> -> memref<1x128x128xf32, #tpu.memory_space<vmem>>
      %dma_wait3A_1057 = tpu.memref_squeeze %dma_wait3A_1056 : memref<1x128x128xf32, #tpu.memory_space<vmem>> -> memref<128x128xf32, #tpu.memory_space<vmem>>
      %dma_wait3A_1058 = arith.constant 0 : i32
      %dma_wait3A_1059 = arith.constant 0 : i32
      %dma_wait3A_1060 = tpu.memref_slice %arg3[%dma_wait3A_1044, %dma_wait3A_1058, %dma_wait3A_1059] : memref<2500x128x128xf32, #tpu.memory_space<hbm>> -> memref<1x128x128xf32, #tpu.memory_space<hbm>>
      %dma_wait3A_1061 = tpu.memref_squeeze %dma_wait3A_1060 : memref<1x128x128xf32, #tpu.memory_space<hbm>> -> memref<128x128xf32, #tpu.memory_space<hbm>>
      tpu.wait_dma2 semaphore(%arg14 : memref<!tpu.dma_semaphore, #tpu.memory_space<semaphore_mem>>) src(%dma_wait3A_1061 : memref<128x128xf32, #tpu.memory_space<hbm>>) dst(%dma_wait3A_1057 : memref<128x128xf32, #tpu.memory_space<vmem>>)
      %dma_wait3A_1062 = arith.constant 0 : i32
      %dma_wait3A_1063 = arith.constant 0 : i32
      %dma_wait3A_1064 = arith.constant 0 : i32
      %dma_wait3A_1065 = arith.constant 0 : i32
      %dma_wait3A_1066 = tpu.memref_slice %arg9[%dma_wait3A_1063, %dma_wait3A_1064, %dma_wait3A_1065] : memref<2x128x128xf32, #tpu.memory_space<vmem>> -> memref<1x128x128xf32, #tpu.memory_space<vmem>>
      %dma_wait3A_1067 = tpu.memref_squeeze %dma_wait3A_1066 : memref<1x128x128xf32, #tpu.memory_space<vmem>> -> memref<128x128xf32, #tpu.memory_space<vmem>>
      %dma_wait3A_1068 = arith.constant 0 : i32
      %dma_wait3A_1069 = arith.constant 0 : i32
      %dma_wait3A_1070 = tpu.memref_slice %arg3[%dma_wait3A_1062, %dma_wait3A_1068, %dma_wait3A_1069] : memref<2500x128x128xf32, #tpu.memory_space<hbm>> -> memref<1x128x128xf32, #tpu.memory_space<hbm>>
      %dma_wait3A_1071 = tpu.memref_squeeze %dma_wait3A_1070 : memref<1x128x128xf32, #tpu.memory_space<hbm>> -> memref<128x128xf32, #tpu.memory_space<hbm>>
      %dma_wait3A_1072 = arith.constant 0 : i32
      %dma_wait3A_1073 = arith.constant 0 : i32
      %dma_wait3A_1074 = tpu.memref_slice %arg9[%dma_wait3A_1063, %dma_wait3A_1072, %dma_wait3A_1073] : memref<2x128x128xf32, #tpu.memory_space<vmem>> -> memref<1x128x128xf32, #tpu.memory_space<vmem>>
      %dma_wait3A_1075 = tpu.memref_squeeze %dma_wait3A_1074 : memref<1x128x128xf32, #tpu.memory_space<vmem>> -> memref<128x128xf32, #tpu.memory_space<vmem>>
      %dma_wait3A_1076 = arith.constant 0 : i32
      %dma_wait3A_1077 = arith.constant 0 : i32
      %dma_wait3A_1078 = tpu.memref_slice %arg3[%dma_wait3A_1062, %dma_wait3A_1076, %dma_wait3A_1077] : memref<2500x128x128xf32, #tpu.memory_space<hbm>> -> memref<1x128x128xf32, #tpu.memory_space<hbm>>
      %dma_wait3A_1079 = tpu.memref_squeeze %dma_wait3A_1078 : memref<1x128x128xf32, #tpu.memory_space<hbm>> -> memref<128x128xf32, #tpu.memory_space<hbm>>
      tpu.wait_dma2 semaphore(%arg14 : memref<!tpu.dma_semaphore, #tpu.memory_space<semaphore_mem>>) src(%dma_wait3A_1079 : memref<128x128xf32, #tpu.memory_space<hbm>>) dst(%dma_wait3A_1075 : memref<128x128xf32, #tpu.memory_space<vmem>>)
      %get3A_1080 = arith.constant 2 : i32
      %get3A_1081 = arith.constant 0 : i32
      %get3A_1082 = arith.index_cast %get3A_1080 : i32 to index
      %get3A_1083 = arith.index_cast %get3A_1081 : i32 to index
      %get3A_1084 = arith.constant 0 : index
      %get3A_1085 = tpu.vector_load %arg7[%get3A_1082, %get3A_1083, %get3A_1084] {strides = array<i32>} : memref<4x2x128xi32, #tpu.memory_space<vmem>>, vector<1x1x16xi32>,
      %get3A_1086 = vector.shape_cast %get3A_1085 : vector<1x1x16xi32> to vector<16xi32>
      %sub3A_1087 = vector.broadcast %mul3A_44 : i32 to vector<16xi32>
      %sub3A_1088 = arith.subi %get3A_1086, %sub3A_1087 : vector<16xi32>
      %ge3A_1089 = arith.constant 0 : i32
      %ge3A_1090 = vector.broadcast %ge3A_1089 : i32 to vector<16xi32>
      %ge3A_1091 = arith.cmpi sge, %sub3A_1088, %ge3A_1090 : vector<16xi32>
      %lt3A_1092 = arith.constant 5120 : i32
      %lt3A_1093 = vector.broadcast %lt3A_1092 : i32 to vector<16xi32>
      %lt3A_1094 = arith.cmpi slt, %sub3A_1088, %lt3A_1093 : vector<16xi32>
      %and3A_1095 = arith.andi %ge3A_1091, %lt3A_1094 : vector<16xi1>
      %jit3A_1096 = arith.constant 5120 : i32
      %broadcast_in_dim3A_1097 = vector.broadcast %jit3A_1096 : i32 to vector<16xi32>
      %select_n3A_1098 = arith.select %and3A_1095, %sub3A_1088, %broadcast_in_dim3A_1097 : vector<16xi1>, vector<16xi32>
      %swap3A_1099 = arith.constant 0 : i32
      %swap3A_1100 = arith.constant 0 : i32
      %swap3A_1101 = arith.index_cast %swap3A_1099 : i32 to index
      %swap3A_1102 = arith.index_cast %swap3A_1100 : i32 to index
      %swap3A_1103 = arith.constant 0 : index
      %swap3A_1104 = tpu.vector_load %arg8[%swap3A_1101, %swap3A_1102, %swap3A_1103] {strides = array<i32>} : memref<2x1x128xi32, #tpu.memory_space<vmem>>, vector<1x1x16xi32>,
      %swap3A_1105 = vector.shape_cast %swap3A_1104 : vector<1x1x16xi32> to vector<16xi32>
      %swap3A_1106 = vector.shape_cast %select_n3A_1098 : vector<16xi32> to vector<1x1x16xi32>
      tpu.vector_store %arg8[%swap3A_1101, %swap3A_1102, %swap3A_1103], %swap3A_1106 {strides = array<i32>} : memref<2x1x128xi32, #tpu.memory_space<vmem>>, vector<1x1x16xi32>,
      %get3A_1107 = arith.constant 2 : i32
      %get3A_1108 = arith.constant 0 : i32
      %get3A_1109 = arith.index_cast %get3A_1107 : i32 to index
      %get3A_1110 = arith.index_cast %get3A_1108 : i32 to index
      %get3A_1111 = arith.constant 16 : index
      %get3A_1112 = tpu.vector_load %arg7[%get3A_1109, %get3A_1110, %get3A_1111] {strides = array<i32>} : memref<4x2x128xi32, #tpu.memory_space<vmem>>, vector<1x1x16xi32>,
      %get3A_1113 = vector.shape_cast %get3A_1112 : vector<1x1x16xi32> to vector<16xi32>
      %sub3A_1114 = vector.broadcast %mul3A_44 : i32 to vector<16xi32>
      %sub3A_1115 = arith.subi %get3A_1113, %sub3A_1114 : vector<16xi32>
      %ge3A_1116 = arith.constant 0 : i32
      %ge3A_1117 = vector.broadcast %ge3A_1116 : i32 to vector<16xi32>
      %ge3A_1118 = arith.cmpi sge, %sub3A_1115, %ge3A_1117 : vector<16xi32>
      %lt3A_1119 = arith.constant 5120 : i32
      %lt3A_1120 = vector.broadcast %lt3A_1119 : i32 to vector<16xi32>
      %lt3A_1121 = arith.cmpi slt, %sub3A_1115, %lt3A_1120 : vector<16xi32>
      %and3A_1122 = arith.andi %ge3A_1118, %lt3A_1121 : vector<16xi1>
      %jit3A_1123 = arith.constant 5120 : i32
      %broadcast_in_dim3A_1124 = vector.broadcast %jit3A_1123 : i32 to vector<16xi32>
      %select_n3A_1125 = arith.select %and3A_1122, %sub3A_1115, %broadcast_in_dim3A_1124 : vector<16xi1>, vector<16xi32>
      %swap3A_1126 = arith.constant 0 : i32
      %swap3A_1127 = arith.constant 0 : i32
      %swap3A_1128 = arith.index_cast %swap3A_1126 : i32 to index
      %swap3A_1129 = arith.index_cast %swap3A_1127 : i32 to index
      %swap3A_1130 = arith.constant 16 : index
      %swap3A_1131 = tpu.vector_load %arg8[%swap3A_1128, %swap3A_1129, %swap3A_1130] {strides = array<i32>} : memref<2x1x128xi32, #tpu.memory_space<vmem>>, vector<1x1x16xi32>,
      %swap3A_1132 = vector.shape_cast %swap3A_1131 : vector<1x1x16xi32> to vector<16xi32>
      %swap3A_1133 = vector.shape_cast %select_n3A_1125 : vector<16xi32> to vector<1x1x16xi32>
      tpu.vector_store %arg8[%swap3A_1128, %swap3A_1129, %swap3A_1130], %swap3A_1133 {strides = array<i32>} : memref<2x1x128xi32, #tpu.memory_space<vmem>>, vector<1x1x16xi32>,
      %get3A_1134 = arith.constant 2 : i32
      %get3A_1135 = arith.constant 0 : i32
      %get3A_1136 = arith.index_cast %get3A_1134 : i32 to index
      %get3A_1137 = arith.index_cast %get3A_1135 : i32 to index
      %get3A_1138 = arith.constant 32 : index
      %get3A_1139 = tpu.vector_load %arg7[%get3A_1136, %get3A_1137, %get3A_1138] {strides = array<i32>} : memref<4x2x128xi32, #tpu.memory_space<vmem>>, vector<1x1x16xi32>,
      %get3A_1140 = vector.shape_cast %get3A_1139 : vector<1x1x16xi32> to vector<16xi32>
      %sub3A_1141 = vector.broadcast %mul3A_44 : i32 to vector<16xi32>
      %sub3A_1142 = arith.subi %get3A_1140, %sub3A_1141 : vector<16xi32>
      %ge3A_1143 = arith.constant 0 : i32
      %ge3A_1144 = vector.broadcast %ge3A_1143 : i32 to vector<16xi32>
      %ge3A_1145 = arith.cmpi sge, %sub3A_1142, %ge3A_1144 : vector<16xi32>
      %lt3A_1146 = arith.constant 5120 : i32
      %lt3A_1147 = vector.broadcast %lt3A_1146 : i32 to vector<16xi32>
      %lt3A_1148 = arith.cmpi slt, %sub3A_1142, %lt3A_1147 : vector<16xi32>
      %and3A_1149 = arith.andi %ge3A_1145, %lt3A_1148 : vector<16xi1>
      %jit3A_1150 = arith.constant 5120 : i32
      %broadcast_in_dim3A_1151 = vector.broadcast %jit3A_1150 : i32 to vector<16xi32>
      %select_n3A_1152 = arith.select %and3A_1149, %sub3A_1142, %broadcast_in_dim3A_1151 : vector<16xi1>, vector<16xi32>
      %swap3A_1153 = arith.constant 0 : i32
      %swap3A_1154 = arith.constant 0 : i32
      %swap3A_1155 = arith.index_cast %swap3A_1153 : i32 to index
      %swap3A_1156 = arith.index_cast %swap3A_1154 : i32 to index
      %swap3A_1157 = arith.constant 32 : index
      %swap3A_1158 = tpu.vector_load %arg8[%swap3A_1155, %swap3A_1156, %swap3A_1157] {strides = array<i32>} : memref<2x1x128xi32, #tpu.memory_space<vmem>>, vector<1x1x16xi32>,
      %swap3A_1159 = vector.shape_cast %swap3A_1158 : vector<1x1x16xi32> to vector<16xi32>
      %swap3A_1160 = vector.shape_cast %select_n3A_1152 : vector<16xi32> to vector<1x1x16xi32>
      tpu.vector_store %arg8[%swap3A_1155, %swap3A_1156, %swap3A_1157], %swap3A_1160 {strides = array<i32>} : memref<2x1x128xi32, #tpu.memory_space<vmem>>, vector<1x1x16xi32>,
      %get3A_1161 = arith.constant 2 : i32
      %get3A_1162 = arith.constant 0 : i32
      %get3A_1163 = arith.index_cast %get3A_1161 : i32 to index
      %get3A_1164 = arith.index_cast %get3A_1162 : i32 to index
      %get3A_1165 = arith.constant 48 : index
      %get3A_1166 = tpu.vector_load %arg7[%get3A_1163, %get3A_1164, %get3A_1165] {strides = array<i32>} : memref<4x2x128xi32, #tpu.memory_space<vmem>>, vector<1x1x16xi32>,
      %get3A_1167 = vector.shape_cast %get3A_1166 : vector<1x1x16xi32> to vector<16xi32>
      %sub3A_1168 = vector.broadcast %mul3A_44 : i32 to vector<16xi32>
      %sub3A_1169 = arith.subi %get3A_1167, %sub3A_1168 : vector<16xi32>
      %ge3A_1170 = arith.constant 0 : i32
      %ge3A_1171 = vector.broadcast %ge3A_1170 : i32 to vector<16xi32>
      %ge3A_1172 = arith.cmpi sge, %sub3A_1169, %ge3A_1171 : vector<16xi32>
      %lt3A_1173 = arith.constant 5120 : i32
      %lt3A_1174 = vector.broadcast %lt3A_1173 : i32 to vector<16xi32>
      %lt3A_1175 = arith.cmpi slt, %sub3A_1169, %lt3A_1174 : vector<16xi32>
      %and3A_1176 = arith.andi %ge3A_1172, %lt3A_1175 : vector<16xi1>
      %jit3A_1177 = arith.constant 5120 : i32
      %broadcast_in_dim3A_1178 = vector.broadcast %jit3A_1177 : i32 to vector<16xi32>
      %select_n3A_1179 = arith.select %and3A_1176, %sub3A_1169, %broadcast_in_dim3A_1178 : vector<16xi1>, vector<16xi32>
      %swap3A_1180 = arith.constant 0 : i32
      %swap3A_1181 = arith.constant 0 : i32
      %swap3A_1182 = arith.index_cast %swap3A_1180 : i32 to index
      %swap3A_1183 = arith.index_cast %swap3A_1181 : i32 to index
      %swap3A_1184 = arith.constant 48 : index
      %swap3A_1185 = tpu.vector_load %arg8[%swap3A_1182, %swap3A_1183, %swap3A_1184] {strides = array<i32>} : memref<2x1x128xi32, #tpu.memory_space<vmem>>, vector<1x1x16xi32>,
      %swap3A_1186 = vector.shape_cast %swap3A_1185 : vector<1x1x16xi32> to vector<16xi32>
      %swap3A_1187 = vector.shape_cast %select_n3A_1179 : vector<16xi32> to vector<1x1x16xi32>
      tpu.vector_store %arg8[%swap3A_1182, %swap3A_1183, %swap3A_1184], %swap3A_1187 {strides = array<i32>} : memref<2x1x128xi32, #tpu.memory_space<vmem>>, vector<1x1x16xi32>,
      %get3A_1188 = arith.constant 2 : i32
      %get3A_1189 = arith.constant 0 : i32
      %get3A_1190 = arith.index_cast %get3A_1188 : i32 to index
      %get3A_1191 = arith.index_cast %get3A_1189 : i32 to index
      %get3A_1192 = arith.constant 64 : index
      %get3A_1193 = tpu.vector_load %arg7[%get3A_1190, %get3A_1191, %get3A_1192] {strides = array<i32>} : memref<4x2x128xi32, #tpu.memory_space<vmem>>, vector<1x1x16xi32>,
      %get3A_1194 = vector.shape_cast %get3A_1193 : vector<1x1x16xi32> to vector<16xi32>
      %sub3A_1195 = vector.broadcast %mul3A_44 : i32 to vector<16xi32>
      %sub3A_1196 = arith.subi %get3A_1194, %sub3A_1195 : vector<16xi32>
      %ge3A_1197 = arith.constant 0 : i32
      %ge3A_1198 = vector.broadcast %ge3A_1197 : i32 to vector<16xi32>
      %ge3A_1199 = arith.cmpi sge, %sub3A_1196, %ge3A_1198 : vector<16xi32>
      %lt3A_1200 = arith.constant 5120 : i32
      %lt3A_1201 = vector.broadcast %lt3A_1200 : i32 to vector<16xi32>
      %lt3A_1202 = arith.cmpi slt, %sub3A_1196, %lt3A_1201 : vector<16xi32>
      %and3A_1203 = arith.andi %ge3A_1199, %lt3A_1202 : vector<16xi1>
      %jit3A_1204 = arith.constant 5120 : i32
      %broadcast_in_dim3A_1205 = vector.broadcast %jit3A_1204 : i32 to vector<16xi32>
      %select_n3A_1206 = arith.select %and3A_1203, %sub3A_1196, %broadcast_in_dim3A_1205 : vector<16xi1>, vector<16xi32>
      %swap3A_1207 = arith.constant 0 : i32
      %swap3A_1208 = arith.constant 0 : i32
      %swap3A_1209 = arith.index_cast %swap3A_1207 : i32 to index
      %swap3A_1210 = arith.index_cast %swap3A_1208 : i32 to index
      %swap3A_1211 = arith.constant 64 : index
      %swap3A_1212 = tpu.vector_load %arg8[%swap3A_1209, %swap3A_1210, %swap3A_1211] {strides = array<i32>} : memref<2x1x128xi32, #tpu.memory_space<vmem>>, vector<1x1x16xi32>,
      %swap3A_1213 = vector.shape_cast %swap3A_1212 : vector<1x1x16xi32> to vector<16xi32>
      %swap3A_1214 = vector.shape_cast %select_n3A_1206 : vector<16xi32> to vector<1x1x16xi32>
      tpu.vector_store %arg8[%swap3A_1209, %swap3A_1210, %swap3A_1211], %swap3A_1214 {strides = array<i32>} : memref<2x1x128xi32, #tpu.memory_space<vmem>>, vector<1x1x16xi32>,
      %get3A_1215 = arith.constant 2 : i32
      %get3A_1216 = arith.constant 0 : i32
      %get3A_1217 = arith.index_cast %get3A_1215 : i32 to index
      %get3A_1218 = arith.index_cast %get3A_1216 : i32 to index
      %get3A_1219 = arith.constant 80 : index
      %get3A_1220 = tpu.vector_load %arg7[%get3A_1217, %get3A_1218, %get3A_1219] {strides = array<i32>} : memref<4x2x128xi32, #tpu.memory_space<vmem>>, vector<1x1x16xi32>,
      %get3A_1221 = vector.shape_cast %get3A_1220 : vector<1x1x16xi32> to vector<16xi32>
      %sub3A_1222 = vector.broadcast %mul3A_44 : i32 to vector<16xi32>
      %sub3A_1223 = arith.subi %get3A_1221, %sub3A_1222 : vector<16xi32>
      %ge3A_1224 = arith.constant 0 : i32
      %ge3A_1225 = vector.broadcast %ge3A_1224 : i32 to vector<16xi32>
      %ge3A_1226 = arith.cmpi sge, %sub3A_1223, %ge3A_1225 : vector<16xi32>
      %lt3A_1227 = arith.constant 5120 : i32
      %lt3A_1228 = vector.broadcast %lt3A_1227 : i32 to vector<16xi32>
      %lt3A_1229 = arith.cmpi slt, %sub3A_1223, %lt3A_1228 : vector<16xi32>
      %and3A_1230 = arith.andi %ge3A_1226, %lt3A_1229 : vector<16xi1>
      %jit3A_1231 = arith.constant 5120 : i32
      %broadcast_in_dim3A_1232 = vector.broadcast %jit3A_1231 : i32 to vector<16xi32>
      %select_n3A_1233 = arith.select %and3A_1230, %sub3A_1223, %broadcast_in_dim3A_1232 : vector<16xi1>, vector<16xi32>
      %swap3A_1234 = arith.constant 0 : i32
      %swap3A_1235 = arith.constant 0 : i32
      %swap3A_1236 = arith.index_cast %swap3A_1234 : i32 to index
      %swap3A_1237 = arith.index_cast %swap3A_1235 : i32 to index
      %swap3A_1238 = arith.constant 80 : index
      %swap3A_1239 = tpu.vector_load %arg8[%swap3A_1236, %swap3A_1237, %swap3A_1238] {strides = array<i32>} : memref<2x1x128xi32, #tpu.memory_space<vmem>>, vector<1x1x16xi32>,
      %swap3A_1240 = vector.shape_cast %swap3A_1239 : vector<1x1x16xi32> to vector<16xi32>
      %swap3A_1241 = vector.shape_cast %select_n3A_1233 : vector<16xi32> to vector<1x1x16xi32>
      tpu.vector_store %arg8[%swap3A_1236, %swap3A_1237, %swap3A_1238], %swap3A_1241 {strides = array<i32>} : memref<2x1x128xi32, #tpu.memory_space<vmem>>, vector<1x1x16xi32>,
      %get3A_1242 = arith.constant 2 : i32
      %get3A_1243 = arith.constant 0 : i32
      %get3A_1244 = arith.index_cast %get3A_1242 : i32 to index
      %get3A_1245 = arith.index_cast %get3A_1243 : i32 to index
      %get3A_1246 = arith.constant 96 : index
      %get3A_1247 = tpu.vector_load %arg7[%get3A_1244, %get3A_1245, %get3A_1246] {strides = array<i32>} : memref<4x2x128xi32, #tpu.memory_space<vmem>>, vector<1x1x16xi32>,
      %get3A_1248 = vector.shape_cast %get3A_1247 : vector<1x1x16xi32> to vector<16xi32>
      %sub3A_1249 = vector.broadcast %mul3A_44 : i32 to vector<16xi32>
      %sub3A_1250 = arith.subi %get3A_1248, %sub3A_1249 : vector<16xi32>
      %ge3A_1251 = arith.constant 0 : i32
      %ge3A_1252 = vector.broadcast %ge3A_1251 : i32 to vector<16xi32>
      %ge3A_1253 = arith.cmpi sge, %sub3A_1250, %ge3A_1252 : vector<16xi32>
      %lt3A_1254 = arith.constant 5120 : i32
      %lt3A_1255 = vector.broadcast %lt3A_1254 : i32 to vector<16xi32>
      %lt3A_1256 = arith.cmpi slt, %sub3A_1250, %lt3A_1255 : vector<16xi32>
      %and3A_1257 = arith.andi %ge3A_1253, %lt3A_1256 : vector<16xi1>
      %jit3A_1258 = arith.constant 5120 : i32
      %broadcast_in_dim3A_1259 = vector.broadcast %jit3A_1258 : i32 to vector<16xi32>
      %select_n3A_1260 = arith.select %and3A_1257, %sub3A_1250, %broadcast_in_dim3A_1259 : vector<16xi1>, vector<16xi32>
      %swap3A_1261 = arith.constant 0 : i32
      %swap3A_1262 = arith.constant 0 : i32
      %swap3A_1263 = arith.index_cast %swap3A_1261 : i32 to index
      %swap3A_1264 = arith.index_cast %swap3A_1262 : i32 to index
      %swap3A_1265 = arith.constant 96 : index
      %swap3A_1266 = tpu.vector_load %arg8[%swap3A_1263, %swap3A_1264, %swap3A_1265] {strides = array<i32>} : memref<2x1x128xi32, #tpu.memory_space<vmem>>, vector<1x1x16xi32>,
      %swap3A_1267 = vector.shape_cast %swap3A_1266 : vector<1x1x16xi32> to vector<16xi32>
      %swap3A_1268 = vector.shape_cast %select_n3A_1260 : vector<16xi32> to vector<1x1x16xi32>
      tpu.vector_store %arg8[%swap3A_1263, %swap3A_1264, %swap3A_1265], %swap3A_1268 {strides = array<i32>} : memref<2x1x128xi32, #tpu.memory_space<vmem>>, vector<1x1x16xi32>,
      %get3A_1269 = arith.constant 2 : i32
      %get3A_1270 = arith.constant 0 : i32
      %get3A_1271 = arith.index_cast %get3A_1269 : i32 to index
      %get3A_1272 = arith.index_cast %get3A_1270 : i32 to index
      %get3A_1273 = arith.constant 112 : index
      %get3A_1274 = tpu.vector_load %arg7[%get3A_1271, %get3A_1272, %get3A_1273] {strides = array<i32>} : memref<4x2x128xi32, #tpu.memory_space<vmem>>, vector<1x1x16xi32>,
      %get3A_1275 = vector.shape_cast %get3A_1274 : vector<1x1x16xi32> to vector<16xi32>
      %sub3A_1276 = vector.broadcast %mul3A_44 : i32 to vector<16xi32>
      %sub3A_1277 = arith.subi %get3A_1275, %sub3A_1276 : vector<16xi32>
      %ge3A_1278 = arith.constant 0 : i32
      %ge3A_1279 = vector.broadcast %ge3A_1278 : i32 to vector<16xi32>
      %ge3A_1280 = arith.cmpi sge, %sub3A_1277, %ge3A_1279 : vector<16xi32>
      %lt3A_1281 = arith.constant 5120 : i32
      %lt3A_1282 = vector.broadcast %lt3A_1281 : i32 to vector<16xi32>
      %lt3A_1283 = arith.cmpi slt, %sub3A_1277, %lt3A_1282 : vector<16xi32>
      %and3A_1284 = arith.andi %ge3A_1280, %lt3A_1283 : vector<16xi1>
      %jit3A_1285 = arith.constant 5120 : i32
      %broadcast_in_dim3A_1286 = vector.broadcast %jit3A_1285 : i32 to vector<16xi32>
      %select_n3A_1287 = arith.select %and3A_1284, %sub3A_1277, %broadcast_in_dim3A_1286 : vector<16xi1>, vector<16xi32>
      %swap3A_1288 = arith.constant 0 : i32
      %swap3A_1289 = arith.constant 0 : i32
      %swap3A_1290 = arith.index_cast %swap3A_1288 : i32 to index
      %swap3A_1291 = arith.index_cast %swap3A_1289 : i32 to index
      %swap3A_1292 = arith.constant 112 : index
      %swap3A_1293 = tpu.vector_load %arg8[%swap3A_1290, %swap3A_1291, %swap3A_1292] {strides = array<i32>} : memref<2x1x128xi32, #tpu.memory_space<vmem>>, vector<1x1x16xi32>,
      %swap3A_1294 = vector.shape_cast %swap3A_1293 : vector<1x1x16xi32> to vector<16xi32>
      %swap3A_1295 = vector.shape_cast %select_n3A_1287 : vector<16xi32> to vector<1x1x16xi32>
      tpu.vector_store %arg8[%swap3A_1290, %swap3A_1291, %swap3A_1292], %swap3A_1295 {strides = array<i32>} : memref<2x1x128xi32, #tpu.memory_space<vmem>>, vector<1x1x16xi32>,
      %add3A_1296 = arith.constant 4 : i32
      %add3A_1297 = arith.addi %add3A_1043, %add3A_1296 : i32
      %mul3A_1298 = arith.constant 16 : i32
      %mul3A_1299 = arith.muli %add3A_1297, %mul3A_1298 : i32
      %add3A_1300 = arith.addi %add3A_42, %mul3A_1299 : i32
      %min3A_1301 = arith.constant 2499 : i32
      %min3A_1302 = arith.minsi %add3A_1300, %min3A_1301 : i32
      %dma_start3A_1303 = arith.constant 2 : i32
      %dma_start3A_1304 = arith.constant 0 : i32
      %dma_start3A_1305 = arith.constant 0 : i32
      %dma_start3A_1306 = tpu.memref_slice %arg7[%dma_start3A_1303, %dma_start3A_1304, %dma_start3A_1305] : memref<4x2x128xi32, #tpu.memory_space<vmem>> -> memref<1x2x128xi32, #tpu.memory_space<vmem>>
      %dma_start3A_1307 = tpu.memref_squeeze %dma_start3A_1306 : memref<1x2x128xi32, #tpu.memory_space<vmem>> -> memref<2x128xi32, #tpu.memory_space<vmem>>
      %dma_start3A_1308 = arith.constant 0 : i32
      %dma_start3A_1309 = arith.constant 0 : i32
      %dma_start3A_1310 = tpu.memref_slice %arg4[%min3A_1302, %dma_start3A_1308, %dma_start3A_1309] : memref<2500x2x128xi32, #tpu.memory_space<hbm>> -> memref<1x2x128xi32, #tpu.memory_space<hbm>>
      %dma_start3A_1311 = tpu.memref_squeeze %dma_start3A_1310 : memref<1x2x128xi32, #tpu.memory_space<hbm>> -> memref<2x128xi32, #tpu.memory_space<hbm>>
      %dma_start3A_1312 = arith.constant 0 : i32
      %dma_start3A_1313 = arith.constant 0 : i32
      %dma_start3A_1314 = tpu.memref_slice %arg7[%dma_start3A_1303, %dma_start3A_1312, %dma_start3A_1313] : memref<4x2x128xi32, #tpu.memory_space<vmem>> -> memref<1x2x128xi32, #tpu.memory_space<vmem>>
      %dma_start3A_1315 = tpu.memref_squeeze %dma_start3A_1314 : memref<1x2x128xi32, #tpu.memory_space<vmem>> -> memref<2x128xi32, #tpu.memory_space<vmem>>
      %dma_start3A_1316 = arith.constant 0 : i32
      %dma_start3A_1317 = arith.constant 0 : i32
      %dma_start3A_1318 = tpu.memref_slice %arg4[%min3A_1302, %dma_start3A_1316, %dma_start3A_1317] : memref<2500x2x128xi32, #tpu.memory_space<hbm>> -> memref<1x2x128xi32, #tpu.memory_space<hbm>>
      %dma_start3A_1319 = tpu.memref_squeeze %dma_start3A_1318 : memref<1x2x128xi32, #tpu.memory_space<hbm>> -> memref<2x128xi32, #tpu.memory_space<hbm>>
      tpu.enqueue_dma source(%dma_start3A_1319 : memref<2x128xi32, #tpu.memory_space<hbm>>) target(%dma_start3A_1315 : memref<2x128xi32, #tpu.memory_space<vmem>>) target_semaphore(%arg18 : memref<!tpu.dma_semaphore, #tpu.memory_space<semaphore_mem>>)
      %ge3A_1320 = arith.constant 1 : i32
      %ge3A_1321 = arith.cmpi sge, %add3A_1043, %ge3A_1320 : i32
      %sub3A_1322 = arith.constant 1 : i32
      %sub3A_1323 = arith.subi %add3A_1043, %sub3A_1322 : i32
      %lt3A_1324 = arith.cmpi slt, %sub3A_1323, %select_n3A_40 : i32
      %and3A_1325 = arith.andi %ge3A_1321, %lt3A_1324 : i1
      %convert_element_type3A_1326 = arith.extui %and3A_1325 : i1 to i32
      %cond3A_1327 = arith.constant 0 : i32
      %cond3A_1328 = arith.cmpi ne, %convert_element_type3A_1326, %cond3A_1327 : i32
      scf.if %cond3A_1328 {
        %dma_wait3A_1751 = arith.constant 1 : i32
        %dma_wait3A_1752 = arith.constant 0 : i32
        %dma_wait3A_1753 = arith.constant 0 : i32
        %dma_wait3A_1754 = tpu.memref_slice %arg8[%dma_wait3A_1751, %dma_wait3A_1752, %dma_wait3A_1753] : memref<2x1x128xi32, #tpu.memory_space<vmem>> -> memref<1x1x128xi32, #tpu.memory_space<vmem>>
        %dma_wait3A_1755 = tpu.memref_squeeze %dma_wait3A_1754 : memref<1x1x128xi32, #tpu.memory_space<vmem>> -> memref<128xi32, #tpu.memory_space<vmem>>
        %dma_wait3A_1756 = arith.constant 0 : i32
        %dma_wait3A_1757 = arith.constant 0 : i32
        %dma_wait3A_1758 = tpu.memref_slice %arg13[%dma_wait3A_1756, %dma_wait3A_1757] : memref<5248x128xf32, #tpu.memory_space<vmem_shared>> -> memref<5248x128xf32, #tpu.memory_space<vmem_shared>>
        tpu.wait_indirect_dma semaphore(%arg20 : memref<!tpu.dma_semaphore, #tpu.memory_space<semaphore_mem>>) src(%arg11 : memref<128x128xf32, #tpu.memory_space<vmem>>) dst(%dma_wait3A_1758 : memref<5248x128xf32, #tpu.memory_space<vmem_shared>>)
      } else {
      }
      %scan3A_1329 = arith.constant 0 : i32
      %scan3A_1330 = arith.constant 0 : i32
      %scan3A_1331 = arith.constant 128 : i32
      %scan3A_1332 = arith.addi %scan3A_1330, %scan3A_1331 : i32
      %scan3A_1333 = arith.constant 1 : i32
      %scan3A_1334 = scf.for %scan3A_1751 = %scan3A_1330 to %scan3A_1332 step %scan3A_1333 iter_args(%scan3A_1752 = %scan3A_1329) -> (i32)  : i32 {
        %get3A_1753 = arith.constant 0 : i32
        %get3A_1754 = arith.index_cast %get3A_1753 : i32 to index
        %get3A_1755 = arith.index_cast %scan3A_1751 : i32 to index
        %get3A_1756 = arith.constant 0 : index
        %get3A_1757 = tpu.vector_load %arg10[%get3A_1754, %get3A_1755, %get3A_1756] {strides = array<i32>} : memref<2x128x128xf32, #tpu.memory_space<vmem>>, vector<1x1x16xf32>,
        %get3A_1758 = vector.shape_cast %get3A_1757 : vector<1x1x16xf32> to vector<16xf32>
        %get3A_1759 = arith.constant 0 : i32
        %get3A_1760 = arith.index_cast %get3A_1759 : i32 to index
        %get3A_1761 = arith.index_cast %scan3A_1751 : i32 to index
        %get3A_1762 = arith.constant 0 : index
        %get3A_1763 = tpu.vector_load %arg9[%get3A_1760, %get3A_1761, %get3A_1762] {strides = array<i32>} : memref<2x128x128xf32, #tpu.memory_space<vmem>>, vector<1x1x16xf32>,
        %get3A_1764 = vector.shape_cast %get3A_1763 : vector<1x1x16xf32> to vector<16xf32>
        %mul3A_1765 = arith.mulf %get3A_1758, %get3A_1764 : vector<16xf32>
        %swap3A_1766 = arith.index_cast %scan3A_1751 : i32 to index
        %swap3A_1767 = arith.constant 0 : index
        %swap3A_1768 = tpu.vector_load %arg11[%swap3A_1766, %swap3A_1767] {strides = array<i32>} : memref<128x128xf32, #tpu.memory_space<vmem>>, vector<1x16xf32>,
        %swap3A_1769 = vector.shape_cast %swap3A_1768 : vector<1x16xf32> to vector<16xf32>
        %swap3A_1770 = vector.shape_cast %mul3A_1765 : vector<16xf32> to vector<1x16xf32>
        tpu.vector_store %arg11[%swap3A_1766, %swap3A_1767], %swap3A_1770 {strides = array<i32>} : memref<128x128xf32, #tpu.memory_space<vmem>>, vector<1x16xf32>,
        %get3A_1771 = arith.constant 0 : i32
        %get3A_1772 = arith.index_cast %get3A_1771 : i32 to index
        %get3A_1773 = arith.index_cast %scan3A_1751 : i32 to index
        %get3A_1774 = arith.constant 16 : index
        %get3A_1775 = tpu.vector_load %arg10[%get3A_1772, %get3A_1773, %get3A_1774] {strides = array<i32>} : memref<2x128x128xf32, #tpu.memory_space<vmem>>, vector<1x1x16xf32>,
        %get3A_1776 = vector.shape_cast %get3A_1775 : vector<1x1x16xf32> to vector<16xf32>
        %get3A_1777 = arith.constant 0 : i32
        %get3A_1778 = arith.index_cast %get3A_1777 : i32 to index
        %get3A_1779 = arith.index_cast %scan3A_1751 : i32 to index
        %get3A_1780 = arith.constant 16 : index
        %get3A_1781 = tpu.vector_load %arg9[%get3A_1778, %get3A_1779, %get3A_1780] {strides = array<i32>} : memref<2x128x128xf32, #tpu.memory_space<vmem>>, vector<1x1x16xf32>,
        %get3A_1782 = vector.shape_cast %get3A_1781 : vector<1x1x16xf32> to vector<16xf32>
        %mul3A_1783 = arith.mulf %get3A_1776, %get3A_1782 : vector<16xf32>
        %swap3A_1784 = arith.index_cast %scan3A_1751 : i32 to index
        %swap3A_1785 = arith.constant 16 : index
        %swap3A_1786 = tpu.vector_load %arg11[%swap3A_1784, %swap3A_1785] {strides = array<i32>} : memref<128x128xf32, #tpu.memory_space<vmem>>, vector<1x16xf32>,
        %swap3A_1787 = vector.shape_cast %swap3A_1786 : vector<1x16xf32> to vector<16xf32>
        %swap3A_1788 = vector.shape_cast %mul3A_1783 : vector<16xf32> to vector<1x16xf32>
        tpu.vector_store %arg11[%swap3A_1784, %swap3A_1785], %swap3A_1788 {strides = array<i32>} : memref<128x128xf32, #tpu.memory_space<vmem>>, vector<1x16xf32>,
        %get3A_1789 = arith.constant 0 : i32
        %get3A_1790 = arith.index_cast %get3A_1789 : i32 to index
        %get3A_1791 = arith.index_cast %scan3A_1751 : i32 to index
        %get3A_1792 = arith.constant 32 : index
        %get3A_1793 = tpu.vector_load %arg10[%get3A_1790, %get3A_1791, %get3A_1792] {strides = array<i32>} : memref<2x128x128xf32, #tpu.memory_space<vmem>>, vector<1x1x16xf32>,
        %get3A_1794 = vector.shape_cast %get3A_1793 : vector<1x1x16xf32> to vector<16xf32>
        %get3A_1795 = arith.constant 0 : i32
        %get3A_1796 = arith.index_cast %get3A_1795 : i32 to index
        %get3A_1797 = arith.index_cast %scan3A_1751 : i32 to index
        %get3A_1798 = arith.constant 32 : index
        %get3A_1799 = tpu.vector_load %arg9[%get3A_1796, %get3A_1797, %get3A_1798] {strides = array<i32>} : memref<2x128x128xf32, #tpu.memory_space<vmem>>, vector<1x1x16xf32>,
        %get3A_1800 = vector.shape_cast %get3A_1799 : vector<1x1x16xf32> to vector<16xf32>
        %mul3A_1801 = arith.mulf %get3A_1794, %get3A_1800 : vector<16xf32>
        %swap3A_1802 = arith.index_cast %scan3A_1751 : i32 to index
        %swap3A_1803 = arith.constant 32 : index
        %swap3A_1804 = tpu.vector_load %arg11[%swap3A_1802, %swap3A_1803] {strides = array<i32>} : memref<128x128xf32, #tpu.memory_space<vmem>>, vector<1x16xf32>,
        %swap3A_1805 = vector.shape_cast %swap3A_1804 : vector<1x16xf32> to vector<16xf32>
        %swap3A_1806 = vector.shape_cast %mul3A_1801 : vector<16xf32> to vector<1x16xf32>
        tpu.vector_store %arg11[%swap3A_1802, %swap3A_1803], %swap3A_1806 {strides = array<i32>} : memref<128x128xf32, #tpu.memory_space<vmem>>, vector<1x16xf32>,
        %get3A_1807 = arith.constant 0 : i32
        %get3A_1808 = arith.index_cast %get3A_1807 : i32 to index
        %get3A_1809 = arith.index_cast %scan3A_1751 : i32 to index
        %get3A_1810 = arith.constant 48 : index
        %get3A_1811 = tpu.vector_load %arg10[%get3A_1808, %get3A_1809, %get3A_1810] {strides = array<i32>} : memref<2x128x128xf32, #tpu.memory_space<vmem>>, vector<1x1x16xf32>,
        %get3A_1812 = vector.shape_cast %get3A_1811 : vector<1x1x16xf32> to vector<16xf32>
        %get3A_1813 = arith.constant 0 : i32
        %get3A_1814 = arith.index_cast %get3A_1813 : i32 to index
        %get3A_1815 = arith.index_cast %scan3A_1751 : i32 to index
        %get3A_1816 = arith.constant 48 : index
        %get3A_1817 = tpu.vector_load %arg9[%get3A_1814, %get3A_1815, %get3A_1816] {strides = array<i32>} : memref<2x128x128xf32, #tpu.memory_space<vmem>>, vector<1x1x16xf32>,
        %get3A_1818 = vector.shape_cast %get3A_1817 : vector<1x1x16xf32> to vector<16xf32>
        %mul3A_1819 = arith.mulf %get3A_1812, %get3A_1818 : vector<16xf32>
        %swap3A_1820 = arith.index_cast %scan3A_1751 : i32 to index
        %swap3A_1821 = arith.constant 48 : index
        %swap3A_1822 = tpu.vector_load %arg11[%swap3A_1820, %swap3A_1821] {strides = array<i32>} : memref<128x128xf32, #tpu.memory_space<vmem>>, vector<1x16xf32>,
        %swap3A_1823 = vector.shape_cast %swap3A_1822 : vector<1x16xf32> to vector<16xf32>
        %swap3A_1824 = vector.shape_cast %mul3A_1819 : vector<16xf32> to vector<1x16xf32>
        tpu.vector_store %arg11[%swap3A_1820, %swap3A_1821], %swap3A_1824 {strides = array<i32>} : memref<128x128xf32, #tpu.memory_space<vmem>>, vector<1x16xf32>,
        %get3A_1825 = arith.constant 0 : i32
        %get3A_1826 = arith.index_cast %get3A_1825 : i32 to index
        %get3A_1827 = arith.index_cast %scan3A_1751 : i32 to index
        %get3A_1828 = arith.constant 64 : index
        %get3A_1829 = tpu.vector_load %arg10[%get3A_1826, %get3A_1827, %get3A_1828] {strides = array<i32>} : memref<2x128x128xf32, #tpu.memory_space<vmem>>, vector<1x1x16xf32>,
        %get3A_1830 = vector.shape_cast %get3A_1829 : vector<1x1x16xf32> to vector<16xf32>
        %get3A_1831 = arith.constant 0 : i32
        %get3A_1832 = arith.index_cast %get3A_1831 : i32 to index
        %get3A_1833 = arith.index_cast %scan3A_1751 : i32 to index
        %get3A_1834 = arith.constant 64 : index
        %get3A_1835 = tpu.vector_load %arg9[%get3A_1832, %get3A_1833, %get3A_1834] {strides = array<i32>} : memref<2x128x128xf32, #tpu.memory_space<vmem>>, vector<1x1x16xf32>,
        %get3A_1836 = vector.shape_cast %get3A_1835 : vector<1x1x16xf32> to vector<16xf32>
        %mul3A_1837 = arith.mulf %get3A_1830, %get3A_1836 : vector<16xf32>
        %swap3A_1838 = arith.index_cast %scan3A_1751 : i32 to index
        %swap3A_1839 = arith.constant 64 : index
        %swap3A_1840 = tpu.vector_load %arg11[%swap3A_1838, %swap3A_1839] {strides = array<i32>} : memref<128x128xf32, #tpu.memory_space<vmem>>, vector<1x16xf32>,
        %swap3A_1841 = vector.shape_cast %swap3A_1840 : vector<1x16xf32> to vector<16xf32>
        %swap3A_1842 = vector.shape_cast %mul3A_1837 : vector<16xf32> to vector<1x16xf32>
        tpu.vector_store %arg11[%swap3A_1838, %swap3A_1839], %swap3A_1842 {strides = array<i32>} : memref<128x128xf32, #tpu.memory_space<vmem>>, vector<1x16xf32>,
        %get3A_1843 = arith.constant 0 : i32
        %get3A_1844 = arith.index_cast %get3A_1843 : i32 to index
        %get3A_1845 = arith.index_cast %scan3A_1751 : i32 to index
        %get3A_1846 = arith.constant 80 : index
        %get3A_1847 = tpu.vector_load %arg10[%get3A_1844, %get3A_1845, %get3A_1846] {strides = array<i32>} : memref<2x128x128xf32, #tpu.memory_space<vmem>>, vector<1x1x16xf32>,
        %get3A_1848 = vector.shape_cast %get3A_1847 : vector<1x1x16xf32> to vector<16xf32>
        %get3A_1849 = arith.constant 0 : i32
        %get3A_1850 = arith.index_cast %get3A_1849 : i32 to index
        %get3A_1851 = arith.index_cast %scan3A_1751 : i32 to index
        %get3A_1852 = arith.constant 80 : index
        %get3A_1853 = tpu.vector_load %arg9[%get3A_1850, %get3A_1851, %get3A_1852] {strides = array<i32>} : memref<2x128x128xf32, #tpu.memory_space<vmem>>, vector<1x1x16xf32>,
        %get3A_1854 = vector.shape_cast %get3A_1853 : vector<1x1x16xf32> to vector<16xf32>
        %mul3A_1855 = arith.mulf %get3A_1848, %get3A_1854 : vector<16xf32>
        %swap3A_1856 = arith.index_cast %scan3A_1751 : i32 to index
        %swap3A_1857 = arith.constant 80 : index
        %swap3A_1858 = tpu.vector_load %arg11[%swap3A_1856, %swap3A_1857] {strides = array<i32>} : memref<128x128xf32, #tpu.memory_space<vmem>>, vector<1x16xf32>,
        %swap3A_1859 = vector.shape_cast %swap3A_1858 : vector<1x16xf32> to vector<16xf32>
        %swap3A_1860 = vector.shape_cast %mul3A_1855 : vector<16xf32> to vector<1x16xf32>
        tpu.vector_store %arg11[%swap3A_1856, %swap3A_1857], %swap3A_1860 {strides = array<i32>} : memref<128x128xf32, #tpu.memory_space<vmem>>, vector<1x16xf32>,
        %get3A_1861 = arith.constant 0 : i32
        %get3A_1862 = arith.index_cast %get3A_1861 : i32 to index
        %get3A_1863 = arith.index_cast %scan3A_1751 : i32 to index
        %get3A_1864 = arith.constant 96 : index
        %get3A_1865 = tpu.vector_load %arg10[%get3A_1862, %get3A_1863, %get3A_1864] {strides = array<i32>} : memref<2x128x128xf32, #tpu.memory_space<vmem>>, vector<1x1x16xf32>,
        %get3A_1866 = vector.shape_cast %get3A_1865 : vector<1x1x16xf32> to vector<16xf32>
        %get3A_1867 = arith.constant 0 : i32
        %get3A_1868 = arith.index_cast %get3A_1867 : i32 to index
        %get3A_1869 = arith.index_cast %scan3A_1751 : i32 to index
        %get3A_1870 = arith.constant 96 : index
        %get3A_1871 = tpu.vector_load %arg9[%get3A_1868, %get3A_1869, %get3A_1870] {strides = array<i32>} : memref<2x128x128xf32, #tpu.memory_space<vmem>>, vector<1x1x16xf32>,
        %get3A_1872 = vector.shape_cast %get3A_1871 : vector<1x1x16xf32> to vector<16xf32>
        %mul3A_1873 = arith.mulf %get3A_1866, %get3A_1872 : vector<16xf32>
        %swap3A_1874 = arith.index_cast %scan3A_1751 : i32 to index
        %swap3A_1875 = arith.constant 96 : index
        %swap3A_1876 = tpu.vector_load %arg11[%swap3A_1874, %swap3A_1875] {strides = array<i32>} : memref<128x128xf32, #tpu.memory_space<vmem>>, vector<1x16xf32>,
        %swap3A_1877 = vector.shape_cast %swap3A_1876 : vector<1x16xf32> to vector<16xf32>
        %swap3A_1878 = vector.shape_cast %mul3A_1873 : vector<16xf32> to vector<1x16xf32>
        tpu.vector_store %arg11[%swap3A_1874, %swap3A_1875], %swap3A_1878 {strides = array<i32>} : memref<128x128xf32, #tpu.memory_space<vmem>>, vector<1x16xf32>,
        %get3A_1879 = arith.constant 0 : i32
        %get3A_1880 = arith.index_cast %get3A_1879 : i32 to index
        %get3A_1881 = arith.index_cast %scan3A_1751 : i32 to index
        %get3A_1882 = arith.constant 112 : index
        %get3A_1883 = tpu.vector_load %arg10[%get3A_1880, %get3A_1881, %get3A_1882] {strides = array<i32>} : memref<2x128x128xf32, #tpu.memory_space<vmem>>, vector<1x1x16xf32>,
        %get3A_1884 = vector.shape_cast %get3A_1883 : vector<1x1x16xf32> to vector<16xf32>
        %get3A_1885 = arith.constant 0 : i32
        %get3A_1886 = arith.index_cast %get3A_1885 : i32 to index
        %get3A_1887 = arith.index_cast %scan3A_1751 : i32 to index
        %get3A_1888 = arith.constant 112 : index
        %get3A_1889 = tpu.vector_load %arg9[%get3A_1886, %get3A_1887, %get3A_1888] {strides = array<i32>} : memref<2x128x128xf32, #tpu.memory_space<vmem>>, vector<1x1x16xf32>,
        %get3A_1890 = vector.shape_cast %get3A_1889 : vector<1x1x16xf32> to vector<16xf32>
        %mul3A_1891 = arith.mulf %get3A_1884, %get3A_1890 : vector<16xf32>
        %swap3A_1892 = arith.index_cast %scan3A_1751 : i32 to index
        %swap3A_1893 = arith.constant 112 : index
        %swap3A_1894 = tpu.vector_load %arg11[%swap3A_1892, %swap3A_1893] {strides = array<i32>} : memref<128x128xf32, #tpu.memory_space<vmem>>, vector<1x16xf32>,
        %swap3A_1895 = vector.shape_cast %swap3A_1894 : vector<1x16xf32> to vector<16xf32>
        %swap3A_1896 = vector.shape_cast %mul3A_1891 : vector<16xf32> to vector<1x16xf32>
        tpu.vector_store %arg11[%swap3A_1892, %swap3A_1893], %swap3A_1896 {strides = array<i32>} : memref<128x128xf32, #tpu.memory_space<vmem>>, vector<1x16xf32>,
        %scan3A_1897 = arith.constant 0 : i32
        scf.yield %scan3A_1897 : i32
      }
      %scan3A_1335 = arith.constant 128 : i32
      %lt3A_1336 = arith.cmpi slt, %add3A_1043, %select_n3A_40 : i32
      %convert_element_type3A_1337 = arith.extui %lt3A_1336 : i1 to i32
      %cond3A_1338 = arith.constant 0 : i32
      %cond3A_1339 = arith.cmpi ne, %convert_element_type3A_1337, %cond3A_1338 : i32
      scf.if %cond3A_1339 {
        %dma_start3A_1751 = arith.constant 0 : i32
        %dma_start3A_1752 = arith.constant 0 : i32
        %dma_start3A_1753 = arith.constant 0 : i32
        %dma_start3A_1754 = tpu.memref_slice %arg8[%dma_start3A_1751, %dma_start3A_1752, %dma_start3A_1753] : memref<2x1x128xi32, #tpu.memory_space<vmem>> -> memref<1x1x128xi32, #tpu.memory_space<vmem>>
        %dma_start3A_1755 = tpu.memref_squeeze %dma_start3A_1754 : memref<1x1x128xi32, #tpu.memory_space<vmem>> -> memref<128xi32, #tpu.memory_space<vmem>>
        %dma_start3A_1756 = arith.constant 0 : i32
        %dma_start3A_1757 = arith.constant 0 : i32
        %dma_start3A_1758 = tpu.memref_slice %arg13[%dma_start3A_1756, %dma_start3A_1757] : memref<5248x128xf32, #tpu.memory_space<vmem_shared>> -> memref<5248x128xf32, #tpu.memory_space<vmem_shared>>
        tpu.enqueue_indirect_dma source(%arg11 : memref<128x128xf32, #tpu.memory_space<vmem>>) target(%dma_start3A_1758 : memref<5248x128xf32, #tpu.memory_space<vmem_shared>>) offsets(%dma_start3A_1755 : memref<128xi32, #tpu.memory_space<vmem>>) semaphore(%arg20 : memref<!tpu.dma_semaphore, #tpu.memory_space<semaphore_mem>>) {add = true}
      } else {
      }
      %dma_wait3A_1340 = arith.constant 0 : i32
      %dma_wait3A_1341 = arith.constant 0 : i32
      %dma_wait3A_1342 = arith.constant 0 : i32
      %dma_wait3A_1343 = arith.constant 0 : i32
      %dma_wait3A_1344 = tpu.memref_slice %arg7[%dma_wait3A_1341, %dma_wait3A_1342, %dma_wait3A_1343] : memref<4x2x128xi32, #tpu.memory_space<vmem>> -> memref<1x2x128xi32, #tpu.memory_space<vmem>>
      %dma_wait3A_1345 = tpu.memref_squeeze %dma_wait3A_1344 : memref<1x2x128xi32, #tpu.memory_space<vmem>> -> memref<2x128xi32, #tpu.memory_space<vmem>>
      %dma_wait3A_1346 = arith.constant 0 : i32
      %dma_wait3A_1347 = arith.constant 0 : i32
      %dma_wait3A_1348 = tpu.memref_slice %arg4[%dma_wait3A_1340, %dma_wait3A_1346, %dma_wait3A_1347] : memref<2500x2x128xi32, #tpu.memory_space<hbm>> -> memref<1x2x128xi32, #tpu.memory_space<hbm>>
      %dma_wait3A_1349 = tpu.memref_squeeze %dma_wait3A_1348 : memref<1x2x128xi32, #tpu.memory_space<hbm>> -> memref<2x128xi32, #tpu.memory_space<hbm>>
      %dma_wait3A_1350 = arith.constant 0 : i32
      %dma_wait3A_1351 = arith.constant 0 : i32
      %dma_wait3A_1352 = tpu.memref_slice %arg7[%dma_wait3A_1341, %dma_wait3A_1350, %dma_wait3A_1351] : memref<4x2x128xi32, #tpu.memory_space<vmem>> -> memref<1x2x128xi32, #tpu.memory_space<vmem>>
      %dma_wait3A_1353 = tpu.memref_squeeze %dma_wait3A_1352 : memref<1x2x128xi32, #tpu.memory_space<vmem>> -> memref<2x128xi32, #tpu.memory_space<vmem>>
      %dma_wait3A_1354 = arith.constant 0 : i32
      %dma_wait3A_1355 = arith.constant 0 : i32
      %dma_wait3A_1356 = tpu.memref_slice %arg4[%dma_wait3A_1340, %dma_wait3A_1354, %dma_wait3A_1355] : memref<2500x2x128xi32, #tpu.memory_space<hbm>> -> memref<1x2x128xi32, #tpu.memory_space<hbm>>
      %dma_wait3A_1357 = tpu.memref_squeeze %dma_wait3A_1356 : memref<1x2x128xi32, #tpu.memory_space<hbm>> -> memref<2x128xi32, #tpu.memory_space<hbm>>
      tpu.wait_dma2 semaphore(%arg16 : memref<!tpu.dma_semaphore, #tpu.memory_space<semaphore_mem>>) src(%dma_wait3A_1357 : memref<2x128xi32, #tpu.memory_space<hbm>>) dst(%dma_wait3A_1353 : memref<2x128xi32, #tpu.memory_space<vmem>>)
      %add3A_1358 = arith.constant 2 : i32
      %add3A_1359 = arith.addi %add3A_1043, %add3A_1358 : i32
      %dma_start3A_1360 = arith.constant 0 : i32
      %dma_start3A_1361 = arith.constant 1 : i32
      %dma_start3A_1362 = arith.constant 0 : i32
      %dma_start3A_1363 = arith.constant 0 : i32
      %dma_start3A_1364 = arith.constant 0 : i32
      %dma_start3A_1365 = tpu.memref_slice %arg10[%dma_start3A_1362, %dma_start3A_1363, %dma_start3A_1364] : memref<2x128x128xf32, #tpu.memory_space<vmem>> -> memref<1x128x128xf32, #tpu.memory_space<vmem>>
      %dma_start3A_1366 = tpu.memref_squeeze %dma_start3A_1365 : memref<1x128x128xf32, #tpu.memory_space<vmem>> -> memref<128x128xf32, #tpu.memory_space<vmem>>
      %dma_start3A_1367 = arith.constant 0 : i32
      %dma_start3A_1368 = tpu.memref_slice %arg7[%dma_start3A_1360, %dma_start3A_1361, %dma_start3A_1367] : memref<4x2x128xi32, #tpu.memory_space<vmem>> -> memref<1x1x128xi32, #tpu.memory_space<vmem>>
      %dma_start3A_1369 = tpu.memref_squeeze %dma_start3A_1368 : memref<1x1x128xi32, #tpu.memory_space<vmem>> -> memref<128xi32, #tpu.memory_space<vmem>>
      %dma_start3A_1370 = arith.constant 0 : i32
      %dma_start3A_1371 = arith.constant 0 : i32
      %dma_start3A_1372 = tpu.memref_slice %arg2[%dma_start3A_1370, %dma_start3A_1371] : memref<10000x128xf32, #tpu.memory_space<hbm>> -> memref<10000x128xf32, #tpu.memory_space<hbm>>
      tpu.enqueue_indirect_dma source(%dma_start3A_1372 : memref<10000x128xf32, #tpu.memory_space<hbm>>) target(%dma_start3A_1366 : memref<128x128xf32, #tpu.memory_space<vmem>>) offsets(%dma_start3A_1369 : memref<128xi32, #tpu.memory_space<vmem>>) semaphore(%arg14 : memref<!tpu.dma_semaphore, #tpu.memory_space<semaphore_mem>>)
      %mul3A_1373 = arith.constant 16 : i32
      %mul3A_1374 = arith.muli %add3A_1359, %mul3A_1373 : i32
      %add3A_1375 = arith.addi %add3A_42, %mul3A_1374 : i32
      %min3A_1376 = arith.constant 2499 : i32
      %min3A_1377 = arith.minsi %add3A_1375, %min3A_1376 : i32
      %dma_start3A_1378 = arith.constant 0 : i32
      %dma_start3A_1379 = arith.constant 0 : i32
      %dma_start3A_1380 = arith.constant 0 : i32
      %dma_start3A_1381 = tpu.memref_slice %arg9[%dma_start3A_1378, %dma_start3A_1379, %dma_start3A_1380] : memref<2x128x128xf32, #tpu.memory_space<vmem>> -> memref<1x128x128xf32, #tpu.memory_space<vmem>>
      %dma_start3A_1382 = tpu.memref_squeeze %dma_start3A_1381 : memref<1x128x128xf32, #tpu.memory_space<vmem>> -> memref<128x128xf32, #tpu.memory_space<vmem>>
      %dma_start3A_1383 = arith.constant 0 : i32
      %dma_start3A_1384 = arith.constant 0 : i32
      %dma_start3A_1385 = tpu.memref_slice %arg3[%min3A_1377, %dma_start3A_1383, %dma_start3A_1384] : memref<2500x128x128xf32, #tpu.memory_space<hbm>> -> memref<1x128x128xf32, #tpu.memory_space<hbm>>
      %dma_start3A_1386 = tpu.memref_squeeze %dma_start3A_1385 : memref<1x128x128xf32, #tpu.memory_space<hbm>> -> memref<128x128xf32, #tpu.memory_space<hbm>>
      %dma_start3A_1387 = arith.constant 0 : i32
      %dma_start3A_1388 = arith.constant 0 : i32
      %dma_start3A_1389 = tpu.memref_slice %arg9[%dma_start3A_1378, %dma_start3A_1387, %dma_start3A_1388] : memref<2x128x128xf32, #tpu.memory_space<vmem>> -> memref<1x128x128xf32, #tpu.memory_space<vmem>>
      %dma_start3A_1390 = tpu.memref_squeeze %dma_start3A_1389 : memref<1x128x128xf32, #tpu.memory_space<vmem>> -> memref<128x128xf32, #tpu.memory_space<vmem>>
      %dma_start3A_1391 = arith.constant 0 : i32
      %dma_start3A_1392 = arith.constant 0 : i32
      %dma_start3A_1393 = tpu.memref_slice %arg3[%min3A_1377, %dma_start3A_1391, %dma_start3A_1392] : memref<2500x128x128xf32, #tpu.memory_space<hbm>> -> memref<1x128x128xf32, #tpu.memory_space<hbm>>
      %dma_start3A_1394 = tpu.memref_squeeze %dma_start3A_1393 : memref<1x128x128xf32, #tpu.memory_space<hbm>> -> memref<128x128xf32, #tpu.memory_space<hbm>>
      tpu.enqueue_dma source(%dma_start3A_1394 : memref<128x128xf32, #tpu.memory_space<hbm>>) target(%dma_start3A_1390 : memref<128x128xf32, #tpu.memory_space<vmem>>) target_semaphore(%arg14 : memref<!tpu.dma_semaphore, #tpu.memory_space<semaphore_mem>>)
      %mul3A_1395 = arith.constant 4 : i32
      %mul3A_1396 = arith.muli %while3A_331, %mul3A_1395 : i32
      %add3A_1397 = arith.constant 3 : i32
      %add3A_1398 = arith.addi %mul3A_1396, %add3A_1397 : i32
      %dma_wait3A_1399 = arith.constant 0 : i32
      %dma_wait3A_1400 = arith.constant 1 : i32
      %dma_wait3A_1401 = arith.constant 0 : i32
      %dma_wait3A_1402 = arith.constant 0 : i32
      %dma_wait3A_1403 = tpu.memref_slice %arg10[%dma_wait3A_1400, %dma_wait3A_1401, %dma_wait3A_1402] : memref<2x128x128xf32, #tpu.memory_space<vmem>> -> memref<1x128x128xf32, #tpu.memory_space<vmem>>
      %dma_wait3A_1404 = tpu.memref_squeeze %dma_wait3A_1403 : memref<1x128x128xf32, #tpu.memory_space<vmem>> -> memref<128x128xf32, #tpu.memory_space<vmem>>
      %dma_wait3A_1405 = arith.constant 0 : i32
      %dma_wait3A_1406 = arith.constant 0 : i32
      %dma_wait3A_1407 = tpu.memref_slice %arg3[%dma_wait3A_1399, %dma_wait3A_1405, %dma_wait3A_1406] : memref<2500x128x128xf32, #tpu.memory_space<hbm>> -> memref<1x128x128xf32, #tpu.memory_space<hbm>>
      %dma_wait3A_1408 = tpu.memref_squeeze %dma_wait3A_1407 : memref<1x128x128xf32, #tpu.memory_space<hbm>> -> memref<128x128xf32, #tpu.memory_space<hbm>>
      %dma_wait3A_1409 = arith.constant 0 : i32
      %dma_wait3A_1410 = arith.constant 0 : i32
      %dma_wait3A_1411 = tpu.memref_slice %arg10[%dma_wait3A_1400, %dma_wait3A_1409, %dma_wait3A_1410] : memref<2x128x128xf32, #tpu.memory_space<vmem>> -> memref<1x128x128xf32, #tpu.memory_space<vmem>>
      %dma_wait3A_1412 = tpu.memref_squeeze %dma_wait3A_1411 : memref<1x128x128xf32, #tpu.memory_space<vmem>> -> memref<128x128xf32, #tpu.memory_space<vmem>>
      %dma_wait3A_1413 = arith.constant 0 : i32
      %dma_wait3A_1414 = arith.constant 0 : i32
      %dma_wait3A_1415 = tpu.memref_slice %arg3[%dma_wait3A_1399, %dma_wait3A_1413, %dma_wait3A_1414] : memref<2500x128x128xf32, #tpu.memory_space<hbm>> -> memref<1x128x128xf32, #tpu.memory_space<hbm>>
      %dma_wait3A_1416 = tpu.memref_squeeze %dma_wait3A_1415 : memref<1x128x128xf32, #tpu.memory_space<hbm>> -> memref<128x128xf32, #tpu.memory_space<hbm>>
      tpu.wait_dma2 semaphore(%arg15 : memref<!tpu.dma_semaphore, #tpu.memory_space<semaphore_mem>>) src(%dma_wait3A_1416 : memref<128x128xf32, #tpu.memory_space<hbm>>) dst(%dma_wait3A_1412 : memref<128x128xf32, #tpu.memory_space<vmem>>)
      %dma_wait3A_1417 = arith.constant 0 : i32
      %dma_wait3A_1418 = arith.constant 1 : i32
      %dma_wait3A_1419 = arith.constant 0 : i32
      %dma_wait3A_1420 = arith.constant 0 : i32
      %dma_wait3A_1421 = tpu.memref_slice %arg9[%dma_wait3A_1418, %dma_wait3A_1419, %dma_wait3A_1420] : memref<2x128x128xf32, #tpu.memory_space<vmem>> -> memref<1x128x128xf32, #tpu.memory_space<vmem>>
      %dma_wait3A_1422 = tpu.memref_squeeze %dma_wait3A_1421 : memref<1x128x128xf32, #tpu.memory_space<vmem>> -> memref<128x128xf32, #tpu.memory_space<vmem>>
      %dma_wait3A_1423 = arith.constant 0 : i32
      %dma_wait3A_1424 = arith.constant 0 : i32
      %dma_wait3A_1425 = tpu.memref_slice %arg3[%dma_wait3A_1417, %dma_wait3A_1423, %dma_wait3A_1424] : memref<2500x128x128xf32, #tpu.memory_space<hbm>> -> memref<1x128x128xf32, #tpu.memory_space<hbm>>
      %dma_wait3A_1426 = tpu.memref_squeeze %dma_wait3A_1425 : memref<1x128x128xf32, #tpu.memory_space<hbm>> -> memref<128x128xf32, #tpu.memory_space<hbm>>
      %dma_wait3A_1427 = arith.constant 0 : i32
      %dma_wait3A_1428 = arith.constant 0 : i32
      %dma_wait3A_1429 = tpu.memref_slice %arg9[%dma_wait3A_1418, %dma_wait3A_1427, %dma_wait3A_1428] : memref<2x128x128xf32, #tpu.memory_space<vmem>> -> memref<1x128x128xf32, #tpu.memory_space<vmem>>
      %dma_wait3A_1430 = tpu.memref_squeeze %dma_wait3A_1429 : memref<1x128x128xf32, #tpu.memory_space<vmem>> -> memref<128x128xf32, #tpu.memory_space<vmem>>
      %dma_wait3A_1431 = arith.constant 0 : i32
      %dma_wait3A_1432 = arith.constant 0 : i32
      %dma_wait3A_1433 = tpu.memref_slice %arg3[%dma_wait3A_1417, %dma_wait3A_1431, %dma_wait3A_1432] : memref<2500x128x128xf32, #tpu.memory_space<hbm>> -> memref<1x128x128xf32, #tpu.memory_space<hbm>>
      %dma_wait3A_1434 = tpu.memref_squeeze %dma_wait3A_1433 : memref<1x128x128xf32, #tpu.memory_space<hbm>> -> memref<128x128xf32, #tpu.memory_space<hbm>>
      tpu.wait_dma2 semaphore(%arg15 : memref<!tpu.dma_semaphore, #tpu.memory_space<semaphore_mem>>) src(%dma_wait3A_1434 : memref<128x128xf32, #tpu.memory_space<hbm>>) dst(%dma_wait3A_1430 : memref<128x128xf32, #tpu.memory_space<vmem>>)
      %get3A_1435 = arith.constant 3 : i32
      %get3A_1436 = arith.constant 0 : i32
      %get3A_1437 = arith.index_cast %get3A_1435 : i32 to index
      %get3A_1438 = arith.index_cast %get3A_1436 : i32 to index
      %get3A_1439 = arith.constant 0 : index
      %get3A_1440 = tpu.vector_load %arg7[%get3A_1437, %get3A_1438, %get3A_1439] {strides = array<i32>} : memref<4x2x128xi32, #tpu.memory_space<vmem>>, vector<1x1x16xi32>,
      %get3A_1441 = vector.shape_cast %get3A_1440 : vector<1x1x16xi32> to vector<16xi32>
      %sub3A_1442 = vector.broadcast %mul3A_44 : i32 to vector<16xi32>
      %sub3A_1443 = arith.subi %get3A_1441, %sub3A_1442 : vector<16xi32>
      %ge3A_1444 = arith.constant 0 : i32
      %ge3A_1445 = vector.broadcast %ge3A_1444 : i32 to vector<16xi32>
      %ge3A_1446 = arith.cmpi sge, %sub3A_1443, %ge3A_1445 : vector<16xi32>
      %lt3A_1447 = arith.constant 5120 : i32
      %lt3A_1448 = vector.broadcast %lt3A_1447 : i32 to vector<16xi32>
      %lt3A_1449 = arith.cmpi slt, %sub3A_1443, %lt3A_1448 : vector<16xi32>
      %and3A_1450 = arith.andi %ge3A_1446, %lt3A_1449 : vector<16xi1>
      %jit3A_1451 = arith.constant 5120 : i32
      %broadcast_in_dim3A_1452 = vector.broadcast %jit3A_1451 : i32 to vector<16xi32>
      %select_n3A_1453 = arith.select %and3A_1450, %sub3A_1443, %broadcast_in_dim3A_1452 : vector<16xi1>, vector<16xi32>
      %swap3A_1454 = arith.constant 1 : i32
      %swap3A_1455 = arith.constant 0 : i32
      %swap3A_1456 = arith.index_cast %swap3A_1454 : i32 to index
      %swap3A_1457 = arith.index_cast %swap3A_1455 : i32 to index
      %swap3A_1458 = arith.constant 0 : index
      %swap3A_1459 = tpu.vector_load %arg8[%swap3A_1456, %swap3A_1457, %swap3A_1458] {strides = array<i32>} : memref<2x1x128xi32, #tpu.memory_space<vmem>>, vector<1x1x16xi32>,
      %swap3A_1460 = vector.shape_cast %swap3A_1459 : vector<1x1x16xi32> to vector<16xi32>
      %swap3A_1461 = vector.shape_cast %select_n3A_1453 : vector<16xi32> to vector<1x1x16xi32>
      tpu.vector_store %arg8[%swap3A_1456, %swap3A_1457, %swap3A_1458], %swap3A_1461 {strides = array<i32>} : memref<2x1x128xi32, #tpu.memory_space<vmem>>, vector<1x1x16xi32>,
      %get3A_1462 = arith.constant 3 : i32
      %get3A_1463 = arith.constant 0 : i32
      %get3A_1464 = arith.index_cast %get3A_1462 : i32 to index
      %get3A_1465 = arith.index_cast %get3A_1463 : i32 to index
      %get3A_1466 = arith.constant 16 : index
      %get3A_1467 = tpu.vector_load %arg7[%get3A_1464, %get3A_1465, %get3A_1466] {strides = array<i32>} : memref<4x2x128xi32, #tpu.memory_space<vmem>>, vector<1x1x16xi32>,
      %get3A_1468 = vector.shape_cast %get3A_1467 : vector<1x1x16xi32> to vector<16xi32>
      %sub3A_1469 = vector.broadcast %mul3A_44 : i32 to vector<16xi32>
      %sub3A_1470 = arith.subi %get3A_1468, %sub3A_1469 : vector<16xi32>
      %ge3A_1471 = arith.constant 0 : i32
      %ge3A_1472 = vector.broadcast %ge3A_1471 : i32 to vector<16xi32>
      %ge3A_1473 = arith.cmpi sge, %sub3A_1470, %ge3A_1472 : vector<16xi32>
      %lt3A_1474 = arith.constant 5120 : i32
      %lt3A_1475 = vector.broadcast %lt3A_1474 : i32 to vector<16xi32>
      %lt3A_1476 = arith.cmpi slt, %sub3A_1470, %lt3A_1475 : vector<16xi32>
      %and3A_1477 = arith.andi %ge3A_1473, %lt3A_1476 : vector<16xi1>
      %jit3A_1478 = arith.constant 5120 : i32
      %broadcast_in_dim3A_1479 = vector.broadcast %jit3A_1478 : i32 to vector<16xi32>
      %select_n3A_1480 = arith.select %and3A_1477, %sub3A_1470, %broadcast_in_dim3A_1479 : vector<16xi1>, vector<16xi32>
      %swap3A_1481 = arith.constant 1 : i32
      %swap3A_1482 = arith.constant 0 : i32
      %swap3A_1483 = arith.index_cast %swap3A_1481 : i32 to index
      %swap3A_1484 = arith.index_cast %swap3A_1482 : i32 to index
      %swap3A_1485 = arith.constant 16 : index
      %swap3A_1486 = tpu.vector_load %arg8[%swap3A_1483, %swap3A_1484, %swap3A_1485] {strides = array<i32>} : memref<2x1x128xi32, #tpu.memory_space<vmem>>, vector<1x1x16xi32>,
      %swap3A_1487 = vector.shape_cast %swap3A_1486 : vector<1x1x16xi32> to vector<16xi32>
      %swap3A_1488 = vector.shape_cast %select_n3A_1480 : vector<16xi32> to vector<1x1x16xi32>
      tpu.vector_store %arg8[%swap3A_1483, %swap3A_1484, %swap3A_1485], %swap3A_1488 {strides = array<i32>} : memref<2x1x128xi32, #tpu.memory_space<vmem>>, vector<1x1x16xi32>,
      %get3A_1489 = arith.constant 3 : i32
      %get3A_1490 = arith.constant 0 : i32
      %get3A_1491 = arith.index_cast %get3A_1489 : i32 to index
      %get3A_1492 = arith.index_cast %get3A_1490 : i32 to index
      %get3A_1493 = arith.constant 32 : index
      %get3A_1494 = tpu.vector_load %arg7[%get3A_1491, %get3A_1492, %get3A_1493] {strides = array<i32>} : memref<4x2x128xi32, #tpu.memory_space<vmem>>, vector<1x1x16xi32>,
      %get3A_1495 = vector.shape_cast %get3A_1494 : vector<1x1x16xi32> to vector<16xi32>
      %sub3A_1496 = vector.broadcast %mul3A_44 : i32 to vector<16xi32>
      %sub3A_1497 = arith.subi %get3A_1495, %sub3A_1496 : vector<16xi32>
      %ge3A_1498 = arith.constant 0 : i32
      %ge3A_1499 = vector.broadcast %ge3A_1498 : i32 to vector<16xi32>
      %ge3A_1500 = arith.cmpi sge, %sub3A_1497, %ge3A_1499 : vector<16xi32>
      %lt3A_1501 = arith.constant 5120 : i32
      %lt3A_1502 = vector.broadcast %lt3A_1501 : i32 to vector<16xi32>
      %lt3A_1503 = arith.cmpi slt, %sub3A_1497, %lt3A_1502 : vector<16xi32>
      %and3A_1504 = arith.andi %ge3A_1500, %lt3A_1503 : vector<16xi1>
      %jit3A_1505 = arith.constant 5120 : i32
      %broadcast_in_dim3A_1506 = vector.broadcast %jit3A_1505 : i32 to vector<16xi32>
      %select_n3A_1507 = arith.select %and3A_1504, %sub3A_1497, %broadcast_in_dim3A_1506 : vector<16xi1>, vector<16xi32>
      %swap3A_1508 = arith.constant 1 : i32
      %swap3A_1509 = arith.constant 0 : i32
      %swap3A_1510 = arith.index_cast %swap3A_1508 : i32 to index
      %swap3A_1511 = arith.index_cast %swap3A_1509 : i32 to index
      %swap3A_1512 = arith.constant 32 : index
      %swap3A_1513 = tpu.vector_load %arg8[%swap3A_1510, %swap3A_1511, %swap3A_1512] {strides = array<i32>} : memref<2x1x128xi32, #tpu.memory_space<vmem>>, vector<1x1x16xi32>,
      %swap3A_1514 = vector.shape_cast %swap3A_1513 : vector<1x1x16xi32> to vector<16xi32>
      %swap3A_1515 = vector.shape_cast %select_n3A_1507 : vector<16xi32> to vector<1x1x16xi32>
      tpu.vector_store %arg8[%swap3A_1510, %swap3A_1511, %swap3A_1512], %swap3A_1515 {strides = array<i32>} : memref<2x1x128xi32, #tpu.memory_space<vmem>>, vector<1x1x16xi32>,
      %get3A_1516 = arith.constant 3 : i32
      %get3A_1517 = arith.constant 0 : i32
      %get3A_1518 = arith.index_cast %get3A_1516 : i32 to index
      %get3A_1519 = arith.index_cast %get3A_1517 : i32 to index
      %get3A_1520 = arith.constant 48 : index
      %get3A_1521 = tpu.vector_load %arg7[%get3A_1518, %get3A_1519, %get3A_1520] {strides = array<i32>} : memref<4x2x128xi32, #tpu.memory_space<vmem>>, vector<1x1x16xi32>,
      %get3A_1522 = vector.shape_cast %get3A_1521 : vector<1x1x16xi32> to vector<16xi32>
      %sub3A_1523 = vector.broadcast %mul3A_44 : i32 to vector<16xi32>
      %sub3A_1524 = arith.subi %get3A_1522, %sub3A_1523 : vector<16xi32>
      %ge3A_1525 = arith.constant 0 : i32
      %ge3A_1526 = vector.broadcast %ge3A_1525 : i32 to vector<16xi32>
      %ge3A_1527 = arith.cmpi sge, %sub3A_1524, %ge3A_1526 : vector<16xi32>
      %lt3A_1528 = arith.constant 5120 : i32
      %lt3A_1529 = vector.broadcast %lt3A_1528 : i32 to vector<16xi32>
      %lt3A_1530 = arith.cmpi slt, %sub3A_1524, %lt3A_1529 : vector<16xi32>
      %and3A_1531 = arith.andi %ge3A_1527, %lt3A_1530 : vector<16xi1>
      %jit3A_1532 = arith.constant 5120 : i32
      %broadcast_in_dim3A_1533 = vector.broadcast %jit3A_1532 : i32 to vector<16xi32>
      %select_n3A_1534 = arith.select %and3A_1531, %sub3A_1524, %broadcast_in_dim3A_1533 : vector<16xi1>, vector<16xi32>
      %swap3A_1535 = arith.constant 1 : i32
      %swap3A_1536 = arith.constant 0 : i32
      %swap3A_1537 = arith.index_cast %swap3A_1535 : i32 to index
      %swap3A_1538 = arith.index_cast %swap3A_1536 : i32 to index
      %swap3A_1539 = arith.constant 48 : index
      %swap3A_1540 = tpu.vector_load %arg8[%swap3A_1537, %swap3A_1538, %swap3A_1539] {strides = array<i32>} : memref<2x1x128xi32, #tpu.memory_space<vmem>>, vector<1x1x16xi32>,
      %swap3A_1541 = vector.shape_cast %swap3A_1540 : vector<1x1x16xi32> to vector<16xi32>
      %swap3A_1542 = vector.shape_cast %select_n3A_1534 : vector<16xi32> to vector<1x1x16xi32>
      tpu.vector_store %arg8[%swap3A_1537, %swap3A_1538, %swap3A_1539], %swap3A_1542 {strides = array<i32>} : memref<2x1x128xi32, #tpu.memory_space<vmem>>, vector<1x1x16xi32>,
      %get3A_1543 = arith.constant 3 : i32
      %get3A_1544 = arith.constant 0 : i32
      %get3A_1545 = arith.index_cast %get3A_1543 : i32 to index
      %get3A_1546 = arith.index_cast %get3A_1544 : i32 to index
      %get3A_1547 = arith.constant 64 : index
      %get3A_1548 = tpu.vector_load %arg7[%get3A_1545, %get3A_1546, %get3A_1547] {strides = array<i32>} : memref<4x2x128xi32, #tpu.memory_space<vmem>>, vector<1x1x16xi32>,
      %get3A_1549 = vector.shape_cast %get3A_1548 : vector<1x1x16xi32> to vector<16xi32>
      %sub3A_1550 = vector.broadcast %mul3A_44 : i32 to vector<16xi32>
      %sub3A_1551 = arith.subi %get3A_1549, %sub3A_1550 : vector<16xi32>
      %ge3A_1552 = arith.constant 0 : i32
      %ge3A_1553 = vector.broadcast %ge3A_1552 : i32 to vector<16xi32>
      %ge3A_1554 = arith.cmpi sge, %sub3A_1551, %ge3A_1553 : vector<16xi32>
      %lt3A_1555 = arith.constant 5120 : i32
      %lt3A_1556 = vector.broadcast %lt3A_1555 : i32 to vector<16xi32>
      %lt3A_1557 = arith.cmpi slt, %sub3A_1551, %lt3A_1556 : vector<16xi32>
      %and3A_1558 = arith.andi %ge3A_1554, %lt3A_1557 : vector<16xi1>
      %jit3A_1559 = arith.constant 5120 : i32
      %broadcast_in_dim3A_1560 = vector.broadcast %jit3A_1559 : i32 to vector<16xi32>
      %select_n3A_1561 = arith.select %and3A_1558, %sub3A_1551, %broadcast_in_dim3A_1560 : vector<16xi1>, vector<16xi32>
      %swap3A_1562 = arith.constant 1 : i32
      %swap3A_1563 = arith.constant 0 : i32
      %swap3A_1564 = arith.index_cast %swap3A_1562 : i32 to index
      %swap3A_1565 = arith.index_cast %swap3A_1563 : i32 to index
      %swap3A_1566 = arith.constant 64 : index
      %swap3A_1567 = tpu.vector_load %arg8[%swap3A_1564, %swap3A_1565, %swap3A_1566] {strides = array<i32>} : memref<2x1x128xi32, #tpu.memory_space<vmem>>, vector<1x1x16xi32>,
      %swap3A_1568 = vector.shape_cast %swap3A_1567 : vector<1x1x16xi32> to vector<16xi32>
      %swap3A_1569 = vector.shape_cast %select_n3A_1561 : vector<16xi32> to vector<1x1x16xi32>
      tpu.vector_store %arg8[%swap3A_1564, %swap3A_1565, %swap3A_1566], %swap3A_1569 {strides = array<i32>} : memref<2x1x128xi32, #tpu.memory_space<vmem>>, vector<1x1x16xi32>,
      %get3A_1570 = arith.constant 3 : i32
      %get3A_1571 = arith.constant 0 : i32
      %get3A_1572 = arith.index_cast %get3A_1570 : i32 to index
      %get3A_1573 = arith.index_cast %get3A_1571 : i32 to index
      %get3A_1574 = arith.constant 80 : index
      %get3A_1575 = tpu.vector_load %arg7[%get3A_1572, %get3A_1573, %get3A_1574] {strides = array<i32>} : memref<4x2x128xi32, #tpu.memory_space<vmem>>, vector<1x1x16xi32>,
      %get3A_1576 = vector.shape_cast %get3A_1575 : vector<1x1x16xi32> to vector<16xi32>
      %sub3A_1577 = vector.broadcast %mul3A_44 : i32 to vector<16xi32>
      %sub3A_1578 = arith.subi %get3A_1576, %sub3A_1577 : vector<16xi32>
      %ge3A_1579 = arith.constant 0 : i32
      %ge3A_1580 = vector.broadcast %ge3A_1579 : i32 to vector<16xi32>
      %ge3A_1581 = arith.cmpi sge, %sub3A_1578, %ge3A_1580 : vector<16xi32>
      %lt3A_1582 = arith.constant 5120 : i32
      %lt3A_1583 = vector.broadcast %lt3A_1582 : i32 to vector<16xi32>
      %lt3A_1584 = arith.cmpi slt, %sub3A_1578, %lt3A_1583 : vector<16xi32>
      %and3A_1585 = arith.andi %ge3A_1581, %lt3A_1584 : vector<16xi1>
      %jit3A_1586 = arith.constant 5120 : i32
      %broadcast_in_dim3A_1587 = vector.broadcast %jit3A_1586 : i32 to vector<16xi32>
      %select_n3A_1588 = arith.select %and3A_1585, %sub3A_1578, %broadcast_in_dim3A_1587 : vector<16xi1>, vector<16xi32>
      %swap3A_1589 = arith.constant 1 : i32
      %swap3A_1590 = arith.constant 0 : i32
      %swap3A_1591 = arith.index_cast %swap3A_1589 : i32 to index
      %swap3A_1592 = arith.index_cast %swap3A_1590 : i32 to index
      %swap3A_1593 = arith.constant 80 : index
      %swap3A_1594 = tpu.vector_load %arg8[%swap3A_1591, %swap3A_1592, %swap3A_1593] {strides = array<i32>} : memref<2x1x128xi32, #tpu.memory_space<vmem>>, vector<1x1x16xi32>,
      %swap3A_1595 = vector.shape_cast %swap3A_1594 : vector<1x1x16xi32> to vector<16xi32>
      %swap3A_1596 = vector.shape_cast %select_n3A_1588 : vector<16xi32> to vector<1x1x16xi32>
      tpu.vector_store %arg8[%swap3A_1591, %swap3A_1592, %swap3A_1593], %swap3A_1596 {strides = array<i32>} : memref<2x1x128xi32, #tpu.memory_space<vmem>>, vector<1x1x16xi32>,
      %get3A_1597 = arith.constant 3 : i32
      %get3A_1598 = arith.constant 0 : i32
      %get3A_1599 = arith.index_cast %get3A_1597 : i32 to index
      %get3A_1600 = arith.index_cast %get3A_1598 : i32 to index
      %get3A_1601 = arith.constant 96 : index
      %get3A_1602 = tpu.vector_load %arg7[%get3A_1599, %get3A_1600, %get3A_1601] {strides = array<i32>} : memref<4x2x128xi32, #tpu.memory_space<vmem>>, vector<1x1x16xi32>,
      %get3A_1603 = vector.shape_cast %get3A_1602 : vector<1x1x16xi32> to vector<16xi32>
      %sub3A_1604 = vector.broadcast %mul3A_44 : i32 to vector<16xi32>
      %sub3A_1605 = arith.subi %get3A_1603, %sub3A_1604 : vector<16xi32>
      %ge3A_1606 = arith.constant 0 : i32
      %ge3A_1607 = vector.broadcast %ge3A_1606 : i32 to vector<16xi32>
      %ge3A_1608 = arith.cmpi sge, %sub3A_1605, %ge3A_1607 : vector<16xi32>
      %lt3A_1609 = arith.constant 5120 : i32
      %lt3A_1610 = vector.broadcast %lt3A_1609 : i32 to vector<16xi32>
      %lt3A_1611 = arith.cmpi slt, %sub3A_1605, %lt3A_1610 : vector<16xi32>
      %and3A_1612 = arith.andi %ge3A_1608, %lt3A_1611 : vector<16xi1>
      %jit3A_1613 = arith.constant 5120 : i32
      %broadcast_in_dim3A_1614 = vector.broadcast %jit3A_1613 : i32 to vector<16xi32>
      %select_n3A_1615 = arith.select %and3A_1612, %sub3A_1605, %broadcast_in_dim3A_1614 : vector<16xi1>, vector<16xi32>
      %swap3A_1616 = arith.constant 1 : i32
      %swap3A_1617 = arith.constant 0 : i32
      %swap3A_1618 = arith.index_cast %swap3A_1616 : i32 to index
      %swap3A_1619 = arith.index_cast %swap3A_1617 : i32 to index
      %swap3A_1620 = arith.constant 96 : index
      %swap3A_1621 = tpu.vector_load %arg8[%swap3A_1618, %swap3A_1619, %swap3A_1620] {strides = array<i32>} : memref<2x1x128xi32, #tpu.memory_space<vmem>>, vector<1x1x16xi32>,
      %swap3A_1622 = vector.shape_cast %swap3A_1621 : vector<1x1x16xi32> to vector<16xi32>
      %swap3A_1623 = vector.shape_cast %select_n3A_1615 : vector<16xi32> to vector<1x1x16xi32>
      tpu.vector_store %arg8[%swap3A_1618, %swap3A_1619, %swap3A_1620], %swap3A_1623 {strides = array<i32>} : memref<2x1x128xi32, #tpu.memory_space<vmem>>, vector<1x1x16xi32>,
      %get3A_1624 = arith.constant 3 : i32
      %get3A_1625 = arith.constant 0 : i32
      %get3A_1626 = arith.index_cast %get3A_1624 : i32 to index
      %get3A_1627 = arith.index_cast %get3A_1625 : i32 to index
      %get3A_1628 = arith.constant 112 : index
      %get3A_1629 = tpu.vector_load %arg7[%get3A_1626, %get3A_1627, %get3A_1628] {strides = array<i32>} : memref<4x2x128xi32, #tpu.memory_space<vmem>>, vector<1x1x16xi32>,
      %get3A_1630 = vector.shape_cast %get3A_1629 : vector<1x1x16xi32> to vector<16xi32>
      %sub3A_1631 = vector.broadcast %mul3A_44 : i32 to vector<16xi32>
      %sub3A_1632 = arith.subi %get3A_1630, %sub3A_1631 : vector<16xi32>
      %ge3A_1633 = arith.constant 0 : i32
      %ge3A_1634 = vector.broadcast %ge3A_1633 : i32 to vector<16xi32>
      %ge3A_1635 = arith.cmpi sge, %sub3A_1632, %ge3A_1634 : vector<16xi32>
      %lt3A_1636 = arith.constant 5120 : i32
      %lt3A_1637 = vector.broadcast %lt3A_1636 : i32 to vector<16xi32>
      %lt3A_1638 = arith.cmpi slt, %sub3A_1632, %lt3A_1637 : vector<16xi32>
      %and3A_1639 = arith.andi %ge3A_1635, %lt3A_1638 : vector<16xi1>
      %jit3A_1640 = arith.constant 5120 : i32
      %broadcast_in_dim3A_1641 = vector.broadcast %jit3A_1640 : i32 to vector<16xi32>
      %select_n3A_1642 = arith.select %and3A_1639, %sub3A_1632, %broadcast_in_dim3A_1641 : vector<16xi1>, vector<16xi32>
      %swap3A_1643 = arith.constant 1 : i32
      %swap3A_1644 = arith.constant 0 : i32
      %swap3A_1645 = arith.index_cast %swap3A_1643 : i32 to index
      %swap3A_1646 = arith.index_cast %swap3A_1644 : i32 to index
      %swap3A_1647 = arith.constant 112 : index
      %swap3A_1648 = tpu.vector_load %arg8[%swap3A_1645, %swap3A_1646, %swap3A_1647] {strides = array<i32>} : memref<2x1x128xi32, #tpu.memory_space<vmem>>, vector<1x1x16xi32>,
      %swap3A_1649 = vector.shape_cast %swap3A_1648 : vector<1x1x16xi32> to vector<16xi32>
      %swap3A_1650 = vector.shape_cast %select_n3A_1642 : vector<16xi32> to vector<1x1x16xi32>
      tpu.vector_store %arg8[%swap3A_1645, %swap3A_1646, %swap3A_1647], %swap3A_1650 {strides = array<i32>} : memref<2x1x128xi32, #tpu.memory_space<vmem>>, vector<1x1x16xi32>,
      %add3A_1651 = arith.constant 4 : i32
      %add3A_1652 = arith.addi %add3A_1398, %add3A_1651 : i32
      %mul3A_1653 = arith.constant 16 : i32
      %mul3A_1654 = arith.muli %add3A_1652, %mul3A_1653 : i32
      %add3A_1655 = arith.addi %add3A_42, %mul3A_1654 : i32
      %min3A_1656 = arith.constant 2499 : i32
      %min3A_1657 = arith.minsi %add3A_1655, %min3A_1656 : i32
      %dma_start3A_1658 = arith.constant 3 : i32
      %dma_start3A_1659 = arith.constant 0 : i32
      %dma_start3A_1660 = arith.constant 0 : i32
      %dma_start3A_1661 = tpu.memref_slice %arg7[%dma_start3A_1658, %dma_start3A_1659, %dma_start3A_1660] : memref<4x2x128xi32, #tpu.memory_space<vmem>> -> memref<1x2x128xi32, #tpu.memory_space<vmem>>
      %dma_start3A_1662 = tpu.memref_squeeze %dma_start3A_1661 : memref<1x2x128xi32, #tpu.memory_space<vmem>> -> memref<2x128xi32, #tpu.memory_space<vmem>>
      %dma_start3A_1663 = arith.constant 0 : i32
      %dma_start3A_1664 = arith.constant 0 : i32
      %dma_start3A_1665 = tpu.memref_slice %arg4[%min3A_1657, %dma_start3A_1663, %dma_start3A_1664] : memref<2500x2x128xi32, #tpu.memory_space<hbm>> -> memref<1x2x128xi32, #tpu.memory_space<hbm>>
      %dma_start3A_1666 = tpu.memref_squeeze %dma_start3A_1665 : memref<1x2x128xi32, #tpu.memory_space<hbm>> -> memref<2x128xi32, #tpu.memory_space<hbm>>
      %dma_start3A_1667 = arith.constant 0 : i32
      %dma_start3A_1668 = arith.constant 0 : i32
      %dma_start3A_1669 = tpu.memref_slice %arg7[%dma_start3A_1658, %dma_start3A_1667, %dma_start3A_1668] : memref<4x2x128xi32, #tpu.memory_space<vmem>> -> memref<1x2x128xi32, #tpu.memory_space<vmem>>
      %dma_start3A_1670 = tpu.memref_squeeze %dma_start3A_1669 : memref<1x2x128xi32, #tpu.memory_space<vmem>> -> memref<2x128xi32, #tpu.memory_space<vmem>>
      %dma_start3A_1671 = arith.constant 0 : i32
      %dma_start3A_1672 = arith.constant 0 : i32
      %dma_start3A_1673 = tpu.memref_slice %arg4[%min3A_1657, %dma_start3A_1671, %dma_start3A_1672] : memref<2500x2x128xi32, #tpu.memory_space<hbm>> -> memref<1x2x128xi32, #tpu.memory_space<hbm>>
      %dma_start3A_1674 = tpu.memref_squeeze %dma_start3A_1673 : memref<1x2x128xi32, #tpu.memory_space<hbm>> -> memref<2x128xi32, #tpu.memory_space<hbm>>
      tpu.enqueue_dma source(%dma_start3A_1674 : memref<2x128xi32, #tpu.memory_space<hbm>>) target(%dma_start3A_1670 : memref<2x128xi32, #tpu.memory_space<vmem>>) target_semaphore(%arg19 : memref<!tpu.dma_semaphore, #tpu.memory_space<semaphore_mem>>)
      %ge3A_1675 = arith.constant 1 : i32
      %ge3A_1676 = arith.cmpi sge, %add3A_1398, %ge3A_1675 : i32
      %sub3A_1677 = arith.constant 1 : i32
      %sub3A_1678 = arith.subi %add3A_1398, %sub3A_1677 : i32
      %lt3A_1679 = arith.cmpi slt, %sub3A_1678, %select_n3A_40 : i32
      %and3A_1680 = arith.andi %ge3A_1676, %lt3A_1679 : i1
      %convert_element_type3A_1681 = arith.extui %and3A_1680 : i1 to i32
      %cond3A_1682 = arith.constant 0 : i32
      %cond3A_1683 = arith.cmpi ne, %convert_element_type3A_1681, %cond3A_1682 : i32
      scf.if %cond3A_1683 {
        %dma_wait3A_1751 = arith.constant 0 : i32
        %dma_wait3A_1752 = arith.constant 0 : i32
        %dma_wait3A_1753 = arith.constant 0 : i32
        %dma_wait3A_1754 = tpu.memref_slice %arg8[%dma_wait3A_1751, %dma_wait3A_1752, %dma_wait3A_1753] : memref<2x1x128xi32, #tpu.memory_space<vmem>> -> memref<1x1x128xi32, #tpu.memory_space<vmem>>
        %dma_wait3A_1755 = tpu.memref_squeeze %dma_wait3A_1754 : memref<1x1x128xi32, #tpu.memory_space<vmem>> -> memref<128xi32, #tpu.memory_space<vmem>>
        %dma_wait3A_1756 = arith.constant 0 : i32
        %dma_wait3A_1757 = arith.constant 0 : i32
        %dma_wait3A_1758 = tpu.memref_slice %arg13[%dma_wait3A_1756, %dma_wait3A_1757] : memref<5248x128xf32, #tpu.memory_space<vmem_shared>> -> memref<5248x128xf32, #tpu.memory_space<vmem_shared>>
        tpu.wait_indirect_dma semaphore(%arg20 : memref<!tpu.dma_semaphore, #tpu.memory_space<semaphore_mem>>) src(%arg11 : memref<128x128xf32, #tpu.memory_space<vmem>>) dst(%dma_wait3A_1758 : memref<5248x128xf32, #tpu.memory_space<vmem_shared>>)
      } else {
      }
      %scan3A_1684 = arith.constant 0 : i32
      %scan3A_1685 = arith.constant 0 : i32
      %scan3A_1686 = arith.constant 128 : i32
      %scan3A_1687 = arith.addi %scan3A_1685, %scan3A_1686 : i32
      %scan3A_1688 = arith.constant 1 : i32
      %scan3A_1689 = scf.for %scan3A_1751 = %scan3A_1685 to %scan3A_1687 step %scan3A_1688 iter_args(%scan3A_1752 = %scan3A_1684) -> (i32)  : i32 {
        %get3A_1753 = arith.constant 1 : i32
        %get3A_1754 = arith.index_cast %get3A_1753 : i32 to index
        %get3A_1755 = arith.index_cast %scan3A_1751 : i32 to index
        %get3A_1756 = arith.constant 0 : index
        %get3A_1757 = tpu.vector_load %arg10[%get3A_1754, %get3A_1755, %get3A_1756] {strides = array<i32>} : memref<2x128x128xf32, #tpu.memory_space<vmem>>, vector<1x1x16xf32>,
        %get3A_1758 = vector.shape_cast %get3A_1757 : vector<1x1x16xf32> to vector<16xf32>
        %get3A_1759 = arith.constant 1 : i32
        %get3A_1760 = arith.index_cast %get3A_1759 : i32 to index
        %get3A_1761 = arith.index_cast %scan3A_1751 : i32 to index
        %get3A_1762 = arith.constant 0 : index
        %get3A_1763 = tpu.vector_load %arg9[%get3A_1760, %get3A_1761, %get3A_1762] {strides = array<i32>} : memref<2x128x128xf32, #tpu.memory_space<vmem>>, vector<1x1x16xf32>,
        %get3A_1764 = vector.shape_cast %get3A_1763 : vector<1x1x16xf32> to vector<16xf32>
        %mul3A_1765 = arith.mulf %get3A_1758, %get3A_1764 : vector<16xf32>
        %swap3A_1766 = arith.index_cast %scan3A_1751 : i32 to index
        %swap3A_1767 = arith.constant 0 : index
        %swap3A_1768 = tpu.vector_load %arg11[%swap3A_1766, %swap3A_1767] {strides = array<i32>} : memref<128x128xf32, #tpu.memory_space<vmem>>, vector<1x16xf32>,
        %swap3A_1769 = vector.shape_cast %swap3A_1768 : vector<1x16xf32> to vector<16xf32>
        %swap3A_1770 = vector.shape_cast %mul3A_1765 : vector<16xf32> to vector<1x16xf32>
        tpu.vector_store %arg11[%swap3A_1766, %swap3A_1767], %swap3A_1770 {strides = array<i32>} : memref<128x128xf32, #tpu.memory_space<vmem>>, vector<1x16xf32>,
        %get3A_1771 = arith.constant 1 : i32
        %get3A_1772 = arith.index_cast %get3A_1771 : i32 to index
        %get3A_1773 = arith.index_cast %scan3A_1751 : i32 to index
        %get3A_1774 = arith.constant 16 : index
        %get3A_1775 = tpu.vector_load %arg10[%get3A_1772, %get3A_1773, %get3A_1774] {strides = array<i32>} : memref<2x128x128xf32, #tpu.memory_space<vmem>>, vector<1x1x16xf32>,
        %get3A_1776 = vector.shape_cast %get3A_1775 : vector<1x1x16xf32> to vector<16xf32>
        %get3A_1777 = arith.constant 1 : i32
        %get3A_1778 = arith.index_cast %get3A_1777 : i32 to index
        %get3A_1779 = arith.index_cast %scan3A_1751 : i32 to index
        %get3A_1780 = arith.constant 16 : index
        %get3A_1781 = tpu.vector_load %arg9[%get3A_1778, %get3A_1779, %get3A_1780] {strides = array<i32>} : memref<2x128x128xf32, #tpu.memory_space<vmem>>, vector<1x1x16xf32>,
        %get3A_1782 = vector.shape_cast %get3A_1781 : vector<1x1x16xf32> to vector<16xf32>
        %mul3A_1783 = arith.mulf %get3A_1776, %get3A_1782 : vector<16xf32>
        %swap3A_1784 = arith.index_cast %scan3A_1751 : i32 to index
        %swap3A_1785 = arith.constant 16 : index
        %swap3A_1786 = tpu.vector_load %arg11[%swap3A_1784, %swap3A_1785] {strides = array<i32>} : memref<128x128xf32, #tpu.memory_space<vmem>>, vector<1x16xf32>,
        %swap3A_1787 = vector.shape_cast %swap3A_1786 : vector<1x16xf32> to vector<16xf32>
        %swap3A_1788 = vector.shape_cast %mul3A_1783 : vector<16xf32> to vector<1x16xf32>
        tpu.vector_store %arg11[%swap3A_1784, %swap3A_1785], %swap3A_1788 {strides = array<i32>} : memref<128x128xf32, #tpu.memory_space<vmem>>, vector<1x16xf32>,
        %get3A_1789 = arith.constant 1 : i32
        %get3A_1790 = arith.index_cast %get3A_1789 : i32 to index
        %get3A_1791 = arith.index_cast %scan3A_1751 : i32 to index
        %get3A_1792 = arith.constant 32 : index
        %get3A_1793 = tpu.vector_load %arg10[%get3A_1790, %get3A_1791, %get3A_1792] {strides = array<i32>} : memref<2x128x128xf32, #tpu.memory_space<vmem>>, vector<1x1x16xf32>,
        %get3A_1794 = vector.shape_cast %get3A_1793 : vector<1x1x16xf32> to vector<16xf32>
        %get3A_1795 = arith.constant 1 : i32
        %get3A_1796 = arith.index_cast %get3A_1795 : i32 to index
        %get3A_1797 = arith.index_cast %scan3A_1751 : i32 to index
        %get3A_1798 = arith.constant 32 : index
        %get3A_1799 = tpu.vector_load %arg9[%get3A_1796, %get3A_1797, %get3A_1798] {strides = array<i32>} : memref<2x128x128xf32, #tpu.memory_space<vmem>>, vector<1x1x16xf32>,
        %get3A_1800 = vector.shape_cast %get3A_1799 : vector<1x1x16xf32> to vector<16xf32>
        %mul3A_1801 = arith.mulf %get3A_1794, %get3A_1800 : vector<16xf32>
        %swap3A_1802 = arith.index_cast %scan3A_1751 : i32 to index
        %swap3A_1803 = arith.constant 32 : index
        %swap3A_1804 = tpu.vector_load %arg11[%swap3A_1802, %swap3A_1803] {strides = array<i32>} : memref<128x128xf32, #tpu.memory_space<vmem>>, vector<1x16xf32>,
        %swap3A_1805 = vector.shape_cast %swap3A_1804 : vector<1x16xf32> to vector<16xf32>
        %swap3A_1806 = vector.shape_cast %mul3A_1801 : vector<16xf32> to vector<1x16xf32>
        tpu.vector_store %arg11[%swap3A_1802, %swap3A_1803], %swap3A_1806 {strides = array<i32>} : memref<128x128xf32, #tpu.memory_space<vmem>>, vector<1x16xf32>,
        %get3A_1807 = arith.constant 1 : i32
        %get3A_1808 = arith.index_cast %get3A_1807 : i32 to index
        %get3A_1809 = arith.index_cast %scan3A_1751 : i32 to index
        %get3A_1810 = arith.constant 48 : index
        %get3A_1811 = tpu.vector_load %arg10[%get3A_1808, %get3A_1809, %get3A_1810] {strides = array<i32>} : memref<2x128x128xf32, #tpu.memory_space<vmem>>, vector<1x1x16xf32>,
        %get3A_1812 = vector.shape_cast %get3A_1811 : vector<1x1x16xf32> to vector<16xf32>
        %get3A_1813 = arith.constant 1 : i32
        %get3A_1814 = arith.index_cast %get3A_1813 : i32 to index
        %get3A_1815 = arith.index_cast %scan3A_1751 : i32 to index
        %get3A_1816 = arith.constant 48 : index
        %get3A_1817 = tpu.vector_load %arg9[%get3A_1814, %get3A_1815, %get3A_1816] {strides = array<i32>} : memref<2x128x128xf32, #tpu.memory_space<vmem>>, vector<1x1x16xf32>,
        %get3A_1818 = vector.shape_cast %get3A_1817 : vector<1x1x16xf32> to vector<16xf32>
        %mul3A_1819 = arith.mulf %get3A_1812, %get3A_1818 : vector<16xf32>
        %swap3A_1820 = arith.index_cast %scan3A_1751 : i32 to index
        %swap3A_1821 = arith.constant 48 : index
        %swap3A_1822 = tpu.vector_load %arg11[%swap3A_1820, %swap3A_1821] {strides = array<i32>} : memref<128x128xf32, #tpu.memory_space<vmem>>, vector<1x16xf32>,
        %swap3A_1823 = vector.shape_cast %swap3A_1822 : vector<1x16xf32> to vector<16xf32>
        %swap3A_1824 = vector.shape_cast %mul3A_1819 : vector<16xf32> to vector<1x16xf32>
        tpu.vector_store %arg11[%swap3A_1820, %swap3A_1821], %swap3A_1824 {strides = array<i32>} : memref<128x128xf32, #tpu.memory_space<vmem>>, vector<1x16xf32>,
        %get3A_1825 = arith.constant 1 : i32
        %get3A_1826 = arith.index_cast %get3A_1825 : i32 to index
        %get3A_1827 = arith.index_cast %scan3A_1751 : i32 to index
        %get3A_1828 = arith.constant 64 : index
        %get3A_1829 = tpu.vector_load %arg10[%get3A_1826, %get3A_1827, %get3A_1828] {strides = array<i32>} : memref<2x128x128xf32, #tpu.memory_space<vmem>>, vector<1x1x16xf32>,
        %get3A_1830 = vector.shape_cast %get3A_1829 : vector<1x1x16xf32> to vector<16xf32>
        %get3A_1831 = arith.constant 1 : i32
        %get3A_1832 = arith.index_cast %get3A_1831 : i32 to index
        %get3A_1833 = arith.index_cast %scan3A_1751 : i32 to index
        %get3A_1834 = arith.constant 64 : index
        %get3A_1835 = tpu.vector_load %arg9[%get3A_1832, %get3A_1833, %get3A_1834] {strides = array<i32>} : memref<2x128x128xf32, #tpu.memory_space<vmem>>, vector<1x1x16xf32>,
        %get3A_1836 = vector.shape_cast %get3A_1835 : vector<1x1x16xf32> to vector<16xf32>
        %mul3A_1837 = arith.mulf %get3A_1830, %get3A_1836 : vector<16xf32>
        %swap3A_1838 = arith.index_cast %scan3A_1751 : i32 to index
        %swap3A_1839 = arith.constant 64 : index
        %swap3A_1840 = tpu.vector_load %arg11[%swap3A_1838, %swap3A_1839] {strides = array<i32>} : memref<128x128xf32, #tpu.memory_space<vmem>>, vector<1x16xf32>,
        %swap3A_1841 = vector.shape_cast %swap3A_1840 : vector<1x16xf32> to vector<16xf32>
        %swap3A_1842 = vector.shape_cast %mul3A_1837 : vector<16xf32> to vector<1x16xf32>
        tpu.vector_store %arg11[%swap3A_1838, %swap3A_1839], %swap3A_1842 {strides = array<i32>} : memref<128x128xf32, #tpu.memory_space<vmem>>, vector<1x16xf32>,
        %get3A_1843 = arith.constant 1 : i32
        %get3A_1844 = arith.index_cast %get3A_1843 : i32 to index
        %get3A_1845 = arith.index_cast %scan3A_1751 : i32 to index
        %get3A_1846 = arith.constant 80 : index
        %get3A_1847 = tpu.vector_load %arg10[%get3A_1844, %get3A_1845, %get3A_1846] {strides = array<i32>} : memref<2x128x128xf32, #tpu.memory_space<vmem>>, vector<1x1x16xf32>,
        %get3A_1848 = vector.shape_cast %get3A_1847 : vector<1x1x16xf32> to vector<16xf32>
        %get3A_1849 = arith.constant 1 : i32
        %get3A_1850 = arith.index_cast %get3A_1849 : i32 to index
        %get3A_1851 = arith.index_cast %scan3A_1751 : i32 to index
        %get3A_1852 = arith.constant 80 : index
        %get3A_1853 = tpu.vector_load %arg9[%get3A_1850, %get3A_1851, %get3A_1852] {strides = array<i32>} : memref<2x128x128xf32, #tpu.memory_space<vmem>>, vector<1x1x16xf32>,
        %get3A_1854 = vector.shape_cast %get3A_1853 : vector<1x1x16xf32> to vector<16xf32>
        %mul3A_1855 = arith.mulf %get3A_1848, %get3A_1854 : vector<16xf32>
        %swap3A_1856 = arith.index_cast %scan3A_1751 : i32 to index
        %swap3A_1857 = arith.constant 80 : index
        %swap3A_1858 = tpu.vector_load %arg11[%swap3A_1856, %swap3A_1857] {strides = array<i32>} : memref<128x128xf32, #tpu.memory_space<vmem>>, vector<1x16xf32>,
        %swap3A_1859 = vector.shape_cast %swap3A_1858 : vector<1x16xf32> to vector<16xf32>
        %swap3A_1860 = vector.shape_cast %mul3A_1855 : vector<16xf32> to vector<1x16xf32>
        tpu.vector_store %arg11[%swap3A_1856, %swap3A_1857], %swap3A_1860 {strides = array<i32>} : memref<128x128xf32, #tpu.memory_space<vmem>>, vector<1x16xf32>,
        %get3A_1861 = arith.constant 1 : i32
        %get3A_1862 = arith.index_cast %get3A_1861 : i32 to index
        %get3A_1863 = arith.index_cast %scan3A_1751 : i32 to index
        %get3A_1864 = arith.constant 96 : index
        %get3A_1865 = tpu.vector_load %arg10[%get3A_1862, %get3A_1863, %get3A_1864] {strides = array<i32>} : memref<2x128x128xf32, #tpu.memory_space<vmem>>, vector<1x1x16xf32>,
        %get3A_1866 = vector.shape_cast %get3A_1865 : vector<1x1x16xf32> to vector<16xf32>
        %get3A_1867 = arith.constant 1 : i32
        %get3A_1868 = arith.index_cast %get3A_1867 : i32 to index
        %get3A_1869 = arith.index_cast %scan3A_1751 : i32 to index
        %get3A_1870 = arith.constant 96 : index
        %get3A_1871 = tpu.vector_load %arg9[%get3A_1868, %get3A_1869, %get3A_1870] {strides = array<i32>} : memref<2x128x128xf32, #tpu.memory_space<vmem>>, vector<1x1x16xf32>,
        %get3A_1872 = vector.shape_cast %get3A_1871 : vector<1x1x16xf32> to vector<16xf32>
        %mul3A_1873 = arith.mulf %get3A_1866, %get3A_1872 : vector<16xf32>
        %swap3A_1874 = arith.index_cast %scan3A_1751 : i32 to index
        %swap3A_1875 = arith.constant 96 : index
        %swap3A_1876 = tpu.vector_load %arg11[%swap3A_1874, %swap3A_1875] {strides = array<i32>} : memref<128x128xf32, #tpu.memory_space<vmem>>, vector<1x16xf32>,
        %swap3A_1877 = vector.shape_cast %swap3A_1876 : vector<1x16xf32> to vector<16xf32>
        %swap3A_1878 = vector.shape_cast %mul3A_1873 : vector<16xf32> to vector<1x16xf32>
        tpu.vector_store %arg11[%swap3A_1874, %swap3A_1875], %swap3A_1878 {strides = array<i32>} : memref<128x128xf32, #tpu.memory_space<vmem>>, vector<1x16xf32>,
        %get3A_1879 = arith.constant 1 : i32
        %get3A_1880 = arith.index_cast %get3A_1879 : i32 to index
        %get3A_1881 = arith.index_cast %scan3A_1751 : i32 to index
        %get3A_1882 = arith.constant 112 : index
        %get3A_1883 = tpu.vector_load %arg10[%get3A_1880, %get3A_1881, %get3A_1882] {strides = array<i32>} : memref<2x128x128xf32, #tpu.memory_space<vmem>>, vector<1x1x16xf32>,
        %get3A_1884 = vector.shape_cast %get3A_1883 : vector<1x1x16xf32> to vector<16xf32>
        %get3A_1885 = arith.constant 1 : i32
        %get3A_1886 = arith.index_cast %get3A_1885 : i32 to index
        %get3A_1887 = arith.index_cast %scan3A_1751 : i32 to index
        %get3A_1888 = arith.constant 112 : index
        %get3A_1889 = tpu.vector_load %arg9[%get3A_1886, %get3A_1887, %get3A_1888] {strides = array<i32>} : memref<2x128x128xf32, #tpu.memory_space<vmem>>, vector<1x1x16xf32>,
        %get3A_1890 = vector.shape_cast %get3A_1889 : vector<1x1x16xf32> to vector<16xf32>
        %mul3A_1891 = arith.mulf %get3A_1884, %get3A_1890 : vector<16xf32>
        %swap3A_1892 = arith.index_cast %scan3A_1751 : i32 to index
        %swap3A_1893 = arith.constant 112 : index
        %swap3A_1894 = tpu.vector_load %arg11[%swap3A_1892, %swap3A_1893] {strides = array<i32>} : memref<128x128xf32, #tpu.memory_space<vmem>>, vector<1x16xf32>,
        %swap3A_1895 = vector.shape_cast %swap3A_1894 : vector<1x16xf32> to vector<16xf32>
        %swap3A_1896 = vector.shape_cast %mul3A_1891 : vector<16xf32> to vector<1x16xf32>
        tpu.vector_store %arg11[%swap3A_1892, %swap3A_1893], %swap3A_1896 {strides = array<i32>} : memref<128x128xf32, #tpu.memory_space<vmem>>, vector<1x16xf32>,
        %scan3A_1897 = arith.constant 0 : i32
        scf.yield %scan3A_1897 : i32
      }
      %scan3A_1690 = arith.constant 128 : i32
      %lt3A_1691 = arith.cmpi slt, %add3A_1398, %select_n3A_40 : i32
      %convert_element_type3A_1692 = arith.extui %lt3A_1691 : i1 to i32
      %cond3A_1693 = arith.constant 0 : i32
      %cond3A_1694 = arith.cmpi ne, %convert_element_type3A_1692, %cond3A_1693 : i32
      scf.if %cond3A_1694 {
        %dma_start3A_1751 = arith.constant 1 : i32
        %dma_start3A_1752 = arith.constant 0 : i32
        %dma_start3A_1753 = arith.constant 0 : i32
        %dma_start3A_1754 = tpu.memref_slice %arg8[%dma_start3A_1751, %dma_start3A_1752, %dma_start3A_1753] : memref<2x1x128xi32, #tpu.memory_space<vmem>> -> memref<1x1x128xi32, #tpu.memory_space<vmem>>
        %dma_start3A_1755 = tpu.memref_squeeze %dma_start3A_1754 : memref<1x1x128xi32, #tpu.memory_space<vmem>> -> memref<128xi32, #tpu.memory_space<vmem>>
        %dma_start3A_1756 = arith.constant 0 : i32
        %dma_start3A_1757 = arith.constant 0 : i32
        %dma_start3A_1758 = tpu.memref_slice %arg13[%dma_start3A_1756, %dma_start3A_1757] : memref<5248x128xf32, #tpu.memory_space<vmem_shared>> -> memref<5248x128xf32, #tpu.memory_space<vmem_shared>>
        tpu.enqueue_indirect_dma source(%arg11 : memref<128x128xf32, #tpu.memory_space<vmem>>) target(%dma_start3A_1758 : memref<5248x128xf32, #tpu.memory_space<vmem_shared>>) offsets(%dma_start3A_1755 : memref<128xi32, #tpu.memory_space<vmem>>) semaphore(%arg20 : memref<!tpu.dma_semaphore, #tpu.memory_space<semaphore_mem>>) {add = true}
      } else {
      }
      %dma_wait3A_1695 = arith.constant 0 : i32
      %dma_wait3A_1696 = arith.constant 1 : i32
      %dma_wait3A_1697 = arith.constant 0 : i32
      %dma_wait3A_1698 = arith.constant 0 : i32
      %dma_wait3A_1699 = tpu.memref_slice %arg7[%dma_wait3A_1696, %dma_wait3A_1697, %dma_wait3A_1698] : memref<4x2x128xi32, #tpu.memory_space<vmem>> -> memref<1x2x128xi32, #tpu.memory_space<vmem>>
      %dma_wait3A_1700 = tpu.memref_squeeze %dma_wait3A_1699 : memref<1x2x128xi32, #tpu.memory_space<vmem>> -> memref<2x128xi32, #tpu.memory_space<vmem>>
      %dma_wait3A_1701 = arith.constant 0 : i32
      %dma_wait3A_1702 = arith.constant 0 : i32
      %dma_wait3A_1703 = tpu.memref_slice %arg4[%dma_wait3A_1695, %dma_wait3A_1701, %dma_wait3A_1702] : memref<2500x2x128xi32, #tpu.memory_space<hbm>> -> memref<1x2x128xi32, #tpu.memory_space<hbm>>
      %dma_wait3A_1704 = tpu.memref_squeeze %dma_wait3A_1703 : memref<1x2x128xi32, #tpu.memory_space<hbm>> -> memref<2x128xi32, #tpu.memory_space<hbm>>
      %dma_wait3A_1705 = arith.constant 0 : i32
      %dma_wait3A_1706 = arith.constant 0 : i32
      %dma_wait3A_1707 = tpu.memref_slice %arg7[%dma_wait3A_1696, %dma_wait3A_1705, %dma_wait3A_1706] : memref<4x2x128xi32, #tpu.memory_space<vmem>> -> memref<1x2x128xi32, #tpu.memory_space<vmem>>
      %dma_wait3A_1708 = tpu.memref_squeeze %dma_wait3A_1707 : memref<1x2x128xi32, #tpu.memory_space<vmem>> -> memref<2x128xi32, #tpu.memory_space<vmem>>
      %dma_wait3A_1709 = arith.constant 0 : i32
      %dma_wait3A_1710 = arith.constant 0 : i32
      %dma_wait3A_1711 = tpu.memref_slice %arg4[%dma_wait3A_1695, %dma_wait3A_1709, %dma_wait3A_1710] : memref<2500x2x128xi32, #tpu.memory_space<hbm>> -> memref<1x2x128xi32, #tpu.memory_space<hbm>>
      %dma_wait3A_1712 = tpu.memref_squeeze %dma_wait3A_1711 : memref<1x2x128xi32, #tpu.memory_space<hbm>> -> memref<2x128xi32, #tpu.memory_space<hbm>>
      tpu.wait_dma2 semaphore(%arg17 : memref<!tpu.dma_semaphore, #tpu.memory_space<semaphore_mem>>) src(%dma_wait3A_1712 : memref<2x128xi32, #tpu.memory_space<hbm>>) dst(%dma_wait3A_1708 : memref<2x128xi32, #tpu.memory_space<vmem>>)
      %add3A_1713 = arith.constant 2 : i32
      %add3A_1714 = arith.addi %add3A_1398, %add3A_1713 : i32
      %dma_start3A_1715 = arith.constant 1 : i32
      %dma_start3A_1716 = arith.constant 1 : i32
      %dma_start3A_1717 = arith.constant 1 : i32
      %dma_start3A_1718 = arith.constant 0 : i32
      %dma_start3A_1719 = arith.constant 0 : i32
      %dma_start3A_1720 = tpu.memref_slice %arg10[%dma_start3A_1717, %dma_start3A_1718, %dma_start3A_1719] : memref<2x128x128xf32, #tpu.memory_space<vmem>> -> memref<1x128x128xf32, #tpu.memory_space<vmem>>
      %dma_start3A_1721 = tpu.memref_squeeze %dma_start3A_1720 : memref<1x128x128xf32, #tpu.memory_space<vmem>> -> memref<128x128xf32, #tpu.memory_space<vmem>>
      %dma_start3A_1722 = arith.constant 0 : i32
      %dma_start3A_1723 = tpu.memref_slice %arg7[%dma_start3A_1715, %dma_start3A_1716, %dma_start3A_1722] : memref<4x2x128xi32, #tpu.memory_space<vmem>> -> memref<1x1x128xi32, #tpu.memory_space<vmem>>
      %dma_start3A_1724 = tpu.memref_squeeze %dma_start3A_1723 : memref<1x1x128xi32, #tpu.memory_space<vmem>> -> memref<128xi32, #tpu.memory_space<vmem>>
      %dma_start3A_1725 = arith.constant 0 : i32
      %dma_start3A_1726 = arith.constant 0 : i32
      %dma_start3A_1727 = tpu.memref_slice %arg2[%dma_start3A_1725, %dma_start3A_1726] : memref<10000x128xf32, #tpu.memory_space<hbm>> -> memref<10000x128xf32, #tpu.memory_space<hbm>>
      tpu.enqueue_indirect_dma source(%dma_start3A_1727 : memref<10000x128xf32, #tpu.memory_space<hbm>>) target(%dma_start3A_1721 : memref<128x128xf32, #tpu.memory_space<vmem>>) offsets(%dma_start3A_1724 : memref<128xi32, #tpu.memory_space<vmem>>) semaphore(%arg15 : memref<!tpu.dma_semaphore, #tpu.memory_space<semaphore_mem>>)
      %mul3A_1728 = arith.constant 16 : i32
      %mul3A_1729 = arith.muli %add3A_1714, %mul3A_1728 : i32
      %add3A_1730 = arith.addi %add3A_42, %mul3A_1729 : i32
      %min3A_1731 = arith.constant 2499 : i32
      %min3A_1732 = arith.minsi %add3A_1730, %min3A_1731 : i32
      %dma_start3A_1733 = arith.constant 1 : i32
      %dma_start3A_1734 = arith.constant 0 : i32
      %dma_start3A_1735 = arith.constant 0 : i32
      %dma_start3A_1736 = tpu.memref_slice %arg9[%dma_start3A_1733, %dma_start3A_1734, %dma_start3A_1735] : memref<2x128x128xf32, #tpu.memory_space<vmem>> -> memref<1x128x128xf32, #tpu.memory_space<vmem>>
      %dma_start3A_1737 = tpu.memref_squeeze %dma_start3A_1736 : memref<1x128x128xf32, #tpu.memory_space<vmem>> -> memref<128x128xf32, #tpu.memory_space<vmem>>
      %dma_start3A_1738 = arith.constant 0 : i32
      %dma_start3A_1739 = arith.constant 0 : i32
      %dma_start3A_1740 = tpu.memref_slice %arg3[%min3A_1732, %dma_start3A_1738, %dma_start3A_1739] : memref<2500x128x128xf32, #tpu.memory_space<hbm>> -> memref<1x128x128xf32, #tpu.memory_space<hbm>>
      %dma_start3A_1741 = tpu.memref_squeeze %dma_start3A_1740 : memref<1x128x128xf32, #tpu.memory_space<hbm>> -> memref<128x128xf32, #tpu.memory_space<hbm>>
      %dma_start3A_1742 = arith.constant 0 : i32
      %dma_start3A_1743 = arith.constant 0 : i32
      %dma_start3A_1744 = tpu.memref_slice %arg9[%dma_start3A_1733, %dma_start3A_1742, %dma_start3A_1743] : memref<2x128x128xf32, #tpu.memory_space<vmem>> -> memref<1x128x128xf32, #tpu.memory_space<vmem>>
      %dma_start3A_1745 = tpu.memref_squeeze %dma_start3A_1744 : memref<1x128x128xf32, #tpu.memory_space<vmem>> -> memref<128x128xf32, #tpu.memory_space<vmem>>
      %dma_start3A_1746 = arith.constant 0 : i32
      %dma_start3A_1747 = arith.constant 0 : i32
      %dma_start3A_1748 = tpu.memref_slice %arg3[%min3A_1732, %dma_start3A_1746, %dma_start3A_1747] : memref<2500x128x128xf32, #tpu.memory_space<hbm>> -> memref<1x128x128xf32, #tpu.memory_space<hbm>>
      %dma_start3A_1749 = tpu.memref_squeeze %dma_start3A_1748 : memref<1x128x128xf32, #tpu.memory_space<hbm>> -> memref<128x128xf32, #tpu.memory_space<hbm>>
      tpu.enqueue_dma source(%dma_start3A_1749 : memref<128x128xf32, #tpu.memory_space<hbm>>) target(%dma_start3A_1745 : memref<128x128xf32, #tpu.memory_space<vmem>>) target_semaphore(%arg15 : memref<!tpu.dma_semaphore, #tpu.memory_space<semaphore_mem>>)
      %while3A_1750 = arith.constant 0 : i32
      scf.yield %while3A_1750 : i32
    }
    %while3A_198 = arith.constant 1 : i32
    %while3A_199 = scf.for %while3A_331 = %while3A_195 to %while3A_191 step %while3A_198 iter_args(%while3A_332 = %while3A_197) -> (i32)  : i32 {
      %mul3A_333 = arith.constant 4 : i32
      %mul3A_334 = arith.muli %while3A_331, %mul3A_333 : i32
      %add3A_335 = arith.constant 0 : i32
      %add3A_336 = arith.addi %mul3A_334, %add3A_335 : i32
      %dma_wait3A_337 = arith.constant 0 : i32
      %dma_wait3A_338 = arith.constant 0 : i32
      %dma_wait3A_339 = arith.constant 0 : i32
      %dma_wait3A_340 = arith.constant 0 : i32
      %dma_wait3A_341 = tpu.memref_slice %arg10[%dma_wait3A_338, %dma_wait3A_339, %dma_wait3A_340] : memref<2x128x128xf32, #tpu.memory_space<vmem>> -> memref<1x128x128xf32, #tpu.memory_space<vmem>>
      %dma_wait3A_342 = tpu.memref_squeeze %dma_wait3A_341 : memref<1x128x128xf32, #tpu.memory_space<vmem>> -> memref<128x128xf32, #tpu.memory_space<vmem>>
      %dma_wait3A_343 = arith.constant 0 : i32
      %dma_wait3A_344 = arith.constant 0 : i32
      %dma_wait3A_345 = tpu.memref_slice %arg3[%dma_wait3A_337, %dma_wait3A_343, %dma_wait3A_344] : memref<2500x128x128xf32, #tpu.memory_space<hbm>> -> memref<1x128x128xf32, #tpu.memory_space<hbm>>
      %dma_wait3A_346 = tpu.memref_squeeze %dma_wait3A_345 : memref<1x128x128xf32, #tpu.memory_space<hbm>> -> memref<128x128xf32, #tpu.memory_space<hbm>>
      %dma_wait3A_347 = arith.constant 0 : i32
      %dma_wait3A_348 = arith.constant 0 : i32
      %dma_wait3A_349 = tpu.memref_slice %arg10[%dma_wait3A_338, %dma_wait3A_347, %dma_wait3A_348] : memref<2x128x128xf32, #tpu.memory_space<vmem>> -> memref<1x128x128xf32, #tpu.memory_space<vmem>>
      %dma_wait3A_350 = tpu.memref_squeeze %dma_wait3A_349 : memref<1x128x128xf32, #tpu.memory_space<vmem>> -> memref<128x128xf32, #tpu.memory_space<vmem>>
      %dma_wait3A_351 = arith.constant 0 : i32
      %dma_wait3A_352 = arith.constant 0 : i32
      %dma_wait3A_353 = tpu.memref_slice %arg3[%dma_wait3A_337, %dma_wait3A_351, %dma_wait3A_352] : memref<2500x128x128xf32, #tpu.memory_space<hbm>> -> memref<1x128x128xf32, #tpu.memory_space<hbm>>
      %dma_wait3A_354 = tpu.memref_squeeze %dma_wait3A_353 : memref<1x128x128xf32, #tpu.memory_space<hbm>> -> memref<128x128xf32, #tpu.memory_space<hbm>>
      tpu.wait_dma2 semaphore(%arg14 : memref<!tpu.dma_semaphore, #tpu.memory_space<semaphore_mem>>) src(%dma_wait3A_354 : memref<128x128xf32, #tpu.memory_space<hbm>>) dst(%dma_wait3A_350 : memref<128x128xf32, #tpu.memory_space<vmem>>)
      %dma_wait3A_355 = arith.constant 0 : i32
      %dma_wait3A_356 = arith.constant 0 : i32
      %dma_wait3A_357 = arith.constant 0 : i32
      %dma_wait3A_358 = arith.constant 0 : i32
      %dma_wait3A_359 = tpu.memref_slice %arg9[%dma_wait3A_356, %dma_wait3A_357, %dma_wait3A_358] : memref<2x128x128xf32, #tpu.memory_space<vmem>> -> memref<1x128x128xf32, #tpu.memory_space<vmem>>
      %dma_wait3A_360 = tpu.memref_squeeze %dma_wait3A_359 : memref<1x128x128xf32, #tpu.memory_space<vmem>> -> memref<128x128xf32, #tpu.memory_space<vmem>>
      %dma_wait3A_361 = arith.constant 0 : i32
      %dma_wait3A_362 = arith.constant 0 : i32
      %dma_wait3A_363 = tpu.memref_slice %arg3[%dma_wait3A_355, %dma_wait3A_361, %dma_wait3A_362] : memref<2500x128x128xf32, #tpu.memory_space<hbm>> -> memref<1x128x128xf32, #tpu.memory_space<hbm>>
      %dma_wait3A_364 = tpu.memref_squeeze %dma_wait3A_363 : memref<1x128x128xf32, #tpu.memory_space<hbm>> -> memref<128x128xf32, #tpu.memory_space<hbm>>
      %dma_wait3A_365 = arith.constant 0 : i32
      %dma_wait3A_366 = arith.constant 0 : i32
      %dma_wait3A_367 = tpu.memref_slice %arg9[%dma_wait3A_356, %dma_wait3A_365, %dma_wait3A_366] : memref<2x128x128xf32, #tpu.memory_space<vmem>> -> memref<1x128x128xf32, #tpu.memory_space<vmem>>
      %dma_wait3A_368 = tpu.memref_squeeze %dma_wait3A_367 : memref<1x128x128xf32, #tpu.memory_space<vmem>> -> memref<128x128xf32, #tpu.memory_space<vmem>>
      %dma_wait3A_369 = arith.constant 0 : i32
      %dma_wait3A_370 = arith.constant 0 : i32
      %dma_wait3A_371 = tpu.memref_slice %arg3[%dma_wait3A_355, %dma_wait3A_369, %dma_wait3A_370] : memref<2500x128x128xf32, #tpu.memory_space<hbm>> -> memref<1x128x128xf32, #tpu.memory_space<hbm>>
      %dma_wait3A_372 = tpu.memref_squeeze %dma_wait3A_371 : memref<1x128x128xf32, #tpu.memory_space<hbm>> -> memref<128x128xf32, #tpu.memory_space<hbm>>
      tpu.wait_dma2 semaphore(%arg14 : memref<!tpu.dma_semaphore, #tpu.memory_space<semaphore_mem>>) src(%dma_wait3A_372 : memref<128x128xf32, #tpu.memory_space<hbm>>) dst(%dma_wait3A_368 : memref<128x128xf32, #tpu.memory_space<vmem>>)
      %get3A_373 = arith.constant 0 : i32
      %get3A_374 = arith.constant 0 : i32
      %get3A_375 = arith.index_cast %get3A_373 : i32 to index
      %get3A_376 = arith.index_cast %get3A_374 : i32 to index
      %get3A_377 = arith.constant 0 : index
      %get3A_378 = tpu.vector_load %arg7[%get3A_375, %get3A_376, %get3A_377] {strides = array<i32>} : memref<4x2x128xi32, #tpu.memory_space<vmem>>, vector<1x1x16xi32>,
      %get3A_379 = vector.shape_cast %get3A_378 : vector<1x1x16xi32> to vector<16xi32>
      %sub3A_380 = vector.broadcast %mul3A_44 : i32 to vector<16xi32>
      %sub3A_381 = arith.subi %get3A_379, %sub3A_380 : vector<16xi32>
      %ge3A = arith.constant 0 : i32
      %ge3A_382 = vector.broadcast %ge3A : i32 to vector<16xi32>
      %ge3A_383 = arith.cmpi sge, %sub3A_381, %ge3A_382 : vector<16xi32>
      %lt3A_384 = arith.constant 5120 : i32
      %lt3A_385 = vector.broadcast %lt3A_384 : i32 to vector<16xi32>
      %lt3A_386 = arith.cmpi slt, %sub3A_381, %lt3A_385 : vector<16xi32>
      %and3A_387 = arith.andi %ge3A_383, %lt3A_386 : vector<16xi1>
      %jit3A_388 = arith.constant 5120 : i32
      %broadcast_in_dim3A = vector.broadcast %jit3A_388 : i32 to vector<16xi32>
      %select_n3A_389 = arith.select %and3A_387, %sub3A_381, %broadcast_in_dim3A : vector<16xi1>, vector<16xi32>
      %swap3A = arith.constant 0 : i32
      %swap3A_390 = arith.constant 0 : i32
      %swap3A_391 = arith.index_cast %swap3A : i32 to index
      %swap3A_392 = arith.index_cast %swap3A_390 : i32 to index
      %swap3A_393 = arith.constant 0 : index
      %swap3A_394 = tpu.vector_load %arg8[%swap3A_391, %swap3A_392, %swap3A_393] {strides = array<i32>} : memref<2x1x128xi32, #tpu.memory_space<vmem>>, vector<1x1x16xi32>,
      %swap3A_395 = vector.shape_cast %swap3A_394 : vector<1x1x16xi32> to vector<16xi32>
      %swap3A_396 = vector.shape_cast %select_n3A_389 : vector<16xi32> to vector<1x1x16xi32>
      tpu.vector_store %arg8[%swap3A_391, %swap3A_392, %swap3A_393], %swap3A_396 {strides = array<i32>} : memref<2x1x128xi32, #tpu.memory_space<vmem>>, vector<1x1x16xi32>,
      %get3A_397 = arith.constant 0 : i32
      %get3A_398 = arith.constant 0 : i32
      %get3A_399 = arith.index_cast %get3A_397 : i32 to index
      %get3A_400 = arith.index_cast %get3A_398 : i32 to index
      %get3A_401 = arith.constant 16 : index
      %get3A_402 = tpu.vector_load %arg7[%get3A_399, %get3A_400, %get3A_401] {strides = array<i32>} : memref<4x2x128xi32, #tpu.memory_space<vmem>>, vector<1x1x16xi32>,
      %get3A_403 = vector.shape_cast %get3A_402 : vector<1x1x16xi32> to vector<16xi32>
      %sub3A_404 = vector.broadcast %mul3A_44 : i32 to vector<16xi32>
      %sub3A_405 = arith.subi %get3A_403, %sub3A_404 : vector<16xi32>
      %ge3A_406 = arith.constant 0 : i32
      %ge3A_407 = vector.broadcast %ge3A_406 : i32 to vector<16xi32>
      %ge3A_408 = arith.cmpi sge, %sub3A_405, %ge3A_407 : vector<16xi32>
      %lt3A_409 = arith.constant 5120 : i32
      %lt3A_410 = vector.broadcast %lt3A_409 : i32 to vector<16xi32>
      %lt3A_411 = arith.cmpi slt, %sub3A_405, %lt3A_410 : vector<16xi32>
      %and3A_412 = arith.andi %ge3A_408, %lt3A_411 : vector<16xi1>
      %jit3A_413 = arith.constant 5120 : i32
      %broadcast_in_dim3A_414 = vector.broadcast %jit3A_413 : i32 to vector<16xi32>
      %select_n3A_415 = arith.select %and3A_412, %sub3A_405, %broadcast_in_dim3A_414 : vector<16xi1>, vector<16xi32>
      %swap3A_416 = arith.constant 0 : i32
      %swap3A_417 = arith.constant 0 : i32
      %swap3A_418 = arith.index_cast %swap3A_416 : i32 to index
      %swap3A_419 = arith.index_cast %swap3A_417 : i32 to index
      %swap3A_420 = arith.constant 16 : index
      %swap3A_421 = tpu.vector_load %arg8[%swap3A_418, %swap3A_419, %swap3A_420] {strides = array<i32>} : memref<2x1x128xi32, #tpu.memory_space<vmem>>, vector<1x1x16xi32>,
      %swap3A_422 = vector.shape_cast %swap3A_421 : vector<1x1x16xi32> to vector<16xi32>
      %swap3A_423 = vector.shape_cast %select_n3A_415 : vector<16xi32> to vector<1x1x16xi32>
      tpu.vector_store %arg8[%swap3A_418, %swap3A_419, %swap3A_420], %swap3A_423 {strides = array<i32>} : memref<2x1x128xi32, #tpu.memory_space<vmem>>, vector<1x1x16xi32>,
      %get3A_424 = arith.constant 0 : i32
      %get3A_425 = arith.constant 0 : i32
      %get3A_426 = arith.index_cast %get3A_424 : i32 to index
      %get3A_427 = arith.index_cast %get3A_425 : i32 to index
      %get3A_428 = arith.constant 32 : index
      %get3A_429 = tpu.vector_load %arg7[%get3A_426, %get3A_427, %get3A_428] {strides = array<i32>} : memref<4x2x128xi32, #tpu.memory_space<vmem>>, vector<1x1x16xi32>,
      %get3A_430 = vector.shape_cast %get3A_429 : vector<1x1x16xi32> to vector<16xi32>
      %sub3A_431 = vector.broadcast %mul3A_44 : i32 to vector<16xi32>
      %sub3A_432 = arith.subi %get3A_430, %sub3A_431 : vector<16xi32>
      %ge3A_433 = arith.constant 0 : i32
      %ge3A_434 = vector.broadcast %ge3A_433 : i32 to vector<16xi32>
      %ge3A_435 = arith.cmpi sge, %sub3A_432, %ge3A_434 : vector<16xi32>
      %lt3A_436 = arith.constant 5120 : i32
      %lt3A_437 = vector.broadcast %lt3A_436 : i32 to vector<16xi32>
      %lt3A_438 = arith.cmpi slt, %sub3A_432, %lt3A_437 : vector<16xi32>
      %and3A_439 = arith.andi %ge3A_435, %lt3A_438 : vector<16xi1>
      %jit3A_440 = arith.constant 5120 : i32
      %broadcast_in_dim3A_441 = vector.broadcast %jit3A_440 : i32 to vector<16xi32>
      %select_n3A_442 = arith.select %and3A_439, %sub3A_432, %broadcast_in_dim3A_441 : vector<16xi1>, vector<16xi32>
      %swap3A_443 = arith.constant 0 : i32
      %swap3A_444 = arith.constant 0 : i32
      %swap3A_445 = arith.index_cast %swap3A_443 : i32 to index
      %swap3A_446 = arith.index_cast %swap3A_444 : i32 to index
      %swap3A_447 = arith.constant 32 : index
      %swap3A_448 = tpu.vector_load %arg8[%swap3A_445, %swap3A_446, %swap3A_447] {strides = array<i32>} : memref<2x1x128xi32, #tpu.memory_space<vmem>>, vector<1x1x16xi32>,
      %swap3A_449 = vector.shape_cast %swap3A_448 : vector<1x1x16xi32> to vector<16xi32>
      %swap3A_450 = vector.shape_cast %select_n3A_442 : vector<16xi32> to vector<1x1x16xi32>
      tpu.vector_store %arg8[%swap3A_445, %swap3A_446, %swap3A_447], %swap3A_450 {strides = array<i32>} : memref<2x1x128xi32, #tpu.memory_space<vmem>>, vector<1x1x16xi32>,
      %get3A_451 = arith.constant 0 : i32
      %get3A_452 = arith.constant 0 : i32
      %get3A_453 = arith.index_cast %get3A_451 : i32 to index
      %get3A_454 = arith.index_cast %get3A_452 : i32 to index
      %get3A_455 = arith.constant 48 : index
      %get3A_456 = tpu.vector_load %arg7[%get3A_453, %get3A_454, %get3A_455] {strides = array<i32>} : memref<4x2x128xi32, #tpu.memory_space<vmem>>, vector<1x1x16xi32>,
      %get3A_457 = vector.shape_cast %get3A_456 : vector<1x1x16xi32> to vector<16xi32>
      %sub3A_458 = vector.broadcast %mul3A_44 : i32 to vector<16xi32>
      %sub3A_459 = arith.subi %get3A_457, %sub3A_458 : vector<16xi32>
      %ge3A_460 = arith.constant 0 : i32
      %ge3A_461 = vector.broadcast %ge3A_460 : i32 to vector<16xi32>
      %ge3A_462 = arith.cmpi sge, %sub3A_459, %ge3A_461 : vector<16xi32>
      %lt3A_463 = arith.constant 5120 : i32
      %lt3A_464 = vector.broadcast %lt3A_463 : i32 to vector<16xi32>
      %lt3A_465 = arith.cmpi slt, %sub3A_459, %lt3A_464 : vector<16xi32>
      %and3A_466 = arith.andi %ge3A_462, %lt3A_465 : vector<16xi1>
      %jit3A_467 = arith.constant 5120 : i32
      %broadcast_in_dim3A_468 = vector.broadcast %jit3A_467 : i32 to vector<16xi32>
      %select_n3A_469 = arith.select %and3A_466, %sub3A_459, %broadcast_in_dim3A_468 : vector<16xi1>, vector<16xi32>
      %swap3A_470 = arith.constant 0 : i32
      %swap3A_471 = arith.constant 0 : i32
      %swap3A_472 = arith.index_cast %swap3A_470 : i32 to index
      %swap3A_473 = arith.index_cast %swap3A_471 : i32 to index
      %swap3A_474 = arith.constant 48 : index
      %swap3A_475 = tpu.vector_load %arg8[%swap3A_472, %swap3A_473, %swap3A_474] {strides = array<i32>} : memref<2x1x128xi32, #tpu.memory_space<vmem>>, vector<1x1x16xi32>,
      %swap3A_476 = vector.shape_cast %swap3A_475 : vector<1x1x16xi32> to vector<16xi32>
      %swap3A_477 = vector.shape_cast %select_n3A_469 : vector<16xi32> to vector<1x1x16xi32>
      tpu.vector_store %arg8[%swap3A_472, %swap3A_473, %swap3A_474], %swap3A_477 {strides = array<i32>} : memref<2x1x128xi32, #tpu.memory_space<vmem>>, vector<1x1x16xi32>,
      %get3A_478 = arith.constant 0 : i32
      %get3A_479 = arith.constant 0 : i32
      %get3A_480 = arith.index_cast %get3A_478 : i32 to index
      %get3A_481 = arith.index_cast %get3A_479 : i32 to index
      %get3A_482 = arith.constant 64 : index
      %get3A_483 = tpu.vector_load %arg7[%get3A_480, %get3A_481, %get3A_482] {strides = array<i32>} : memref<4x2x128xi32, #tpu.memory_space<vmem>>, vector<1x1x16xi32>,
      %get3A_484 = vector.shape_cast %get3A_483 : vector<1x1x16xi32> to vector<16xi32>
      %sub3A_485 = vector.broadcast %mul3A_44 : i32 to vector<16xi32>
      %sub3A_486 = arith.subi %get3A_484, %sub3A_485 : vector<16xi32>
      %ge3A_487 = arith.constant 0 : i32
      %ge3A_488 = vector.broadcast %ge3A_487 : i32 to vector<16xi32>
      %ge3A_489 = arith.cmpi sge, %sub3A_486, %ge3A_488 : vector<16xi32>
      %lt3A_490 = arith.constant 5120 : i32
      %lt3A_491 = vector.broadcast %lt3A_490 : i32 to vector<16xi32>
      %lt3A_492 = arith.cmpi slt, %sub3A_486, %lt3A_491 : vector<16xi32>
      %and3A_493 = arith.andi %ge3A_489, %lt3A_492 : vector<16xi1>
      %jit3A_494 = arith.constant 5120 : i32
      %broadcast_in_dim3A_495 = vector.broadcast %jit3A_494 : i32 to vector<16xi32>
      %select_n3A_496 = arith.select %and3A_493, %sub3A_486, %broadcast_in_dim3A_495 : vector<16xi1>, vector<16xi32>
      %swap3A_497 = arith.constant 0 : i32
      %swap3A_498 = arith.constant 0 : i32
      %swap3A_499 = arith.index_cast %swap3A_497 : i32 to index
      %swap3A_500 = arith.index_cast %swap3A_498 : i32 to index
      %swap3A_501 = arith.constant 64 : index
      %swap3A_502 = tpu.vector_load %arg8[%swap3A_499, %swap3A_500, %swap3A_501] {strides = array<i32>} : memref<2x1x128xi32, #tpu.memory_space<vmem>>, vector<1x1x16xi32>,
      %swap3A_503 = vector.shape_cast %swap3A_502 : vector<1x1x16xi32> to vector<16xi32>
      %swap3A_504 = vector.shape_cast %select_n3A_496 : vector<16xi32> to vector<1x1x16xi32>
      tpu.vector_store %arg8[%swap3A_499, %swap3A_500, %swap3A_501], %swap3A_504 {strides = array<i32>} : memref<2x1x128xi32, #tpu.memory_space<vmem>>, vector<1x1x16xi32>,
      %get3A_505 = arith.constant 0 : i32
      %get3A_506 = arith.constant 0 : i32
      %get3A_507 = arith.index_cast %get3A_505 : i32 to index
      %get3A_508 = arith.index_cast %get3A_506 : i32 to index
      %get3A_509 = arith.constant 80 : index
      %get3A_510 = tpu.vector_load %arg7[%get3A_507, %get3A_508, %get3A_509] {strides = array<i32>} : memref<4x2x128xi32, #tpu.memory_space<vmem>>, vector<1x1x16xi32>,
      %get3A_511 = vector.shape_cast %get3A_510 : vector<1x1x16xi32> to vector<16xi32>
      %sub3A_512 = vector.broadcast %mul3A_44 : i32 to vector<16xi32>
      %sub3A_513 = arith.subi %get3A_511, %sub3A_512 : vector<16xi32>
      %ge3A_514 = arith.constant 0 : i32
      %ge3A_515 = vector.broadcast %ge3A_514 : i32 to vector<16xi32>
      %ge3A_516 = arith.cmpi sge, %sub3A_513, %ge3A_515 : vector<16xi32>
      %lt3A_517 = arith.constant 5120 : i32
      %lt3A_518 = vector.broadcast %lt3A_517 : i32 to vector<16xi32>
      %lt3A_519 = arith.cmpi slt, %sub3A_513, %lt3A_518 : vector<16xi32>
      %and3A_520 = arith.andi %ge3A_516, %lt3A_519 : vector<16xi1>
      %jit3A_521 = arith.constant 5120 : i32
      %broadcast_in_dim3A_522 = vector.broadcast %jit3A_521 : i32 to vector<16xi32>
      %select_n3A_523 = arith.select %and3A_520, %sub3A_513, %broadcast_in_dim3A_522 : vector<16xi1>, vector<16xi32>
      %swap3A_524 = arith.constant 0 : i32
      %swap3A_525 = arith.constant 0 : i32
      %swap3A_526 = arith.index_cast %swap3A_524 : i32 to index
      %swap3A_527 = arith.index_cast %swap3A_525 : i32 to index
      %swap3A_528 = arith.constant 80 : index
      %swap3A_529 = tpu.vector_load %arg8[%swap3A_526, %swap3A_527, %swap3A_528] {strides = array<i32>} : memref<2x1x128xi32, #tpu.memory_space<vmem>>, vector<1x1x16xi32>,
      %swap3A_530 = vector.shape_cast %swap3A_529 : vector<1x1x16xi32> to vector<16xi32>
      %swap3A_531 = vector.shape_cast %select_n3A_523 : vector<16xi32> to vector<1x1x16xi32>
      tpu.vector_store %arg8[%swap3A_526, %swap3A_527, %swap3A_528], %swap3A_531 {strides = array<i32>} : memref<2x1x128xi32, #tpu.memory_space<vmem>>, vector<1x1x16xi32>,
      %get3A_532 = arith.constant 0 : i32
      %get3A_533 = arith.constant 0 : i32
      %get3A_534 = arith.index_cast %get3A_532 : i32 to index
      %get3A_535 = arith.index_cast %get3A_533 : i32 to index
      %get3A_536 = arith.constant 96 : index
      %get3A_537 = tpu.vector_load %arg7[%get3A_534, %get3A_535, %get3A_536] {strides = array<i32>} : memref<4x2x128xi32, #tpu.memory_space<vmem>>, vector<1x1x16xi32>,
      %get3A_538 = vector.shape_cast %get3A_537 : vector<1x1x16xi32> to vector<16xi32>
      %sub3A_539 = vector.broadcast %mul3A_44 : i32 to vector<16xi32>
      %sub3A_540 = arith.subi %get3A_538, %sub3A_539 : vector<16xi32>
      %ge3A_541 = arith.constant 0 : i32
      %ge3A_542 = vector.broadcast %ge3A_541 : i32 to vector<16xi32>
      %ge3A_543 = arith.cmpi sge, %sub3A_540, %ge3A_542 : vector<16xi32>
      %lt3A_544 = arith.constant 5120 : i32
      %lt3A_545 = vector.broadcast %lt3A_544 : i32 to vector<16xi32>
      %lt3A_546 = arith.cmpi slt, %sub3A_540, %lt3A_545 : vector<16xi32>
      %and3A_547 = arith.andi %ge3A_543, %lt3A_546 : vector<16xi1>
      %jit3A_548 = arith.constant 5120 : i32
      %broadcast_in_dim3A_549 = vector.broadcast %jit3A_548 : i32 to vector<16xi32>
      %select_n3A_550 = arith.select %and3A_547, %sub3A_540, %broadcast_in_dim3A_549 : vector<16xi1>, vector<16xi32>
      %swap3A_551 = arith.constant 0 : i32
      %swap3A_552 = arith.constant 0 : i32
      %swap3A_553 = arith.index_cast %swap3A_551 : i32 to index
      %swap3A_554 = arith.index_cast %swap3A_552 : i32 to index
      %swap3A_555 = arith.constant 96 : index
      %swap3A_556 = tpu.vector_load %arg8[%swap3A_553, %swap3A_554, %swap3A_555] {strides = array<i32>} : memref<2x1x128xi32, #tpu.memory_space<vmem>>, vector<1x1x16xi32>,
      %swap3A_557 = vector.shape_cast %swap3A_556 : vector<1x1x16xi32> to vector<16xi32>
      %swap3A_558 = vector.shape_cast %select_n3A_550 : vector<16xi32> to vector<1x1x16xi32>
      tpu.vector_store %arg8[%swap3A_553, %swap3A_554, %swap3A_555], %swap3A_558 {strides = array<i32>} : memref<2x1x128xi32, #tpu.memory_space<vmem>>, vector<1x1x16xi32>,
      %get3A_559 = arith.constant 0 : i32
      %get3A_560 = arith.constant 0 : i32
      %get3A_561 = arith.index_cast %get3A_559 : i32 to index
      %get3A_562 = arith.index_cast %get3A_560 : i32 to index
      %get3A_563 = arith.constant 112 : index
      %get3A_564 = tpu.vector_load %arg7[%get3A_561, %get3A_562, %get3A_563] {strides = array<i32>} : memref<4x2x128xi32, #tpu.memory_space<vmem>>, vector<1x1x16xi32>,
      %get3A_565 = vector.shape_cast %get3A_564 : vector<1x1x16xi32> to vector<16xi32>
      %sub3A_566 = vector.broadcast %mul3A_44 : i32 to vector<16xi32>
      %sub3A_567 = arith.subi %get3A_565, %sub3A_566 : vector<16xi32>
      %ge3A_568 = arith.constant 0 : i32
      %ge3A_569 = vector.broadcast %ge3A_568 : i32 to vector<16xi32>
      %ge3A_570 = arith.cmpi sge, %sub3A_567, %ge3A_569 : vector<16xi32>
      %lt3A_571 = arith.constant 5120 : i32
      %lt3A_572 = vector.broadcast %lt3A_571 : i32 to vector<16xi32>
      %lt3A_573 = arith.cmpi slt, %sub3A_567, %lt3A_572 : vector<16xi32>
      %and3A_574 = arith.andi %ge3A_570, %lt3A_573 : vector<16xi1>
      %jit3A_575 = arith.constant 5120 : i32
      %broadcast_in_dim3A_576 = vector.broadcast %jit3A_575 : i32 to vector<16xi32>
      %select_n3A_577 = arith.select %and3A_574, %sub3A_567, %broadcast_in_dim3A_576 : vector<16xi1>, vector<16xi32>
      %swap3A_578 = arith.constant 0 : i32
      %swap3A_579 = arith.constant 0 : i32
      %swap3A_580 = arith.index_cast %swap3A_578 : i32 to index
      %swap3A_581 = arith.index_cast %swap3A_579 : i32 to index
      %swap3A_582 = arith.constant 112 : index
      %swap3A_583 = tpu.vector_load %arg8[%swap3A_580, %swap3A_581, %swap3A_582] {strides = array<i32>} : memref<2x1x128xi32, #tpu.memory_space<vmem>>, vector<1x1x16xi32>,
      %swap3A_584 = vector.shape_cast %swap3A_583 : vector<1x1x16xi32> to vector<16xi32>
      %swap3A_585 = vector.shape_cast %select_n3A_577 : vector<16xi32> to vector<1x1x16xi32>
      tpu.vector_store %arg8[%swap3A_580, %swap3A_581, %swap3A_582], %swap3A_585 {strides = array<i32>} : memref<2x1x128xi32, #tpu.memory_space<vmem>>, vector<1x1x16xi32>,
      %add3A_586 = arith.constant 4 : i32
      %add3A_587 = arith.addi %add3A_336, %add3A_586 : i32
      %mul3A_588 = arith.constant 16 : i32
      %mul3A_589 = arith.muli %add3A_587, %mul3A_588 : i32
      %add3A_590 = arith.addi %add3A_42, %mul3A_589 : i32
      %min3A_591 = arith.constant 2499 : i32
      %min3A_592 = arith.minsi %add3A_590, %min3A_591 : i32
      %dma_start3A_593 = arith.constant 0 : i32
      %dma_start3A_594 = arith.constant 0 : i32
      %dma_start3A_595 = arith.constant 0 : i32
      %dma_start3A_596 = tpu.memref_slice %arg7[%dma_start3A_593, %dma_start3A_594, %dma_start3A_595] : memref<4x2x128xi32, #tpu.memory_space<vmem>> -> memref<1x2x128xi32, #tpu.memory_space<vmem>>
      %dma_start3A_597 = tpu.memref_squeeze %dma_start3A_596 : memref<1x2x128xi32, #tpu.memory_space<vmem>> -> memref<2x128xi32, #tpu.memory_space<vmem>>
      %dma_start3A_598 = arith.constant 0 : i32
      %dma_start3A_599 = arith.constant 0 : i32
      %dma_start3A_600 = tpu.memref_slice %arg4[%min3A_592, %dma_start3A_598, %dma_start3A_599] : memref<2500x2x128xi32, #tpu.memory_space<hbm>> -> memref<1x2x128xi32, #tpu.memory_space<hbm>>
      %dma_start3A_601 = tpu.memref_squeeze %dma_start3A_600 : memref<1x2x128xi32, #tpu.memory_space<hbm>> -> memref<2x128xi32, #tpu.memory_space<hbm>>
      %dma_start3A_602 = arith.constant 0 : i32
      %dma_start3A_603 = arith.constant 0 : i32
      %dma_start3A_604 = tpu.memref_slice %arg7[%dma_start3A_593, %dma_start3A_602, %dma_start3A_603] : memref<4x2x128xi32, #tpu.memory_space<vmem>> -> memref<1x2x128xi32, #tpu.memory_space<vmem>>
      %dma_start3A_605 = tpu.memref_squeeze %dma_start3A_604 : memref<1x2x128xi32, #tpu.memory_space<vmem>> -> memref<2x128xi32, #tpu.memory_space<vmem>>
      %dma_start3A_606 = arith.constant 0 : i32
      %dma_start3A_607 = arith.constant 0 : i32
      %dma_start3A_608 = tpu.memref_slice %arg4[%min3A_592, %dma_start3A_606, %dma_start3A_607] : memref<2500x2x128xi32, #tpu.memory_space<hbm>> -> memref<1x2x128xi32, #tpu.memory_space<hbm>>
      %dma_start3A_609 = tpu.memref_squeeze %dma_start3A_608 : memref<1x2x128xi32, #tpu.memory_space<hbm>> -> memref<2x128xi32, #tpu.memory_space<hbm>>
      tpu.enqueue_dma source(%dma_start3A_609 : memref<2x128xi32, #tpu.memory_space<hbm>>) target(%dma_start3A_605 : memref<2x128xi32, #tpu.memory_space<vmem>>) target_semaphore(%arg16 : memref<!tpu.dma_semaphore, #tpu.memory_space<semaphore_mem>>)
      %ge3A_610 = arith.constant 1 : i32
      %ge3A_611 = arith.cmpi sge, %add3A_336, %ge3A_610 : i32
      %sub3A_612 = arith.constant 1 : i32
      %sub3A_613 = arith.subi %add3A_336, %sub3A_612 : i32
      %lt3A_614 = arith.cmpi slt, %sub3A_613, %select_n3A_40 : i32
      %and3A_615 = arith.andi %ge3A_611, %lt3A_614 : i1
      %convert_element_type3A_616 = arith.extui %and3A_615 : i1 to i32
      %cond3A_617 = arith.constant 0 : i32
      %cond3A_618 = arith.cmpi ne, %convert_element_type3A_616, %cond3A_617 : i32
      scf.if %cond3A_618 {
        %dma_wait3A_1751 = arith.constant 1 : i32
        %dma_wait3A_1752 = arith.constant 0 : i32
        %dma_wait3A_1753 = arith.constant 0 : i32
        %dma_wait3A_1754 = tpu.memref_slice %arg8[%dma_wait3A_1751, %dma_wait3A_1752, %dma_wait3A_1753] : memref<2x1x128xi32, #tpu.memory_space<vmem>> -> memref<1x1x128xi32, #tpu.memory_space<vmem>>
        %dma_wait3A_1755 = tpu.memref_squeeze %dma_wait3A_1754 : memref<1x1x128xi32, #tpu.memory_space<vmem>> -> memref<128xi32, #tpu.memory_space<vmem>>
        %dma_wait3A_1756 = arith.constant 0 : i32
        %dma_wait3A_1757 = arith.constant 0 : i32
        %dma_wait3A_1758 = tpu.memref_slice %arg13[%dma_wait3A_1756, %dma_wait3A_1757] : memref<5248x128xf32, #tpu.memory_space<vmem_shared>> -> memref<5248x128xf32, #tpu.memory_space<vmem_shared>>
        tpu.wait_indirect_dma semaphore(%arg20 : memref<!tpu.dma_semaphore, #tpu.memory_space<semaphore_mem>>) src(%arg11 : memref<128x128xf32, #tpu.memory_space<vmem>>) dst(%dma_wait3A_1758 : memref<5248x128xf32, #tpu.memory_space<vmem_shared>>)
      } else {
      }
      %scan3A_619 = arith.constant 0 : i32
      %scan3A_620 = arith.constant 0 : i32
      %scan3A_621 = arith.constant 128 : i32
      %scan3A_622 = arith.addi %scan3A_620, %scan3A_621 : i32
      %scan3A_623 = arith.constant 1 : i32
      %scan3A_624 = scf.for %scan3A_1751 = %scan3A_620 to %scan3A_622 step %scan3A_623 iter_args(%scan3A_1752 = %scan3A_619) -> (i32)  : i32 {
        %get3A_1753 = arith.constant 0 : i32
        %get3A_1754 = arith.index_cast %get3A_1753 : i32 to index
        %get3A_1755 = arith.index_cast %scan3A_1751 : i32 to index
        %get3A_1756 = arith.constant 0 : index
        %get3A_1757 = tpu.vector_load %arg10[%get3A_1754, %get3A_1755, %get3A_1756] {strides = array<i32>} : memref<2x128x128xf32, #tpu.memory_space<vmem>>, vector<1x1x16xf32>,
        %get3A_1758 = vector.shape_cast %get3A_1757 : vector<1x1x16xf32> to vector<16xf32>
        %get3A_1759 = arith.constant 0 : i32
        %get3A_1760 = arith.index_cast %get3A_1759 : i32 to index
        %get3A_1761 = arith.index_cast %scan3A_1751 : i32 to index
        %get3A_1762 = arith.constant 0 : index
        %get3A_1763 = tpu.vector_load %arg9[%get3A_1760, %get3A_1761, %get3A_1762] {strides = array<i32>} : memref<2x128x128xf32, #tpu.memory_space<vmem>>, vector<1x1x16xf32>,
        %get3A_1764 = vector.shape_cast %get3A_1763 : vector<1x1x16xf32> to vector<16xf32>
        %mul3A_1765 = arith.mulf %get3A_1758, %get3A_1764 : vector<16xf32>
        %swap3A_1766 = arith.index_cast %scan3A_1751 : i32 to index
        %swap3A_1767 = arith.constant 0 : index
        %swap3A_1768 = tpu.vector_load %arg11[%swap3A_1766, %swap3A_1767] {strides = array<i32>} : memref<128x128xf32, #tpu.memory_space<vmem>>, vector<1x16xf32>,
        %swap3A_1769 = vector.shape_cast %swap3A_1768 : vector<1x16xf32> to vector<16xf32>
        %swap3A_1770 = vector.shape_cast %mul3A_1765 : vector<16xf32> to vector<1x16xf32>
        tpu.vector_store %arg11[%swap3A_1766, %swap3A_1767], %swap3A_1770 {strides = array<i32>} : memref<128x128xf32, #tpu.memory_space<vmem>>, vector<1x16xf32>,
        %get3A_1771 = arith.constant 0 : i32
        %get3A_1772 = arith.index_cast %get3A_1771 : i32 to index
        %get3A_1773 = arith.index_cast %scan3A_1751 : i32 to index
        %get3A_1774 = arith.constant 16 : index
        %get3A_1775 = tpu.vector_load %arg10[%get3A_1772, %get3A_1773, %get3A_1774] {strides = array<i32>} : memref<2x128x128xf32, #tpu.memory_space<vmem>>, vector<1x1x16xf32>,
        %get3A_1776 = vector.shape_cast %get3A_1775 : vector<1x1x16xf32> to vector<16xf32>
        %get3A_1777 = arith.constant 0 : i32
        %get3A_1778 = arith.index_cast %get3A_1777 : i32 to index
        %get3A_1779 = arith.index_cast %scan3A_1751 : i32 to index
        %get3A_1780 = arith.constant 16 : index
        %get3A_1781 = tpu.vector_load %arg9[%get3A_1778, %get3A_1779, %get3A_1780] {strides = array<i32>} : memref<2x128x128xf32, #tpu.memory_space<vmem>>, vector<1x1x16xf32>,
        %get3A_1782 = vector.shape_cast %get3A_1781 : vector<1x1x16xf32> to vector<16xf32>
        %mul3A_1783 = arith.mulf %get3A_1776, %get3A_1782 : vector<16xf32>
        %swap3A_1784 = arith.index_cast %scan3A_1751 : i32 to index
        %swap3A_1785 = arith.constant 16 : index
        %swap3A_1786 = tpu.vector_load %arg11[%swap3A_1784, %swap3A_1785] {strides = array<i32>} : memref<128x128xf32, #tpu.memory_space<vmem>>, vector<1x16xf32>,
        %swap3A_1787 = vector.shape_cast %swap3A_1786 : vector<1x16xf32> to vector<16xf32>
        %swap3A_1788 = vector.shape_cast %mul3A_1783 : vector<16xf32> to vector<1x16xf32>
        tpu.vector_store %arg11[%swap3A_1784, %swap3A_1785], %swap3A_1788 {strides = array<i32>} : memref<128x128xf32, #tpu.memory_space<vmem>>, vector<1x16xf32>,
        %get3A_1789 = arith.constant 0 : i32
        %get3A_1790 = arith.index_cast %get3A_1789 : i32 to index
        %get3A_1791 = arith.index_cast %scan3A_1751 : i32 to index
        %get3A_1792 = arith.constant 32 : index
        %get3A_1793 = tpu.vector_load %arg10[%get3A_1790, %get3A_1791, %get3A_1792] {strides = array<i32>} : memref<2x128x128xf32, #tpu.memory_space<vmem>>, vector<1x1x16xf32>,
        %get3A_1794 = vector.shape_cast %get3A_1793 : vector<1x1x16xf32> to vector<16xf32>
        %get3A_1795 = arith.constant 0 : i32
        %get3A_1796 = arith.index_cast %get3A_1795 : i32 to index
        %get3A_1797 = arith.index_cast %scan3A_1751 : i32 to index
        %get3A_1798 = arith.constant 32 : index
        %get3A_1799 = tpu.vector_load %arg9[%get3A_1796, %get3A_1797, %get3A_1798] {strides = array<i32>} : memref<2x128x128xf32, #tpu.memory_space<vmem>>, vector<1x1x16xf32>,
        %get3A_1800 = vector.shape_cast %get3A_1799 : vector<1x1x16xf32> to vector<16xf32>
        %mul3A_1801 = arith.mulf %get3A_1794, %get3A_1800 : vector<16xf32>
        %swap3A_1802 = arith.index_cast %scan3A_1751 : i32 to index
        %swap3A_1803 = arith.constant 32 : index
        %swap3A_1804 = tpu.vector_load %arg11[%swap3A_1802, %swap3A_1803] {strides = array<i32>} : memref<128x128xf32, #tpu.memory_space<vmem>>, vector<1x16xf32>,
        %swap3A_1805 = vector.shape_cast %swap3A_1804 : vector<1x16xf32> to vector<16xf32>
        %swap3A_1806 = vector.shape_cast %mul3A_1801 : vector<16xf32> to vector<1x16xf32>
        tpu.vector_store %arg11[%swap3A_1802, %swap3A_1803], %swap3A_1806 {strides = array<i32>} : memref<128x128xf32, #tpu.memory_space<vmem>>, vector<1x16xf32>,
        %get3A_1807 = arith.constant 0 : i32
        %get3A_1808 = arith.index_cast %get3A_1807 : i32 to index
        %get3A_1809 = arith.index_cast %scan3A_1751 : i32 to index
        %get3A_1810 = arith.constant 48 : index
        %get3A_1811 = tpu.vector_load %arg10[%get3A_1808, %get3A_1809, %get3A_1810] {strides = array<i32>} : memref<2x128x128xf32, #tpu.memory_space<vmem>>, vector<1x1x16xf32>,
        %get3A_1812 = vector.shape_cast %get3A_1811 : vector<1x1x16xf32> to vector<16xf32>
        %get3A_1813 = arith.constant 0 : i32
        %get3A_1814 = arith.index_cast %get3A_1813 : i32 to index
        %get3A_1815 = arith.index_cast %scan3A_1751 : i32 to index
        %get3A_1816 = arith.constant 48 : index
        %get3A_1817 = tpu.vector_load %arg9[%get3A_1814, %get3A_1815, %get3A_1816] {strides = array<i32>} : memref<2x128x128xf32, #tpu.memory_space<vmem>>, vector<1x1x16xf32>,
        %get3A_1818 = vector.shape_cast %get3A_1817 : vector<1x1x16xf32> to vector<16xf32>
        %mul3A_1819 = arith.mulf %get3A_1812, %get3A_1818 : vector<16xf32>
        %swap3A_1820 = arith.index_cast %scan3A_1751 : i32 to index
        %swap3A_1821 = arith.constant 48 : index
        %swap3A_1822 = tpu.vector_load %arg11[%swap3A_1820, %swap3A_1821] {strides = array<i32>} : memref<128x128xf32, #tpu.memory_space<vmem>>, vector<1x16xf32>,
        %swap3A_1823 = vector.shape_cast %swap3A_1822 : vector<1x16xf32> to vector<16xf32>
        %swap3A_1824 = vector.shape_cast %mul3A_1819 : vector<16xf32> to vector<1x16xf32>
        tpu.vector_store %arg11[%swap3A_1820, %swap3A_1821], %swap3A_1824 {strides = array<i32>} : memref<128x128xf32, #tpu.memory_space<vmem>>, vector<1x16xf32>,
        %get3A_1825 = arith.constant 0 : i32
        %get3A_1826 = arith.index_cast %get3A_1825 : i32 to index
        %get3A_1827 = arith.index_cast %scan3A_1751 : i32 to index
        %get3A_1828 = arith.constant 64 : index
        %get3A_1829 = tpu.vector_load %arg10[%get3A_1826, %get3A_1827, %get3A_1828] {strides = array<i32>} : memref<2x128x128xf32, #tpu.memory_space<vmem>>, vector<1x1x16xf32>,
        %get3A_1830 = vector.shape_cast %get3A_1829 : vector<1x1x16xf32> to vector<16xf32>
        %get3A_1831 = arith.constant 0 : i32
        %get3A_1832 = arith.index_cast %get3A_1831 : i32 to index
        %get3A_1833 = arith.index_cast %scan3A_1751 : i32 to index
        %get3A_1834 = arith.constant 64 : index
        %get3A_1835 = tpu.vector_load %arg9[%get3A_1832, %get3A_1833, %get3A_1834] {strides = array<i32>} : memref<2x128x128xf32, #tpu.memory_space<vmem>>, vector<1x1x16xf32>,
        %get3A_1836 = vector.shape_cast %get3A_1835 : vector<1x1x16xf32> to vector<16xf32>
        %mul3A_1837 = arith.mulf %get3A_1830, %get3A_1836 : vector<16xf32>
        %swap3A_1838 = arith.index_cast %scan3A_1751 : i32 to index
        %swap3A_1839 = arith.constant 64 : index
        %swap3A_1840 = tpu.vector_load %arg11[%swap3A_1838, %swap3A_1839] {strides = array<i32>} : memref<128x128xf32, #tpu.memory_space<vmem>>, vector<1x16xf32>,
        %swap3A_1841 = vector.shape_cast %swap3A_1840 : vector<1x16xf32> to vector<16xf32>
        %swap3A_1842 = vector.shape_cast %mul3A_1837 : vector<16xf32> to vector<1x16xf32>
        tpu.vector_store %arg11[%swap3A_1838, %swap3A_1839], %swap3A_1842 {strides = array<i32>} : memref<128x128xf32, #tpu.memory_space<vmem>>, vector<1x16xf32>,
        %get3A_1843 = arith.constant 0 : i32
        %get3A_1844 = arith.index_cast %get3A_1843 : i32 to index
        %get3A_1845 = arith.index_cast %scan3A_1751 : i32 to index
        %get3A_1846 = arith.constant 80 : index
        %get3A_1847 = tpu.vector_load %arg10[%get3A_1844, %get3A_1845, %get3A_1846] {strides = array<i32>} : memref<2x128x128xf32, #tpu.memory_space<vmem>>, vector<1x1x16xf32>,
        %get3A_1848 = vector.shape_cast %get3A_1847 : vector<1x1x16xf32> to vector<16xf32>
        %get3A_1849 = arith.constant 0 : i32
        %get3A_1850 = arith.index_cast %get3A_1849 : i32 to index
        %get3A_1851 = arith.index_cast %scan3A_1751 : i32 to index
        %get3A_1852 = arith.constant 80 : index
        %get3A_1853 = tpu.vector_load %arg9[%get3A_1850, %get3A_1851, %get3A_1852] {strides = array<i32>} : memref<2x128x128xf32, #tpu.memory_space<vmem>>, vector<1x1x16xf32>,
        %get3A_1854 = vector.shape_cast %get3A_1853 : vector<1x1x16xf32> to vector<16xf32>
        %mul3A_1855 = arith.mulf %get3A_1848, %get3A_1854 : vector<16xf32>
        %swap3A_1856 = arith.index_cast %scan3A_1751 : i32 to index
        %swap3A_1857 = arith.constant 80 : index
        %swap3A_1858 = tpu.vector_load %arg11[%swap3A_1856, %swap3A_1857] {strides = array<i32>} : memref<128x128xf32, #tpu.memory_space<vmem>>, vector<1x16xf32>,
        %swap3A_1859 = vector.shape_cast %swap3A_1858 : vector<1x16xf32> to vector<16xf32>
        %swap3A_1860 = vector.shape_cast %mul3A_1855 : vector<16xf32> to vector<1x16xf32>
        tpu.vector_store %arg11[%swap3A_1856, %swap3A_1857], %swap3A_1860 {strides = array<i32>} : memref<128x128xf32, #tpu.memory_space<vmem>>, vector<1x16xf32>,
        %get3A_1861 = arith.constant 0 : i32
        %get3A_1862 = arith.index_cast %get3A_1861 : i32 to index
        %get3A_1863 = arith.index_cast %scan3A_1751 : i32 to index
        %get3A_1864 = arith.constant 96 : index
        %get3A_1865 = tpu.vector_load %arg10[%get3A_1862, %get3A_1863, %get3A_1864] {strides = array<i32>} : memref<2x128x128xf32, #tpu.memory_space<vmem>>, vector<1x1x16xf32>,
        %get3A_1866 = vector.shape_cast %get3A_1865 : vector<1x1x16xf32> to vector<16xf32>
        %get3A_1867 = arith.constant 0 : i32
        %get3A_1868 = arith.index_cast %get3A_1867 : i32 to index
        %get3A_1869 = arith.index_cast %scan3A_1751 : i32 to index
        %get3A_1870 = arith.constant 96 : index
        %get3A_1871 = tpu.vector_load %arg9[%get3A_1868, %get3A_1869, %get3A_1870] {strides = array<i32>} : memref<2x128x128xf32, #tpu.memory_space<vmem>>, vector<1x1x16xf32>,
        %get3A_1872 = vector.shape_cast %get3A_1871 : vector<1x1x16xf32> to vector<16xf32>
        %mul3A_1873 = arith.mulf %get3A_1866, %get3A_1872 : vector<16xf32>
        %swap3A_1874 = arith.index_cast %scan3A_1751 : i32 to index
        %swap3A_1875 = arith.constant 96 : index
        %swap3A_1876 = tpu.vector_load %arg11[%swap3A_1874, %swap3A_1875] {strides = array<i32>} : memref<128x128xf32, #tpu.memory_space<vmem>>, vector<1x16xf32>,
        %swap3A_1877 = vector.shape_cast %swap3A_1876 : vector<1x16xf32> to vector<16xf32>
        %swap3A_1878 = vector.shape_cast %mul3A_1873 : vector<16xf32> to vector<1x16xf32>
        tpu.vector_store %arg11[%swap3A_1874, %swap3A_1875], %swap3A_1878 {strides = array<i32>} : memref<128x128xf32, #tpu.memory_space<vmem>>, vector<1x16xf32>,
        %get3A_1879 = arith.constant 0 : i32
        %get3A_1880 = arith.index_cast %get3A_1879 : i32 to index
        %get3A_1881 = arith.index_cast %scan3A_1751 : i32 to index
        %get3A_1882 = arith.constant 112 : index
        %get3A_1883 = tpu.vector_load %arg10[%get3A_1880, %get3A_1881, %get3A_1882] {strides = array<i32>} : memref<2x128x128xf32, #tpu.memory_space<vmem>>, vector<1x1x16xf32>,
        %get3A_1884 = vector.shape_cast %get3A_1883 : vector<1x1x16xf32> to vector<16xf32>
        %get3A_1885 = arith.constant 0 : i32
        %get3A_1886 = arith.index_cast %get3A_1885 : i32 to index
        %get3A_1887 = arith.index_cast %scan3A_1751 : i32 to index
        %get3A_1888 = arith.constant 112 : index
        %get3A_1889 = tpu.vector_load %arg9[%get3A_1886, %get3A_1887, %get3A_1888] {strides = array<i32>} : memref<2x128x128xf32, #tpu.memory_space<vmem>>, vector<1x1x16xf32>,
        %get3A_1890 = vector.shape_cast %get3A_1889 : vector<1x1x16xf32> to vector<16xf32>
        %mul3A_1891 = arith.mulf %get3A_1884, %get3A_1890 : vector<16xf32>
        %swap3A_1892 = arith.index_cast %scan3A_1751 : i32 to index
        %swap3A_1893 = arith.constant 112 : index
        %swap3A_1894 = tpu.vector_load %arg11[%swap3A_1892, %swap3A_1893] {strides = array<i32>} : memref<128x128xf32, #tpu.memory_space<vmem>>, vector<1x16xf32>,
        %swap3A_1895 = vector.shape_cast %swap3A_1894 : vector<1x16xf32> to vector<16xf32>
        %swap3A_1896 = vector.shape_cast %mul3A_1891 : vector<16xf32> to vector<1x16xf32>
        tpu.vector_store %arg11[%swap3A_1892, %swap3A_1893], %swap3A_1896 {strides = array<i32>} : memref<128x128xf32, #tpu.memory_space<vmem>>, vector<1x16xf32>,
        %scan3A_1897 = arith.constant 0 : i32
        scf.yield %scan3A_1897 : i32
      }
      %scan3A_625 = arith.constant 128 : i32
      %lt3A_626 = arith.cmpi slt, %add3A_336, %select_n3A_40 : i32
      %convert_element_type3A_627 = arith.extui %lt3A_626 : i1 to i32
      %cond3A_628 = arith.constant 0 : i32
      %cond3A_629 = arith.cmpi ne, %convert_element_type3A_627, %cond3A_628 : i32
      scf.if %cond3A_629 {
        %dma_start3A_1751 = arith.constant 0 : i32
        %dma_start3A_1752 = arith.constant 0 : i32
        %dma_start3A_1753 = arith.constant 0 : i32
        %dma_start3A_1754 = tpu.memref_slice %arg8[%dma_start3A_1751, %dma_start3A_1752, %dma_start3A_1753] : memref<2x1x128xi32, #tpu.memory_space<vmem>> -> memref<1x1x128xi32, #tpu.memory_space<vmem>>
        %dma_start3A_1755 = tpu.memref_squeeze %dma_start3A_1754 : memref<1x1x128xi32, #tpu.memory_space<vmem>> -> memref<128xi32, #tpu.memory_space<vmem>>
        %dma_start3A_1756 = arith.constant 0 : i32
        %dma_start3A_1757 = arith.constant 0 : i32
        %dma_start3A_1758 = tpu.memref_slice %arg13[%dma_start3A_1756, %dma_start3A_1757] : memref<5248x128xf32, #tpu.memory_space<vmem_shared>> -> memref<5248x128xf32, #tpu.memory_space<vmem_shared>>
        tpu.enqueue_indirect_dma source(%arg11 : memref<128x128xf32, #tpu.memory_space<vmem>>) target(%dma_start3A_1758 : memref<5248x128xf32, #tpu.memory_space<vmem_shared>>) offsets(%dma_start3A_1755 : memref<128xi32, #tpu.memory_space<vmem>>) semaphore(%arg20 : memref<!tpu.dma_semaphore, #tpu.memory_space<semaphore_mem>>) {add = true}
      } else {
      }
      %dma_wait3A_630 = arith.constant 0 : i32
      %dma_wait3A_631 = arith.constant 2 : i32
      %dma_wait3A_632 = arith.constant 0 : i32
      %dma_wait3A_633 = arith.constant 0 : i32
      %dma_wait3A_634 = tpu.memref_slice %arg7[%dma_wait3A_631, %dma_wait3A_632, %dma_wait3A_633] : memref<4x2x128xi32, #tpu.memory_space<vmem>> -> memref<1x2x128xi32, #tpu.memory_space<vmem>>
      %dma_wait3A_635 = tpu.memref_squeeze %dma_wait3A_634 : memref<1x2x128xi32, #tpu.memory_space<vmem>> -> memref<2x128xi32, #tpu.memory_space<vmem>>
      %dma_wait3A_636 = arith.constant 0 : i32
      %dma_wait3A_637 = arith.constant 0 : i32
      %dma_wait3A_638 = tpu.memref_slice %arg4[%dma_wait3A_630, %dma_wait3A_636, %dma_wait3A_637] : memref<2500x2x128xi32, #tpu.memory_space<hbm>> -> memref<1x2x128xi32, #tpu.memory_space<hbm>>
      %dma_wait3A_639 = tpu.memref_squeeze %dma_wait3A_638 : memref<1x2x128xi32, #tpu.memory_space<hbm>> -> memref<2x128xi32, #tpu.memory_space<hbm>>
      %dma_wait3A_640 = arith.constant 0 : i32
      %dma_wait3A_641 = arith.constant 0 : i32
      %dma_wait3A_642 = tpu.memref_slice %arg7[%dma_wait3A_631, %dma_wait3A_640, %dma_wait3A_641] : memref<4x2x128xi32, #tpu.memory_space<vmem>> -> memref<1x2x128xi32, #tpu.memory_space<vmem>>
      %dma_wait3A_643 = tpu.memref_squeeze %dma_wait3A_642 : memref<1x2x128xi32, #tpu.memory_space<vmem>> -> memref<2x128xi32, #tpu.memory_space<vmem>>
      %dma_wait3A_644 = arith.constant 0 : i32
      %dma_wait3A_645 = arith.constant 0 : i32
      %dma_wait3A_646 = tpu.memref_slice %arg4[%dma_wait3A_630, %dma_wait3A_644, %dma_wait3A_645] : memref<2500x2x128xi32, #tpu.memory_space<hbm>> -> memref<1x2x128xi32, #tpu.memory_space<hbm>>
      %dma_wait3A_647 = tpu.memref_squeeze %dma_wait3A_646 : memref<1x2x128xi32, #tpu.memory_space<hbm>> -> memref<2x128xi32, #tpu.memory_space<hbm>>
      tpu.wait_dma2 semaphore(%arg18 : memref<!tpu.dma_semaphore, #tpu.memory_space<semaphore_mem>>) src(%dma_wait3A_647 : memref<2x128xi32, #tpu.memory_space<hbm>>) dst(%dma_wait3A_643 : memref<2x128xi32, #tpu.memory_space<vmem>>)
      %add3A_648 = arith.constant 2 : i32
      %add3A_649 = arith.addi %add3A_336, %add3A_648 : i32
      %dma_start3A_650 = arith.constant 2 : i32
      %dma_start3A_651 = arith.constant 1 : i32
      %dma_start3A_652 = arith.constant 0 : i32
      %dma_start3A_653 = arith.constant 0 : i32
      %dma_start3A_654 = arith.constant 0 : i32
      %dma_start3A_655 = tpu.memref_slice %arg10[%dma_start3A_652, %dma_start3A_653, %dma_start3A_654] : memref<2x128x128xf32, #tpu.memory_space<vmem>> -> memref<1x128x128xf32, #tpu.memory_space<vmem>>
      %dma_start3A_656 = tpu.memref_squeeze %dma_start3A_655 : memref<1x128x128xf32, #tpu.memory_space<vmem>> -> memref<128x128xf32, #tpu.memory_space<vmem>>
      %dma_start3A_657 = arith.constant 0 : i32
      %dma_start3A_658 = tpu.memref_slice %arg7[%dma_start3A_650, %dma_start3A_651, %dma_start3A_657] : memref<4x2x128xi32, #tpu.memory_space<vmem>> -> memref<1x1x128xi32, #tpu.memory_space<vmem>>
      %dma_start3A_659 = tpu.memref_squeeze %dma_start3A_658 : memref<1x1x128xi32, #tpu.memory_space<vmem>> -> memref<128xi32, #tpu.memory_space<vmem>>
      %dma_start3A_660 = arith.constant 0 : i32
      %dma_start3A_661 = arith.constant 0 : i32
      %dma_start3A_662 = tpu.memref_slice %arg2[%dma_start3A_660, %dma_start3A_661] : memref<10000x128xf32, #tpu.memory_space<hbm>> -> memref<10000x128xf32, #tpu.memory_space<hbm>>
      tpu.enqueue_indirect_dma source(%dma_start3A_662 : memref<10000x128xf32, #tpu.memory_space<hbm>>) target(%dma_start3A_656 : memref<128x128xf32, #tpu.memory_space<vmem>>) offsets(%dma_start3A_659 : memref<128xi32, #tpu.memory_space<vmem>>) semaphore(%arg14 : memref<!tpu.dma_semaphore, #tpu.memory_space<semaphore_mem>>)
      %mul3A_663 = arith.constant 16 : i32
      %mul3A_664 = arith.muli %add3A_649, %mul3A_663 : i32
      %add3A_665 = arith.addi %add3A_42, %mul3A_664 : i32
      %min3A_666 = arith.constant 2499 : i32
      %min3A_667 = arith.minsi %add3A_665, %min3A_666 : i32
      %dma_start3A_668 = arith.constant 0 : i32
      %dma_start3A_669 = arith.constant 0 : i32
      %dma_start3A_670 = arith.constant 0 : i32
      %dma_start3A_671 = tpu.memref_slice %arg9[%dma_start3A_668, %dma_start3A_669, %dma_start3A_670] : memref<2x128x128xf32, #tpu.memory_space<vmem>> -> memref<1x128x128xf32, #tpu.memory_space<vmem>>
      %dma_start3A_672 = tpu.memref_squeeze %dma_start3A_671 : memref<1x128x128xf32, #tpu.memory_space<vmem>> -> memref<128x128xf32, #tpu.memory_space<vmem>>
      %dma_start3A_673 = arith.constant 0 : i32
      %dma_start3A_674 = arith.constant 0 : i32
      %dma_start3A_675 = tpu.memref_slice %arg3[%min3A_667, %dma_start3A_673, %dma_start3A_674] : memref<2500x128x128xf32, #tpu.memory_space<hbm>> -> memref<1x128x128xf32, #tpu.memory_space<hbm>>
      %dma_start3A_676 = tpu.memref_squeeze %dma_start3A_675 : memref<1x128x128xf32, #tpu.memory_space<hbm>> -> memref<128x128xf32, #tpu.memory_space<hbm>>
      %dma_start3A_677 = arith.constant 0 : i32
      %dma_start3A_678 = arith.constant 0 : i32
      %dma_start3A_679 = tpu.memref_slice %arg9[%dma_start3A_668, %dma_start3A_677, %dma_start3A_678] : memref<2x128x128xf32, #tpu.memory_space<vmem>> -> memref<1x128x128xf32, #tpu.memory_space<vmem>>
      %dma_start3A_680 = tpu.memref_squeeze %dma_start3A_679 : memref<1x128x128xf32, #tpu.memory_space<vmem>> -> memref<128x128xf32, #tpu.memory_space<vmem>>
      %dma_start3A_681 = arith.constant 0 : i32
      %dma_start3A_682 = arith.constant 0 : i32
      %dma_start3A_683 = tpu.memref_slice %arg3[%min3A_667, %dma_start3A_681, %dma_start3A_682] : memref<2500x128x128xf32, #tpu.memory_space<hbm>> -> memref<1x128x128xf32, #tpu.memory_space<hbm>>
      %dma_start3A_684 = tpu.memref_squeeze %dma_start3A_683 : memref<1x128x128xf32, #tpu.memory_space<hbm>> -> memref<128x128xf32, #tpu.memory_space<hbm>>
      tpu.enqueue_dma source(%dma_start3A_684 : memref<128x128xf32, #tpu.memory_space<hbm>>) target(%dma_start3A_680 : memref<128x128xf32, #tpu.memory_space<vmem>>) target_semaphore(%arg14 : memref<!tpu.dma_semaphore, #tpu.memory_space<semaphore_mem>>)
      %mul3A_685 = arith.constant 4 : i32
      %mul3A_686 = arith.muli %while3A_331, %mul3A_685 : i32
      %add3A_687 = arith.constant 1 : i32
      %add3A_688 = arith.addi %mul3A_686, %add3A_687 : i32
      %dma_wait3A_689 = arith.constant 0 : i32
      %dma_wait3A_690 = arith.constant 1 : i32
      %dma_wait3A_691 = arith.constant 0 : i32
      %dma_wait3A_692 = arith.constant 0 : i32
      %dma_wait3A_693 = tpu.memref_slice %arg10[%dma_wait3A_690, %dma_wait3A_691, %dma_wait3A_692] : memref<2x128x128xf32, #tpu.memory_space<vmem>> -> memref<1x128x128xf32, #tpu.memory_space<vmem>>
      %dma_wait3A_694 = tpu.memref_squeeze %dma_wait3A_693 : memref<1x128x128xf32, #tpu.memory_space<vmem>> -> memref<128x128xf32, #tpu.memory_space<vmem>>
      %dma_wait3A_695 = arith.constant 0 : i32
      %dma_wait3A_696 = arith.constant 0 : i32
      %dma_wait3A_697 = tpu.memref_slice %arg3[%dma_wait3A_689, %dma_wait3A_695, %dma_wait3A_696] : memref<2500x128x128xf32, #tpu.memory_space<hbm>> -> memref<1x128x128xf32, #tpu.memory_space<hbm>>
      %dma_wait3A_698 = tpu.memref_squeeze %dma_wait3A_697 : memref<1x128x128xf32, #tpu.memory_space<hbm>> -> memref<128x128xf32, #tpu.memory_space<hbm>>
      %dma_wait3A_699 = arith.constant 0 : i32
      %dma_wait3A_700 = arith.constant 0 : i32
      %dma_wait3A_701 = tpu.memref_slice %arg10[%dma_wait3A_690, %dma_wait3A_699, %dma_wait3A_700] : memref<2x128x128xf32, #tpu.memory_space<vmem>> -> memref<1x128x128xf32, #tpu.memory_space<vmem>>
      %dma_wait3A_702 = tpu.memref_squeeze %dma_wait3A_701 : memref<1x128x128xf32, #tpu.memory_space<vmem>> -> memref<128x128xf32, #tpu.memory_space<vmem>>
      %dma_wait3A_703 = arith.constant 0 : i32
      %dma_wait3A_704 = arith.constant 0 : i32
      %dma_wait3A_705 = tpu.memref_slice %arg3[%dma_wait3A_689, %dma_wait3A_703, %dma_wait3A_704] : memref<2500x128x128xf32, #tpu.memory_space<hbm>> -> memref<1x128x128xf32, #tpu.memory_space<hbm>>
      %dma_wait3A_706 = tpu.memref_squeeze %dma_wait3A_705 : memref<1x128x128xf32, #tpu.memory_space<hbm>> -> memref<128x128xf32, #tpu.memory_space<hbm>>
      tpu.wait_dma2 semaphore(%arg15 : memref<!tpu.dma_semaphore, #tpu.memory_space<semaphore_mem>>) src(%dma_wait3A_706 : memref<128x128xf32, #tpu.memory_space<hbm>>) dst(%dma_wait3A_702 : memref<128x128xf32, #tpu.memory_space<vmem>>)
      %dma_wait3A_707 = arith.constant 0 : i32
      %dma_wait3A_708 = arith.constant 1 : i32
      %dma_wait3A_709 = arith.constant 0 : i32
      %dma_wait3A_710 = arith.constant 0 : i32
      %dma_wait3A_711 = tpu.memref_slice %arg9[%dma_wait3A_708, %dma_wait3A_709, %dma_wait3A_710] : memref<2x128x128xf32, #tpu.memory_space<vmem>> -> memref<1x128x128xf32, #tpu.memory_space<vmem>>
      %dma_wait3A_712 = tpu.memref_squeeze %dma_wait3A_711 : memref<1x128x128xf32, #tpu.memory_space<vmem>> -> memref<128x128xf32, #tpu.memory_space<vmem>>
      %dma_wait3A_713 = arith.constant 0 : i32
      %dma_wait3A_714 = arith.constant 0 : i32
      %dma_wait3A_715 = tpu.memref_slice %arg3[%dma_wait3A_707, %dma_wait3A_713, %dma_wait3A_714] : memref<2500x128x128xf32, #tpu.memory_space<hbm>> -> memref<1x128x128xf32, #tpu.memory_space<hbm>>
      %dma_wait3A_716 = tpu.memref_squeeze %dma_wait3A_715 : memref<1x128x128xf32, #tpu.memory_space<hbm>> -> memref<128x128xf32, #tpu.memory_space<hbm>>
      %dma_wait3A_717 = arith.constant 0 : i32
      %dma_wait3A_718 = arith.constant 0 : i32
      %dma_wait3A_719 = tpu.memref_slice %arg9[%dma_wait3A_708, %dma_wait3A_717, %dma_wait3A_718] : memref<2x128x128xf32, #tpu.memory_space<vmem>> -> memref<1x128x128xf32, #tpu.memory_space<vmem>>
      %dma_wait3A_720 = tpu.memref_squeeze %dma_wait3A_719 : memref<1x128x128xf32, #tpu.memory_space<vmem>> -> memref<128x128xf32, #tpu.memory_space<vmem>>
      %dma_wait3A_721 = arith.constant 0 : i32
      %dma_wait3A_722 = arith.constant 0 : i32
      %dma_wait3A_723 = tpu.memref_slice %arg3[%dma_wait3A_707, %dma_wait3A_721, %dma_wait3A_722] : memref<2500x128x128xf32, #tpu.memory_space<hbm>> -> memref<1x128x128xf32, #tpu.memory_space<hbm>>
      %dma_wait3A_724 = tpu.memref_squeeze %dma_wait3A_723 : memref<1x128x128xf32, #tpu.memory_space<hbm>> -> memref<128x128xf32, #tpu.memory_space<hbm>>
      tpu.wait_dma2 semaphore(%arg15 : memref<!tpu.dma_semaphore, #tpu.memory_space<semaphore_mem>>) src(%dma_wait3A_724 : memref<128x128xf32, #tpu.memory_space<hbm>>) dst(%dma_wait3A_720 : memref<128x128xf32, #tpu.memory_space<vmem>>)
      %get3A_725 = arith.constant 1 : i32
      %get3A_726 = arith.constant 0 : i32
      %get3A_727 = arith.index_cast %get3A_725 : i32 to index
      %get3A_728 = arith.index_cast %get3A_726 : i32 to index
      %get3A_729 = arith.constant 0 : index
      %get3A_730 = tpu.vector_load %arg7[%get3A_727, %get3A_728, %get3A_729] {strides = array<i32>} : memref<4x2x128xi32, #tpu.memory_space<vmem>>, vector<1x1x16xi32>,
      %get3A_731 = vector.shape_cast %get3A_730 : vector<1x1x16xi32> to vector<16xi32>
      %sub3A_732 = vector.broadcast %mul3A_44 : i32 to vector<16xi32>
      %sub3A_733 = arith.subi %get3A_731, %sub3A_732 : vector<16xi32>
      %ge3A_734 = arith.constant 0 : i32
      %ge3A_735 = vector.broadcast %ge3A_734 : i32 to vector<16xi32>
      %ge3A_736 = arith.cmpi sge, %sub3A_733, %ge3A_735 : vector<16xi32>
      %lt3A_737 = arith.constant 5120 : i32
      %lt3A_738 = vector.broadcast %lt3A_737 : i32 to vector<16xi32>
      %lt3A_739 = arith.cmpi slt, %sub3A_733, %lt3A_738 : vector<16xi32>
      %and3A_740 = arith.andi %ge3A_736, %lt3A_739 : vector<16xi1>
      %jit3A_741 = arith.constant 5120 : i32
      %broadcast_in_dim3A_742 = vector.broadcast %jit3A_741 : i32 to vector<16xi32>
      %select_n3A_743 = arith.select %and3A_740, %sub3A_733, %broadcast_in_dim3A_742 : vector<16xi1>, vector<16xi32>
      %swap3A_744 = arith.constant 1 : i32
      %swap3A_745 = arith.constant 0 : i32
      %swap3A_746 = arith.index_cast %swap3A_744 : i32 to index
      %swap3A_747 = arith.index_cast %swap3A_745 : i32 to index
      %swap3A_748 = arith.constant 0 : index
      %swap3A_749 = tpu.vector_load %arg8[%swap3A_746, %swap3A_747, %swap3A_748] {strides = array<i32>} : memref<2x1x128xi32, #tpu.memory_space<vmem>>, vector<1x1x16xi32>,
      %swap3A_750 = vector.shape_cast %swap3A_749 : vector<1x1x16xi32> to vector<16xi32>
      %swap3A_751 = vector.shape_cast %select_n3A_743 : vector<16xi32> to vector<1x1x16xi32>
      tpu.vector_store %arg8[%swap3A_746, %swap3A_747, %swap3A_748], %swap3A_751 {strides = array<i32>} : memref<2x1x128xi32, #tpu.memory_space<vmem>>, vector<1x1x16xi32>,
      %get3A_752 = arith.constant 1 : i32
      %get3A_753 = arith.constant 0 : i32
      %get3A_754 = arith.index_cast %get3A_752 : i32 to index
      %get3A_755 = arith.index_cast %get3A_753 : i32 to index
      %get3A_756 = arith.constant 16 : index
      %get3A_757 = tpu.vector_load %arg7[%get3A_754, %get3A_755, %get3A_756] {strides = array<i32>} : memref<4x2x128xi32, #tpu.memory_space<vmem>>, vector<1x1x16xi32>,
      %get3A_758 = vector.shape_cast %get3A_757 : vector<1x1x16xi32> to vector<16xi32>
      %sub3A_759 = vector.broadcast %mul3A_44 : i32 to vector<16xi32>
      %sub3A_760 = arith.subi %get3A_758, %sub3A_759 : vector<16xi32>
      %ge3A_761 = arith.constant 0 : i32
      %ge3A_762 = vector.broadcast %ge3A_761 : i32 to vector<16xi32>
      %ge3A_763 = arith.cmpi sge, %sub3A_760, %ge3A_762 : vector<16xi32>
      %lt3A_764 = arith.constant 5120 : i32
      %lt3A_765 = vector.broadcast %lt3A_764 : i32 to vector<16xi32>
      %lt3A_766 = arith.cmpi slt, %sub3A_760, %lt3A_765 : vector<16xi32>
      %and3A_767 = arith.andi %ge3A_763, %lt3A_766 : vector<16xi1>
      %jit3A_768 = arith.constant 5120 : i32
      %broadcast_in_dim3A_769 = vector.broadcast %jit3A_768 : i32 to vector<16xi32>
      %select_n3A_770 = arith.select %and3A_767, %sub3A_760, %broadcast_in_dim3A_769 : vector<16xi1>, vector<16xi32>
      %swap3A_771 = arith.constant 1 : i32
      %swap3A_772 = arith.constant 0 : i32
      %swap3A_773 = arith.index_cast %swap3A_771 : i32 to index
      %swap3A_774 = arith.index_cast %swap3A_772 : i32 to index
      %swap3A_775 = arith.constant 16 : index
      %swap3A_776 = tpu.vector_load %arg8[%swap3A_773, %swap3A_774, %swap3A_775] {strides = array<i32>} : memref<2x1x128xi32, #tpu.memory_space<vmem>>, vector<1x1x16xi32>,
      %swap3A_777 = vector.shape_cast %swap3A_776 : vector<1x1x16xi32> to vector<16xi32>
      %swap3A_778 = vector.shape_cast %select_n3A_770 : vector<16xi32> to vector<1x1x16xi32>
      tpu.vector_store %arg8[%swap3A_773, %swap3A_774, %swap3A_775], %swap3A_778 {strides = array<i32>} : memref<2x1x128xi32, #tpu.memory_space<vmem>>, vector<1x1x16xi32>,
      %get3A_779 = arith.constant 1 : i32
      %get3A_780 = arith.constant 0 : i32
      %get3A_781 = arith.index_cast %get3A_779 : i32 to index
      %get3A_782 = arith.index_cast %get3A_780 : i32 to index
      %get3A_783 = arith.constant 32 : index
      %get3A_784 = tpu.vector_load %arg7[%get3A_781, %get3A_782, %get3A_783] {strides = array<i32>} : memref<4x2x128xi32, #tpu.memory_space<vmem>>, vector<1x1x16xi32>,
      %get3A_785 = vector.shape_cast %get3A_784 : vector<1x1x16xi32> to vector<16xi32>
      %sub3A_786 = vector.broadcast %mul3A_44 : i32 to vector<16xi32>
      %sub3A_787 = arith.subi %get3A_785, %sub3A_786 : vector<16xi32>
      %ge3A_788 = arith.constant 0 : i32
      %ge3A_789 = vector.broadcast %ge3A_788 : i32 to vector<16xi32>
      %ge3A_790 = arith.cmpi sge, %sub3A_787, %ge3A_789 : vector<16xi32>
      %lt3A_791 = arith.constant 5120 : i32
      %lt3A_792 = vector.broadcast %lt3A_791 : i32 to vector<16xi32>
      %lt3A_793 = arith.cmpi slt, %sub3A_787, %lt3A_792 : vector<16xi32>
      %and3A_794 = arith.andi %ge3A_790, %lt3A_793 : vector<16xi1>
      %jit3A_795 = arith.constant 5120 : i32
      %broadcast_in_dim3A_796 = vector.broadcast %jit3A_795 : i32 to vector<16xi32>
      %select_n3A_797 = arith.select %and3A_794, %sub3A_787, %broadcast_in_dim3A_796 : vector<16xi1>, vector<16xi32>
      %swap3A_798 = arith.constant 1 : i32
      %swap3A_799 = arith.constant 0 : i32
      %swap3A_800 = arith.index_cast %swap3A_798 : i32 to index
      %swap3A_801 = arith.index_cast %swap3A_799 : i32 to index
      %swap3A_802 = arith.constant 32 : index
      %swap3A_803 = tpu.vector_load %arg8[%swap3A_800, %swap3A_801, %swap3A_802] {strides = array<i32>} : memref<2x1x128xi32, #tpu.memory_space<vmem>>, vector<1x1x16xi32>,
      %swap3A_804 = vector.shape_cast %swap3A_803 : vector<1x1x16xi32> to vector<16xi32>
      %swap3A_805 = vector.shape_cast %select_n3A_797 : vector<16xi32> to vector<1x1x16xi32>
      tpu.vector_store %arg8[%swap3A_800, %swap3A_801, %swap3A_802], %swap3A_805 {strides = array<i32>} : memref<2x1x128xi32, #tpu.memory_space<vmem>>, vector<1x1x16xi32>,
      %get3A_806 = arith.constant 1 : i32
      %get3A_807 = arith.constant 0 : i32
      %get3A_808 = arith.index_cast %get3A_806 : i32 to index
      %get3A_809 = arith.index_cast %get3A_807 : i32 to index
      %get3A_810 = arith.constant 48 : index
      %get3A_811 = tpu.vector_load %arg7[%get3A_808, %get3A_809, %get3A_810] {strides = array<i32>} : memref<4x2x128xi32, #tpu.memory_space<vmem>>, vector<1x1x16xi32>,
      %get3A_812 = vector.shape_cast %get3A_811 : vector<1x1x16xi32> to vector<16xi32>
      %sub3A_813 = vector.broadcast %mul3A_44 : i32 to vector<16xi32>
      %sub3A_814 = arith.subi %get3A_812, %sub3A_813 : vector<16xi32>
      %ge3A_815 = arith.constant 0 : i32
      %ge3A_816 = vector.broadcast %ge3A_815 : i32 to vector<16xi32>
      %ge3A_817 = arith.cmpi sge, %sub3A_814, %ge3A_816 : vector<16xi32>
      %lt3A_818 = arith.constant 5120 : i32
      %lt3A_819 = vector.broadcast %lt3A_818 : i32 to vector<16xi32>
      %lt3A_820 = arith.cmpi slt, %sub3A_814, %lt3A_819 : vector<16xi32>
      %and3A_821 = arith.andi %ge3A_817, %lt3A_820 : vector<16xi1>
      %jit3A_822 = arith.constant 5120 : i32
      %broadcast_in_dim3A_823 = vector.broadcast %jit3A_822 : i32 to vector<16xi32>
      %select_n3A_824 = arith.select %and3A_821, %sub3A_814, %broadcast_in_dim3A_823 : vector<16xi1>, vector<16xi32>
      %swap3A_825 = arith.constant 1 : i32
      %swap3A_826 = arith.constant 0 : i32
      %swap3A_827 = arith.index_cast %swap3A_825 : i32 to index
      %swap3A_828 = arith.index_cast %swap3A_826 : i32 to index
      %swap3A_829 = arith.constant 48 : index
      %swap3A_830 = tpu.vector_load %arg8[%swap3A_827, %swap3A_828, %swap3A_829] {strides = array<i32>} : memref<2x1x128xi32, #tpu.memory_space<vmem>>, vector<1x1x16xi32>,
      %swap3A_831 = vector.shape_cast %swap3A_830 : vector<1x1x16xi32> to vector<16xi32>
      %swap3A_832 = vector.shape_cast %select_n3A_824 : vector<16xi32> to vector<1x1x16xi32>
      tpu.vector_store %arg8[%swap3A_827, %swap3A_828, %swap3A_829], %swap3A_832 {strides = array<i32>} : memref<2x1x128xi32, #tpu.memory_space<vmem>>, vector<1x1x16xi32>,
      %get3A_833 = arith.constant 1 : i32
      %get3A_834 = arith.constant 0 : i32
      %get3A_835 = arith.index_cast %get3A_833 : i32 to index
      %get3A_836 = arith.index_cast %get3A_834 : i32 to index
      %get3A_837 = arith.constant 64 : index
      %get3A_838 = tpu.vector_load %arg7[%get3A_835, %get3A_836, %get3A_837] {strides = array<i32>} : memref<4x2x128xi32, #tpu.memory_space<vmem>>, vector<1x1x16xi32>,
      %get3A_839 = vector.shape_cast %get3A_838 : vector<1x1x16xi32> to vector<16xi32>
      %sub3A_840 = vector.broadcast %mul3A_44 : i32 to vector<16xi32>
      %sub3A_841 = arith.subi %get3A_839, %sub3A_840 : vector<16xi32>
      %ge3A_842 = arith.constant 0 : i32
      %ge3A_843 = vector.broadcast %ge3A_842 : i32 to vector<16xi32>
      %ge3A_844 = arith.cmpi sge, %sub3A_841, %ge3A_843 : vector<16xi32>
      %lt3A_845 = arith.constant 5120 : i32
      %lt3A_846 = vector.broadcast %lt3A_845 : i32 to vector<16xi32>
      %lt3A_847 = arith.cmpi slt, %sub3A_841, %lt3A_846 : vector<16xi32>
      %and3A_848 = arith.andi %ge3A_844, %lt3A_847 : vector<16xi1>
      %jit3A_849 = arith.constant 5120 : i32
      %broadcast_in_dim3A_850 = vector.broadcast %jit3A_849 : i32 to vector<16xi32>
      %select_n3A_851 = arith.select %and3A_848, %sub3A_841, %broadcast_in_dim3A_850 : vector<16xi1>, vector<16xi32>
      %swap3A_852 = arith.constant 1 : i32
      %swap3A_853 = arith.constant 0 : i32
      %swap3A_854 = arith.index_cast %swap3A_852 : i32 to index
      %swap3A_855 = arith.index_cast %swap3A_853 : i32 to index
      %swap3A_856 = arith.constant 64 : index
      %swap3A_857 = tpu.vector_load %arg8[%swap3A_854, %swap3A_855, %swap3A_856] {strides = array<i32>} : memref<2x1x128xi32, #tpu.memory_space<vmem>>, vector<1x1x16xi32>,
      %swap3A_858 = vector.shape_cast %swap3A_857 : vector<1x1x16xi32> to vector<16xi32>
      %swap3A_859 = vector.shape_cast %select_n3A_851 : vector<16xi32> to vector<1x1x16xi32>
      tpu.vector_store %arg8[%swap3A_854, %swap3A_855, %swap3A_856], %swap3A_859 {strides = array<i32>} : memref<2x1x128xi32, #tpu.memory_space<vmem>>, vector<1x1x16xi32>,
      %get3A_860 = arith.constant 1 : i32
      %get3A_861 = arith.constant 0 : i32
      %get3A_862 = arith.index_cast %get3A_860 : i32 to index
      %get3A_863 = arith.index_cast %get3A_861 : i32 to index
      %get3A_864 = arith.constant 80 : index
      %get3A_865 = tpu.vector_load %arg7[%get3A_862, %get3A_863, %get3A_864] {strides = array<i32>} : memref<4x2x128xi32, #tpu.memory_space<vmem>>, vector<1x1x16xi32>,
      %get3A_866 = vector.shape_cast %get3A_865 : vector<1x1x16xi32> to vector<16xi32>
      %sub3A_867 = vector.broadcast %mul3A_44 : i32 to vector<16xi32>
      %sub3A_868 = arith.subi %get3A_866, %sub3A_867 : vector<16xi32>
      %ge3A_869 = arith.constant 0 : i32
      %ge3A_870 = vector.broadcast %ge3A_869 : i32 to vector<16xi32>
      %ge3A_871 = arith.cmpi sge, %sub3A_868, %ge3A_870 : vector<16xi32>
      %lt3A_872 = arith.constant 5120 : i32
      %lt3A_873 = vector.broadcast %lt3A_872 : i32 to vector<16xi32>
      %lt3A_874 = arith.cmpi slt, %sub3A_868, %lt3A_873 : vector<16xi32>
      %and3A_875 = arith.andi %ge3A_871, %lt3A_874 : vector<16xi1>
      %jit3A_876 = arith.constant 5120 : i32
      %broadcast_in_dim3A_877 = vector.broadcast %jit3A_876 : i32 to vector<16xi32>
      %select_n3A_878 = arith.select %and3A_875, %sub3A_868, %broadcast_in_dim3A_877 : vector<16xi1>, vector<16xi32>
      %swap3A_879 = arith.constant 1 : i32
      %swap3A_880 = arith.constant 0 : i32
      %swap3A_881 = arith.index_cast %swap3A_879 : i32 to index
      %swap3A_882 = arith.index_cast %swap3A_880 : i32 to index
      %swap3A_883 = arith.constant 80 : index
      %swap3A_884 = tpu.vector_load %arg8[%swap3A_881, %swap3A_882, %swap3A_883] {strides = array<i32>} : memref<2x1x128xi32, #tpu.memory_space<vmem>>, vector<1x1x16xi32>,
      %swap3A_885 = vector.shape_cast %swap3A_884 : vector<1x1x16xi32> to vector<16xi32>
      %swap3A_886 = vector.shape_cast %select_n3A_878 : vector<16xi32> to vector<1x1x16xi32>
      tpu.vector_store %arg8[%swap3A_881, %swap3A_882, %swap3A_883], %swap3A_886 {strides = array<i32>} : memref<2x1x128xi32, #tpu.memory_space<vmem>>, vector<1x1x16xi32>,
      %get3A_887 = arith.constant 1 : i32
      %get3A_888 = arith.constant 0 : i32
      %get3A_889 = arith.index_cast %get3A_887 : i32 to index
      %get3A_890 = arith.index_cast %get3A_888 : i32 to index
      %get3A_891 = arith.constant 96 : index
      %get3A_892 = tpu.vector_load %arg7[%get3A_889, %get3A_890, %get3A_891] {strides = array<i32>} : memref<4x2x128xi32, #tpu.memory_space<vmem>>, vector<1x1x16xi32>,
      %get3A_893 = vector.shape_cast %get3A_892 : vector<1x1x16xi32> to vector<16xi32>
      %sub3A_894 = vector.broadcast %mul3A_44 : i32 to vector<16xi32>
      %sub3A_895 = arith.subi %get3A_893, %sub3A_894 : vector<16xi32>
      %ge3A_896 = arith.constant 0 : i32
      %ge3A_897 = vector.broadcast %ge3A_896 : i32 to vector<16xi32>
      %ge3A_898 = arith.cmpi sge, %sub3A_895, %ge3A_897 : vector<16xi32>
      %lt3A_899 = arith.constant 5120 : i32
      %lt3A_900 = vector.broadcast %lt3A_899 : i32 to vector<16xi32>
      %lt3A_901 = arith.cmpi slt, %sub3A_895, %lt3A_900 : vector<16xi32>
      %and3A_902 = arith.andi %ge3A_898, %lt3A_901 : vector<16xi1>
      %jit3A_903 = arith.constant 5120 : i32
      %broadcast_in_dim3A_904 = vector.broadcast %jit3A_903 : i32 to vector<16xi32>
      %select_n3A_905 = arith.select %and3A_902, %sub3A_895, %broadcast_in_dim3A_904 : vector<16xi1>, vector<16xi32>
      %swap3A_906 = arith.constant 1 : i32
      %swap3A_907 = arith.constant 0 : i32
      %swap3A_908 = arith.index_cast %swap3A_906 : i32 to index
      %swap3A_909 = arith.index_cast %swap3A_907 : i32 to index
      %swap3A_910 = arith.constant 96 : index
      %swap3A_911 = tpu.vector_load %arg8[%swap3A_908, %swap3A_909, %swap3A_910] {strides = array<i32>} : memref<2x1x128xi32, #tpu.memory_space<vmem>>, vector<1x1x16xi32>,
      %swap3A_912 = vector.shape_cast %swap3A_911 : vector<1x1x16xi32> to vector<16xi32>
      %swap3A_913 = vector.shape_cast %select_n3A_905 : vector<16xi32> to vector<1x1x16xi32>
      tpu.vector_store %arg8[%swap3A_908, %swap3A_909, %swap3A_910], %swap3A_913 {strides = array<i32>} : memref<2x1x128xi32, #tpu.memory_space<vmem>>, vector<1x1x16xi32>,
      %get3A_914 = arith.constant 1 : i32
      %get3A_915 = arith.constant 0 : i32
      %get3A_916 = arith.index_cast %get3A_914 : i32 to index
      %get3A_917 = arith.index_cast %get3A_915 : i32 to index
      %get3A_918 = arith.constant 112 : index
      %get3A_919 = tpu.vector_load %arg7[%get3A_916, %get3A_917, %get3A_918] {strides = array<i32>} : memref<4x2x128xi32, #tpu.memory_space<vmem>>, vector<1x1x16xi32>,
      %get3A_920 = vector.shape_cast %get3A_919 : vector<1x1x16xi32> to vector<16xi32>
      %sub3A_921 = vector.broadcast %mul3A_44 : i32 to vector<16xi32>
      %sub3A_922 = arith.subi %get3A_920, %sub3A_921 : vector<16xi32>
      %ge3A_923 = arith.constant 0 : i32
      %ge3A_924 = vector.broadcast %ge3A_923 : i32 to vector<16xi32>
      %ge3A_925 = arith.cmpi sge, %sub3A_922, %ge3A_924 : vector<16xi32>
      %lt3A_926 = arith.constant 5120 : i32
      %lt3A_927 = vector.broadcast %lt3A_926 : i32 to vector<16xi32>
      %lt3A_928 = arith.cmpi slt, %sub3A_922, %lt3A_927 : vector<16xi32>
      %and3A_929 = arith.andi %ge3A_925, %lt3A_928 : vector<16xi1>
      %jit3A_930 = arith.constant 5120 : i32
      %broadcast_in_dim3A_931 = vector.broadcast %jit3A_930 : i32 to vector<16xi32>
      %select_n3A_932 = arith.select %and3A_929, %sub3A_922, %broadcast_in_dim3A_931 : vector<16xi1>, vector<16xi32>
      %swap3A_933 = arith.constant 1 : i32
      %swap3A_934 = arith.constant 0 : i32
      %swap3A_935 = arith.index_cast %swap3A_933 : i32 to index
      %swap3A_936 = arith.index_cast %swap3A_934 : i32 to index
      %swap3A_937 = arith.constant 112 : index
      %swap3A_938 = tpu.vector_load %arg8[%swap3A_935, %swap3A_936, %swap3A_937] {strides = array<i32>} : memref<2x1x128xi32, #tpu.memory_space<vmem>>, vector<1x1x16xi32>,
      %swap3A_939 = vector.shape_cast %swap3A_938 : vector<1x1x16xi32> to vector<16xi32>
      %swap3A_940 = vector.shape_cast %select_n3A_932 : vector<16xi32> to vector<1x1x16xi32>
      tpu.vector_store %arg8[%swap3A_935, %swap3A_936, %swap3A_937], %swap3A_940 {strides = array<i32>} : memref<2x1x128xi32, #tpu.memory_space<vmem>>, vector<1x1x16xi32>,
      %add3A_941 = arith.constant 4 : i32
      %add3A_942 = arith.addi %add3A_688, %add3A_941 : i32
      %mul3A_943 = arith.constant 16 : i32
      %mul3A_944 = arith.muli %add3A_942, %mul3A_943 : i32
      %add3A_945 = arith.addi %add3A_42, %mul3A_944 : i32
      %min3A_946 = arith.constant 2499 : i32
      %min3A_947 = arith.minsi %add3A_945, %min3A_946 : i32
      %dma_start3A_948 = arith.constant 1 : i32
      %dma_start3A_949 = arith.constant 0 : i32
      %dma_start3A_950 = arith.constant 0 : i32
      %dma_start3A_951 = tpu.memref_slice %arg7[%dma_start3A_948, %dma_start3A_949, %dma_start3A_950] : memref<4x2x128xi32, #tpu.memory_space<vmem>> -> memref<1x2x128xi32, #tpu.memory_space<vmem>>
      %dma_start3A_952 = tpu.memref_squeeze %dma_start3A_951 : memref<1x2x128xi32, #tpu.memory_space<vmem>> -> memref<2x128xi32, #tpu.memory_space<vmem>>
      %dma_start3A_953 = arith.constant 0 : i32
      %dma_start3A_954 = arith.constant 0 : i32
      %dma_start3A_955 = tpu.memref_slice %arg4[%min3A_947, %dma_start3A_953, %dma_start3A_954] : memref<2500x2x128xi32, #tpu.memory_space<hbm>> -> memref<1x2x128xi32, #tpu.memory_space<hbm>>
      %dma_start3A_956 = tpu.memref_squeeze %dma_start3A_955 : memref<1x2x128xi32, #tpu.memory_space<hbm>> -> memref<2x128xi32, #tpu.memory_space<hbm>>
      %dma_start3A_957 = arith.constant 0 : i32
      %dma_start3A_958 = arith.constant 0 : i32
      %dma_start3A_959 = tpu.memref_slice %arg7[%dma_start3A_948, %dma_start3A_957, %dma_start3A_958] : memref<4x2x128xi32, #tpu.memory_space<vmem>> -> memref<1x2x128xi32, #tpu.memory_space<vmem>>
      %dma_start3A_960 = tpu.memref_squeeze %dma_start3A_959 : memref<1x2x128xi32, #tpu.memory_space<vmem>> -> memref<2x128xi32, #tpu.memory_space<vmem>>
      %dma_start3A_961 = arith.constant 0 : i32
      %dma_start3A_962 = arith.constant 0 : i32
      %dma_start3A_963 = tpu.memref_slice %arg4[%min3A_947, %dma_start3A_961, %dma_start3A_962] : memref<2500x2x128xi32, #tpu.memory_space<hbm>> -> memref<1x2x128xi32, #tpu.memory_space<hbm>>
      %dma_start3A_964 = tpu.memref_squeeze %dma_start3A_963 : memref<1x2x128xi32, #tpu.memory_space<hbm>> -> memref<2x128xi32, #tpu.memory_space<hbm>>
      tpu.enqueue_dma source(%dma_start3A_964 : memref<2x128xi32, #tpu.memory_space<hbm>>) target(%dma_start3A_960 : memref<2x128xi32, #tpu.memory_space<vmem>>) target_semaphore(%arg17 : memref<!tpu.dma_semaphore, #tpu.memory_space<semaphore_mem>>)
      %ge3A_965 = arith.constant 1 : i32
      %ge3A_966 = arith.cmpi sge, %add3A_688, %ge3A_965 : i32
      %sub3A_967 = arith.constant 1 : i32
      %sub3A_968 = arith.subi %add3A_688, %sub3A_967 : i32
      %lt3A_969 = arith.cmpi slt, %sub3A_968, %select_n3A_40 : i32
      %and3A_970 = arith.andi %ge3A_966, %lt3A_969 : i1
      %convert_element_type3A_971 = arith.extui %and3A_970 : i1 to i32
      %cond3A_972 = arith.constant 0 : i32
      %cond3A_973 = arith.cmpi ne, %convert_element_type3A_971, %cond3A_972 : i32
      scf.if %cond3A_973 {
        %dma_wait3A_1751 = arith.constant 0 : i32
        %dma_wait3A_1752 = arith.constant 0 : i32
        %dma_wait3A_1753 = arith.constant 0 : i32
        %dma_wait3A_1754 = tpu.memref_slice %arg8[%dma_wait3A_1751, %dma_wait3A_1752, %dma_wait3A_1753] : memref<2x1x128xi32, #tpu.memory_space<vmem>> -> memref<1x1x128xi32, #tpu.memory_space<vmem>>
        %dma_wait3A_1755 = tpu.memref_squeeze %dma_wait3A_1754 : memref<1x1x128xi32, #tpu.memory_space<vmem>> -> memref<128xi32, #tpu.memory_space<vmem>>
        %dma_wait3A_1756 = arith.constant 0 : i32
        %dma_wait3A_1757 = arith.constant 0 : i32
        %dma_wait3A_1758 = tpu.memref_slice %arg13[%dma_wait3A_1756, %dma_wait3A_1757] : memref<5248x128xf32, #tpu.memory_space<vmem_shared>> -> memref<5248x128xf32, #tpu.memory_space<vmem_shared>>
        tpu.wait_indirect_dma semaphore(%arg20 : memref<!tpu.dma_semaphore, #tpu.memory_space<semaphore_mem>>) src(%arg11 : memref<128x128xf32, #tpu.memory_space<vmem>>) dst(%dma_wait3A_1758 : memref<5248x128xf32, #tpu.memory_space<vmem_shared>>)
      } else {
      }
      %scan3A_974 = arith.constant 0 : i32
      %scan3A_975 = arith.constant 0 : i32
      %scan3A_976 = arith.constant 128 : i32
      %scan3A_977 = arith.addi %scan3A_975, %scan3A_976 : i32
      %scan3A_978 = arith.constant 1 : i32
      %scan3A_979 = scf.for %scan3A_1751 = %scan3A_975 to %scan3A_977 step %scan3A_978 iter_args(%scan3A_1752 = %scan3A_974) -> (i32)  : i32 {
        %get3A_1753 = arith.constant 1 : i32
        %get3A_1754 = arith.index_cast %get3A_1753 : i32 to index
        %get3A_1755 = arith.index_cast %scan3A_1751 : i32 to index
        %get3A_1756 = arith.constant 0 : index
        %get3A_1757 = tpu.vector_load %arg10[%get3A_1754, %get3A_1755, %get3A_1756] {strides = array<i32>} : memref<2x128x128xf32, #tpu.memory_space<vmem>>, vector<1x1x16xf32>,
        %get3A_1758 = vector.shape_cast %get3A_1757 : vector<1x1x16xf32> to vector<16xf32>
        %get3A_1759 = arith.constant 1 : i32
        %get3A_1760 = arith.index_cast %get3A_1759 : i32 to index
        %get3A_1761 = arith.index_cast %scan3A_1751 : i32 to index
        %get3A_1762 = arith.constant 0 : index
        %get3A_1763 = tpu.vector_load %arg9[%get3A_1760, %get3A_1761, %get3A_1762] {strides = array<i32>} : memref<2x128x128xf32, #tpu.memory_space<vmem>>, vector<1x1x16xf32>,
        %get3A_1764 = vector.shape_cast %get3A_1763 : vector<1x1x16xf32> to vector<16xf32>
        %mul3A_1765 = arith.mulf %get3A_1758, %get3A_1764 : vector<16xf32>
        %swap3A_1766 = arith.index_cast %scan3A_1751 : i32 to index
        %swap3A_1767 = arith.constant 0 : index
        %swap3A_1768 = tpu.vector_load %arg11[%swap3A_1766, %swap3A_1767] {strides = array<i32>} : memref<128x128xf32, #tpu.memory_space<vmem>>, vector<1x16xf32>,
        %swap3A_1769 = vector.shape_cast %swap3A_1768 : vector<1x16xf32> to vector<16xf32>
        %swap3A_1770 = vector.shape_cast %mul3A_1765 : vector<16xf32> to vector<1x16xf32>
        tpu.vector_store %arg11[%swap3A_1766, %swap3A_1767], %swap3A_1770 {strides = array<i32>} : memref<128x128xf32, #tpu.memory_space<vmem>>, vector<1x16xf32>,
        %get3A_1771 = arith.constant 1 : i32
        %get3A_1772 = arith.index_cast %get3A_1771 : i32 to index
        %get3A_1773 = arith.index_cast %scan3A_1751 : i32 to index
        %get3A_1774 = arith.constant 16 : index
        %get3A_1775 = tpu.vector_load %arg10[%get3A_1772, %get3A_1773, %get3A_1774] {strides = array<i32>} : memref<2x128x128xf32, #tpu.memory_space<vmem>>, vector<1x1x16xf32>,
        %get3A_1776 = vector.shape_cast %get3A_1775 : vector<1x1x16xf32> to vector<16xf32>
        %get3A_1777 = arith.constant 1 : i32
        %get3A_1778 = arith.index_cast %get3A_1777 : i32 to index
        %get3A_1779 = arith.index_cast %scan3A_1751 : i32 to index
        %get3A_1780 = arith.constant 16 : index
        %get3A_1781 = tpu.vector_load %arg9[%get3A_1778, %get3A_1779, %get3A_1780] {strides = array<i32>} : memref<2x128x128xf32, #tpu.memory_space<vmem>>, vector<1x1x16xf32>,
        %get3A_1782 = vector.shape_cast %get3A_1781 : vector<1x1x16xf32> to vector<16xf32>
        %mul3A_1783 = arith.mulf %get3A_1776, %get3A_1782 : vector<16xf32>
        %swap3A_1784 = arith.index_cast %scan3A_1751 : i32 to index
        %swap3A_1785 = arith.constant 16 : index
        %swap3A_1786 = tpu.vector_load %arg11[%swap3A_1784, %swap3A_1785] {strides = array<i32>} : memref<128x128xf32, #tpu.memory_space<vmem>>, vector<1x16xf32>,
        %swap3A_1787 = vector.shape_cast %swap3A_1786 : vector<1x16xf32> to vector<16xf32>
        %swap3A_1788 = vector.shape_cast %mul3A_1783 : vector<16xf32> to vector<1x16xf32>
        tpu.vector_store %arg11[%swap3A_1784, %swap3A_1785], %swap3A_1788 {strides = array<i32>} : memref<128x128xf32, #tpu.memory_space<vmem>>, vector<1x16xf32>,
        %get3A_1789 = arith.constant 1 : i32
        %get3A_1790 = arith.index_cast %get3A_1789 : i32 to index
        %get3A_1791 = arith.index_cast %scan3A_1751 : i32 to index
        %get3A_1792 = arith.constant 32 : index
        %get3A_1793 = tpu.vector_load %arg10[%get3A_1790, %get3A_1791, %get3A_1792] {strides = array<i32>} : memref<2x128x128xf32, #tpu.memory_space<vmem>>, vector<1x1x16xf32>,
        %get3A_1794 = vector.shape_cast %get3A_1793 : vector<1x1x16xf32> to vector<16xf32>
        %get3A_1795 = arith.constant 1 : i32
        %get3A_1796 = arith.index_cast %get3A_1795 : i32 to index
        %get3A_1797 = arith.index_cast %scan3A_1751 : i32 to index
        %get3A_1798 = arith.constant 32 : index
        %get3A_1799 = tpu.vector_load %arg9[%get3A_1796, %get3A_1797, %get3A_1798] {strides = array<i32>} : memref<2x128x128xf32, #tpu.memory_space<vmem>>, vector<1x1x16xf32>,
        %get3A_1800 = vector.shape_cast %get3A_1799 : vector<1x1x16xf32> to vector<16xf32>
        %mul3A_1801 = arith.mulf %get3A_1794, %get3A_1800 : vector<16xf32>
        %swap3A_1802 = arith.index_cast %scan3A_1751 : i32 to index
        %swap3A_1803 = arith.constant 32 : index
        %swap3A_1804 = tpu.vector_load %arg11[%swap3A_1802, %swap3A_1803] {strides = array<i32>} : memref<128x128xf32, #tpu.memory_space<vmem>>, vector<1x16xf32>,
        %swap3A_1805 = vector.shape_cast %swap3A_1804 : vector<1x16xf32> to vector<16xf32>
        %swap3A_1806 = vector.shape_cast %mul3A_1801 : vector<16xf32> to vector<1x16xf32>
        tpu.vector_store %arg11[%swap3A_1802, %swap3A_1803], %swap3A_1806 {strides = array<i32>} : memref<128x128xf32, #tpu.memory_space<vmem>>, vector<1x16xf32>,
        %get3A_1807 = arith.constant 1 : i32
        %get3A_1808 = arith.index_cast %get3A_1807 : i32 to index
        %get3A_1809 = arith.index_cast %scan3A_1751 : i32 to index
        %get3A_1810 = arith.constant 48 : index
        %get3A_1811 = tpu.vector_load %arg10[%get3A_1808, %get3A_1809, %get3A_1810] {strides = array<i32>} : memref<2x128x128xf32, #tpu.memory_space<vmem>>, vector<1x1x16xf32>,
        %get3A_1812 = vector.shape_cast %get3A_1811 : vector<1x1x16xf32> to vector<16xf32>
        %get3A_1813 = arith.constant 1 : i32
        %get3A_1814 = arith.index_cast %get3A_1813 : i32 to index
        %get3A_1815 = arith.index_cast %scan3A_1751 : i32 to index
        %get3A_1816 = arith.constant 48 : index
        %get3A_1817 = tpu.vector_load %arg9[%get3A_1814, %get3A_1815, %get3A_1816] {strides = array<i32>} : memref<2x128x128xf32, #tpu.memory_space<vmem>>, vector<1x1x16xf32>,
        %get3A_1818 = vector.shape_cast %get3A_1817 : vector<1x1x16xf32> to vector<16xf32>
        %mul3A_1819 = arith.mulf %get3A_1812, %get3A_1818 : vector<16xf32>
        %swap3A_1820 = arith.index_cast %scan3A_1751 : i32 to index
        %swap3A_1821 = arith.constant 48 : index
        %swap3A_1822 = tpu.vector_load %arg11[%swap3A_1820, %swap3A_1821] {strides = array<i32>} : memref<128x128xf32, #tpu.memory_space<vmem>>, vector<1x16xf32>,
        %swap3A_1823 = vector.shape_cast %swap3A_1822 : vector<1x16xf32> to vector<16xf32>
        %swap3A_1824 = vector.shape_cast %mul3A_1819 : vector<16xf32> to vector<1x16xf32>
        tpu.vector_store %arg11[%swap3A_1820, %swap3A_1821], %swap3A_1824 {strides = array<i32>} : memref<128x128xf32, #tpu.memory_space<vmem>>, vector<1x16xf32>,
        %get3A_1825 = arith.constant 1 : i32
        %get3A_1826 = arith.index_cast %get3A_1825 : i32 to index
        %get3A_1827 = arith.index_cast %scan3A_1751 : i32 to index
        %get3A_1828 = arith.constant 64 : index
        %get3A_1829 = tpu.vector_load %arg10[%get3A_1826, %get3A_1827, %get3A_1828] {strides = array<i32>} : memref<2x128x128xf32, #tpu.memory_space<vmem>>, vector<1x1x16xf32>,
        %get3A_1830 = vector.shape_cast %get3A_1829 : vector<1x1x16xf32> to vector<16xf32>
        %get3A_1831 = arith.constant 1 : i32
        %get3A_1832 = arith.index_cast %get3A_1831 : i32 to index
        %get3A_1833 = arith.index_cast %scan3A_1751 : i32 to index
        %get3A_1834 = arith.constant 64 : index
        %get3A_1835 = tpu.vector_load %arg9[%get3A_1832, %get3A_1833, %get3A_1834] {strides = array<i32>} : memref<2x128x128xf32, #tpu.memory_space<vmem>>, vector<1x1x16xf32>,
        %get3A_1836 = vector.shape_cast %get3A_1835 : vector<1x1x16xf32> to vector<16xf32>
        %mul3A_1837 = arith.mulf %get3A_1830, %get3A_1836 : vector<16xf32>
        %swap3A_1838 = arith.index_cast %scan3A_1751 : i32 to index
        %swap3A_1839 = arith.constant 64 : index
        %swap3A_1840 = tpu.vector_load %arg11[%swap3A_1838, %swap3A_1839] {strides = array<i32>} : memref<128x128xf32, #tpu.memory_space<vmem>>, vector<1x16xf32>,
        %swap3A_1841 = vector.shape_cast %swap3A_1840 : vector<1x16xf32> to vector<16xf32>
        %swap3A_1842 = vector.shape_cast %mul3A_1837 : vector<16xf32> to vector<1x16xf32>
        tpu.vector_store %arg11[%swap3A_1838, %swap3A_1839], %swap3A_1842 {strides = array<i32>} : memref<128x128xf32, #tpu.memory_space<vmem>>, vector<1x16xf32>,
        %get3A_1843 = arith.constant 1 : i32
        %get3A_1844 = arith.index_cast %get3A_1843 : i32 to index
        %get3A_1845 = arith.index_cast %scan3A_1751 : i32 to index
        %get3A_1846 = arith.constant 80 : index
        %get3A_1847 = tpu.vector_load %arg10[%get3A_1844, %get3A_1845, %get3A_1846] {strides = array<i32>} : memref<2x128x128xf32, #tpu.memory_space<vmem>>, vector<1x1x16xf32>,
        %get3A_1848 = vector.shape_cast %get3A_1847 : vector<1x1x16xf32> to vector<16xf32>
        %get3A_1849 = arith.constant 1 : i32
        %get3A_1850 = arith.index_cast %get3A_1849 : i32 to index
        %get3A_1851 = arith.index_cast %scan3A_1751 : i32 to index
        %get3A_1852 = arith.constant 80 : index
        %get3A_1853 = tpu.vector_load %arg9[%get3A_1850, %get3A_1851, %get3A_1852] {strides = array<i32>} : memref<2x128x128xf32, #tpu.memory_space<vmem>>, vector<1x1x16xf32>,
        %get3A_1854 = vector.shape_cast %get3A_1853 : vector<1x1x16xf32> to vector<16xf32>
        %mul3A_1855 = arith.mulf %get3A_1848, %get3A_1854 : vector<16xf32>
        %swap3A_1856 = arith.index_cast %scan3A_1751 : i32 to index
        %swap3A_1857 = arith.constant 80 : index
        %swap3A_1858 = tpu.vector_load %arg11[%swap3A_1856, %swap3A_1857] {strides = array<i32>} : memref<128x128xf32, #tpu.memory_space<vmem>>, vector<1x16xf32>,
        %swap3A_1859 = vector.shape_cast %swap3A_1858 : vector<1x16xf32> to vector<16xf32>
        %swap3A_1860 = vector.shape_cast %mul3A_1855 : vector<16xf32> to vector<1x16xf32>
        tpu.vector_store %arg11[%swap3A_1856, %swap3A_1857], %swap3A_1860 {strides = array<i32>} : memref<128x128xf32, #tpu.memory_space<vmem>>, vector<1x16xf32>,
        %get3A_1861 = arith.constant 1 : i32
        %get3A_1862 = arith.index_cast %get3A_1861 : i32 to index
        %get3A_1863 = arith.index_cast %scan3A_1751 : i32 to index
        %get3A_1864 = arith.constant 96 : index
        %get3A_1865 = tpu.vector_load %arg10[%get3A_1862, %get3A_1863, %get3A_1864] {strides = array<i32>} : memref<2x128x128xf32, #tpu.memory_space<vmem>>, vector<1x1x16xf32>,
        %get3A_1866 = vector.shape_cast %get3A_1865 : vector<1x1x16xf32> to vector<16xf32>
        %get3A_1867 = arith.constant 1 : i32
        %get3A_1868 = arith.index_cast %get3A_1867 : i32 to index
        %get3A_1869 = arith.index_cast %scan3A_1751 : i32 to index
        %get3A_1870 = arith.constant 96 : index
        %get3A_1871 = tpu.vector_load %arg9[%get3A_1868, %get3A_1869, %get3A_1870] {strides = array<i32>} : memref<2x128x128xf32, #tpu.memory_space<vmem>>, vector<1x1x16xf32>,
        %get3A_1872 = vector.shape_cast %get3A_1871 : vector<1x1x16xf32> to vector<16xf32>
        %mul3A_1873 = arith.mulf %get3A_1866, %get3A_1872 : vector<16xf32>
        %swap3A_1874 = arith.index_cast %scan3A_1751 : i32 to index
        %swap3A_1875 = arith.constant 96 : index
        %swap3A_1876 = tpu.vector_load %arg11[%swap3A_1874, %swap3A_1875] {strides = array<i32>} : memref<128x128xf32, #tpu.memory_space<vmem>>, vector<1x16xf32>,
        %swap3A_1877 = vector.shape_cast %swap3A_1876 : vector<1x16xf32> to vector<16xf32>
        %swap3A_1878 = vector.shape_cast %mul3A_1873 : vector<16xf32> to vector<1x16xf32>
        tpu.vector_store %arg11[%swap3A_1874, %swap3A_1875], %swap3A_1878 {strides = array<i32>} : memref<128x128xf32, #tpu.memory_space<vmem>>, vector<1x16xf32>,
        %get3A_1879 = arith.constant 1 : i32
        %get3A_1880 = arith.index_cast %get3A_1879 : i32 to index
        %get3A_1881 = arith.index_cast %scan3A_1751 : i32 to index
        %get3A_1882 = arith.constant 112 : index
        %get3A_1883 = tpu.vector_load %arg10[%get3A_1880, %get3A_1881, %get3A_1882] {strides = array<i32>} : memref<2x128x128xf32, #tpu.memory_space<vmem>>, vector<1x1x16xf32>,
        %get3A_1884 = vector.shape_cast %get3A_1883 : vector<1x1x16xf32> to vector<16xf32>
        %get3A_1885 = arith.constant 1 : i32
        %get3A_1886 = arith.index_cast %get3A_1885 : i32 to index
        %get3A_1887 = arith.index_cast %scan3A_1751 : i32 to index
        %get3A_1888 = arith.constant 112 : index
        %get3A_1889 = tpu.vector_load %arg9[%get3A_1886, %get3A_1887, %get3A_1888] {strides = array<i32>} : memref<2x128x128xf32, #tpu.memory_space<vmem>>, vector<1x1x16xf32>,
        %get3A_1890 = vector.shape_cast %get3A_1889 : vector<1x1x16xf32> to vector<16xf32>
        %mul3A_1891 = arith.mulf %get3A_1884, %get3A_1890 : vector<16xf32>
        %swap3A_1892 = arith.index_cast %scan3A_1751 : i32 to index
        %swap3A_1893 = arith.constant 112 : index
        %swap3A_1894 = tpu.vector_load %arg11[%swap3A_1892, %swap3A_1893] {strides = array<i32>} : memref<128x128xf32, #tpu.memory_space<vmem>>, vector<1x16xf32>,
        %swap3A_1895 = vector.shape_cast %swap3A_1894 : vector<1x16xf32> to vector<16xf32>
        %swap3A_1896 = vector.shape_cast %mul3A_1891 : vector<16xf32> to vector<1x16xf32>
        tpu.vector_store %arg11[%swap3A_1892, %swap3A_1893], %swap3A_1896 {strides = array<i32>} : memref<128x128xf32, #tpu.memory_space<vmem>>, vector<1x16xf32>,
        %scan3A_1897 = arith.constant 0 : i32
        scf.yield %scan3A_1897 : i32
      }
      %scan3A_980 = arith.constant 128 : i32
      %lt3A_981 = arith.cmpi slt, %add3A_688, %select_n3A_40 : i32
      %convert_element_type3A_982 = arith.extui %lt3A_981 : i1 to i32
      %cond3A_983 = arith.constant 0 : i32
      %cond3A_984 = arith.cmpi ne, %convert_element_type3A_982, %cond3A_983 : i32
      scf.if %cond3A_984 {
        %dma_start3A_1751 = arith.constant 1 : i32
        %dma_start3A_1752 = arith.constant 0 : i32
        %dma_start3A_1753 = arith.constant 0 : i32
        %dma_start3A_1754 = tpu.memref_slice %arg8[%dma_start3A_1751, %dma_start3A_1752, %dma_start3A_1753] : memref<2x1x128xi32, #tpu.memory_space<vmem>> -> memref<1x1x128xi32, #tpu.memory_space<vmem>>
        %dma_start3A_1755 = tpu.memref_squeeze %dma_start3A_1754 : memref<1x1x128xi32, #tpu.memory_space<vmem>> -> memref<128xi32, #tpu.memory_space<vmem>>
        %dma_start3A_1756 = arith.constant 0 : i32
        %dma_start3A_1757 = arith.constant 0 : i32
        %dma_start3A_1758 = tpu.memref_slice %arg13[%dma_start3A_1756, %dma_start3A_1757] : memref<5248x128xf32, #tpu.memory_space<vmem_shared>> -> memref<5248x128xf32, #tpu.memory_space<vmem_shared>>
        tpu.enqueue_indirect_dma source(%arg11 : memref<128x128xf32, #tpu.memory_space<vmem>>) target(%dma_start3A_1758 : memref<5248x128xf32, #tpu.memory_space<vmem_shared>>) offsets(%dma_start3A_1755 : memref<128xi32, #tpu.memory_space<vmem>>) semaphore(%arg20 : memref<!tpu.dma_semaphore, #tpu.memory_space<semaphore_mem>>) {add = true}
      } else {
      }
      %dma_wait3A_985 = arith.constant 0 : i32
      %dma_wait3A_986 = arith.constant 3 : i32
      %dma_wait3A_987 = arith.constant 0 : i32
      %dma_wait3A_988 = arith.constant 0 : i32
      %dma_wait3A_989 = tpu.memref_slice %arg7[%dma_wait3A_986, %dma_wait3A_987, %dma_wait3A_988] : memref<4x2x128xi32, #tpu.memory_space<vmem>> -> memref<1x2x128xi32, #tpu.memory_space<vmem>>
      %dma_wait3A_990 = tpu.memref_squeeze %dma_wait3A_989 : memref<1x2x128xi32, #tpu.memory_space<vmem>> -> memref<2x128xi32, #tpu.memory_space<vmem>>
      %dma_wait3A_991 = arith.constant 0 : i32
      %dma_wait3A_992 = arith.constant 0 : i32
      %dma_wait3A_993 = tpu.memref_slice %arg4[%dma_wait3A_985, %dma_wait3A_991, %dma_wait3A_992] : memref<2500x2x128xi32, #tpu.memory_space<hbm>> -> memref<1x2x128xi32, #tpu.memory_space<hbm>>
      %dma_wait3A_994 = tpu.memref_squeeze %dma_wait3A_993 : memref<1x2x128xi32, #tpu.memory_space<hbm>> -> memref<2x128xi32, #tpu.memory_space<hbm>>
      %dma_wait3A_995 = arith.constant 0 : i32
      %dma_wait3A_996 = arith.constant 0 : i32
      %dma_wait3A_997 = tpu.memref_slice %arg7[%dma_wait3A_986, %dma_wait3A_995, %dma_wait3A_996] : memref<4x2x128xi32, #tpu.memory_space<vmem>> -> memref<1x2x128xi32, #tpu.memory_space<vmem>>
      %dma_wait3A_998 = tpu.memref_squeeze %dma_wait3A_997 : memref<1x2x128xi32, #tpu.memory_space<vmem>> -> memref<2x128xi32, #tpu.memory_space<vmem>>
      %dma_wait3A_999 = arith.constant 0 : i32
      %dma_wait3A_1000 = arith.constant 0 : i32
      %dma_wait3A_1001 = tpu.memref_slice %arg4[%dma_wait3A_985, %dma_wait3A_999, %dma_wait3A_1000] : memref<2500x2x128xi32, #tpu.memory_space<hbm>> -> memref<1x2x128xi32, #tpu.memory_space<hbm>>
      %dma_wait3A_1002 = tpu.memref_squeeze %dma_wait3A_1001 : memref<1x2x128xi32, #tpu.memory_space<hbm>> -> memref<2x128xi32, #tpu.memory_space<hbm>>
      tpu.wait_dma2 semaphore(%arg19 : memref<!tpu.dma_semaphore, #tpu.memory_space<semaphore_mem>>) src(%dma_wait3A_1002 : memref<2x128xi32, #tpu.memory_space<hbm>>) dst(%dma_wait3A_998 : memref<2x128xi32, #tpu.memory_space<vmem>>)
      %add3A_1003 = arith.constant 2 : i32
      %add3A_1004 = arith.addi %add3A_688, %add3A_1003 : i32
      %dma_start3A_1005 = arith.constant 3 : i32
      %dma_start3A_1006 = arith.constant 1 : i32
      %dma_start3A_1007 = arith.constant 1 : i32
      %dma_start3A_1008 = arith.constant 0 : i32
      %dma_start3A_1009 = arith.constant 0 : i32
      %dma_start3A_1010 = tpu.memref_slice %arg10[%dma_start3A_1007, %dma_start3A_1008, %dma_start3A_1009] : memref<2x128x128xf32, #tpu.memory_space<vmem>> -> memref<1x128x128xf32, #tpu.memory_space<vmem>>
      %dma_start3A_1011 = tpu.memref_squeeze %dma_start3A_1010 : memref<1x128x128xf32, #tpu.memory_space<vmem>> -> memref<128x128xf32, #tpu.memory_space<vmem>>
      %dma_start3A_1012 = arith.constant 0 : i32
      %dma_start3A_1013 = tpu.memref_slice %arg7[%dma_start3A_1005, %dma_start3A_1006, %dma_start3A_1012] : memref<4x2x128xi32, #tpu.memory_space<vmem>> -> memref<1x1x128xi32, #tpu.memory_space<vmem>>
      %dma_start3A_1014 = tpu.memref_squeeze %dma_start3A_1013 : memref<1x1x128xi32, #tpu.memory_space<vmem>> -> memref<128xi32, #tpu.memory_space<vmem>>
      %dma_start3A_1015 = arith.constant 0 : i32
      %dma_start3A_1016 = arith.constant 0 : i32
      %dma_start3A_1017 = tpu.memref_slice %arg2[%dma_start3A_1015, %dma_start3A_1016] : memref<10000x128xf32, #tpu.memory_space<hbm>> -> memref<10000x128xf32, #tpu.memory_space<hbm>>
      tpu.enqueue_indirect_dma source(%dma_start3A_1017 : memref<10000x128xf32, #tpu.memory_space<hbm>>) target(%dma_start3A_1011 : memref<128x128xf32, #tpu.memory_space<vmem>>) offsets(%dma_start3A_1014 : memref<128xi32, #tpu.memory_space<vmem>>) semaphore(%arg15 : memref<!tpu.dma_semaphore, #tpu.memory_space<semaphore_mem>>)
      %mul3A_1018 = arith.constant 16 : i32
      %mul3A_1019 = arith.muli %add3A_1004, %mul3A_1018 : i32
      %add3A_1020 = arith.addi %add3A_42, %mul3A_1019 : i32
      %min3A_1021 = arith.constant 2499 : i32
      %min3A_1022 = arith.minsi %add3A_1020, %min3A_1021 : i32
      %dma_start3A_1023 = arith.constant 1 : i32
      %dma_start3A_1024 = arith.constant 0 : i32
      %dma_start3A_1025 = arith.constant 0 : i32
      %dma_start3A_1026 = tpu.memref_slice %arg9[%dma_start3A_1023, %dma_start3A_1024, %dma_start3A_1025] : memref<2x128x128xf32, #tpu.memory_space<vmem>> -> memref<1x128x128xf32, #tpu.memory_space<vmem>>
      %dma_start3A_1027 = tpu.memref_squeeze %dma_start3A_1026 : memref<1x128x128xf32, #tpu.memory_space<vmem>> -> memref<128x128xf32, #tpu.memory_space<vmem>>
      %dma_start3A_1028 = arith.constant 0 : i32
      %dma_start3A_1029 = arith.constant 0 : i32
      %dma_start3A_1030 = tpu.memref_slice %arg3[%min3A_1022, %dma_start3A_1028, %dma_start3A_1029] : memref<2500x128x128xf32, #tpu.memory_space<hbm>> -> memref<1x128x128xf32, #tpu.memory_space<hbm>>
      %dma_start3A_1031 = tpu.memref_squeeze %dma_start3A_1030 : memref<1x128x128xf32, #tpu.memory_space<hbm>> -> memref<128x128xf32, #tpu.memory_space<hbm>>
      %dma_start3A_1032 = arith.constant 0 : i32
      %dma_start3A_1033 = arith.constant 0 : i32
      %dma_start3A_1034 = tpu.memref_slice %arg9[%dma_start3A_1023, %dma_start3A_1032, %dma_start3A_1033] : memref<2x128x128xf32, #tpu.memory_space<vmem>> -> memref<1x128x128xf32, #tpu.memory_space<vmem>>
      %dma_start3A_1035 = tpu.memref_squeeze %dma_start3A_1034 : memref<1x128x128xf32, #tpu.memory_space<vmem>> -> memref<128x128xf32, #tpu.memory_space<vmem>>
      %dma_start3A_1036 = arith.constant 0 : i32
      %dma_start3A_1037 = arith.constant 0 : i32
      %dma_start3A_1038 = tpu.memref_slice %arg3[%min3A_1022, %dma_start3A_1036, %dma_start3A_1037] : memref<2500x128x128xf32, #tpu.memory_space<hbm>> -> memref<1x128x128xf32, #tpu.memory_space<hbm>>
      %dma_start3A_1039 = tpu.memref_squeeze %dma_start3A_1038 : memref<1x128x128xf32, #tpu.memory_space<hbm>> -> memref<128x128xf32, #tpu.memory_space<hbm>>
      tpu.enqueue_dma source(%dma_start3A_1039 : memref<128x128xf32, #tpu.memory_space<hbm>>) target(%dma_start3A_1035 : memref<128x128xf32, #tpu.memory_space<vmem>>) target_semaphore(%arg15 : memref<!tpu.dma_semaphore, #tpu.memory_space<semaphore_mem>>)
      %mul3A_1040 = arith.constant 4 : i32
      %mul3A_1041 = arith.muli %while3A_331, %mul3A_1040 : i32
      %add3A_1042 = arith.constant 2 : i32
      %add3A_1043 = arith.addi %mul3A_1041, %add3A_1042 : i32
      %dma_wait3A_1044 = arith.constant 0 : i32
      %dma_wait3A_1045 = arith.constant 0 : i32
      %dma_wait3A_1046 = arith.constant 0 : i32
      %dma_wait3A_1047 = arith.constant 0 : i32
      %dma_wait3A_1048 = tpu.memref_slice %arg10[%dma_wait3A_1045, %dma_wait3A_1046, %dma_wait3A_1047] : memref<2x128x128xf32, #tpu.memory_space<vmem>> -> memref<1x128x128xf32, #tpu.memory_space<vmem>>
      %dma_wait3A_1049 = tpu.memref_squeeze %dma_wait3A_1048 : memref<1x128x128xf32, #tpu.memory_space<vmem>> -> memref<128x128xf32, #tpu.memory_space<vmem>>
      %dma_wait3A_1050 = arith.constant 0 : i32
      %dma_wait3A_1051 = arith.constant 0 : i32
      %dma_wait3A_1052 = tpu.memref_slice %arg3[%dma_wait3A_1044, %dma_wait3A_1050, %dma_wait3A_1051] : memref<2500x128x128xf32, #tpu.memory_space<hbm>> -> memref<1x128x128xf32, #tpu.memory_space<hbm>>
      %dma_wait3A_1053 = tpu.memref_squeeze %dma_wait3A_1052 : memref<1x128x128xf32, #tpu.memory_space<hbm>> -> memref<128x128xf32, #tpu.memory_space<hbm>>
      %dma_wait3A_1054 = arith.constant 0 : i32
      %dma_wait3A_1055 = arith.constant 0 : i32
      %dma_wait3A_1056 = tpu.memref_slice %arg10[%dma_wait3A_1045, %dma_wait3A_1054, %dma_wait3A_1055] : memref<2x128x128xf32, #tpu.memory_space<vmem>> -> memref<1x128x128xf32, #tpu.memory_space<vmem>>
      %dma_wait3A_1057 = tpu.memref_squeeze %dma_wait3A_1056 : memref<1x128x128xf32, #tpu.memory_space<vmem>> -> memref<128x128xf32, #tpu.memory_space<vmem>>
      %dma_wait3A_1058 = arith.constant 0 : i32
      %dma_wait3A_1059 = arith.constant 0 : i32
      %dma_wait3A_1060 = tpu.memref_slice %arg3[%dma_wait3A_1044, %dma_wait3A_1058, %dma_wait3A_1059] : memref<2500x128x128xf32, #tpu.memory_space<hbm>> -> memref<1x128x128xf32, #tpu.memory_space<hbm>>
      %dma_wait3A_1061 = tpu.memref_squeeze %dma_wait3A_1060 : memref<1x128x128xf32, #tpu.memory_space<hbm>> -> memref<128x128xf32, #tpu.memory_space<hbm>>
      tpu.wait_dma2 semaphore(%arg14 : memref<!tpu.dma_semaphore, #tpu.memory_space<semaphore_mem>>) src(%dma_wait3A_1061 : memref<128x128xf32, #tpu.memory_space<hbm>>) dst(%dma_wait3A_1057 : memref<128x128xf32, #tpu.memory_space<vmem>>)
      %dma_wait3A_1062 = arith.constant 0 : i32
      %dma_wait3A_1063 = arith.constant 0 : i32
      %dma_wait3A_1064 = arith.constant 0 : i32
      %dma_wait3A_1065 = arith.constant 0 : i32
      %dma_wait3A_1066 = tpu.memref_slice %arg9[%dma_wait3A_1063, %dma_wait3A_1064, %dma_wait3A_1065] : memref<2x128x128xf32, #tpu.memory_space<vmem>> -> memref<1x128x128xf32, #tpu.memory_space<vmem>>
      %dma_wait3A_1067 = tpu.memref_squeeze %dma_wait3A_1066 : memref<1x128x128xf32, #tpu.memory_space<vmem>> -> memref<128x128xf32, #tpu.memory_space<vmem>>
      %dma_wait3A_1068 = arith.constant 0 : i32
      %dma_wait3A_1069 = arith.constant 0 : i32
      %dma_wait3A_1070 = tpu.memref_slice %arg3[%dma_wait3A_1062, %dma_wait3A_1068, %dma_wait3A_1069] : memref<2500x128x128xf32, #tpu.memory_space<hbm>> -> memref<1x128x128xf32, #tpu.memory_space<hbm>>
      %dma_wait3A_1071 = tpu.memref_squeeze %dma_wait3A_1070 : memref<1x128x128xf32, #tpu.memory_space<hbm>> -> memref<128x128xf32, #tpu.memory_space<hbm>>
      %dma_wait3A_1072 = arith.constant 0 : i32
      %dma_wait3A_1073 = arith.constant 0 : i32
      %dma_wait3A_1074 = tpu.memref_slice %arg9[%dma_wait3A_1063, %dma_wait3A_1072, %dma_wait3A_1073] : memref<2x128x128xf32, #tpu.memory_space<vmem>> -> memref<1x128x128xf32, #tpu.memory_space<vmem>>
      %dma_wait3A_1075 = tpu.memref_squeeze %dma_wait3A_1074 : memref<1x128x128xf32, #tpu.memory_space<vmem>> -> memref<128x128xf32, #tpu.memory_space<vmem>>
      %dma_wait3A_1076 = arith.constant 0 : i32
      %dma_wait3A_1077 = arith.constant 0 : i32
      %dma_wait3A_1078 = tpu.memref_slice %arg3[%dma_wait3A_1062, %dma_wait3A_1076, %dma_wait3A_1077] : memref<2500x128x128xf32, #tpu.memory_space<hbm>> -> memref<1x128x128xf32, #tpu.memory_space<hbm>>
      %dma_wait3A_1079 = tpu.memref_squeeze %dma_wait3A_1078 : memref<1x128x128xf32, #tpu.memory_space<hbm>> -> memref<128x128xf32, #tpu.memory_space<hbm>>
      tpu.wait_dma2 semaphore(%arg14 : memref<!tpu.dma_semaphore, #tpu.memory_space<semaphore_mem>>) src(%dma_wait3A_1079 : memref<128x128xf32, #tpu.memory_space<hbm>>) dst(%dma_wait3A_1075 : memref<128x128xf32, #tpu.memory_space<vmem>>)
      %get3A_1080 = arith.constant 2 : i32
      %get3A_1081 = arith.constant 0 : i32
      %get3A_1082 = arith.index_cast %get3A_1080 : i32 to index
      %get3A_1083 = arith.index_cast %get3A_1081 : i32 to index
      %get3A_1084 = arith.constant 0 : index
      %get3A_1085 = tpu.vector_load %arg7[%get3A_1082, %get3A_1083, %get3A_1084] {strides = array<i32>} : memref<4x2x128xi32, #tpu.memory_space<vmem>>, vector<1x1x16xi32>,
      %get3A_1086 = vector.shape_cast %get3A_1085 : vector<1x1x16xi32> to vector<16xi32>
      %sub3A_1087 = vector.broadcast %mul3A_44 : i32 to vector<16xi32>
      %sub3A_1088 = arith.subi %get3A_1086, %sub3A_1087 : vector<16xi32>
      %ge3A_1089 = arith.constant 0 : i32
      %ge3A_1090 = vector.broadcast %ge3A_1089 : i32 to vector<16xi32>
      %ge3A_1091 = arith.cmpi sge, %sub3A_1088, %ge3A_1090 : vector<16xi32>
      %lt3A_1092 = arith.constant 5120 : i32
      %lt3A_1093 = vector.broadcast %lt3A_1092 : i32 to vector<16xi32>
      %lt3A_1094 = arith.cmpi slt, %sub3A_1088, %lt3A_1093 : vector<16xi32>
      %and3A_1095 = arith.andi %ge3A_1091, %lt3A_1094 : vector<16xi1>
      %jit3A_1096 = arith.constant 5120 : i32
      %broadcast_in_dim3A_1097 = vector.broadcast %jit3A_1096 : i32 to vector<16xi32>
      %select_n3A_1098 = arith.select %and3A_1095, %sub3A_1088, %broadcast_in_dim3A_1097 : vector<16xi1>, vector<16xi32>
      %swap3A_1099 = arith.constant 0 : i32
      %swap3A_1100 = arith.constant 0 : i32
      %swap3A_1101 = arith.index_cast %swap3A_1099 : i32 to index
      %swap3A_1102 = arith.index_cast %swap3A_1100 : i32 to index
      %swap3A_1103 = arith.constant 0 : index
      %swap3A_1104 = tpu.vector_load %arg8[%swap3A_1101, %swap3A_1102, %swap3A_1103] {strides = array<i32>} : memref<2x1x128xi32, #tpu.memory_space<vmem>>, vector<1x1x16xi32>,
      %swap3A_1105 = vector.shape_cast %swap3A_1104 : vector<1x1x16xi32> to vector<16xi32>
      %swap3A_1106 = vector.shape_cast %select_n3A_1098 : vector<16xi32> to vector<1x1x16xi32>
      tpu.vector_store %arg8[%swap3A_1101, %swap3A_1102, %swap3A_1103], %swap3A_1106 {strides = array<i32>} : memref<2x1x128xi32, #tpu.memory_space<vmem>>, vector<1x1x16xi32>,
      %get3A_1107 = arith.constant 2 : i32
      %get3A_1108 = arith.constant 0 : i32
      %get3A_1109 = arith.index_cast %get3A_1107 : i32 to index
      %get3A_1110 = arith.index_cast %get3A_1108 : i32 to index
      %get3A_1111 = arith.constant 16 : index
      %get3A_1112 = tpu.vector_load %arg7[%get3A_1109, %get3A_1110, %get3A_1111] {strides = array<i32>} : memref<4x2x128xi32, #tpu.memory_space<vmem>>, vector<1x1x16xi32>,
      %get3A_1113 = vector.shape_cast %get3A_1112 : vector<1x1x16xi32> to vector<16xi32>
      %sub3A_1114 = vector.broadcast %mul3A_44 : i32 to vector<16xi32>
      %sub3A_1115 = arith.subi %get3A_1113, %sub3A_1114 : vector<16xi32>
      %ge3A_1116 = arith.constant 0 : i32
      %ge3A_1117 = vector.broadcast %ge3A_1116 : i32 to vector<16xi32>
      %ge3A_1118 = arith.cmpi sge, %sub3A_1115, %ge3A_1117 : vector<16xi32>
      %lt3A_1119 = arith.constant 5120 : i32
      %lt3A_1120 = vector.broadcast %lt3A_1119 : i32 to vector<16xi32>
      %lt3A_1121 = arith.cmpi slt, %sub3A_1115, %lt3A_1120 : vector<16xi32>
      %and3A_1122 = arith.andi %ge3A_1118, %lt3A_1121 : vector<16xi1>
      %jit3A_1123 = arith.constant 5120 : i32
      %broadcast_in_dim3A_1124 = vector.broadcast %jit3A_1123 : i32 to vector<16xi32>
      %select_n3A_1125 = arith.select %and3A_1122, %sub3A_1115, %broadcast_in_dim3A_1124 : vector<16xi1>, vector<16xi32>
      %swap3A_1126 = arith.constant 0 : i32
      %swap3A_1127 = arith.constant 0 : i32
      %swap3A_1128 = arith.index_cast %swap3A_1126 : i32 to index
      %swap3A_1129 = arith.index_cast %swap3A_1127 : i32 to index
      %swap3A_1130 = arith.constant 16 : index
      %swap3A_1131 = tpu.vector_load %arg8[%swap3A_1128, %swap3A_1129, %swap3A_1130] {strides = array<i32>} : memref<2x1x128xi32, #tpu.memory_space<vmem>>, vector<1x1x16xi32>,
      %swap3A_1132 = vector.shape_cast %swap3A_1131 : vector<1x1x16xi32> to vector<16xi32>
      %swap3A_1133 = vector.shape_cast %select_n3A_1125 : vector<16xi32> to vector<1x1x16xi32>
      tpu.vector_store %arg8[%swap3A_1128, %swap3A_1129, %swap3A_1130], %swap3A_1133 {strides = array<i32>} : memref<2x1x128xi32, #tpu.memory_space<vmem>>, vector<1x1x16xi32>,
      %get3A_1134 = arith.constant 2 : i32
      %get3A_1135 = arith.constant 0 : i32
      %get3A_1136 = arith.index_cast %get3A_1134 : i32 to index
      %get3A_1137 = arith.index_cast %get3A_1135 : i32 to index
      %get3A_1138 = arith.constant 32 : index
      %get3A_1139 = tpu.vector_load %arg7[%get3A_1136, %get3A_1137, %get3A_1138] {strides = array<i32>} : memref<4x2x128xi32, #tpu.memory_space<vmem>>, vector<1x1x16xi32>,
      %get3A_1140 = vector.shape_cast %get3A_1139 : vector<1x1x16xi32> to vector<16xi32>
      %sub3A_1141 = vector.broadcast %mul3A_44 : i32 to vector<16xi32>
      %sub3A_1142 = arith.subi %get3A_1140, %sub3A_1141 : vector<16xi32>
      %ge3A_1143 = arith.constant 0 : i32
      %ge3A_1144 = vector.broadcast %ge3A_1143 : i32 to vector<16xi32>
      %ge3A_1145 = arith.cmpi sge, %sub3A_1142, %ge3A_1144 : vector<16xi32>
      %lt3A_1146 = arith.constant 5120 : i32
      %lt3A_1147 = vector.broadcast %lt3A_1146 : i32 to vector<16xi32>
      %lt3A_1148 = arith.cmpi slt, %sub3A_1142, %lt3A_1147 : vector<16xi32>
      %and3A_1149 = arith.andi %ge3A_1145, %lt3A_1148 : vector<16xi1>
      %jit3A_1150 = arith.constant 5120 : i32
      %broadcast_in_dim3A_1151 = vector.broadcast %jit3A_1150 : i32 to vector<16xi32>
      %select_n3A_1152 = arith.select %and3A_1149, %sub3A_1142, %broadcast_in_dim3A_1151 : vector<16xi1>, vector<16xi32>
      %swap3A_1153 = arith.constant 0 : i32
      %swap3A_1154 = arith.constant 0 : i32
      %swap3A_1155 = arith.index_cast %swap3A_1153 : i32 to index
      %swap3A_1156 = arith.index_cast %swap3A_1154 : i32 to index
      %swap3A_1157 = arith.constant 32 : index
      %swap3A_1158 = tpu.vector_load %arg8[%swap3A_1155, %swap3A_1156, %swap3A_1157] {strides = array<i32>} : memref<2x1x128xi32, #tpu.memory_space<vmem>>, vector<1x1x16xi32>,
      %swap3A_1159 = vector.shape_cast %swap3A_1158 : vector<1x1x16xi32> to vector<16xi32>
      %swap3A_1160 = vector.shape_cast %select_n3A_1152 : vector<16xi32> to vector<1x1x16xi32>
      tpu.vector_store %arg8[%swap3A_1155, %swap3A_1156, %swap3A_1157], %swap3A_1160 {strides = array<i32>} : memref<2x1x128xi32, #tpu.memory_space<vmem>>, vector<1x1x16xi32>,
      %get3A_1161 = arith.constant 2 : i32
      %get3A_1162 = arith.constant 0 : i32
      %get3A_1163 = arith.index_cast %get3A_1161 : i32 to index
      %get3A_1164 = arith.index_cast %get3A_1162 : i32 to index
      %get3A_1165 = arith.constant 48 : index
      %get3A_1166 = tpu.vector_load %arg7[%get3A_1163, %get3A_1164, %get3A_1165] {strides = array<i32>} : memref<4x2x128xi32, #tpu.memory_space<vmem>>, vector<1x1x16xi32>,
      %get3A_1167 = vector.shape_cast %get3A_1166 : vector<1x1x16xi32> to vector<16xi32>
      %sub3A_1168 = vector.broadcast %mul3A_44 : i32 to vector<16xi32>
      %sub3A_1169 = arith.subi %get3A_1167, %sub3A_1168 : vector<16xi32>
      %ge3A_1170 = arith.constant 0 : i32
      %ge3A_1171 = vector.broadcast %ge3A_1170 : i32 to vector<16xi32>
      %ge3A_1172 = arith.cmpi sge, %sub3A_1169, %ge3A_1171 : vector<16xi32>
      %lt3A_1173 = arith.constant 5120 : i32
      %lt3A_1174 = vector.broadcast %lt3A_1173 : i32 to vector<16xi32>
      %lt3A_1175 = arith.cmpi slt, %sub3A_1169, %lt3A_1174 : vector<16xi32>
      %and3A_1176 = arith.andi %ge3A_1172, %lt3A_1175 : vector<16xi1>
      %jit3A_1177 = arith.constant 5120 : i32
      %broadcast_in_dim3A_1178 = vector.broadcast %jit3A_1177 : i32 to vector<16xi32>
      %select_n3A_1179 = arith.select %and3A_1176, %sub3A_1169, %broadcast_in_dim3A_1178 : vector<16xi1>, vector<16xi32>
      %swap3A_1180 = arith.constant 0 : i32
      %swap3A_1181 = arith.constant 0 : i32
      %swap3A_1182 = arith.index_cast %swap3A_1180 : i32 to index
      %swap3A_1183 = arith.index_cast %swap3A_1181 : i32 to index
      %swap3A_1184 = arith.constant 48 : index
      %swap3A_1185 = tpu.vector_load %arg8[%swap3A_1182, %swap3A_1183, %swap3A_1184] {strides = array<i32>} : memref<2x1x128xi32, #tpu.memory_space<vmem>>, vector<1x1x16xi32>,
      %swap3A_1186 = vector.shape_cast %swap3A_1185 : vector<1x1x16xi32> to vector<16xi32>
      %swap3A_1187 = vector.shape_cast %select_n3A_1179 : vector<16xi32> to vector<1x1x16xi32>
      tpu.vector_store %arg8[%swap3A_1182, %swap3A_1183, %swap3A_1184], %swap3A_1187 {strides = array<i32>} : memref<2x1x128xi32, #tpu.memory_space<vmem>>, vector<1x1x16xi32>,
      %get3A_1188 = arith.constant 2 : i32
      %get3A_1189 = arith.constant 0 : i32
      %get3A_1190 = arith.index_cast %get3A_1188 : i32 to index
      %get3A_1191 = arith.index_cast %get3A_1189 : i32 to index
      %get3A_1192 = arith.constant 64 : index
      %get3A_1193 = tpu.vector_load %arg7[%get3A_1190, %get3A_1191, %get3A_1192] {strides = array<i32>} : memref<4x2x128xi32, #tpu.memory_space<vmem>>, vector<1x1x16xi32>,
      %get3A_1194 = vector.shape_cast %get3A_1193 : vector<1x1x16xi32> to vector<16xi32>
      %sub3A_1195 = vector.broadcast %mul3A_44 : i32 to vector<16xi32>
      %sub3A_1196 = arith.subi %get3A_1194, %sub3A_1195 : vector<16xi32>
      %ge3A_1197 = arith.constant 0 : i32
      %ge3A_1198 = vector.broadcast %ge3A_1197 : i32 to vector<16xi32>
      %ge3A_1199 = arith.cmpi sge, %sub3A_1196, %ge3A_1198 : vector<16xi32>
      %lt3A_1200 = arith.constant 5120 : i32
      %lt3A_1201 = vector.broadcast %lt3A_1200 : i32 to vector<16xi32>
      %lt3A_1202 = arith.cmpi slt, %sub3A_1196, %lt3A_1201 : vector<16xi32>
      %and3A_1203 = arith.andi %ge3A_1199, %lt3A_1202 : vector<16xi1>
      %jit3A_1204 = arith.constant 5120 : i32
      %broadcast_in_dim3A_1205 = vector.broadcast %jit3A_1204 : i32 to vector<16xi32>
      %select_n3A_1206 = arith.select %and3A_1203, %sub3A_1196, %broadcast_in_dim3A_1205 : vector<16xi1>, vector<16xi32>
      %swap3A_1207 = arith.constant 0 : i32
      %swap3A_1208 = arith.constant 0 : i32
      %swap3A_1209 = arith.index_cast %swap3A_1207 : i32 to index
      %swap3A_1210 = arith.index_cast %swap3A_1208 : i32 to index
      %swap3A_1211 = arith.constant 64 : index
      %swap3A_1212 = tpu.vector_load %arg8[%swap3A_1209, %swap3A_1210, %swap3A_1211] {strides = array<i32>} : memref<2x1x128xi32, #tpu.memory_space<vmem>>, vector<1x1x16xi32>,
      %swap3A_1213 = vector.shape_cast %swap3A_1212 : vector<1x1x16xi32> to vector<16xi32>
      %swap3A_1214 = vector.shape_cast %select_n3A_1206 : vector<16xi32> to vector<1x1x16xi32>
      tpu.vector_store %arg8[%swap3A_1209, %swap3A_1210, %swap3A_1211], %swap3A_1214 {strides = array<i32>} : memref<2x1x128xi32, #tpu.memory_space<vmem>>, vector<1x1x16xi32>,
      %get3A_1215 = arith.constant 2 : i32
      %get3A_1216 = arith.constant 0 : i32
      %get3A_1217 = arith.index_cast %get3A_1215 : i32 to index
      %get3A_1218 = arith.index_cast %get3A_1216 : i32 to index
      %get3A_1219 = arith.constant 80 : index
      %get3A_1220 = tpu.vector_load %arg7[%get3A_1217, %get3A_1218, %get3A_1219] {strides = array<i32>} : memref<4x2x128xi32, #tpu.memory_space<vmem>>, vector<1x1x16xi32>,
      %get3A_1221 = vector.shape_cast %get3A_1220 : vector<1x1x16xi32> to vector<16xi32>
      %sub3A_1222 = vector.broadcast %mul3A_44 : i32 to vector<16xi32>
      %sub3A_1223 = arith.subi %get3A_1221, %sub3A_1222 : vector<16xi32>
      %ge3A_1224 = arith.constant 0 : i32
      %ge3A_1225 = vector.broadcast %ge3A_1224 : i32 to vector<16xi32>
      %ge3A_1226 = arith.cmpi sge, %sub3A_1223, %ge3A_1225 : vector<16xi32>
      %lt3A_1227 = arith.constant 5120 : i32
      %lt3A_1228 = vector.broadcast %lt3A_1227 : i32 to vector<16xi32>
      %lt3A_1229 = arith.cmpi slt, %sub3A_1223, %lt3A_1228 : vector<16xi32>
      %and3A_1230 = arith.andi %ge3A_1226, %lt3A_1229 : vector<16xi1>
      %jit3A_1231 = arith.constant 5120 : i32
      %broadcast_in_dim3A_1232 = vector.broadcast %jit3A_1231 : i32 to vector<16xi32>
      %select_n3A_1233 = arith.select %and3A_1230, %sub3A_1223, %broadcast_in_dim3A_1232 : vector<16xi1>, vector<16xi32>
      %swap3A_1234 = arith.constant 0 : i32
      %swap3A_1235 = arith.constant 0 : i32
      %swap3A_1236 = arith.index_cast %swap3A_1234 : i32 to index
      %swap3A_1237 = arith.index_cast %swap3A_1235 : i32 to index
      %swap3A_1238 = arith.constant 80 : index
      %swap3A_1239 = tpu.vector_load %arg8[%swap3A_1236, %swap3A_1237, %swap3A_1238] {strides = array<i32>} : memref<2x1x128xi32, #tpu.memory_space<vmem>>, vector<1x1x16xi32>,
      %swap3A_1240 = vector.shape_cast %swap3A_1239 : vector<1x1x16xi32> to vector<16xi32>
      %swap3A_1241 = vector.shape_cast %select_n3A_1233 : vector<16xi32> to vector<1x1x16xi32>
      tpu.vector_store %arg8[%swap3A_1236, %swap3A_1237, %swap3A_1238], %swap3A_1241 {strides = array<i32>} : memref<2x1x128xi32, #tpu.memory_space<vmem>>, vector<1x1x16xi32>,
      %get3A_1242 = arith.constant 2 : i32
      %get3A_1243 = arith.constant 0 : i32
      %get3A_1244 = arith.index_cast %get3A_1242 : i32 to index
      %get3A_1245 = arith.index_cast %get3A_1243 : i32 to index
      %get3A_1246 = arith.constant 96 : index
      %get3A_1247 = tpu.vector_load %arg7[%get3A_1244, %get3A_1245, %get3A_1246] {strides = array<i32>} : memref<4x2x128xi32, #tpu.memory_space<vmem>>, vector<1x1x16xi32>,
      %get3A_1248 = vector.shape_cast %get3A_1247 : vector<1x1x16xi32> to vector<16xi32>
      %sub3A_1249 = vector.broadcast %mul3A_44 : i32 to vector<16xi32>
      %sub3A_1250 = arith.subi %get3A_1248, %sub3A_1249 : vector<16xi32>
      %ge3A_1251 = arith.constant 0 : i32
      %ge3A_1252 = vector.broadcast %ge3A_1251 : i32 to vector<16xi32>
      %ge3A_1253 = arith.cmpi sge, %sub3A_1250, %ge3A_1252 : vector<16xi32>
      %lt3A_1254 = arith.constant 5120 : i32
      %lt3A_1255 = vector.broadcast %lt3A_1254 : i32 to vector<16xi32>
      %lt3A_1256 = arith.cmpi slt, %sub3A_1250, %lt3A_1255 : vector<16xi32>
      %and3A_1257 = arith.andi %ge3A_1253, %lt3A_1256 : vector<16xi1>
      %jit3A_1258 = arith.constant 5120 : i32
      %broadcast_in_dim3A_1259 = vector.broadcast %jit3A_1258 : i32 to vector<16xi32>
      %select_n3A_1260 = arith.select %and3A_1257, %sub3A_1250, %broadcast_in_dim3A_1259 : vector<16xi1>, vector<16xi32>
      %swap3A_1261 = arith.constant 0 : i32
      %swap3A_1262 = arith.constant 0 : i32
      %swap3A_1263 = arith.index_cast %swap3A_1261 : i32 to index
      %swap3A_1264 = arith.index_cast %swap3A_1262 : i32 to index
      %swap3A_1265 = arith.constant 96 : index
      %swap3A_1266 = tpu.vector_load %arg8[%swap3A_1263, %swap3A_1264, %swap3A_1265] {strides = array<i32>} : memref<2x1x128xi32, #tpu.memory_space<vmem>>, vector<1x1x16xi32>,
      %swap3A_1267 = vector.shape_cast %swap3A_1266 : vector<1x1x16xi32> to vector<16xi32>
      %swap3A_1268 = vector.shape_cast %select_n3A_1260 : vector<16xi32> to vector<1x1x16xi32>
      tpu.vector_store %arg8[%swap3A_1263, %swap3A_1264, %swap3A_1265], %swap3A_1268 {strides = array<i32>} : memref<2x1x128xi32, #tpu.memory_space<vmem>>, vector<1x1x16xi32>,
      %get3A_1269 = arith.constant 2 : i32
      %get3A_1270 = arith.constant 0 : i32
      %get3A_1271 = arith.index_cast %get3A_1269 : i32 to index
      %get3A_1272 = arith.index_cast %get3A_1270 : i32 to index
      %get3A_1273 = arith.constant 112 : index
      %get3A_1274 = tpu.vector_load %arg7[%get3A_1271, %get3A_1272, %get3A_1273] {strides = array<i32>} : memref<4x2x128xi32, #tpu.memory_space<vmem>>, vector<1x1x16xi32>,
      %get3A_1275 = vector.shape_cast %get3A_1274 : vector<1x1x16xi32> to vector<16xi32>
      %sub3A_1276 = vector.broadcast %mul3A_44 : i32 to vector<16xi32>
      %sub3A_1277 = arith.subi %get3A_1275, %sub3A_1276 : vector<16xi32>
      %ge3A_1278 = arith.constant 0 : i32
      %ge3A_1279 = vector.broadcast %ge3A_1278 : i32 to vector<16xi32>
      %ge3A_1280 = arith.cmpi sge, %sub3A_1277, %ge3A_1279 : vector<16xi32>
      %lt3A_1281 = arith.constant 5120 : i32
      %lt3A_1282 = vector.broadcast %lt3A_1281 : i32 to vector<16xi32>
      %lt3A_1283 = arith.cmpi slt, %sub3A_1277, %lt3A_1282 : vector<16xi32>
      %and3A_1284 = arith.andi %ge3A_1280, %lt3A_1283 : vector<16xi1>
      %jit3A_1285 = arith.constant 5120 : i32
      %broadcast_in_dim3A_1286 = vector.broadcast %jit3A_1285 : i32 to vector<16xi32>
      %select_n3A_1287 = arith.select %and3A_1284, %sub3A_1277, %broadcast_in_dim3A_1286 : vector<16xi1>, vector<16xi32>
      %swap3A_1288 = arith.constant 0 : i32
      %swap3A_1289 = arith.constant 0 : i32
      %swap3A_1290 = arith.index_cast %swap3A_1288 : i32 to index
      %swap3A_1291 = arith.index_cast %swap3A_1289 : i32 to index
      %swap3A_1292 = arith.constant 112 : index
      %swap3A_1293 = tpu.vector_load %arg8[%swap3A_1290, %swap3A_1291, %swap3A_1292] {strides = array<i32>} : memref<2x1x128xi32, #tpu.memory_space<vmem>>, vector<1x1x16xi32>,
      %swap3A_1294 = vector.shape_cast %swap3A_1293 : vector<1x1x16xi32> to vector<16xi32>
      %swap3A_1295 = vector.shape_cast %select_n3A_1287 : vector<16xi32> to vector<1x1x16xi32>
      tpu.vector_store %arg8[%swap3A_1290, %swap3A_1291, %swap3A_1292], %swap3A_1295 {strides = array<i32>} : memref<2x1x128xi32, #tpu.memory_space<vmem>>, vector<1x1x16xi32>,
      %add3A_1296 = arith.constant 4 : i32
      %add3A_1297 = arith.addi %add3A_1043, %add3A_1296 : i32
      %mul3A_1298 = arith.constant 16 : i32
      %mul3A_1299 = arith.muli %add3A_1297, %mul3A_1298 : i32
      %add3A_1300 = arith.addi %add3A_42, %mul3A_1299 : i32
      %min3A_1301 = arith.constant 2499 : i32
      %min3A_1302 = arith.minsi %add3A_1300, %min3A_1301 : i32
      %dma_start3A_1303 = arith.constant 2 : i32
      %dma_start3A_1304 = arith.constant 0 : i32
      %dma_start3A_1305 = arith.constant 0 : i32
      %dma_start3A_1306 = tpu.memref_slice %arg7[%dma_start3A_1303, %dma_start3A_1304, %dma_start3A_1305] : memref<4x2x128xi32, #tpu.memory_space<vmem>> -> memref<1x2x128xi32, #tpu.memory_space<vmem>>
      %dma_start3A_1307 = tpu.memref_squeeze %dma_start3A_1306 : memref<1x2x128xi32, #tpu.memory_space<vmem>> -> memref<2x128xi32, #tpu.memory_space<vmem>>
      %dma_start3A_1308 = arith.constant 0 : i32
      %dma_start3A_1309 = arith.constant 0 : i32
      %dma_start3A_1310 = tpu.memref_slice %arg4[%min3A_1302, %dma_start3A_1308, %dma_start3A_1309] : memref<2500x2x128xi32, #tpu.memory_space<hbm>> -> memref<1x2x128xi32, #tpu.memory_space<hbm>>
      %dma_start3A_1311 = tpu.memref_squeeze %dma_start3A_1310 : memref<1x2x128xi32, #tpu.memory_space<hbm>> -> memref<2x128xi32, #tpu.memory_space<hbm>>
      %dma_start3A_1312 = arith.constant 0 : i32
      %dma_start3A_1313 = arith.constant 0 : i32
      %dma_start3A_1314 = tpu.memref_slice %arg7[%dma_start3A_1303, %dma_start3A_1312, %dma_start3A_1313] : memref<4x2x128xi32, #tpu.memory_space<vmem>> -> memref<1x2x128xi32, #tpu.memory_space<vmem>>
      %dma_start3A_1315 = tpu.memref_squeeze %dma_start3A_1314 : memref<1x2x128xi32, #tpu.memory_space<vmem>> -> memref<2x128xi32, #tpu.memory_space<vmem>>
      %dma_start3A_1316 = arith.constant 0 : i32
      %dma_start3A_1317 = arith.constant 0 : i32
      %dma_start3A_1318 = tpu.memref_slice %arg4[%min3A_1302, %dma_start3A_1316, %dma_start3A_1317] : memref<2500x2x128xi32, #tpu.memory_space<hbm>> -> memref<1x2x128xi32, #tpu.memory_space<hbm>>
      %dma_start3A_1319 = tpu.memref_squeeze %dma_start3A_1318 : memref<1x2x128xi32, #tpu.memory_space<hbm>> -> memref<2x128xi32, #tpu.memory_space<hbm>>
      tpu.enqueue_dma source(%dma_start3A_1319 : memref<2x128xi32, #tpu.memory_space<hbm>>) target(%dma_start3A_1315 : memref<2x128xi32, #tpu.memory_space<vmem>>) target_semaphore(%arg18 : memref<!tpu.dma_semaphore, #tpu.memory_space<semaphore_mem>>)
      %ge3A_1320 = arith.constant 1 : i32
      %ge3A_1321 = arith.cmpi sge, %add3A_1043, %ge3A_1320 : i32
      %sub3A_1322 = arith.constant 1 : i32
      %sub3A_1323 = arith.subi %add3A_1043, %sub3A_1322 : i32
      %lt3A_1324 = arith.cmpi slt, %sub3A_1323, %select_n3A_40 : i32
      %and3A_1325 = arith.andi %ge3A_1321, %lt3A_1324 : i1
      %convert_element_type3A_1326 = arith.extui %and3A_1325 : i1 to i32
      %cond3A_1327 = arith.constant 0 : i32
      %cond3A_1328 = arith.cmpi ne, %convert_element_type3A_1326, %cond3A_1327 : i32
      scf.if %cond3A_1328 {
        %dma_wait3A_1751 = arith.constant 1 : i32
        %dma_wait3A_1752 = arith.constant 0 : i32
        %dma_wait3A_1753 = arith.constant 0 : i32
        %dma_wait3A_1754 = tpu.memref_slice %arg8[%dma_wait3A_1751, %dma_wait3A_1752, %dma_wait3A_1753] : memref<2x1x128xi32, #tpu.memory_space<vmem>> -> memref<1x1x128xi32, #tpu.memory_space<vmem>>
        %dma_wait3A_1755 = tpu.memref_squeeze %dma_wait3A_1754 : memref<1x1x128xi32, #tpu.memory_space<vmem>> -> memref<128xi32, #tpu.memory_space<vmem>>
        %dma_wait3A_1756 = arith.constant 0 : i32
        %dma_wait3A_1757 = arith.constant 0 : i32
        %dma_wait3A_1758 = tpu.memref_slice %arg13[%dma_wait3A_1756, %dma_wait3A_1757] : memref<5248x128xf32, #tpu.memory_space<vmem_shared>> -> memref<5248x128xf32, #tpu.memory_space<vmem_shared>>
        tpu.wait_indirect_dma semaphore(%arg20 : memref<!tpu.dma_semaphore, #tpu.memory_space<semaphore_mem>>) src(%arg11 : memref<128x128xf32, #tpu.memory_space<vmem>>) dst(%dma_wait3A_1758 : memref<5248x128xf32, #tpu.memory_space<vmem_shared>>)
      } else {
      }
      %scan3A_1329 = arith.constant 0 : i32
      %scan3A_1330 = arith.constant 0 : i32
      %scan3A_1331 = arith.constant 128 : i32
      %scan3A_1332 = arith.addi %scan3A_1330, %scan3A_1331 : i32
      %scan3A_1333 = arith.constant 1 : i32
      %scan3A_1334 = scf.for %scan3A_1751 = %scan3A_1330 to %scan3A_1332 step %scan3A_1333 iter_args(%scan3A_1752 = %scan3A_1329) -> (i32)  : i32 {
        %get3A_1753 = arith.constant 0 : i32
        %get3A_1754 = arith.index_cast %get3A_1753 : i32 to index
        %get3A_1755 = arith.index_cast %scan3A_1751 : i32 to index
        %get3A_1756 = arith.constant 0 : index
        %get3A_1757 = tpu.vector_load %arg10[%get3A_1754, %get3A_1755, %get3A_1756] {strides = array<i32>} : memref<2x128x128xf32, #tpu.memory_space<vmem>>, vector<1x1x16xf32>,
        %get3A_1758 = vector.shape_cast %get3A_1757 : vector<1x1x16xf32> to vector<16xf32>
        %get3A_1759 = arith.constant 0 : i32
        %get3A_1760 = arith.index_cast %get3A_1759 : i32 to index
        %get3A_1761 = arith.index_cast %scan3A_1751 : i32 to index
        %get3A_1762 = arith.constant 0 : index
        %get3A_1763 = tpu.vector_load %arg9[%get3A_1760, %get3A_1761, %get3A_1762] {strides = array<i32>} : memref<2x128x128xf32, #tpu.memory_space<vmem>>, vector<1x1x16xf32>,
        %get3A_1764 = vector.shape_cast %get3A_1763 : vector<1x1x16xf32> to vector<16xf32>
        %mul3A_1765 = arith.mulf %get3A_1758, %get3A_1764 : vector<16xf32>
        %swap3A_1766 = arith.index_cast %scan3A_1751 : i32 to index
        %swap3A_1767 = arith.constant 0 : index
        %swap3A_1768 = tpu.vector_load %arg11[%swap3A_1766, %swap3A_1767] {strides = array<i32>} : memref<128x128xf32, #tpu.memory_space<vmem>>, vector<1x16xf32>,
        %swap3A_1769 = vector.shape_cast %swap3A_1768 : vector<1x16xf32> to vector<16xf32>
        %swap3A_1770 = vector.shape_cast %mul3A_1765 : vector<16xf32> to vector<1x16xf32>
        tpu.vector_store %arg11[%swap3A_1766, %swap3A_1767], %swap3A_1770 {strides = array<i32>} : memref<128x128xf32, #tpu.memory_space<vmem>>, vector<1x16xf32>,
        %get3A_1771 = arith.constant 0 : i32
        %get3A_1772 = arith.index_cast %get3A_1771 : i32 to index
        %get3A_1773 = arith.index_cast %scan3A_1751 : i32 to index
        %get3A_1774 = arith.constant 16 : index
        %get3A_1775 = tpu.vector_load %arg10[%get3A_1772, %get3A_1773, %get3A_1774] {strides = array<i32>} : memref<2x128x128xf32, #tpu.memory_space<vmem>>, vector<1x1x16xf32>,
        %get3A_1776 = vector.shape_cast %get3A_1775 : vector<1x1x16xf32> to vector<16xf32>
        %get3A_1777 = arith.constant 0 : i32
        %get3A_1778 = arith.index_cast %get3A_1777 : i32 to index
        %get3A_1779 = arith.index_cast %scan3A_1751 : i32 to index
        %get3A_1780 = arith.constant 16 : index
        %get3A_1781 = tpu.vector_load %arg9[%get3A_1778, %get3A_1779, %get3A_1780] {strides = array<i32>} : memref<2x128x128xf32, #tpu.memory_space<vmem>>, vector<1x1x16xf32>,
        %get3A_1782 = vector.shape_cast %get3A_1781 : vector<1x1x16xf32> to vector<16xf32>
        %mul3A_1783 = arith.mulf %get3A_1776, %get3A_1782 : vector<16xf32>
        %swap3A_1784 = arith.index_cast %scan3A_1751 : i32 to index
        %swap3A_1785 = arith.constant 16 : index
        %swap3A_1786 = tpu.vector_load %arg11[%swap3A_1784, %swap3A_1785] {strides = array<i32>} : memref<128x128xf32, #tpu.memory_space<vmem>>, vector<1x16xf32>,
        %swap3A_1787 = vector.shape_cast %swap3A_1786 : vector<1x16xf32> to vector<16xf32>
        %swap3A_1788 = vector.shape_cast %mul3A_1783 : vector<16xf32> to vector<1x16xf32>
        tpu.vector_store %arg11[%swap3A_1784, %swap3A_1785], %swap3A_1788 {strides = array<i32>} : memref<128x128xf32, #tpu.memory_space<vmem>>, vector<1x16xf32>,
        %get3A_1789 = arith.constant 0 : i32
        %get3A_1790 = arith.index_cast %get3A_1789 : i32 to index
        %get3A_1791 = arith.index_cast %scan3A_1751 : i32 to index
        %get3A_1792 = arith.constant 32 : index
        %get3A_1793 = tpu.vector_load %arg10[%get3A_1790, %get3A_1791, %get3A_1792] {strides = array<i32>} : memref<2x128x128xf32, #tpu.memory_space<vmem>>, vector<1x1x16xf32>,
        %get3A_1794 = vector.shape_cast %get3A_1793 : vector<1x1x16xf32> to vector<16xf32>
        %get3A_1795 = arith.constant 0 : i32
        %get3A_1796 = arith.index_cast %get3A_1795 : i32 to index
        %get3A_1797 = arith.index_cast %scan3A_1751 : i32 to index
        %get3A_1798 = arith.constant 32 : index
        %get3A_1799 = tpu.vector_load %arg9[%get3A_1796, %get3A_1797, %get3A_1798] {strides = array<i32>} : memref<2x128x128xf32, #tpu.memory_space<vmem>>, vector<1x1x16xf32>,
        %get3A_1800 = vector.shape_cast %get3A_1799 : vector<1x1x16xf32> to vector<16xf32>
        %mul3A_1801 = arith.mulf %get3A_1794, %get3A_1800 : vector<16xf32>
        %swap3A_1802 = arith.index_cast %scan3A_1751 : i32 to index
        %swap3A_1803 = arith.constant 32 : index
        %swap3A_1804 = tpu.vector_load %arg11[%swap3A_1802, %swap3A_1803] {strides = array<i32>} : memref<128x128xf32, #tpu.memory_space<vmem>>, vector<1x16xf32>,
        %swap3A_1805 = vector.shape_cast %swap3A_1804 : vector<1x16xf32> to vector<16xf32>
        %swap3A_1806 = vector.shape_cast %mul3A_1801 : vector<16xf32> to vector<1x16xf32>
        tpu.vector_store %arg11[%swap3A_1802, %swap3A_1803], %swap3A_1806 {strides = array<i32>} : memref<128x128xf32, #tpu.memory_space<vmem>>, vector<1x16xf32>,
        %get3A_1807 = arith.constant 0 : i32
        %get3A_1808 = arith.index_cast %get3A_1807 : i32 to index
        %get3A_1809 = arith.index_cast %scan3A_1751 : i32 to index
        %get3A_1810 = arith.constant 48 : index
        %get3A_1811 = tpu.vector_load %arg10[%get3A_1808, %get3A_1809, %get3A_1810] {strides = array<i32>} : memref<2x128x128xf32, #tpu.memory_space<vmem>>, vector<1x1x16xf32>,
        %get3A_1812 = vector.shape_cast %get3A_1811 : vector<1x1x16xf32> to vector<16xf32>
        %get3A_1813 = arith.constant 0 : i32
        %get3A_1814 = arith.index_cast %get3A_1813 : i32 to index
        %get3A_1815 = arith.index_cast %scan3A_1751 : i32 to index
        %get3A_1816 = arith.constant 48 : index
        %get3A_1817 = tpu.vector_load %arg9[%get3A_1814, %get3A_1815, %get3A_1816] {strides = array<i32>} : memref<2x128x128xf32, #tpu.memory_space<vmem>>, vector<1x1x16xf32>,
        %get3A_1818 = vector.shape_cast %get3A_1817 : vector<1x1x16xf32> to vector<16xf32>
        %mul3A_1819 = arith.mulf %get3A_1812, %get3A_1818 : vector<16xf32>
        %swap3A_1820 = arith.index_cast %scan3A_1751 : i32 to index
        %swap3A_1821 = arith.constant 48 : index
        %swap3A_1822 = tpu.vector_load %arg11[%swap3A_1820, %swap3A_1821] {strides = array<i32>} : memref<128x128xf32, #tpu.memory_space<vmem>>, vector<1x16xf32>,
        %swap3A_1823 = vector.shape_cast %swap3A_1822 : vector<1x16xf32> to vector<16xf32>
        %swap3A_1824 = vector.shape_cast %mul3A_1819 : vector<16xf32> to vector<1x16xf32>
        tpu.vector_store %arg11[%swap3A_1820, %swap3A_1821], %swap3A_1824 {strides = array<i32>} : memref<128x128xf32, #tpu.memory_space<vmem>>, vector<1x16xf32>,
        %get3A_1825 = arith.constant 0 : i32
        %get3A_1826 = arith.index_cast %get3A_1825 : i32 to index
        %get3A_1827 = arith.index_cast %scan3A_1751 : i32 to index
        %get3A_1828 = arith.constant 64 : index
        %get3A_1829 = tpu.vector_load %arg10[%get3A_1826, %get3A_1827, %get3A_1828] {strides = array<i32>} : memref<2x128x128xf32, #tpu.memory_space<vmem>>, vector<1x1x16xf32>,
        %get3A_1830 = vector.shape_cast %get3A_1829 : vector<1x1x16xf32> to vector<16xf32>
        %get3A_1831 = arith.constant 0 : i32
        %get3A_1832 = arith.index_cast %get3A_1831 : i32 to index
        %get3A_1833 = arith.index_cast %scan3A_1751 : i32 to index
        %get3A_1834 = arith.constant 64 : index
        %get3A_1835 = tpu.vector_load %arg9[%get3A_1832, %get3A_1833, %get3A_1834] {strides = array<i32>} : memref<2x128x128xf32, #tpu.memory_space<vmem>>, vector<1x1x16xf32>,
        %get3A_1836 = vector.shape_cast %get3A_1835 : vector<1x1x16xf32> to vector<16xf32>
        %mul3A_1837 = arith.mulf %get3A_1830, %get3A_1836 : vector<16xf32>
        %swap3A_1838 = arith.index_cast %scan3A_1751 : i32 to index
        %swap3A_1839 = arith.constant 64 : index
        %swap3A_1840 = tpu.vector_load %arg11[%swap3A_1838, %swap3A_1839] {strides = array<i32>} : memref<128x128xf32, #tpu.memory_space<vmem>>, vector<1x16xf32>,
        %swap3A_1841 = vector.shape_cast %swap3A_1840 : vector<1x16xf32> to vector<16xf32>
        %swap3A_1842 = vector.shape_cast %mul3A_1837 : vector<16xf32> to vector<1x16xf32>
        tpu.vector_store %arg11[%swap3A_1838, %swap3A_1839], %swap3A_1842 {strides = array<i32>} : memref<128x128xf32, #tpu.memory_space<vmem>>, vector<1x16xf32>,
        %get3A_1843 = arith.constant 0 : i32
        %get3A_1844 = arith.index_cast %get3A_1843 : i32 to index
        %get3A_1845 = arith.index_cast %scan3A_1751 : i32 to index
        %get3A_1846 = arith.constant 80 : index
        %get3A_1847 = tpu.vector_load %arg10[%get3A_1844, %get3A_1845, %get3A_1846] {strides = array<i32>} : memref<2x128x128xf32, #tpu.memory_space<vmem>>, vector<1x1x16xf32>,
        %get3A_1848 = vector.shape_cast %get3A_1847 : vector<1x1x16xf32> to vector<16xf32>
        %get3A_1849 = arith.constant 0 : i32
        %get3A_1850 = arith.index_cast %get3A_1849 : i32 to index
        %get3A_1851 = arith.index_cast %scan3A_1751 : i32 to index
        %get3A_1852 = arith.constant 80 : index
        %get3A_1853 = tpu.vector_load %arg9[%get3A_1850, %get3A_1851, %get3A_1852] {strides = array<i32>} : memref<2x128x128xf32, #tpu.memory_space<vmem>>, vector<1x1x16xf32>,
        %get3A_1854 = vector.shape_cast %get3A_1853 : vector<1x1x16xf32> to vector<16xf32>
        %mul3A_1855 = arith.mulf %get3A_1848, %get3A_1854 : vector<16xf32>
        %swap3A_1856 = arith.index_cast %scan3A_1751 : i32 to index
        %swap3A_1857 = arith.constant 80 : index
        %swap3A_1858 = tpu.vector_load %arg11[%swap3A_1856, %swap3A_1857] {strides = array<i32>} : memref<128x128xf32, #tpu.memory_space<vmem>>, vector<1x16xf32>,
        %swap3A_1859 = vector.shape_cast %swap3A_1858 : vector<1x16xf32> to vector<16xf32>
        %swap3A_1860 = vector.shape_cast %mul3A_1855 : vector<16xf32> to vector<1x16xf32>
        tpu.vector_store %arg11[%swap3A_1856, %swap3A_1857], %swap3A_1860 {strides = array<i32>} : memref<128x128xf32, #tpu.memory_space<vmem>>, vector<1x16xf32>,
        %get3A_1861 = arith.constant 0 : i32
        %get3A_1862 = arith.index_cast %get3A_1861 : i32 to index
        %get3A_1863 = arith.index_cast %scan3A_1751 : i32 to index
        %get3A_1864 = arith.constant 96 : index
        %get3A_1865 = tpu.vector_load %arg10[%get3A_1862, %get3A_1863, %get3A_1864] {strides = array<i32>} : memref<2x128x128xf32, #tpu.memory_space<vmem>>, vector<1x1x16xf32>,
        %get3A_1866 = vector.shape_cast %get3A_1865 : vector<1x1x16xf32> to vector<16xf32>
        %get3A_1867 = arith.constant 0 : i32
        %get3A_1868 = arith.index_cast %get3A_1867 : i32 to index
        %get3A_1869 = arith.index_cast %scan3A_1751 : i32 to index
        %get3A_1870 = arith.constant 96 : index
        %get3A_1871 = tpu.vector_load %arg9[%get3A_1868, %get3A_1869, %get3A_1870] {strides = array<i32>} : memref<2x128x128xf32, #tpu.memory_space<vmem>>, vector<1x1x16xf32>,
        %get3A_1872 = vector.shape_cast %get3A_1871 : vector<1x1x16xf32> to vector<16xf32>
        %mul3A_1873 = arith.mulf %get3A_1866, %get3A_1872 : vector<16xf32>
        %swap3A_1874 = arith.index_cast %scan3A_1751 : i32 to index
        %swap3A_1875 = arith.constant 96 : index
        %swap3A_1876 = tpu.vector_load %arg11[%swap3A_1874, %swap3A_1875] {strides = array<i32>} : memref<128x128xf32, #tpu.memory_space<vmem>>, vector<1x16xf32>,
        %swap3A_1877 = vector.shape_cast %swap3A_1876 : vector<1x16xf32> to vector<16xf32>
        %swap3A_1878 = vector.shape_cast %mul3A_1873 : vector<16xf32> to vector<1x16xf32>
        tpu.vector_store %arg11[%swap3A_1874, %swap3A_1875], %swap3A_1878 {strides = array<i32>} : memref<128x128xf32, #tpu.memory_space<vmem>>, vector<1x16xf32>,
        %get3A_1879 = arith.constant 0 : i32
        %get3A_1880 = arith.index_cast %get3A_1879 : i32 to index
        %get3A_1881 = arith.index_cast %scan3A_1751 : i32 to index
        %get3A_1882 = arith.constant 112 : index
        %get3A_1883 = tpu.vector_load %arg10[%get3A_1880, %get3A_1881, %get3A_1882] {strides = array<i32>} : memref<2x128x128xf32, #tpu.memory_space<vmem>>, vector<1x1x16xf32>,
        %get3A_1884 = vector.shape_cast %get3A_1883 : vector<1x1x16xf32> to vector<16xf32>
        %get3A_1885 = arith.constant 0 : i32
        %get3A_1886 = arith.index_cast %get3A_1885 : i32 to index
        %get3A_1887 = arith.index_cast %scan3A_1751 : i32 to index
        %get3A_1888 = arith.constant 112 : index
        %get3A_1889 = tpu.vector_load %arg9[%get3A_1886, %get3A_1887, %get3A_1888] {strides = array<i32>} : memref<2x128x128xf32, #tpu.memory_space<vmem>>, vector<1x1x16xf32>,
        %get3A_1890 = vector.shape_cast %get3A_1889 : vector<1x1x16xf32> to vector<16xf32>
        %mul3A_1891 = arith.mulf %get3A_1884, %get3A_1890 : vector<16xf32>
        %swap3A_1892 = arith.index_cast %scan3A_1751 : i32 to index
        %swap3A_1893 = arith.constant 112 : index
        %swap3A_1894 = tpu.vector_load %arg11[%swap3A_1892, %swap3A_1893] {strides = array<i32>} : memref<128x128xf32, #tpu.memory_space<vmem>>, vector<1x16xf32>,
        %swap3A_1895 = vector.shape_cast %swap3A_1894 : vector<1x16xf32> to vector<16xf32>
        %swap3A_1896 = vector.shape_cast %mul3A_1891 : vector<16xf32> to vector<1x16xf32>
        tpu.vector_store %arg11[%swap3A_1892, %swap3A_1893], %swap3A_1896 {strides = array<i32>} : memref<128x128xf32, #tpu.memory_space<vmem>>, vector<1x16xf32>,
        %scan3A_1897 = arith.constant 0 : i32
        scf.yield %scan3A_1897 : i32
      }
      %scan3A_1335 = arith.constant 128 : i32
      %lt3A_1336 = arith.cmpi slt, %add3A_1043, %select_n3A_40 : i32
      %convert_element_type3A_1337 = arith.extui %lt3A_1336 : i1 to i32
      %cond3A_1338 = arith.constant 0 : i32
      %cond3A_1339 = arith.cmpi ne, %convert_element_type3A_1337, %cond3A_1338 : i32
      scf.if %cond3A_1339 {
        %dma_start3A_1751 = arith.constant 0 : i32
        %dma_start3A_1752 = arith.constant 0 : i32
        %dma_start3A_1753 = arith.constant 0 : i32
        %dma_start3A_1754 = tpu.memref_slice %arg8[%dma_start3A_1751, %dma_start3A_1752, %dma_start3A_1753] : memref<2x1x128xi32, #tpu.memory_space<vmem>> -> memref<1x1x128xi32, #tpu.memory_space<vmem>>
        %dma_start3A_1755 = tpu.memref_squeeze %dma_start3A_1754 : memref<1x1x128xi32, #tpu.memory_space<vmem>> -> memref<128xi32, #tpu.memory_space<vmem>>
        %dma_start3A_1756 = arith.constant 0 : i32
        %dma_start3A_1757 = arith.constant 0 : i32
        %dma_start3A_1758 = tpu.memref_slice %arg13[%dma_start3A_1756, %dma_start3A_1757] : memref<5248x128xf32, #tpu.memory_space<vmem_shared>> -> memref<5248x128xf32, #tpu.memory_space<vmem_shared>>
        tpu.enqueue_indirect_dma source(%arg11 : memref<128x128xf32, #tpu.memory_space<vmem>>) target(%dma_start3A_1758 : memref<5248x128xf32, #tpu.memory_space<vmem_shared>>) offsets(%dma_start3A_1755 : memref<128xi32, #tpu.memory_space<vmem>>) semaphore(%arg20 : memref<!tpu.dma_semaphore, #tpu.memory_space<semaphore_mem>>) {add = true}
      } else {
      }
      %dma_wait3A_1340 = arith.constant 0 : i32
      %dma_wait3A_1341 = arith.constant 0 : i32
      %dma_wait3A_1342 = arith.constant 0 : i32
      %dma_wait3A_1343 = arith.constant 0 : i32
      %dma_wait3A_1344 = tpu.memref_slice %arg7[%dma_wait3A_1341, %dma_wait3A_1342, %dma_wait3A_1343] : memref<4x2x128xi32, #tpu.memory_space<vmem>> -> memref<1x2x128xi32, #tpu.memory_space<vmem>>
      %dma_wait3A_1345 = tpu.memref_squeeze %dma_wait3A_1344 : memref<1x2x128xi32, #tpu.memory_space<vmem>> -> memref<2x128xi32, #tpu.memory_space<vmem>>
      %dma_wait3A_1346 = arith.constant 0 : i32
      %dma_wait3A_1347 = arith.constant 0 : i32
      %dma_wait3A_1348 = tpu.memref_slice %arg4[%dma_wait3A_1340, %dma_wait3A_1346, %dma_wait3A_1347] : memref<2500x2x128xi32, #tpu.memory_space<hbm>> -> memref<1x2x128xi32, #tpu.memory_space<hbm>>
      %dma_wait3A_1349 = tpu.memref_squeeze %dma_wait3A_1348 : memref<1x2x128xi32, #tpu.memory_space<hbm>> -> memref<2x128xi32, #tpu.memory_space<hbm>>
      %dma_wait3A_1350 = arith.constant 0 : i32
      %dma_wait3A_1351 = arith.constant 0 : i32
      %dma_wait3A_1352 = tpu.memref_slice %arg7[%dma_wait3A_1341, %dma_wait3A_1350, %dma_wait3A_1351] : memref<4x2x128xi32, #tpu.memory_space<vmem>> -> memref<1x2x128xi32, #tpu.memory_space<vmem>>
      %dma_wait3A_1353 = tpu.memref_squeeze %dma_wait3A_1352 : memref<1x2x128xi32, #tpu.memory_space<vmem>> -> memref<2x128xi32, #tpu.memory_space<vmem>>
      %dma_wait3A_1354 = arith.constant 0 : i32
      %dma_wait3A_1355 = arith.constant 0 : i32
      %dma_wait3A_1356 = tpu.memref_slice %arg4[%dma_wait3A_1340, %dma_wait3A_1354, %dma_wait3A_1355] : memref<2500x2x128xi32, #tpu.memory_space<hbm>> -> memref<1x2x128xi32, #tpu.memory_space<hbm>>
      %dma_wait3A_1357 = tpu.memref_squeeze %dma_wait3A_1356 : memref<1x2x128xi32, #tpu.memory_space<hbm>> -> memref<2x128xi32, #tpu.memory_space<hbm>>
      tpu.wait_dma2 semaphore(%arg16 : memref<!tpu.dma_semaphore, #tpu.memory_space<semaphore_mem>>) src(%dma_wait3A_1357 : memref<2x128xi32, #tpu.memory_space<hbm>>) dst(%dma_wait3A_1353 : memref<2x128xi32, #tpu.memory_space<vmem>>)
      %add3A_1358 = arith.constant 2 : i32
      %add3A_1359 = arith.addi %add3A_1043, %add3A_1358 : i32
      %dma_start3A_1360 = arith.constant 0 : i32
      %dma_start3A_1361 = arith.constant 1 : i32
      %dma_start3A_1362 = arith.constant 0 : i32
      %dma_start3A_1363 = arith.constant 0 : i32
      %dma_start3A_1364 = arith.constant 0 : i32
      %dma_start3A_1365 = tpu.memref_slice %arg10[%dma_start3A_1362, %dma_start3A_1363, %dma_start3A_1364] : memref<2x128x128xf32, #tpu.memory_space<vmem>> -> memref<1x128x128xf32, #tpu.memory_space<vmem>>
      %dma_start3A_1366 = tpu.memref_squeeze %dma_start3A_1365 : memref<1x128x128xf32, #tpu.memory_space<vmem>> -> memref<128x128xf32, #tpu.memory_space<vmem>>
      %dma_start3A_1367 = arith.constant 0 : i32
      %dma_start3A_1368 = tpu.memref_slice %arg7[%dma_start3A_1360, %dma_start3A_1361, %dma_start3A_1367] : memref<4x2x128xi32, #tpu.memory_space<vmem>> -> memref<1x1x128xi32, #tpu.memory_space<vmem>>
      %dma_start3A_1369 = tpu.memref_squeeze %dma_start3A_1368 : memref<1x1x128xi32, #tpu.memory_space<vmem>> -> memref<128xi32, #tpu.memory_space<vmem>>
      %dma_start3A_1370 = arith.constant 0 : i32
      %dma_start3A_1371 = arith.constant 0 : i32
      %dma_start3A_1372 = tpu.memref_slice %arg2[%dma_start3A_1370, %dma_start3A_1371] : memref<10000x128xf32, #tpu.memory_space<hbm>> -> memref<10000x128xf32, #tpu.memory_space<hbm>>
      tpu.enqueue_indirect_dma source(%dma_start3A_1372 : memref<10000x128xf32, #tpu.memory_space<hbm>>) target(%dma_start3A_1366 : memref<128x128xf32, #tpu.memory_space<vmem>>) offsets(%dma_start3A_1369 : memref<128xi32, #tpu.memory_space<vmem>>) semaphore(%arg14 : memref<!tpu.dma_semaphore, #tpu.memory_space<semaphore_mem>>)
      %mul3A_1373 = arith.constant 16 : i32
      %mul3A_1374 = arith.muli %add3A_1359, %mul3A_1373 : i32
      %add3A_1375 = arith.addi %add3A_42, %mul3A_1374 : i32
      %min3A_1376 = arith.constant 2499 : i32
      %min3A_1377 = arith.minsi %add3A_1375, %min3A_1376 : i32
      %dma_start3A_1378 = arith.constant 0 : i32
      %dma_start3A_1379 = arith.constant 0 : i32
      %dma_start3A_1380 = arith.constant 0 : i32
      %dma_start3A_1381 = tpu.memref_slice %arg9[%dma_start3A_1378, %dma_start3A_1379, %dma_start3A_1380] : memref<2x128x128xf32, #tpu.memory_space<vmem>> -> memref<1x128x128xf32, #tpu.memory_space<vmem>>
      %dma_start3A_1382 = tpu.memref_squeeze %dma_start3A_1381 : memref<1x128x128xf32, #tpu.memory_space<vmem>> -> memref<128x128xf32, #tpu.memory_space<vmem>>
      %dma_start3A_1383 = arith.constant 0 : i32
      %dma_start3A_1384 = arith.constant 0 : i32
      %dma_start3A_1385 = tpu.memref_slice %arg3[%min3A_1377, %dma_start3A_1383, %dma_start3A_1384] : memref<2500x128x128xf32, #tpu.memory_space<hbm>> -> memref<1x128x128xf32, #tpu.memory_space<hbm>>
      %dma_start3A_1386 = tpu.memref_squeeze %dma_start3A_1385 : memref<1x128x128xf32, #tpu.memory_space<hbm>> -> memref<128x128xf32, #tpu.memory_space<hbm>>
      %dma_start3A_1387 = arith.constant 0 : i32
      %dma_start3A_1388 = arith.constant 0 : i32
      %dma_start3A_1389 = tpu.memref_slice %arg9[%dma_start3A_1378, %dma_start3A_1387, %dma_start3A_1388] : memref<2x128x128xf32, #tpu.memory_space<vmem>> -> memref<1x128x128xf32, #tpu.memory_space<vmem>>
      %dma_start3A_1390 = tpu.memref_squeeze %dma_start3A_1389 : memref<1x128x128xf32, #tpu.memory_space<vmem>> -> memref<128x128xf32, #tpu.memory_space<vmem>>
      %dma_start3A_1391 = arith.constant 0 : i32
      %dma_start3A_1392 = arith.constant 0 : i32
      %dma_start3A_1393 = tpu.memref_slice %arg3[%min3A_1377, %dma_start3A_1391, %dma_start3A_1392] : memref<2500x128x128xf32, #tpu.memory_space<hbm>> -> memref<1x128x128xf32, #tpu.memory_space<hbm>>
      %dma_start3A_1394 = tpu.memref_squeeze %dma_start3A_1393 : memref<1x128x128xf32, #tpu.memory_space<hbm>> -> memref<128x128xf32, #tpu.memory_space<hbm>>
      tpu.enqueue_dma source(%dma_start3A_1394 : memref<128x128xf32, #tpu.memory_space<hbm>>) target(%dma_start3A_1390 : memref<128x128xf32, #tpu.memory_space<vmem>>) target_semaphore(%arg14 : memref<!tpu.dma_semaphore, #tpu.memory_space<semaphore_mem>>)
      %mul3A_1395 = arith.constant 4 : i32
      %mul3A_1396 = arith.muli %while3A_331, %mul3A_1395 : i32
      %add3A_1397 = arith.constant 3 : i32
      %add3A_1398 = arith.addi %mul3A_1396, %add3A_1397 : i32
      %dma_wait3A_1399 = arith.constant 0 : i32
      %dma_wait3A_1400 = arith.constant 1 : i32
      %dma_wait3A_1401 = arith.constant 0 : i32
      %dma_wait3A_1402 = arith.constant 0 : i32
      %dma_wait3A_1403 = tpu.memref_slice %arg10[%dma_wait3A_1400, %dma_wait3A_1401, %dma_wait3A_1402] : memref<2x128x128xf32, #tpu.memory_space<vmem>> -> memref<1x128x128xf32, #tpu.memory_space<vmem>>
      %dma_wait3A_1404 = tpu.memref_squeeze %dma_wait3A_1403 : memref<1x128x128xf32, #tpu.memory_space<vmem>> -> memref<128x128xf32, #tpu.memory_space<vmem>>
      %dma_wait3A_1405 = arith.constant 0 : i32
      %dma_wait3A_1406 = arith.constant 0 : i32
      %dma_wait3A_1407 = tpu.memref_slice %arg3[%dma_wait3A_1399, %dma_wait3A_1405, %dma_wait3A_1406] : memref<2500x128x128xf32, #tpu.memory_space<hbm>> -> memref<1x128x128xf32, #tpu.memory_space<hbm>>
      %dma_wait3A_1408 = tpu.memref_squeeze %dma_wait3A_1407 : memref<1x128x128xf32, #tpu.memory_space<hbm>> -> memref<128x128xf32, #tpu.memory_space<hbm>>
      %dma_wait3A_1409 = arith.constant 0 : i32
      %dma_wait3A_1410 = arith.constant 0 : i32
      %dma_wait3A_1411 = tpu.memref_slice %arg10[%dma_wait3A_1400, %dma_wait3A_1409, %dma_wait3A_1410] : memref<2x128x128xf32, #tpu.memory_space<vmem>> -> memref<1x128x128xf32, #tpu.memory_space<vmem>>
      %dma_wait3A_1412 = tpu.memref_squeeze %dma_wait3A_1411 : memref<1x128x128xf32, #tpu.memory_space<vmem>> -> memref<128x128xf32, #tpu.memory_space<vmem>>
      %dma_wait3A_1413 = arith.constant 0 : i32
      %dma_wait3A_1414 = arith.constant 0 : i32
      %dma_wait3A_1415 = tpu.memref_slice %arg3[%dma_wait3A_1399, %dma_wait3A_1413, %dma_wait3A_1414] : memref<2500x128x128xf32, #tpu.memory_space<hbm>> -> memref<1x128x128xf32, #tpu.memory_space<hbm>>
      %dma_wait3A_1416 = tpu.memref_squeeze %dma_wait3A_1415 : memref<1x128x128xf32, #tpu.memory_space<hbm>> -> memref<128x128xf32, #tpu.memory_space<hbm>>
      tpu.wait_dma2 semaphore(%arg15 : memref<!tpu.dma_semaphore, #tpu.memory_space<semaphore_mem>>) src(%dma_wait3A_1416 : memref<128x128xf32, #tpu.memory_space<hbm>>) dst(%dma_wait3A_1412 : memref<128x128xf32, #tpu.memory_space<vmem>>)
      %dma_wait3A_1417 = arith.constant 0 : i32
      %dma_wait3A_1418 = arith.constant 1 : i32
      %dma_wait3A_1419 = arith.constant 0 : i32
      %dma_wait3A_1420 = arith.constant 0 : i32
      %dma_wait3A_1421 = tpu.memref_slice %arg9[%dma_wait3A_1418, %dma_wait3A_1419, %dma_wait3A_1420] : memref<2x128x128xf32, #tpu.memory_space<vmem>> -> memref<1x128x128xf32, #tpu.memory_space<vmem>>
      %dma_wait3A_1422 = tpu.memref_squeeze %dma_wait3A_1421 : memref<1x128x128xf32, #tpu.memory_space<vmem>> -> memref<128x128xf32, #tpu.memory_space<vmem>>
      %dma_wait3A_1423 = arith.constant 0 : i32
      %dma_wait3A_1424 = arith.constant 0 : i32
      %dma_wait3A_1425 = tpu.memref_slice %arg3[%dma_wait3A_1417, %dma_wait3A_1423, %dma_wait3A_1424] : memref<2500x128x128xf32, #tpu.memory_space<hbm>> -> memref<1x128x128xf32, #tpu.memory_space<hbm>>
      %dma_wait3A_1426 = tpu.memref_squeeze %dma_wait3A_1425 : memref<1x128x128xf32, #tpu.memory_space<hbm>> -> memref<128x128xf32, #tpu.memory_space<hbm>>
      %dma_wait3A_1427 = arith.constant 0 : i32
      %dma_wait3A_1428 = arith.constant 0 : i32
      %dma_wait3A_1429 = tpu.memref_slice %arg9[%dma_wait3A_1418, %dma_wait3A_1427, %dma_wait3A_1428] : memref<2x128x128xf32, #tpu.memory_space<vmem>> -> memref<1x128x128xf32, #tpu.memory_space<vmem>>
      %dma_wait3A_1430 = tpu.memref_squeeze %dma_wait3A_1429 : memref<1x128x128xf32, #tpu.memory_space<vmem>> -> memref<128x128xf32, #tpu.memory_space<vmem>>
      %dma_wait3A_1431 = arith.constant 0 : i32
      %dma_wait3A_1432 = arith.constant 0 : i32
      %dma_wait3A_1433 = tpu.memref_slice %arg3[%dma_wait3A_1417, %dma_wait3A_1431, %dma_wait3A_1432] : memref<2500x128x128xf32, #tpu.memory_space<hbm>> -> memref<1x128x128xf32, #tpu.memory_space<hbm>>
      %dma_wait3A_1434 = tpu.memref_squeeze %dma_wait3A_1433 : memref<1x128x128xf32, #tpu.memory_space<hbm>> -> memref<128x128xf32, #tpu.memory_space<hbm>>
      tpu.wait_dma2 semaphore(%arg15 : memref<!tpu.dma_semaphore, #tpu.memory_space<semaphore_mem>>) src(%dma_wait3A_1434 : memref<128x128xf32, #tpu.memory_space<hbm>>) dst(%dma_wait3A_1430 : memref<128x128xf32, #tpu.memory_space<vmem>>)
      %get3A_1435 = arith.constant 3 : i32
      %get3A_1436 = arith.constant 0 : i32
      %get3A_1437 = arith.index_cast %get3A_1435 : i32 to index
      %get3A_1438 = arith.index_cast %get3A_1436 : i32 to index
      %get3A_1439 = arith.constant 0 : index
      %get3A_1440 = tpu.vector_load %arg7[%get3A_1437, %get3A_1438, %get3A_1439] {strides = array<i32>} : memref<4x2x128xi32, #tpu.memory_space<vmem>>, vector<1x1x16xi32>,
      %get3A_1441 = vector.shape_cast %get3A_1440 : vector<1x1x16xi32> to vector<16xi32>
      %sub3A_1442 = vector.broadcast %mul3A_44 : i32 to vector<16xi32>
      %sub3A_1443 = arith.subi %get3A_1441, %sub3A_1442 : vector<16xi32>
      %ge3A_1444 = arith.constant 0 : i32
      %ge3A_1445 = vector.broadcast %ge3A_1444 : i32 to vector<16xi32>
      %ge3A_1446 = arith.cmpi sge, %sub3A_1443, %ge3A_1445 : vector<16xi32>
      %lt3A_1447 = arith.constant 5120 : i32
      %lt3A_1448 = vector.broadcast %lt3A_1447 : i32 to vector<16xi32>
      %lt3A_1449 = arith.cmpi slt, %sub3A_1443, %lt3A_1448 : vector<16xi32>
      %and3A_1450 = arith.andi %ge3A_1446, %lt3A_1449 : vector<16xi1>
      %jit3A_1451 = arith.constant 5120 : i32
      %broadcast_in_dim3A_1452 = vector.broadcast %jit3A_1451 : i32 to vector<16xi32>
      %select_n3A_1453 = arith.select %and3A_1450, %sub3A_1443, %broadcast_in_dim3A_1452 : vector<16xi1>, vector<16xi32>
      %swap3A_1454 = arith.constant 1 : i32
      %swap3A_1455 = arith.constant 0 : i32
      %swap3A_1456 = arith.index_cast %swap3A_1454 : i32 to index
      %swap3A_1457 = arith.index_cast %swap3A_1455 : i32 to index
      %swap3A_1458 = arith.constant 0 : index
      %swap3A_1459 = tpu.vector_load %arg8[%swap3A_1456, %swap3A_1457, %swap3A_1458] {strides = array<i32>} : memref<2x1x128xi32, #tpu.memory_space<vmem>>, vector<1x1x16xi32>,
      %swap3A_1460 = vector.shape_cast %swap3A_1459 : vector<1x1x16xi32> to vector<16xi32>
      %swap3A_1461 = vector.shape_cast %select_n3A_1453 : vector<16xi32> to vector<1x1x16xi32>
      tpu.vector_store %arg8[%swap3A_1456, %swap3A_1457, %swap3A_1458], %swap3A_1461 {strides = array<i32>} : memref<2x1x128xi32, #tpu.memory_space<vmem>>, vector<1x1x16xi32>,
      %get3A_1462 = arith.constant 3 : i32
      %get3A_1463 = arith.constant 0 : i32
      %get3A_1464 = arith.index_cast %get3A_1462 : i32 to index
      %get3A_1465 = arith.index_cast %get3A_1463 : i32 to index
      %get3A_1466 = arith.constant 16 : index
      %get3A_1467 = tpu.vector_load %arg7[%get3A_1464, %get3A_1465, %get3A_1466] {strides = array<i32>} : memref<4x2x128xi32, #tpu.memory_space<vmem>>, vector<1x1x16xi32>,
      %get3A_1468 = vector.shape_cast %get3A_1467 : vector<1x1x16xi32> to vector<16xi32>
      %sub3A_1469 = vector.broadcast %mul3A_44 : i32 to vector<16xi32>
      %sub3A_1470 = arith.subi %get3A_1468, %sub3A_1469 : vector<16xi32>
      %ge3A_1471 = arith.constant 0 : i32
      %ge3A_1472 = vector.broadcast %ge3A_1471 : i32 to vector<16xi32>
      %ge3A_1473 = arith.cmpi sge, %sub3A_1470, %ge3A_1472 : vector<16xi32>
      %lt3A_1474 = arith.constant 5120 : i32
      %lt3A_1475 = vector.broadcast %lt3A_1474 : i32 to vector<16xi32>
      %lt3A_1476 = arith.cmpi slt, %sub3A_1470, %lt3A_1475 : vector<16xi32>
      %and3A_1477 = arith.andi %ge3A_1473, %lt3A_1476 : vector<16xi1>
      %jit3A_1478 = arith.constant 5120 : i32
      %broadcast_in_dim3A_1479 = vector.broadcast %jit3A_1478 : i32 to vector<16xi32>
      %select_n3A_1480 = arith.select %and3A_1477, %sub3A_1470, %broadcast_in_dim3A_1479 : vector<16xi1>, vector<16xi32>
      %swap3A_1481 = arith.constant 1 : i32
      %swap3A_1482 = arith.constant 0 : i32
      %swap3A_1483 = arith.index_cast %swap3A_1481 : i32 to index
      %swap3A_1484 = arith.index_cast %swap3A_1482 : i32 to index
      %swap3A_1485 = arith.constant 16 : index
      %swap3A_1486 = tpu.vector_load %arg8[%swap3A_1483, %swap3A_1484, %swap3A_1485] {strides = array<i32>} : memref<2x1x128xi32, #tpu.memory_space<vmem>>, vector<1x1x16xi32>,
      %swap3A_1487 = vector.shape_cast %swap3A_1486 : vector<1x1x16xi32> to vector<16xi32>
      %swap3A_1488 = vector.shape_cast %select_n3A_1480 : vector<16xi32> to vector<1x1x16xi32>
      tpu.vector_store %arg8[%swap3A_1483, %swap3A_1484, %swap3A_1485], %swap3A_1488 {strides = array<i32>} : memref<2x1x128xi32, #tpu.memory_space<vmem>>, vector<1x1x16xi32>,
      %get3A_1489 = arith.constant 3 : i32
      %get3A_1490 = arith.constant 0 : i32
      %get3A_1491 = arith.index_cast %get3A_1489 : i32 to index
      %get3A_1492 = arith.index_cast %get3A_1490 : i32 to index
      %get3A_1493 = arith.constant 32 : index
      %get3A_1494 = tpu.vector_load %arg7[%get3A_1491, %get3A_1492, %get3A_1493] {strides = array<i32>} : memref<4x2x128xi32, #tpu.memory_space<vmem>>, vector<1x1x16xi32>,
      %get3A_1495 = vector.shape_cast %get3A_1494 : vector<1x1x16xi32> to vector<16xi32>
      %sub3A_1496 = vector.broadcast %mul3A_44 : i32 to vector<16xi32>
      %sub3A_1497 = arith.subi %get3A_1495, %sub3A_1496 : vector<16xi32>
      %ge3A_1498 = arith.constant 0 : i32
      %ge3A_1499 = vector.broadcast %ge3A_1498 : i32 to vector<16xi32>
      %ge3A_1500 = arith.cmpi sge, %sub3A_1497, %ge3A_1499 : vector<16xi32>
      %lt3A_1501 = arith.constant 5120 : i32
      %lt3A_1502 = vector.broadcast %lt3A_1501 : i32 to vector<16xi32>
      %lt3A_1503 = arith.cmpi slt, %sub3A_1497, %lt3A_1502 : vector<16xi32>
      %and3A_1504 = arith.andi %ge3A_1500, %lt3A_1503 : vector<16xi1>
      %jit3A_1505 = arith.constant 5120 : i32
      %broadcast_in_dim3A_1506 = vector.broadcast %jit3A_1505 : i32 to vector<16xi32>
      %select_n3A_1507 = arith.select %and3A_1504, %sub3A_1497, %broadcast_in_dim3A_1506 : vector<16xi1>, vector<16xi32>
      %swap3A_1508 = arith.constant 1 : i32
      %swap3A_1509 = arith.constant 0 : i32
      %swap3A_1510 = arith.index_cast %swap3A_1508 : i32 to index
      %swap3A_1511 = arith.index_cast %swap3A_1509 : i32 to index
      %swap3A_1512 = arith.constant 32 : index
      %swap3A_1513 = tpu.vector_load %arg8[%swap3A_1510, %swap3A_1511, %swap3A_1512] {strides = array<i32>} : memref<2x1x128xi32, #tpu.memory_space<vmem>>, vector<1x1x16xi32>,
      %swap3A_1514 = vector.shape_cast %swap3A_1513 : vector<1x1x16xi32> to vector<16xi32>
      %swap3A_1515 = vector.shape_cast %select_n3A_1507 : vector<16xi32> to vector<1x1x16xi32>
      tpu.vector_store %arg8[%swap3A_1510, %swap3A_1511, %swap3A_1512], %swap3A_1515 {strides = array<i32>} : memref<2x1x128xi32, #tpu.memory_space<vmem>>, vector<1x1x16xi32>,
      %get3A_1516 = arith.constant 3 : i32
      %get3A_1517 = arith.constant 0 : i32
      %get3A_1518 = arith.index_cast %get3A_1516 : i32 to index
      %get3A_1519 = arith.index_cast %get3A_1517 : i32 to index
      %get3A_1520 = arith.constant 48 : index
      %get3A_1521 = tpu.vector_load %arg7[%get3A_1518, %get3A_1519, %get3A_1520] {strides = array<i32>} : memref<4x2x128xi32, #tpu.memory_space<vmem>>, vector<1x1x16xi32>,
      %get3A_1522 = vector.shape_cast %get3A_1521 : vector<1x1x16xi32> to vector<16xi32>
      %sub3A_1523 = vector.broadcast %mul3A_44 : i32 to vector<16xi32>
      %sub3A_1524 = arith.subi %get3A_1522, %sub3A_1523 : vector<16xi32>
      %ge3A_1525 = arith.constant 0 : i32
      %ge3A_1526 = vector.broadcast %ge3A_1525 : i32 to vector<16xi32>
      %ge3A_1527 = arith.cmpi sge, %sub3A_1524, %ge3A_1526 : vector<16xi32>
      %lt3A_1528 = arith.constant 5120 : i32
      %lt3A_1529 = vector.broadcast %lt3A_1528 : i32 to vector<16xi32>
      %lt3A_1530 = arith.cmpi slt, %sub3A_1524, %lt3A_1529 : vector<16xi32>
      %and3A_1531 = arith.andi %ge3A_1527, %lt3A_1530 : vector<16xi1>
      %jit3A_1532 = arith.constant 5120 : i32
      %broadcast_in_dim3A_1533 = vector.broadcast %jit3A_1532 : i32 to vector<16xi32>
      %select_n3A_1534 = arith.select %and3A_1531, %sub3A_1524, %broadcast_in_dim3A_1533 : vector<16xi1>, vector<16xi32>
      %swap3A_1535 = arith.constant 1 : i32
      %swap3A_1536 = arith.constant 0 : i32
      %swap3A_1537 = arith.index_cast %swap3A_1535 : i32 to index
      %swap3A_1538 = arith.index_cast %swap3A_1536 : i32 to index
      %swap3A_1539 = arith.constant 48 : index
      %swap3A_1540 = tpu.vector_load %arg8[%swap3A_1537, %swap3A_1538, %swap3A_1539] {strides = array<i32>} : memref<2x1x128xi32, #tpu.memory_space<vmem>>, vector<1x1x16xi32>,
      %swap3A_1541 = vector.shape_cast %swap3A_1540 : vector<1x1x16xi32> to vector<16xi32>
      %swap3A_1542 = vector.shape_cast %select_n3A_1534 : vector<16xi32> to vector<1x1x16xi32>
      tpu.vector_store %arg8[%swap3A_1537, %swap3A_1538, %swap3A_1539], %swap3A_1542 {strides = array<i32>} : memref<2x1x128xi32, #tpu.memory_space<vmem>>, vector<1x1x16xi32>,
      %get3A_1543 = arith.constant 3 : i32
      %get3A_1544 = arith.constant 0 : i32
      %get3A_1545 = arith.index_cast %get3A_1543 : i32 to index
      %get3A_1546 = arith.index_cast %get3A_1544 : i32 to index
      %get3A_1547 = arith.constant 64 : index
      %get3A_1548 = tpu.vector_load %arg7[%get3A_1545, %get3A_1546, %get3A_1547] {strides = array<i32>} : memref<4x2x128xi32, #tpu.memory_space<vmem>>, vector<1x1x16xi32>,
      %get3A_1549 = vector.shape_cast %get3A_1548 : vector<1x1x16xi32> to vector<16xi32>
      %sub3A_1550 = vector.broadcast %mul3A_44 : i32 to vector<16xi32>
      %sub3A_1551 = arith.subi %get3A_1549, %sub3A_1550 : vector<16xi32>
      %ge3A_1552 = arith.constant 0 : i32
      %ge3A_1553 = vector.broadcast %ge3A_1552 : i32 to vector<16xi32>
      %ge3A_1554 = arith.cmpi sge, %sub3A_1551, %ge3A_1553 : vector<16xi32>
      %lt3A_1555 = arith.constant 5120 : i32
      %lt3A_1556 = vector.broadcast %lt3A_1555 : i32 to vector<16xi32>
      %lt3A_1557 = arith.cmpi slt, %sub3A_1551, %lt3A_1556 : vector<16xi32>
      %and3A_1558 = arith.andi %ge3A_1554, %lt3A_1557 : vector<16xi1>
      %jit3A_1559 = arith.constant 5120 : i32
      %broadcast_in_dim3A_1560 = vector.broadcast %jit3A_1559 : i32 to vector<16xi32>
      %select_n3A_1561 = arith.select %and3A_1558, %sub3A_1551, %broadcast_in_dim3A_1560 : vector<16xi1>, vector<16xi32>
      %swap3A_1562 = arith.constant 1 : i32
      %swap3A_1563 = arith.constant 0 : i32
      %swap3A_1564 = arith.index_cast %swap3A_1562 : i32 to index
      %swap3A_1565 = arith.index_cast %swap3A_1563 : i32 to index
      %swap3A_1566 = arith.constant 64 : index
      %swap3A_1567 = tpu.vector_load %arg8[%swap3A_1564, %swap3A_1565, %swap3A_1566] {strides = array<i32>} : memref<2x1x128xi32, #tpu.memory_space<vmem>>, vector<1x1x16xi32>,
      %swap3A_1568 = vector.shape_cast %swap3A_1567 : vector<1x1x16xi32> to vector<16xi32>
      %swap3A_1569 = vector.shape_cast %select_n3A_1561 : vector<16xi32> to vector<1x1x16xi32>
      tpu.vector_store %arg8[%swap3A_1564, %swap3A_1565, %swap3A_1566], %swap3A_1569 {strides = array<i32>} : memref<2x1x128xi32, #tpu.memory_space<vmem>>, vector<1x1x16xi32>,
      %get3A_1570 = arith.constant 3 : i32
      %get3A_1571 = arith.constant 0 : i32
      %get3A_1572 = arith.index_cast %get3A_1570 : i32 to index
      %get3A_1573 = arith.index_cast %get3A_1571 : i32 to index
      %get3A_1574 = arith.constant 80 : index
      %get3A_1575 = tpu.vector_load %arg7[%get3A_1572, %get3A_1573, %get3A_1574] {strides = array<i32>} : memref<4x2x128xi32, #tpu.memory_space<vmem>>, vector<1x1x16xi32>,
      %get3A_1576 = vector.shape_cast %get3A_1575 : vector<1x1x16xi32> to vector<16xi32>
      %sub3A_1577 = vector.broadcast %mul3A_44 : i32 to vector<16xi32>
      %sub3A_1578 = arith.subi %get3A_1576, %sub3A_1577 : vector<16xi32>
      %ge3A_1579 = arith.constant 0 : i32
      %ge3A_1580 = vector.broadcast %ge3A_1579 : i32 to vector<16xi32>
      %ge3A_1581 = arith.cmpi sge, %sub3A_1578, %ge3A_1580 : vector<16xi32>
      %lt3A_1582 = arith.constant 5120 : i32
      %lt3A_1583 = vector.broadcast %lt3A_1582 : i32 to vector<16xi32>
      %lt3A_1584 = arith.cmpi slt, %sub3A_1578, %lt3A_1583 : vector<16xi32>
      %and3A_1585 = arith.andi %ge3A_1581, %lt3A_1584 : vector<16xi1>
      %jit3A_1586 = arith.constant 5120 : i32
      %broadcast_in_dim3A_1587 = vector.broadcast %jit3A_1586 : i32 to vector<16xi32>
      %select_n3A_1588 = arith.select %and3A_1585, %sub3A_1578, %broadcast_in_dim3A_1587 : vector<16xi1>, vector<16xi32>
      %swap3A_1589 = arith.constant 1 : i32
      %swap3A_1590 = arith.constant 0 : i32
      %swap3A_1591 = arith.index_cast %swap3A_1589 : i32 to index
      %swap3A_1592 = arith.index_cast %swap3A_1590 : i32 to index
      %swap3A_1593 = arith.constant 80 : index
      %swap3A_1594 = tpu.vector_load %arg8[%swap3A_1591, %swap3A_1592, %swap3A_1593] {strides = array<i32>} : memref<2x1x128xi32, #tpu.memory_space<vmem>>, vector<1x1x16xi32>,
      %swap3A_1595 = vector.shape_cast %swap3A_1594 : vector<1x1x16xi32> to vector<16xi32>
      %swap3A_1596 = vector.shape_cast %select_n3A_1588 : vector<16xi32> to vector<1x1x16xi32>
      tpu.vector_store %arg8[%swap3A_1591, %swap3A_1592, %swap3A_1593], %swap3A_1596 {strides = array<i32>} : memref<2x1x128xi32, #tpu.memory_space<vmem>>, vector<1x1x16xi32>,
      %get3A_1597 = arith.constant 3 : i32
      %get3A_1598 = arith.constant 0 : i32
      %get3A_1599 = arith.index_cast %get3A_1597 : i32 to index
      %get3A_1600 = arith.index_cast %get3A_1598 : i32 to index
      %get3A_1601 = arith.constant 96 : index
      %get3A_1602 = tpu.vector_load %arg7[%get3A_1599, %get3A_1600, %get3A_1601] {strides = array<i32>} : memref<4x2x128xi32, #tpu.memory_space<vmem>>, vector<1x1x16xi32>,
      %get3A_1603 = vector.shape_cast %get3A_1602 : vector<1x1x16xi32> to vector<16xi32>
      %sub3A_1604 = vector.broadcast %mul3A_44 : i32 to vector<16xi32>
      %sub3A_1605 = arith.subi %get3A_1603, %sub3A_1604 : vector<16xi32>
      %ge3A_1606 = arith.constant 0 : i32
      %ge3A_1607 = vector.broadcast %ge3A_1606 : i32 to vector<16xi32>
      %ge3A_1608 = arith.cmpi sge, %sub3A_1605, %ge3A_1607 : vector<16xi32>
      %lt3A_1609 = arith.constant 5120 : i32
      %lt3A_1610 = vector.broadcast %lt3A_1609 : i32 to vector<16xi32>
      %lt3A_1611 = arith.cmpi slt, %sub3A_1605, %lt3A_1610 : vector<16xi32>
      %and3A_1612 = arith.andi %ge3A_1608, %lt3A_1611 : vector<16xi1>
      %jit3A_1613 = arith.constant 5120 : i32
      %broadcast_in_dim3A_1614 = vector.broadcast %jit3A_1613 : i32 to vector<16xi32>
      %select_n3A_1615 = arith.select %and3A_1612, %sub3A_1605, %broadcast_in_dim3A_1614 : vector<16xi1>, vector<16xi32>
      %swap3A_1616 = arith.constant 1 : i32
      %swap3A_1617 = arith.constant 0 : i32
      %swap3A_1618 = arith.index_cast %swap3A_1616 : i32 to index
      %swap3A_1619 = arith.index_cast %swap3A_1617 : i32 to index
      %swap3A_1620 = arith.constant 96 : index
      %swap3A_1621 = tpu.vector_load %arg8[%swap3A_1618, %swap3A_1619, %swap3A_1620] {strides = array<i32>} : memref<2x1x128xi32, #tpu.memory_space<vmem>>, vector<1x1x16xi32>,
      %swap3A_1622 = vector.shape_cast %swap3A_1621 : vector<1x1x16xi32> to vector<16xi32>
      %swap3A_1623 = vector.shape_cast %select_n3A_1615 : vector<16xi32> to vector<1x1x16xi32>
      tpu.vector_store %arg8[%swap3A_1618, %swap3A_1619, %swap3A_1620], %swap3A_1623 {strides = array<i32>} : memref<2x1x128xi32, #tpu.memory_space<vmem>>, vector<1x1x16xi32>,
      %get3A_1624 = arith.constant 3 : i32
      %get3A_1625 = arith.constant 0 : i32
      %get3A_1626 = arith.index_cast %get3A_1624 : i32 to index
      %get3A_1627 = arith.index_cast %get3A_1625 : i32 to index
      %get3A_1628 = arith.constant 112 : index
      %get3A_1629 = tpu.vector_load %arg7[%get3A_1626, %get3A_1627, %get3A_1628] {strides = array<i32>} : memref<4x2x128xi32, #tpu.memory_space<vmem>>, vector<1x1x16xi32>,
      %get3A_1630 = vector.shape_cast %get3A_1629 : vector<1x1x16xi32> to vector<16xi32>
      %sub3A_1631 = vector.broadcast %mul3A_44 : i32 to vector<16xi32>
      %sub3A_1632 = arith.subi %get3A_1630, %sub3A_1631 : vector<16xi32>
      %ge3A_1633 = arith.constant 0 : i32
      %ge3A_1634 = vector.broadcast %ge3A_1633 : i32 to vector<16xi32>
      %ge3A_1635 = arith.cmpi sge, %sub3A_1632, %ge3A_1634 : vector<16xi32>
      %lt3A_1636 = arith.constant 5120 : i32
      %lt3A_1637 = vector.broadcast %lt3A_1636 : i32 to vector<16xi32>
      %lt3A_1638 = arith.cmpi slt, %sub3A_1632, %lt3A_1637 : vector<16xi32>
      %and3A_1639 = arith.andi %ge3A_1635, %lt3A_1638 : vector<16xi1>
      %jit3A_1640 = arith.constant 5120 : i32
      %broadcast_in_dim3A_1641 = vector.broadcast %jit3A_1640 : i32 to vector<16xi32>
      %select_n3A_1642 = arith.select %and3A_1639, %sub3A_1632, %broadcast_in_dim3A_1641 : vector<16xi1>, vector<16xi32>
      %swap3A_1643 = arith.constant 1 : i32
      %swap3A_1644 = arith.constant 0 : i32
      %swap3A_1645 = arith.index_cast %swap3A_1643 : i32 to index
      %swap3A_1646 = arith.index_cast %swap3A_1644 : i32 to index
      %swap3A_1647 = arith.constant 112 : index
      %swap3A_1648 = tpu.vector_load %arg8[%swap3A_1645, %swap3A_1646, %swap3A_1647] {strides = array<i32>} : memref<2x1x128xi32, #tpu.memory_space<vmem>>, vector<1x1x16xi32>,
      %swap3A_1649 = vector.shape_cast %swap3A_1648 : vector<1x1x16xi32> to vector<16xi32>
      %swap3A_1650 = vector.shape_cast %select_n3A_1642 : vector<16xi32> to vector<1x1x16xi32>
      tpu.vector_store %arg8[%swap3A_1645, %swap3A_1646, %swap3A_1647], %swap3A_1650 {strides = array<i32>} : memref<2x1x128xi32, #tpu.memory_space<vmem>>, vector<1x1x16xi32>,
      %add3A_1651 = arith.constant 4 : i32
      %add3A_1652 = arith.addi %add3A_1398, %add3A_1651 : i32
      %mul3A_1653 = arith.constant 16 : i32
      %mul3A_1654 = arith.muli %add3A_1652, %mul3A_1653 : i32
      %add3A_1655 = arith.addi %add3A_42, %mul3A_1654 : i32
      %min3A_1656 = arith.constant 2499 : i32
      %min3A_1657 = arith.minsi %add3A_1655, %min3A_1656 : i32
      %dma_start3A_1658 = arith.constant 3 : i32
      %dma_start3A_1659 = arith.constant 0 : i32
      %dma_start3A_1660 = arith.constant 0 : i32
      %dma_start3A_1661 = tpu.memref_slice %arg7[%dma_start3A_1658, %dma_start3A_1659, %dma_start3A_1660] : memref<4x2x128xi32, #tpu.memory_space<vmem>> -> memref<1x2x128xi32, #tpu.memory_space<vmem>>
      %dma_start3A_1662 = tpu.memref_squeeze %dma_start3A_1661 : memref<1x2x128xi32, #tpu.memory_space<vmem>> -> memref<2x128xi32, #tpu.memory_space<vmem>>
      %dma_start3A_1663 = arith.constant 0 : i32
      %dma_start3A_1664 = arith.constant 0 : i32
      %dma_start3A_1665 = tpu.memref_slice %arg4[%min3A_1657, %dma_start3A_1663, %dma_start3A_1664] : memref<2500x2x128xi32, #tpu.memory_space<hbm>> -> memref<1x2x128xi32, #tpu.memory_space<hbm>>
      %dma_start3A_1666 = tpu.memref_squeeze %dma_start3A_1665 : memref<1x2x128xi32, #tpu.memory_space<hbm>> -> memref<2x128xi32, #tpu.memory_space<hbm>>
      %dma_start3A_1667 = arith.constant 0 : i32
      %dma_start3A_1668 = arith.constant 0 : i32
      %dma_start3A_1669 = tpu.memref_slice %arg7[%dma_start3A_1658, %dma_start3A_1667, %dma_start3A_1668] : memref<4x2x128xi32, #tpu.memory_space<vmem>> -> memref<1x2x128xi32, #tpu.memory_space<vmem>>
      %dma_start3A_1670 = tpu.memref_squeeze %dma_start3A_1669 : memref<1x2x128xi32, #tpu.memory_space<vmem>> -> memref<2x128xi32, #tpu.memory_space<vmem>>
      %dma_start3A_1671 = arith.constant 0 : i32
      %dma_start3A_1672 = arith.constant 0 : i32
      %dma_start3A_1673 = tpu.memref_slice %arg4[%min3A_1657, %dma_start3A_1671, %dma_start3A_1672] : memref<2500x2x128xi32, #tpu.memory_space<hbm>> -> memref<1x2x128xi32, #tpu.memory_space<hbm>>
      %dma_start3A_1674 = tpu.memref_squeeze %dma_start3A_1673 : memref<1x2x128xi32, #tpu.memory_space<hbm>> -> memref<2x128xi32, #tpu.memory_space<hbm>>
      tpu.enqueue_dma source(%dma_start3A_1674 : memref<2x128xi32, #tpu.memory_space<hbm>>) target(%dma_start3A_1670 : memref<2x128xi32, #tpu.memory_space<vmem>>) target_semaphore(%arg19 : memref<!tpu.dma_semaphore, #tpu.memory_space<semaphore_mem>>)
      %ge3A_1675 = arith.constant 1 : i32
      %ge3A_1676 = arith.cmpi sge, %add3A_1398, %ge3A_1675 : i32
      %sub3A_1677 = arith.constant 1 : i32
      %sub3A_1678 = arith.subi %add3A_1398, %sub3A_1677 : i32
      %lt3A_1679 = arith.cmpi slt, %sub3A_1678, %select_n3A_40 : i32
      %and3A_1680 = arith.andi %ge3A_1676, %lt3A_1679 : i1
      %convert_element_type3A_1681 = arith.extui %and3A_1680 : i1 to i32
      %cond3A_1682 = arith.constant 0 : i32
      %cond3A_1683 = arith.cmpi ne, %convert_element_type3A_1681, %cond3A_1682 : i32
      scf.if %cond3A_1683 {
        %dma_wait3A_1751 = arith.constant 0 : i32
        %dma_wait3A_1752 = arith.constant 0 : i32
        %dma_wait3A_1753 = arith.constant 0 : i32
        %dma_wait3A_1754 = tpu.memref_slice %arg8[%dma_wait3A_1751, %dma_wait3A_1752, %dma_wait3A_1753] : memref<2x1x128xi32, #tpu.memory_space<vmem>> -> memref<1x1x128xi32, #tpu.memory_space<vmem>>
        %dma_wait3A_1755 = tpu.memref_squeeze %dma_wait3A_1754 : memref<1x1x128xi32, #tpu.memory_space<vmem>> -> memref<128xi32, #tpu.memory_space<vmem>>
        %dma_wait3A_1756 = arith.constant 0 : i32
        %dma_wait3A_1757 = arith.constant 0 : i32
        %dma_wait3A_1758 = tpu.memref_slice %arg13[%dma_wait3A_1756, %dma_wait3A_1757] : memref<5248x128xf32, #tpu.memory_space<vmem_shared>> -> memref<5248x128xf32, #tpu.memory_space<vmem_shared>>
        tpu.wait_indirect_dma semaphore(%arg20 : memref<!tpu.dma_semaphore, #tpu.memory_space<semaphore_mem>>) src(%arg11 : memref<128x128xf32, #tpu.memory_space<vmem>>) dst(%dma_wait3A_1758 : memref<5248x128xf32, #tpu.memory_space<vmem_shared>>)
      } else {
      }
      %scan3A_1684 = arith.constant 0 : i32
      %scan3A_1685 = arith.constant 0 : i32
      %scan3A_1686 = arith.constant 128 : i32
      %scan3A_1687 = arith.addi %scan3A_1685, %scan3A_1686 : i32
      %scan3A_1688 = arith.constant 1 : i32
      %scan3A_1689 = scf.for %scan3A_1751 = %scan3A_1685 to %scan3A_1687 step %scan3A_1688 iter_args(%scan3A_1752 = %scan3A_1684) -> (i32)  : i32 {
        %get3A_1753 = arith.constant 1 : i32
        %get3A_1754 = arith.index_cast %get3A_1753 : i32 to index
        %get3A_1755 = arith.index_cast %scan3A_1751 : i32 to index
        %get3A_1756 = arith.constant 0 : index
        %get3A_1757 = tpu.vector_load %arg10[%get3A_1754, %get3A_1755, %get3A_1756] {strides = array<i32>} : memref<2x128x128xf32, #tpu.memory_space<vmem>>, vector<1x1x16xf32>,
        %get3A_1758 = vector.shape_cast %get3A_1757 : vector<1x1x16xf32> to vector<16xf32>
        %get3A_1759 = arith.constant 1 : i32
        %get3A_1760 = arith.index_cast %get3A_1759 : i32 to index
        %get3A_1761 = arith.index_cast %scan3A_1751 : i32 to index
        %get3A_1762 = arith.constant 0 : index
        %get3A_1763 = tpu.vector_load %arg9[%get3A_1760, %get3A_1761, %get3A_1762] {strides = array<i32>} : memref<2x128x128xf32, #tpu.memory_space<vmem>>, vector<1x1x16xf32>,
        %get3A_1764 = vector.shape_cast %get3A_1763 : vector<1x1x16xf32> to vector<16xf32>
        %mul3A_1765 = arith.mulf %get3A_1758, %get3A_1764 : vector<16xf32>
        %swap3A_1766 = arith.index_cast %scan3A_1751 : i32 to index
        %swap3A_1767 = arith.constant 0 : index
        %swap3A_1768 = tpu.vector_load %arg11[%swap3A_1766, %swap3A_1767] {strides = array<i32>} : memref<128x128xf32, #tpu.memory_space<vmem>>, vector<1x16xf32>,
        %swap3A_1769 = vector.shape_cast %swap3A_1768 : vector<1x16xf32> to vector<16xf32>
        %swap3A_1770 = vector.shape_cast %mul3A_1765 : vector<16xf32> to vector<1x16xf32>
        tpu.vector_store %arg11[%swap3A_1766, %swap3A_1767], %swap3A_1770 {strides = array<i32>} : memref<128x128xf32, #tpu.memory_space<vmem>>, vector<1x16xf32>,
        %get3A_1771 = arith.constant 1 : i32
        %get3A_1772 = arith.index_cast %get3A_1771 : i32 to index
        %get3A_1773 = arith.index_cast %scan3A_1751 : i32 to index
        %get3A_1774 = arith.constant 16 : index
        %get3A_1775 = tpu.vector_load %arg10[%get3A_1772, %get3A_1773, %get3A_1774] {strides = array<i32>} : memref<2x128x128xf32, #tpu.memory_space<vmem>>, vector<1x1x16xf32>,
        %get3A_1776 = vector.shape_cast %get3A_1775 : vector<1x1x16xf32> to vector<16xf32>
        %get3A_1777 = arith.constant 1 : i32
        %get3A_1778 = arith.index_cast %get3A_1777 : i32 to index
        %get3A_1779 = arith.index_cast %scan3A_1751 : i32 to index
        %get3A_1780 = arith.constant 16 : index
        %get3A_1781 = tpu.vector_load %arg9[%get3A_1778, %get3A_1779, %get3A_1780] {strides = array<i32>} : memref<2x128x128xf32, #tpu.memory_space<vmem>>, vector<1x1x16xf32>,
        %get3A_1782 = vector.shape_cast %get3A_1781 : vector<1x1x16xf32> to vector<16xf32>
        %mul3A_1783 = arith.mulf %get3A_1776, %get3A_1782 : vector<16xf32>
        %swap3A_1784 = arith.index_cast %scan3A_1751 : i32 to index
        %swap3A_1785 = arith.constant 16 : index
        %swap3A_1786 = tpu.vector_load %arg11[%swap3A_1784, %swap3A_1785] {strides = array<i32>} : memref<128x128xf32, #tpu.memory_space<vmem>>, vector<1x16xf32>,
        %swap3A_1787 = vector.shape_cast %swap3A_1786 : vector<1x16xf32> to vector<16xf32>
        %swap3A_1788 = vector.shape_cast %mul3A_1783 : vector<16xf32> to vector<1x16xf32>
        tpu.vector_store %arg11[%swap3A_1784, %swap3A_1785], %swap3A_1788 {strides = array<i32>} : memref<128x128xf32, #tpu.memory_space<vmem>>, vector<1x16xf32>,
        %get3A_1789 = arith.constant 1 : i32
        %get3A_1790 = arith.index_cast %get3A_1789 : i32 to index
        %get3A_1791 = arith.index_cast %scan3A_1751 : i32 to index
        %get3A_1792 = arith.constant 32 : index
        %get3A_1793 = tpu.vector_load %arg10[%get3A_1790, %get3A_1791, %get3A_1792] {strides = array<i32>} : memref<2x128x128xf32, #tpu.memory_space<vmem>>, vector<1x1x16xf32>,
        %get3A_1794 = vector.shape_cast %get3A_1793 : vector<1x1x16xf32> to vector<16xf32>
        %get3A_1795 = arith.constant 1 : i32
        %get3A_1796 = arith.index_cast %get3A_1795 : i32 to index
        %get3A_1797 = arith.index_cast %scan3A_1751 : i32 to index
        %get3A_1798 = arith.constant 32 : index
        %get3A_1799 = tpu.vector_load %arg9[%get3A_1796, %get3A_1797, %get3A_1798] {strides = array<i32>} : memref<2x128x128xf32, #tpu.memory_space<vmem>>, vector<1x1x16xf32>,
        %get3A_1800 = vector.shape_cast %get3A_1799 : vector<1x1x16xf32> to vector<16xf32>
        %mul3A_1801 = arith.mulf %get3A_1794, %get3A_1800 : vector<16xf32>
        %swap3A_1802 = arith.index_cast %scan3A_1751 : i32 to index
        %swap3A_1803 = arith.constant 32 : index
        %swap3A_1804 = tpu.vector_load %arg11[%swap3A_1802, %swap3A_1803] {strides = array<i32>} : memref<128x128xf32, #tpu.memory_space<vmem>>, vector<1x16xf32>,
        %swap3A_1805 = vector.shape_cast %swap3A_1804 : vector<1x16xf32> to vector<16xf32>
        %swap3A_1806 = vector.shape_cast %mul3A_1801 : vector<16xf32> to vector<1x16xf32>
        tpu.vector_store %arg11[%swap3A_1802, %swap3A_1803], %swap3A_1806 {strides = array<i32>} : memref<128x128xf32, #tpu.memory_space<vmem>>, vector<1x16xf32>,
        %get3A_1807 = arith.constant 1 : i32
        %get3A_1808 = arith.index_cast %get3A_1807 : i32 to index
        %get3A_1809 = arith.index_cast %scan3A_1751 : i32 to index
        %get3A_1810 = arith.constant 48 : index
        %get3A_1811 = tpu.vector_load %arg10[%get3A_1808, %get3A_1809, %get3A_1810] {strides = array<i32>} : memref<2x128x128xf32, #tpu.memory_space<vmem>>, vector<1x1x16xf32>,
        %get3A_1812 = vector.shape_cast %get3A_1811 : vector<1x1x16xf32> to vector<16xf32>
        %get3A_1813 = arith.constant 1 : i32
        %get3A_1814 = arith.index_cast %get3A_1813 : i32 to index
        %get3A_1815 = arith.index_cast %scan3A_1751 : i32 to index
        %get3A_1816 = arith.constant 48 : index
        %get3A_1817 = tpu.vector_load %arg9[%get3A_1814, %get3A_1815, %get3A_1816] {strides = array<i32>} : memref<2x128x128xf32, #tpu.memory_space<vmem>>, vector<1x1x16xf32>,
        %get3A_1818 = vector.shape_cast %get3A_1817 : vector<1x1x16xf32> to vector<16xf32>
        %mul3A_1819 = arith.mulf %get3A_1812, %get3A_1818 : vector<16xf32>
        %swap3A_1820 = arith.index_cast %scan3A_1751 : i32 to index
        %swap3A_1821 = arith.constant 48 : index
        %swap3A_1822 = tpu.vector_load %arg11[%swap3A_1820, %swap3A_1821] {strides = array<i32>} : memref<128x128xf32, #tpu.memory_space<vmem>>, vector<1x16xf32>,
        %swap3A_1823 = vector.shape_cast %swap3A_1822 : vector<1x16xf32> to vector<16xf32>
        %swap3A_1824 = vector.shape_cast %mul3A_1819 : vector<16xf32> to vector<1x16xf32>
        tpu.vector_store %arg11[%swap3A_1820, %swap3A_1821], %swap3A_1824 {strides = array<i32>} : memref<128x128xf32, #tpu.memory_space<vmem>>, vector<1x16xf32>,
        %get3A_1825 = arith.constant 1 : i32
        %get3A_1826 = arith.index_cast %get3A_1825 : i32 to index
        %get3A_1827 = arith.index_cast %scan3A_1751 : i32 to index
        %get3A_1828 = arith.constant 64 : index
        %get3A_1829 = tpu.vector_load %arg10[%get3A_1826, %get3A_1827, %get3A_1828] {strides = array<i32>} : memref<2x128x128xf32, #tpu.memory_space<vmem>>, vector<1x1x16xf32>,
        %get3A_1830 = vector.shape_cast %get3A_1829 : vector<1x1x16xf32> to vector<16xf32>
        %get3A_1831 = arith.constant 1 : i32
        %get3A_1832 = arith.index_cast %get3A_1831 : i32 to index
        %get3A_1833 = arith.index_cast %scan3A_1751 : i32 to index
        %get3A_1834 = arith.constant 64 : index
        %get3A_1835 = tpu.vector_load %arg9[%get3A_1832, %get3A_1833, %get3A_1834] {strides = array<i32>} : memref<2x128x128xf32, #tpu.memory_space<vmem>>, vector<1x1x16xf32>,
        %get3A_1836 = vector.shape_cast %get3A_1835 : vector<1x1x16xf32> to vector<16xf32>
        %mul3A_1837 = arith.mulf %get3A_1830, %get3A_1836 : vector<16xf32>
        %swap3A_1838 = arith.index_cast %scan3A_1751 : i32 to index
        %swap3A_1839 = arith.constant 64 : index
        %swap3A_1840 = tpu.vector_load %arg11[%swap3A_1838, %swap3A_1839] {strides = array<i32>} : memref<128x128xf32, #tpu.memory_space<vmem>>, vector<1x16xf32>,
        %swap3A_1841 = vector.shape_cast %swap3A_1840 : vector<1x16xf32> to vector<16xf32>
        %swap3A_1842 = vector.shape_cast %mul3A_1837 : vector<16xf32> to vector<1x16xf32>
        tpu.vector_store %arg11[%swap3A_1838, %swap3A_1839], %swap3A_1842 {strides = array<i32>} : memref<128x128xf32, #tpu.memory_space<vmem>>, vector<1x16xf32>,
        %get3A_1843 = arith.constant 1 : i32
        %get3A_1844 = arith.index_cast %get3A_1843 : i32 to index
        %get3A_1845 = arith.index_cast %scan3A_1751 : i32 to index
        %get3A_1846 = arith.constant 80 : index
        %get3A_1847 = tpu.vector_load %arg10[%get3A_1844, %get3A_1845, %get3A_1846] {strides = array<i32>} : memref<2x128x128xf32, #tpu.memory_space<vmem>>, vector<1x1x16xf32>,
        %get3A_1848 = vector.shape_cast %get3A_1847 : vector<1x1x16xf32> to vector<16xf32>
        %get3A_1849 = arith.constant 1 : i32
        %get3A_1850 = arith.index_cast %get3A_1849 : i32 to index
        %get3A_1851 = arith.index_cast %scan3A_1751 : i32 to index
        %get3A_1852 = arith.constant 80 : index
        %get3A_1853 = tpu.vector_load %arg9[%get3A_1850, %get3A_1851, %get3A_1852] {strides = array<i32>} : memref<2x128x128xf32, #tpu.memory_space<vmem>>, vector<1x1x16xf32>,
        %get3A_1854 = vector.shape_cast %get3A_1853 : vector<1x1x16xf32> to vector<16xf32>
        %mul3A_1855 = arith.mulf %get3A_1848, %get3A_1854 : vector<16xf32>
        %swap3A_1856 = arith.index_cast %scan3A_1751 : i32 to index
        %swap3A_1857 = arith.constant 80 : index
        %swap3A_1858 = tpu.vector_load %arg11[%swap3A_1856, %swap3A_1857] {strides = array<i32>} : memref<128x128xf32, #tpu.memory_space<vmem>>, vector<1x16xf32>,
        %swap3A_1859 = vector.shape_cast %swap3A_1858 : vector<1x16xf32> to vector<16xf32>
        %swap3A_1860 = vector.shape_cast %mul3A_1855 : vector<16xf32> to vector<1x16xf32>
        tpu.vector_store %arg11[%swap3A_1856, %swap3A_1857], %swap3A_1860 {strides = array<i32>} : memref<128x128xf32, #tpu.memory_space<vmem>>, vector<1x16xf32>,
        %get3A_1861 = arith.constant 1 : i32
        %get3A_1862 = arith.index_cast %get3A_1861 : i32 to index
        %get3A_1863 = arith.index_cast %scan3A_1751 : i32 to index
        %get3A_1864 = arith.constant 96 : index
        %get3A_1865 = tpu.vector_load %arg10[%get3A_1862, %get3A_1863, %get3A_1864] {strides = array<i32>} : memref<2x128x128xf32, #tpu.memory_space<vmem>>, vector<1x1x16xf32>,
        %get3A_1866 = vector.shape_cast %get3A_1865 : vector<1x1x16xf32> to vector<16xf32>
        %get3A_1867 = arith.constant 1 : i32
        %get3A_1868 = arith.index_cast %get3A_1867 : i32 to index
        %get3A_1869 = arith.index_cast %scan3A_1751 : i32 to index
        %get3A_1870 = arith.constant 96 : index
        %get3A_1871 = tpu.vector_load %arg9[%get3A_1868, %get3A_1869, %get3A_1870] {strides = array<i32>} : memref<2x128x128xf32, #tpu.memory_space<vmem>>, vector<1x1x16xf32>,
        %get3A_1872 = vector.shape_cast %get3A_1871 : vector<1x1x16xf32> to vector<16xf32>
        %mul3A_1873 = arith.mulf %get3A_1866, %get3A_1872 : vector<16xf32>
        %swap3A_1874 = arith.index_cast %scan3A_1751 : i32 to index
        %swap3A_1875 = arith.constant 96 : index
        %swap3A_1876 = tpu.vector_load %arg11[%swap3A_1874, %swap3A_1875] {strides = array<i32>} : memref<128x128xf32, #tpu.memory_space<vmem>>, vector<1x16xf32>,
        %swap3A_1877 = vector.shape_cast %swap3A_1876 : vector<1x16xf32> to vector<16xf32>
        %swap3A_1878 = vector.shape_cast %mul3A_1873 : vector<16xf32> to vector<1x16xf32>
        tpu.vector_store %arg11[%swap3A_1874, %swap3A_1875], %swap3A_1878 {strides = array<i32>} : memref<128x128xf32, #tpu.memory_space<vmem>>, vector<1x16xf32>,
        %get3A_1879 = arith.constant 1 : i32
        %get3A_1880 = arith.index_cast %get3A_1879 : i32 to index
        %get3A_1881 = arith.index_cast %scan3A_1751 : i32 to index
        %get3A_1882 = arith.constant 112 : index
        %get3A_1883 = tpu.vector_load %arg10[%get3A_1880, %get3A_1881, %get3A_1882] {strides = array<i32>} : memref<2x128x128xf32, #tpu.memory_space<vmem>>, vector<1x1x16xf32>,
        %get3A_1884 = vector.shape_cast %get3A_1883 : vector<1x1x16xf32> to vector<16xf32>
        %get3A_1885 = arith.constant 1 : i32
        %get3A_1886 = arith.index_cast %get3A_1885 : i32 to index
        %get3A_1887 = arith.index_cast %scan3A_1751 : i32 to index
        %get3A_1888 = arith.constant 112 : index
        %get3A_1889 = tpu.vector_load %arg9[%get3A_1886, %get3A_1887, %get3A_1888] {strides = array<i32>} : memref<2x128x128xf32, #tpu.memory_space<vmem>>, vector<1x1x16xf32>,
        %get3A_1890 = vector.shape_cast %get3A_1889 : vector<1x1x16xf32> to vector<16xf32>
        %mul3A_1891 = arith.mulf %get3A_1884, %get3A_1890 : vector<16xf32>
        %swap3A_1892 = arith.index_cast %scan3A_1751 : i32 to index
        %swap3A_1893 = arith.constant 112 : index
        %swap3A_1894 = tpu.vector_load %arg11[%swap3A_1892, %swap3A_1893] {strides = array<i32>} : memref<128x128xf32, #tpu.memory_space<vmem>>, vector<1x16xf32>,
        %swap3A_1895 = vector.shape_cast %swap3A_1894 : vector<1x16xf32> to vector<16xf32>
        %swap3A_1896 = vector.shape_cast %mul3A_1891 : vector<16xf32> to vector<1x16xf32>
        tpu.vector_store %arg11[%swap3A_1892, %swap3A_1893], %swap3A_1896 {strides = array<i32>} : memref<128x128xf32, #tpu.memory_space<vmem>>, vector<1x16xf32>,
        %scan3A_1897 = arith.constant 0 : i32
        scf.yield %scan3A_1897 : i32
      }
      %scan3A_1690 = arith.constant 128 : i32
      %lt3A_1691 = arith.cmpi slt, %add3A_1398, %select_n3A_40 : i32
      %convert_element_type3A_1692 = arith.extui %lt3A_1691 : i1 to i32
      %cond3A_1693 = arith.constant 0 : i32
      %cond3A_1694 = arith.cmpi ne, %convert_element_type3A_1692, %cond3A_1693 : i32
      scf.if %cond3A_1694 {
        %dma_start3A_1751 = arith.constant 1 : i32
        %dma_start3A_1752 = arith.constant 0 : i32
        %dma_start3A_1753 = arith.constant 0 : i32
        %dma_start3A_1754 = tpu.memref_slice %arg8[%dma_start3A_1751, %dma_start3A_1752, %dma_start3A_1753] : memref<2x1x128xi32, #tpu.memory_space<vmem>> -> memref<1x1x128xi32, #tpu.memory_space<vmem>>
        %dma_start3A_1755 = tpu.memref_squeeze %dma_start3A_1754 : memref<1x1x128xi32, #tpu.memory_space<vmem>> -> memref<128xi32, #tpu.memory_space<vmem>>
        %dma_start3A_1756 = arith.constant 0 : i32
        %dma_start3A_1757 = arith.constant 0 : i32
        %dma_start3A_1758 = tpu.memref_slice %arg13[%dma_start3A_1756, %dma_start3A_1757] : memref<5248x128xf32, #tpu.memory_space<vmem_shared>> -> memref<5248x128xf32, #tpu.memory_space<vmem_shared>>
        tpu.enqueue_indirect_dma source(%arg11 : memref<128x128xf32, #tpu.memory_space<vmem>>) target(%dma_start3A_1758 : memref<5248x128xf32, #tpu.memory_space<vmem_shared>>) offsets(%dma_start3A_1755 : memref<128xi32, #tpu.memory_space<vmem>>) semaphore(%arg20 : memref<!tpu.dma_semaphore, #tpu.memory_space<semaphore_mem>>) {add = true}
      } else {
      }
      %dma_wait3A_1695 = arith.constant 0 : i32
      %dma_wait3A_1696 = arith.constant 1 : i32
      %dma_wait3A_1697 = arith.constant 0 : i32
      %dma_wait3A_1698 = arith.constant 0 : i32
      %dma_wait3A_1699 = tpu.memref_slice %arg7[%dma_wait3A_1696, %dma_wait3A_1697, %dma_wait3A_1698] : memref<4x2x128xi32, #tpu.memory_space<vmem>> -> memref<1x2x128xi32, #tpu.memory_space<vmem>>
      %dma_wait3A_1700 = tpu.memref_squeeze %dma_wait3A_1699 : memref<1x2x128xi32, #tpu.memory_space<vmem>> -> memref<2x128xi32, #tpu.memory_space<vmem>>
      %dma_wait3A_1701 = arith.constant 0 : i32
      %dma_wait3A_1702 = arith.constant 0 : i32
      %dma_wait3A_1703 = tpu.memref_slice %arg4[%dma_wait3A_1695, %dma_wait3A_1701, %dma_wait3A_1702] : memref<2500x2x128xi32, #tpu.memory_space<hbm>> -> memref<1x2x128xi32, #tpu.memory_space<hbm>>
      %dma_wait3A_1704 = tpu.memref_squeeze %dma_wait3A_1703 : memref<1x2x128xi32, #tpu.memory_space<hbm>> -> memref<2x128xi32, #tpu.memory_space<hbm>>
      %dma_wait3A_1705 = arith.constant 0 : i32
      %dma_wait3A_1706 = arith.constant 0 : i32
      %dma_wait3A_1707 = tpu.memref_slice %arg7[%dma_wait3A_1696, %dma_wait3A_1705, %dma_wait3A_1706] : memref<4x2x128xi32, #tpu.memory_space<vmem>> -> memref<1x2x128xi32, #tpu.memory_space<vmem>>
      %dma_wait3A_1708 = tpu.memref_squeeze %dma_wait3A_1707 : memref<1x2x128xi32, #tpu.memory_space<vmem>> -> memref<2x128xi32, #tpu.memory_space<vmem>>
      %dma_wait3A_1709 = arith.constant 0 : i32
      %dma_wait3A_1710 = arith.constant 0 : i32
      %dma_wait3A_1711 = tpu.memref_slice %arg4[%dma_wait3A_1695, %dma_wait3A_1709, %dma_wait3A_1710] : memref<2500x2x128xi32, #tpu.memory_space<hbm>> -> memref<1x2x128xi32, #tpu.memory_space<hbm>>
      %dma_wait3A_1712 = tpu.memref_squeeze %dma_wait3A_1711 : memref<1x2x128xi32, #tpu.memory_space<hbm>> -> memref<2x128xi32, #tpu.memory_space<hbm>>
      tpu.wait_dma2 semaphore(%arg17 : memref<!tpu.dma_semaphore, #tpu.memory_space<semaphore_mem>>) src(%dma_wait3A_1712 : memref<2x128xi32, #tpu.memory_space<hbm>>) dst(%dma_wait3A_1708 : memref<2x128xi32, #tpu.memory_space<vmem>>)
      %add3A_1713 = arith.constant 2 : i32
      %add3A_1714 = arith.addi %add3A_1398, %add3A_1713 : i32
      %dma_start3A_1715 = arith.constant 1 : i32
      %dma_start3A_1716 = arith.constant 1 : i32
      %dma_start3A_1717 = arith.constant 1 : i32
      %dma_start3A_1718 = arith.constant 0 : i32
      %dma_start3A_1719 = arith.constant 0 : i32
      %dma_start3A_1720 = tpu.memref_slice %arg10[%dma_start3A_1717, %dma_start3A_1718, %dma_start3A_1719] : memref<2x128x128xf32, #tpu.memory_space<vmem>> -> memref<1x128x128xf32, #tpu.memory_space<vmem>>
      %dma_start3A_1721 = tpu.memref_squeeze %dma_start3A_1720 : memref<1x128x128xf32, #tpu.memory_space<vmem>> -> memref<128x128xf32, #tpu.memory_space<vmem>>
      %dma_start3A_1722 = arith.constant 0 : i32
      %dma_start3A_1723 = tpu.memref_slice %arg7[%dma_start3A_1715, %dma_start3A_1716, %dma_start3A_1722] : memref<4x2x128xi32, #tpu.memory_space<vmem>> -> memref<1x1x128xi32, #tpu.memory_space<vmem>>
      %dma_start3A_1724 = tpu.memref_squeeze %dma_start3A_1723 : memref<1x1x128xi32, #tpu.memory_space<vmem>> -> memref<128xi32, #tpu.memory_space<vmem>>
      %dma_start3A_1725 = arith.constant 0 : i32
      %dma_start3A_1726 = arith.constant 0 : i32
      %dma_start3A_1727 = tpu.memref_slice %arg2[%dma_start3A_1725, %dma_start3A_1726] : memref<10000x128xf32, #tpu.memory_space<hbm>> -> memref<10000x128xf32, #tpu.memory_space<hbm>>
      tpu.enqueue_indirect_dma source(%dma_start3A_1727 : memref<10000x128xf32, #tpu.memory_space<hbm>>) target(%dma_start3A_1721 : memref<128x128xf32, #tpu.memory_space<vmem>>) offsets(%dma_start3A_1724 : memref<128xi32, #tpu.memory_space<vmem>>) semaphore(%arg15 : memref<!tpu.dma_semaphore, #tpu.memory_space<semaphore_mem>>)
      %mul3A_1728 = arith.constant 16 : i32
      %mul3A_1729 = arith.muli %add3A_1714, %mul3A_1728 : i32
      %add3A_1730 = arith.addi %add3A_42, %mul3A_1729 : i32
      %min3A_1731 = arith.constant 2499 : i32
      %min3A_1732 = arith.minsi %add3A_1730, %min3A_1731 : i32
      %dma_start3A_1733 = arith.constant 1 : i32
      %dma_start3A_1734 = arith.constant 0 : i32
      %dma_start3A_1735 = arith.constant 0 : i32
      %dma_start3A_1736 = tpu.memref_slice %arg9[%dma_start3A_1733, %dma_start3A_1734, %dma_start3A_1735] : memref<2x128x128xf32, #tpu.memory_space<vmem>> -> memref<1x128x128xf32, #tpu.memory_space<vmem>>
      %dma_start3A_1737 = tpu.memref_squeeze %dma_start3A_1736 : memref<1x128x128xf32, #tpu.memory_space<vmem>> -> memref<128x128xf32, #tpu.memory_space<vmem>>
      %dma_start3A_1738 = arith.constant 0 : i32
      %dma_start3A_1739 = arith.constant 0 : i32
      %dma_start3A_1740 = tpu.memref_slice %arg3[%min3A_1732, %dma_start3A_1738, %dma_start3A_1739] : memref<2500x128x128xf32, #tpu.memory_space<hbm>> -> memref<1x128x128xf32, #tpu.memory_space<hbm>>
      %dma_start3A_1741 = tpu.memref_squeeze %dma_start3A_1740 : memref<1x128x128xf32, #tpu.memory_space<hbm>> -> memref<128x128xf32, #tpu.memory_space<hbm>>
      %dma_start3A_1742 = arith.constant 0 : i32
      %dma_start3A_1743 = arith.constant 0 : i32
      %dma_start3A_1744 = tpu.memref_slice %arg9[%dma_start3A_1733, %dma_start3A_1742, %dma_start3A_1743] : memref<2x128x128xf32, #tpu.memory_space<vmem>> -> memref<1x128x128xf32, #tpu.memory_space<vmem>>
      %dma_start3A_1745 = tpu.memref_squeeze %dma_start3A_1744 : memref<1x128x128xf32, #tpu.memory_space<vmem>> -> memref<128x128xf32, #tpu.memory_space<vmem>>
      %dma_start3A_1746 = arith.constant 0 : i32
      %dma_start3A_1747 = arith.constant 0 : i32
      %dma_start3A_1748 = tpu.memref_slice %arg3[%min3A_1732, %dma_start3A_1746, %dma_start3A_1747] : memref<2500x128x128xf32, #tpu.memory_space<hbm>> -> memref<1x128x128xf32, #tpu.memory_space<hbm>>
      %dma_start3A_1749 = tpu.memref_squeeze %dma_start3A_1748 : memref<1x128x128xf32, #tpu.memory_space<hbm>> -> memref<128x128xf32, #tpu.memory_space<hbm>>
      tpu.enqueue_dma source(%dma_start3A_1749 : memref<128x128xf32, #tpu.memory_space<hbm>>) target(%dma_start3A_1745 : memref<128x128xf32, #tpu.memory_space<vmem>>) target_semaphore(%arg15 : memref<!tpu.dma_semaphore, #tpu.memory_space<semaphore_mem>>)
      %while3A_1750 = arith.constant 0 : i32
      scf.yield %while3A_1750 : i32
    }
    %gt3A = arith.constant 0 : i32
    %gt3A_200 = arith.cmpi sgt, %select_n3A_40, %gt3A : i32
    %jit3A_201 = arith.constant 4 : i32
    %eq3A_202 = arith.constant 0 : i32
    %eq3A_203 = arith.cmpi eq, %jit3A_201, %eq3A_202 : i32
    %jit3A_204 = arith.constant 1 : i32
    %select_n3A_205 = arith.select %eq3A_203, %jit3A_204, %jit3A_201 : i32
    %rem3A_206 = arith.remsi %select_n3A_40, %select_n3A_205 : i32
    %ne3A_207 = arith.constant 0 : i32
    %ne3A_208 = arith.cmpi ne, %rem3A_206, %ne3A_207 : i32
    %lt3A = arith.constant 0 : i32
    %lt3A_209 = arith.cmpi slt, %rem3A_206, %lt3A : i32
    %lt3A_210 = arith.constant 0 : i32
    %lt3A_211 = arith.cmpi slt, %select_n3A_205, %lt3A_210 : i32
    %ne3A_212 = arith.xori %lt3A_209, %lt3A_211 : i1
    %and3A_213 = arith.andi %ne3A_212, %ne3A_208 : i1
    %add3A_214 = arith.addi %rem3A_206, %select_n3A_205 : i32
    %select_n3A_215 = arith.select %and3A_213, %add3A_214, %rem3A_206 : i32
    %eq3A_216 = arith.constant 0 : i32
    %eq3A_217 = arith.cmpi eq, %select_n3A_215, %eq3A_216 : i32
    %and3A_218 = arith.andi %gt3A_200, %eq3A_217 : i1
    %convert_element_type3A = arith.extui %and3A_218 : i1 to i32
    %cond3A = arith.constant 0 : i32
    %cond3A_219 = arith.cmpi ne, %convert_element_type3A, %cond3A : i32
    scf.if %cond3A_219 {
      %sub3A_331 = arith.constant 1 : i32
      %sub3A_332 = arith.subi %select_n3A_40, %sub3A_331 : i32
      %jit3A_333 = arith.constant 2 : i32
      %eq3A_334 = arith.constant 0 : i32
      %eq3A_335 = arith.cmpi eq, %jit3A_333, %eq3A_334 : i32
      %jit3A_336 = arith.constant 1 : i32
      %select_n3A_337 = arith.select %eq3A_335, %jit3A_336, %jit3A_333 : i32
      %rem3A_338 = arith.remsi %sub3A_332, %select_n3A_337 : i32
      %ne3A_339 = arith.constant 0 : i32
      %ne3A_340 = arith.cmpi ne, %rem3A_338, %ne3A_339 : i32
      %lt3A_341 = arith.constant 0 : i32
      %lt3A_342 = arith.cmpi slt, %rem3A_338, %lt3A_341 : i32
      %lt3A_343 = arith.constant 0 : i32
      %lt3A_344 = arith.cmpi slt, %select_n3A_337, %lt3A_343 : i32
      %ne3A_345 = arith.xori %lt3A_342, %lt3A_344 : i1
      %and3A_346 = arith.andi %ne3A_345, %ne3A_340 : i1
      %add3A_347 = arith.addi %rem3A_338, %select_n3A_337 : i32
      %select_n3A_348 = arith.select %and3A_346, %add3A_347, %rem3A_338 : i32
      %dma_wait3A_349 = arith.constant 0 : i32
      %dma_wait3A_350 = arith.constant 0 : i32
      %dma_wait3A_351 = tpu.memref_slice %arg8[%select_n3A_348, %dma_wait3A_349, %dma_wait3A_350] : memref<2x1x128xi32, #tpu.memory_space<vmem>> -> memref<1x1x128xi32, #tpu.memory_space<vmem>>
      %dma_wait3A_352 = tpu.memref_squeeze %dma_wait3A_351 : memref<1x1x128xi32, #tpu.memory_space<vmem>> -> memref<128xi32, #tpu.memory_space<vmem>>
      %dma_wait3A_353 = arith.constant 0 : i32
      %dma_wait3A_354 = arith.constant 0 : i32
      %dma_wait3A_355 = tpu.memref_slice %arg13[%dma_wait3A_353, %dma_wait3A_354] : memref<5248x128xf32, #tpu.memory_space<vmem_shared>> -> memref<5248x128xf32, #tpu.memory_space<vmem_shared>>
      tpu.wait_indirect_dma semaphore(%arg20 : memref<!tpu.dma_semaphore, #tpu.memory_space<semaphore_mem>>) src(%arg11 : memref<128x128xf32, #tpu.memory_space<vmem>>) dst(%dma_wait3A_355 : memref<5248x128xf32, #tpu.memory_space<vmem_shared>>)
    } else {
    }
    %dma_wait3A = arith.constant 0 : i32
    %dma_wait3A_220 = arith.constant 0 : i32
    %dma_wait3A_221 = arith.constant 0 : i32
    %dma_wait3A_222 = arith.constant 0 : i32
    %dma_wait3A_223 = tpu.memref_slice %arg10[%dma_wait3A_220, %dma_wait3A_221, %dma_wait3A_222] : memref<2x128x128xf32, #tpu.memory_space<vmem>> -> memref<1x128x128xf32, #tpu.memory_space<vmem>>
    %dma_wait3A_224 = tpu.memref_squeeze %dma_wait3A_223 : memref<1x128x128xf32, #tpu.memory_space<vmem>> -> memref<128x128xf32, #tpu.memory_space<vmem>>
    %dma_wait3A_225 = arith.constant 0 : i32
    %dma_wait3A_226 = arith.constant 0 : i32
    %dma_wait3A_227 = tpu.memref_slice %arg3[%dma_wait3A, %dma_wait3A_225, %dma_wait3A_226] : memref<2500x128x128xf32, #tpu.memory_space<hbm>> -> memref<1x128x128xf32, #tpu.memory_space<hbm>>
    %dma_wait3A_228 = tpu.memref_squeeze %dma_wait3A_227 : memref<1x128x128xf32, #tpu.memory_space<hbm>> -> memref<128x128xf32, #tpu.memory_space<hbm>>
    %dma_wait3A_229 = arith.constant 0 : i32
    %dma_wait3A_230 = arith.constant 0 : i32
    %dma_wait3A_231 = tpu.memref_slice %arg10[%dma_wait3A_220, %dma_wait3A_229, %dma_wait3A_230] : memref<2x128x128xf32, #tpu.memory_space<vmem>> -> memref<1x128x128xf32, #tpu.memory_space<vmem>>
    %dma_wait3A_232 = tpu.memref_squeeze %dma_wait3A_231 : memref<1x128x128xf32, #tpu.memory_space<vmem>> -> memref<128x128xf32, #tpu.memory_space<vmem>>
    %dma_wait3A_233 = arith.constant 0 : i32
    %dma_wait3A_234 = arith.constant 0 : i32
    %dma_wait3A_235 = tpu.memref_slice %arg3[%dma_wait3A, %dma_wait3A_233, %dma_wait3A_234] : memref<2500x128x128xf32, #tpu.memory_space<hbm>> -> memref<1x128x128xf32, #tpu.memory_space<hbm>>
    %dma_wait3A_236 = tpu.memref_squeeze %dma_wait3A_235 : memref<1x128x128xf32, #tpu.memory_space<hbm>> -> memref<128x128xf32, #tpu.memory_space<hbm>>
    tpu.wait_dma2 semaphore(%arg14 : memref<!tpu.dma_semaphore, #tpu.memory_space<semaphore_mem>>) src(%dma_wait3A_236 : memref<128x128xf32, #tpu.memory_space<hbm>>) dst(%dma_wait3A_232 : memref<128x128xf32, #tpu.memory_space<vmem>>)
    %dma_wait3A_237 = arith.constant 0 : i32
    %dma_wait3A_238 = arith.constant 0 : i32
    %dma_wait3A_239 = arith.constant 0 : i32
    %dma_wait3A_240 = arith.constant 0 : i32
    %dma_wait3A_241 = tpu.memref_slice %arg9[%dma_wait3A_238, %dma_wait3A_239, %dma_wait3A_240] : memref<2x128x128xf32, #tpu.memory_space<vmem>> -> memref<1x128x128xf32, #tpu.memory_space<vmem>>
    %dma_wait3A_242 = tpu.memref_squeeze %dma_wait3A_241 : memref<1x128x128xf32, #tpu.memory_space<vmem>> -> memref<128x128xf32, #tpu.memory_space<vmem>>
    %dma_wait3A_243 = arith.constant 0 : i32
    %dma_wait3A_244 = arith.constant 0 : i32
    %dma_wait3A_245 = tpu.memref_slice %arg3[%dma_wait3A_237, %dma_wait3A_243, %dma_wait3A_244] : memref<2500x128x128xf32, #tpu.memory_space<hbm>> -> memref<1x128x128xf32, #tpu.memory_space<hbm>>
    %dma_wait3A_246 = tpu.memref_squeeze %dma_wait3A_245 : memref<1x128x128xf32, #tpu.memory_space<hbm>> -> memref<128x128xf32, #tpu.memory_space<hbm>>
    %dma_wait3A_247 = arith.constant 0 : i32
    %dma_wait3A_248 = arith.constant 0 : i32
    %dma_wait3A_249 = tpu.memref_slice %arg9[%dma_wait3A_238, %dma_wait3A_247, %dma_wait3A_248] : memref<2x128x128xf32, #tpu.memory_space<vmem>> -> memref<1x128x128xf32, #tpu.memory_space<vmem>>
    %dma_wait3A_250 = tpu.memref_squeeze %dma_wait3A_249 : memref<1x128x128xf32, #tpu.memory_space<vmem>> -> memref<128x128xf32, #tpu.memory_space<vmem>>
    %dma_wait3A_251 = arith.constant 0 : i32
    %dma_wait3A_252 = arith.constant 0 : i32
    %dma_wait3A_253 = tpu.memref_slice %arg3[%dma_wait3A_237, %dma_wait3A_251, %dma_wait3A_252] : memref<2500x128x128xf32, #tpu.memory_space<hbm>> -> memref<1x128x128xf32, #tpu.memory_space<hbm>>
    %dma_wait3A_254 = tpu.memref_squeeze %dma_wait3A_253 : memref<1x128x128xf32, #tpu.memory_space<hbm>> -> memref<128x128xf32, #tpu.memory_space<hbm>>
    tpu.wait_dma2 semaphore(%arg14 : memref<!tpu.dma_semaphore, #tpu.memory_space<semaphore_mem>>) src(%dma_wait3A_254 : memref<128x128xf32, #tpu.memory_space<hbm>>) dst(%dma_wait3A_250 : memref<128x128xf32, #tpu.memory_space<vmem>>)
    %dma_wait3A_255 = arith.constant 0 : i32
    %dma_wait3A_256 = arith.constant 1 : i32
    %dma_wait3A_257 = arith.constant 0 : i32
    %dma_wait3A_258 = arith.constant 0 : i32
    %dma_wait3A_259 = tpu.memref_slice %arg10[%dma_wait3A_256, %dma_wait3A_257, %dma_wait3A_258] : memref<2x128x128xf32, #tpu.memory_space<vmem>> -> memref<1x128x128xf32, #tpu.memory_space<vmem>>
    %dma_wait3A_260 = tpu.memref_squeeze %dma_wait3A_259 : memref<1x128x128xf32, #tpu.memory_space<vmem>> -> memref<128x128xf32, #tpu.memory_space<vmem>>
    %dma_wait3A_261 = arith.constant 0 : i32
    %dma_wait3A_262 = arith.constant 0 : i32
    %dma_wait3A_263 = tpu.memref_slice %arg3[%dma_wait3A_255, %dma_wait3A_261, %dma_wait3A_262] : memref<2500x128x128xf32, #tpu.memory_space<hbm>> -> memref<1x128x128xf32, #tpu.memory_space<hbm>>
    %dma_wait3A_264 = tpu.memref_squeeze %dma_wait3A_263 : memref<1x128x128xf32, #tpu.memory_space<hbm>> -> memref<128x128xf32, #tpu.memory_space<hbm>>
    %dma_wait3A_265 = arith.constant 0 : i32
    %dma_wait3A_266 = arith.constant 0 : i32
    %dma_wait3A_267 = tpu.memref_slice %arg10[%dma_wait3A_256, %dma_wait3A_265, %dma_wait3A_266] : memref<2x128x128xf32, #tpu.memory_space<vmem>> -> memref<1x128x128xf32, #tpu.memory_space<vmem>>
    %dma_wait3A_268 = tpu.memref_squeeze %dma_wait3A_267 : memref<1x128x128xf32, #tpu.memory_space<vmem>> -> memref<128x128xf32, #tpu.memory_space<vmem>>
    %dma_wait3A_269 = arith.constant 0 : i32
    %dma_wait3A_270 = arith.constant 0 : i32
    %dma_wait3A_271 = tpu.memref_slice %arg3[%dma_wait3A_255, %dma_wait3A_269, %dma_wait3A_270] : memref<2500x128x128xf32, #tpu.memory_space<hbm>> -> memref<1x128x128xf32, #tpu.memory_space<hbm>>
    %dma_wait3A_272 = tpu.memref_squeeze %dma_wait3A_271 : memref<1x128x128xf32, #tpu.memory_space<hbm>> -> memref<128x128xf32, #tpu.memory_space<hbm>>
    tpu.wait_dma2 semaphore(%arg15 : memref<!tpu.dma_semaphore, #tpu.memory_space<semaphore_mem>>) src(%dma_wait3A_272 : memref<128x128xf32, #tpu.memory_space<hbm>>) dst(%dma_wait3A_268 : memref<128x128xf32, #tpu.memory_space<vmem>>)
    %dma_wait3A_273 = arith.constant 0 : i32
    %dma_wait3A_274 = arith.constant 1 : i32
    %dma_wait3A_275 = arith.constant 0 : i32
    %dma_wait3A_276 = arith.constant 0 : i32
    %dma_wait3A_277 = tpu.memref_slice %arg9[%dma_wait3A_274, %dma_wait3A_275, %dma_wait3A_276] : memref<2x128x128xf32, #tpu.memory_space<vmem>> -> memref<1x128x128xf32, #tpu.memory_space<vmem>>
    %dma_wait3A_278 = tpu.memref_squeeze %dma_wait3A_277 : memref<1x128x128xf32, #tpu.memory_space<vmem>> -> memref<128x128xf32, #tpu.memory_space<vmem>>
    %dma_wait3A_279 = arith.constant 0 : i32
    %dma_wait3A_280 = arith.constant 0 : i32
    %dma_wait3A_281 = tpu.memref_slice %arg3[%dma_wait3A_273, %dma_wait3A_279, %dma_wait3A_280] : memref<2500x128x128xf32, #tpu.memory_space<hbm>> -> memref<1x128x128xf32, #tpu.memory_space<hbm>>
    %dma_wait3A_282 = tpu.memref_squeeze %dma_wait3A_281 : memref<1x128x128xf32, #tpu.memory_space<hbm>> -> memref<128x128xf32, #tpu.memory_space<hbm>>
    %dma_wait3A_283 = arith.constant 0 : i32
    %dma_wait3A_284 = arith.constant 0 : i32
    %dma_wait3A_285 = tpu.memref_slice %arg9[%dma_wait3A_274, %dma_wait3A_283, %dma_wait3A_284] : memref<2x128x128xf32, #tpu.memory_space<vmem>> -> memref<1x128x128xf32, #tpu.memory_space<vmem>>
    %dma_wait3A_286 = tpu.memref_squeeze %dma_wait3A_285 : memref<1x128x128xf32, #tpu.memory_space<vmem>> -> memref<128x128xf32, #tpu.memory_space<vmem>>
    %dma_wait3A_287 = arith.constant 0 : i32
    %dma_wait3A_288 = arith.constant 0 : i32
    %dma_wait3A_289 = tpu.memref_slice %arg3[%dma_wait3A_273, %dma_wait3A_287, %dma_wait3A_288] : memref<2500x128x128xf32, #tpu.memory_space<hbm>> -> memref<1x128x128xf32, #tpu.memory_space<hbm>>
    %dma_wait3A_290 = tpu.memref_squeeze %dma_wait3A_289 : memref<1x128x128xf32, #tpu.memory_space<hbm>> -> memref<128x128xf32, #tpu.memory_space<hbm>>
    tpu.wait_dma2 semaphore(%arg15 : memref<!tpu.dma_semaphore, #tpu.memory_space<semaphore_mem>>) src(%dma_wait3A_290 : memref<128x128xf32, #tpu.memory_space<hbm>>) dst(%dma_wait3A_286 : memref<128x128xf32, #tpu.memory_space<vmem>>)
    %dma_wait3A_291 = arith.constant 0 : i32
    %dma_wait3A_292 = arith.constant 2 : i32
    %dma_wait3A_293 = arith.constant 0 : i32
    %dma_wait3A_294 = arith.constant 0 : i32
    %dma_wait3A_295 = tpu.memref_slice %arg7[%dma_wait3A_292, %dma_wait3A_293, %dma_wait3A_294] : memref<4x2x128xi32, #tpu.memory_space<vmem>> -> memref<1x2x128xi32, #tpu.memory_space<vmem>>
    %dma_wait3A_296 = tpu.memref_squeeze %dma_wait3A_295 : memref<1x2x128xi32, #tpu.memory_space<vmem>> -> memref<2x128xi32, #tpu.memory_space<vmem>>
    %dma_wait3A_297 = arith.constant 0 : i32
    %dma_wait3A_298 = arith.constant 0 : i32
    %dma_wait3A_299 = tpu.memref_slice %arg4[%dma_wait3A_291, %dma_wait3A_297, %dma_wait3A_298] : memref<2500x2x128xi32, #tpu.memory_space<hbm>> -> memref<1x2x128xi32, #tpu.memory_space<hbm>>
    %dma_wait3A_300 = tpu.memref_squeeze %dma_wait3A_299 : memref<1x2x128xi32, #tpu.memory_space<hbm>> -> memref<2x128xi32, #tpu.memory_space<hbm>>
    %dma_wait3A_301 = arith.constant 0 : i32
    %dma_wait3A_302 = arith.constant 0 : i32
    %dma_wait3A_303 = tpu.memref_slice %arg7[%dma_wait3A_292, %dma_wait3A_301, %dma_wait3A_302] : memref<4x2x128xi32, #tpu.memory_space<vmem>> -> memref<1x2x128xi32, #tpu.memory_space<vmem>>
    %dma_wait3A_304 = tpu.memref_squeeze %dma_wait3A_303 : memref<1x2x128xi32, #tpu.memory_space<vmem>> -> memref<2x128xi32, #tpu.memory_space<vmem>>
    %dma_wait3A_305 = arith.constant 0 : i32
    %dma_wait3A_306 = arith.constant 0 : i32
    %dma_wait3A_307 = tpu.memref_slice %arg4[%dma_wait3A_291, %dma_wait3A_305, %dma_wait3A_306] : memref<2500x2x128xi32, #tpu.memory_space<hbm>> -> memref<1x2x128xi32, #tpu.memory_space<hbm>>
    %dma_wait3A_308 = tpu.memref_squeeze %dma_wait3A_307 : memref<1x2x128xi32, #tpu.memory_space<hbm>> -> memref<2x128xi32, #tpu.memory_space<hbm>>
    tpu.wait_dma2 semaphore(%arg18 : memref<!tpu.dma_semaphore, #tpu.memory_space<semaphore_mem>>) src(%dma_wait3A_308 : memref<2x128xi32, #tpu.memory_space<hbm>>) dst(%dma_wait3A_304 : memref<2x128xi32, #tpu.memory_space<vmem>>)
    %dma_wait3A_309 = arith.constant 0 : i32
    %dma_wait3A_310 = arith.constant 3 : i32
    %dma_wait3A_311 = arith.constant 0 : i32
    %dma_wait3A_312 = arith.constant 0 : i32
    %dma_wait3A_313 = tpu.memref_slice %arg7[%dma_wait3A_310, %dma_wait3A_311, %dma_wait3A_312] : memref<4x2x128xi32, #tpu.memory_space<vmem>> -> memref<1x2x128xi32, #tpu.memory_space<vmem>>
    %dma_wait3A_314 = tpu.memref_squeeze %dma_wait3A_313 : memref<1x2x128xi32, #tpu.memory_space<vmem>> -> memref<2x128xi32, #tpu.memory_space<vmem>>
    %dma_wait3A_315 = arith.constant 0 : i32
    %dma_wait3A_316 = arith.constant 0 : i32
    %dma_wait3A_317 = tpu.memref_slice %arg4[%dma_wait3A_309, %dma_wait3A_315, %dma_wait3A_316] : memref<2500x2x128xi32, #tpu.memory_space<hbm>> -> memref<1x2x128xi32, #tpu.memory_space<hbm>>
    %dma_wait3A_318 = tpu.memref_squeeze %dma_wait3A_317 : memref<1x2x128xi32, #tpu.memory_space<hbm>> -> memref<2x128xi32, #tpu.memory_space<hbm>>
    %dma_wait3A_319 = arith.constant 0 : i32
    %dma_wait3A_320 = arith.constant 0 : i32
    %dma_wait3A_321 = tpu.memref_slice %arg7[%dma_wait3A_310, %dma_wait3A_319, %dma_wait3A_320] : memref<4x2x128xi32, #tpu.memory_space<vmem>> -> memref<1x2x128xi32, #tpu.memory_space<vmem>>
    %dma_wait3A_322 = tpu.memref_squeeze %dma_wait3A_321 : memref<1x2x128xi32, #tpu.memory_space<vmem>> -> memref<2x128xi32, #tpu.memory_space<vmem>>
    %dma_wait3A_323 = arith.constant 0 : i32
    %dma_wait3A_324 = arith.constant 0 : i32
    %dma_wait3A_325 = tpu.memref_slice %arg4[%dma_wait3A_309, %dma_wait3A_323, %dma_wait3A_324] : memref<2500x2x128xi32, #tpu.memory_space<hbm>> -> memref<1x2x128xi32, #tpu.memory_space<hbm>>
    %dma_wait3A_326 = tpu.memref_squeeze %dma_wait3A_325 : memref<1x2x128xi32, #tpu.memory_space<hbm>> -> memref<2x128xi32, #tpu.memory_space<hbm>>
    tpu.wait_dma2 semaphore(%arg19 : memref<!tpu.dma_semaphore, #tpu.memory_space<semaphore_mem>>) src(%dma_wait3A_326 : memref<2x128xi32, #tpu.memory_space<hbm>>) dst(%dma_wait3A_322 : memref<2x128xi32, #tpu.memory_space<vmem>>)
    %barrier3A_327 = arith.constant 0 : index
    tpu.barrier barrier_id(%barrier3A_327)
    %mul3A_328 = arith.constant 320 : i32
    %mul3A_329 = arith.muli %arg1, %mul3A_328 : i32
    %add3A_330 = arith.addi %mul3A_44, %mul3A_329 : i32
    "tpu.region"() ({
      %run_scoped3A_331 = tpu.sem_alloc : memref<!tpu.dma_semaphore, #tpu.memory_space<semaphore_mem>>
      %dma_start3A_332 = arith.constant 0 : i32
      %dma_start3A_333 = tpu.memref_slice %arg6[%add3A_330, %dma_start3A_332] : memref<10240x128xf32, #tpu.memory_space<hbm>> -> memref<320x128xf32, #tpu.memory_space<hbm>>
      %dma_start3A_334 = arith.constant 0 : i32
      %dma_start3A_335 = tpu.memref_slice %arg13[%mul3A_329, %dma_start3A_334] : memref<5248x128xf32, #tpu.memory_space<vmem_shared>> -> memref<320x128xf32, #tpu.memory_space<vmem_shared>>
      tpu.enqueue_dma source(%dma_start3A_335 : memref<320x128xf32, #tpu.memory_space<vmem_shared>>) target(%dma_start3A_333 : memref<320x128xf32, #tpu.memory_space<hbm>>) target_semaphore(%run_scoped3A_331 : memref<!tpu.dma_semaphore, #tpu.memory_space<semaphore_mem>>)
      %dma_wait3A_336 = arith.constant 0 : i32
      %dma_wait3A_337 = tpu.memref_slice %arg6[%add3A_330, %dma_wait3A_336] : memref<10240x128xf32, #tpu.memory_space<hbm>> -> memref<320x128xf32, #tpu.memory_space<hbm>>
      %dma_wait3A_338 = arith.constant 0 : i32
      %dma_wait3A_339 = tpu.memref_slice %arg13[%mul3A_329, %dma_wait3A_338] : memref<5248x128xf32, #tpu.memory_space<vmem_shared>> -> memref<320x128xf32, #tpu.memory_space<vmem_shared>>
      tpu.wait_dma2 semaphore(%run_scoped3A_331 : memref<!tpu.dma_semaphore, #tpu.memory_space<semaphore_mem>>) src(%dma_wait3A_339 : memref<320x128xf32, #tpu.memory_space<vmem_shared>>) dst(%dma_wait3A_337 : memref<320x128xf32, #tpu.memory_space<hbm>>)
      tpu.yield
    }) : () -> ()
    return
  }
}

</mosaic_0001>

<sc_bundles>
// kernel: kernel.3.cloned.1.call-start
scs
__scs_entry_jumppad:
0x0: {  	(pc) =	sbr.rel $0x88, $3  }
0x1: {  	(tag) =	ssettag $0x0;
	lr =	simm.s32 $0x1  }
0x2: {  	[smem:$0x3F9D] =	sst lr;
	_ =	strace $0xD0000000  }
0x3: {  	_ = 	snop  }
0x4: {  	_ = 	snop  }
0x5: {  	_ = 	snop  }
0x6: {  	_ = 	snop  }
0x7: {  	_ = 	snop  }
__scs_overlays_trampoline_lowered:
0x8: {  	[smem:$0x3FAC] =	sst s0  }
0x9: {  	[smem:$0x3FAD] =	sst s1  }
0xa: {  	[smem:$0x3FAE] =	sst s2  }
0xb: {  	[smem:$0x3FAF] =	sst s3  }
0xc: {  	[smem:$0x3FB0] =	sst s4  }
0xd: {  	[smem:$0x3FB1] =	sst s5  }
0xe: {  	[smem:$0x3FB2] =	sst s6  }
0xf: {  	[smem:$0x3FB3] =	sst s7  }
0x10: {  	[smem:$0x3FB4] =	sst s8  }
0x11: {  	[smem:$0x3FB5] =	sst s9;
	s0 =	simm.s32 @!p0 $0x0  }
0x12: {  	s1 =	sld [smem:$0x3F9B];
	s0 =	simm.s32 @p0 $0x1  }
0x13: {  	[smem:$0x3FB6] =	sst s0;
	s0 =	simm.s32 @!p1 $0x0  }
0x14: {  	s2 =	sld [smem:$0x3F9A];
	s0 =	simm.s32 @p1 $0x1  }
0x15: {  	[smem:$0x3FB7] =	sst s0;
	s0 =	simm.s32 @!p2 $0x0  }
0x16: {  	s3 =	sld [smem:$0x3FDB];
	s0 =	simm.s32 @p2 $0x1  }
0x17: {  	s4 =	simm.s32 $0x1BF5;
	[smem:$0x3FB9] =	sst s0  }
0x18: {  	s0 =	sld [smem:$0x3F9C];
	_ =	swait.ge [sflag:s4], $0x0  }
0x19: {  	s7 =	sld [smem:$0x3F9D]  }
0x1a: {  	s8 =	sadd.s32 $0xFFFFE003, lr  }
0x1b: {  	s9 =	sadd.s32 $0xFFFFFEF7, lr;
	s5 =	simm.s32 $0xFFFFFFFF;
	p2 =	slt.u32 s8, $0xFFFFF086  }
0x1c: {  	p1 =	slt.u32 s9, $0xF7A;
	s5 =	simm.s32 @!p2 $0x0  }
0x1d: {  	s5 =	simm.s32 @p1 $0x1;
	p0 =	seq.s32 s7, s2  }
0x1e: {  	s7 =	smul.u32 @!p0 $0xF7A, s2;
	p2 =	seq.s32 @!p0 s5, $0x0  }
0x1f: {  	s9 =	smul.u32 $0xF7A, s1;
	s8 =	simm.s32 @!p0 $0x1BF5;
	p2 =	por !p2, p0  }
0x20: {  	[sflag:s8] =	ssyncset.s32 @!p0 $0xFFFFF086;
	s6 =	sadd.s32 @!p0 s3, s7;
	s7 =	simm.s32 @!p0 $0x108  }
0x21: {  	s3 =	sadd.s32 s3, s9;
	s6 =	sadd.s32 @!p0 $0x88, s6;
	s7 =	simm.s32 @p2 $0x1082  }
0x22: {  	[simem:s7], [sflag:s8] =	dma.local @!p0 [hbm:s6], $0xF7A  }
0x23: {  	s9 =	sor.u32 $0xD0000000, s2;
	s6 =	simm.s32 $0x108;
	_ =	swait.ge @!p0 [sflag:s8], $0x0  }
0x24: {  	s3 =	sadd.s32 $0x88, s3;
	s6 =	simm.s32 @!p1 $0x1082;
	[sflag:s4] =	ssyncset.s32 $0xFFFFF086  }
0x25: {  	[simem:s6], [sflag:s4] =	dma.local [hbm:s3], $0xF7A  }
0x26: {  	[smem:$0x3F9D] =	sst s1;
	(tag) =	ssettag s2;
	_ =	strace s9  }
0x27: {  	s1 =	sld [smem:$0x3FAD]  }
0x28: {  	s2 =	sld [smem:$0x3FAE]  }
0x29: {  	s4 =	sld [smem:$0x3FB0]  }
0x2a: {  	p0 =	seq.s32 s5, $0x0;
	s5 =	sld [smem:$0x3FB1]  }
0x2b: {  	s6 =	sld [smem:$0x3FB2]  }
0x2c: {  	s7 =	sld [smem:$0x3FB3]  }
0x2d: {  	s3 =	simm.s32 $0x108;
	s8 =	sld [smem:$0x3FB4]  }
0x2e: {  	s3 =	simm.s32 @!p0 $0x1082;
	s9 =	sld [smem:$0x3FB5]  }
0x2f: {  	lr =	sadd.s32 s0, s3;
	s0 =	sld [smem:$0x3FAC]  }
0x30: {  	s3 =	sld [smem:$0x3FAF]  }
0x31: {  	[smem:$0x3FB8] =	sst s10  }
0x32: {  	s10 =	sld [smem:$0x3FB6];
	_ =	sdelay $0x3  }
0x33: {  	p0 =	seq.s32 s10, $0x1;
	s10 =	sld [smem:$0x3FB8];
	_ =	sdelay $0x3  }
0x34: {  	[smem:$0x3FB8] =	sst s10  }
0x35: {  	s10 =	sld [smem:$0x3FB7];
	_ =	sdelay $0x3  }
0x36: {  	p1 =	seq.s32 s10, $0x1;
	s10 =	sld [smem:$0x3FB8];
	_ =	sdelay $0x3  }
0x37: {  	[smem:$0x3FB8] =	sst s10  }
0x38: {  	s10 =	sld [smem:$0x3FB9]  }
0x39: {  	_ = 	snop;
	(pc) =	sbr.ind lr, $3  }
0x3a: {  	_ = 	snop  }
0x3b: {  	_ = 	snop  }
0x3c: {  	p2 =	seq.s32 s10, $0x1;
	s10 =	sld [smem:$0x3FB8]  }
0x3d: {  	_ =	shalt  }
0x3e: {  	_ =	shalt  }
0x3f: {  	_ =	shalt  }
0x40: {  	_ =	shalt  }
0x41: {  	_ =	shalt  }
0x42: {  	_ =	shalt  }
0x43: {  	_ =	shalt  }
0x44: {  	_ =	shalt  }
0x45: {  	_ =	shalt  }
0x46: {  	_ =	shalt  }
0x47: {  	_ =	shalt  }
0x48: {  	_ =	shalt  }
0x49: {  	_ =	shalt  }
0x4a: {  	_ =	shalt  }
0x4b: {  	_ =	shalt  }
0x4c: {  	_ =	shalt  }
0x4d: {  	_ =	shalt  }
0x4e: {  	_ =	shalt  }
0x4f: {  	_ =	shalt  }
0x50: {  	_ =	shalt  }
0x51: {  	_ =	shalt  }
0x52: {  	_ =	shalt  }
0x53: {  	_ =	shalt  }
0x54: {  	_ =	shalt  }
0x55: {  	_ =	shalt  }
0x56: {  	_ =	shalt  }
0x57: {  	_ =	shalt  }
0x58: {  	_ =	shalt  }
0x59: {  	_ =	shalt  }
0x5a: {  	_ =	shalt  }
0x5b: {  	_ =	shalt  }
0x5c: {  	_ =	shalt  }
0x5d: {  	_ =	shalt  }
0x5e: {  	_ =	shalt  }
0x5f: {  	_ =	shalt  }
0x60: {  	_ =	shalt  }
0x61: {  	_ =	shalt  }
0x62: {  	_ =	shalt  }
0x63: {  	_ =	shalt  }
0x64: {  	_ =	shalt  }
0x65: {  	_ =	shalt  }
0x66: {  	_ =	shalt  }
0x67: {  	_ =	shalt  }
0x68: {  	_ =	shalt  }
0x69: {  	_ =	shalt  }
0x6a: {  	_ =	shalt  }
0x6b: {  	_ =	shalt  }
0x6c: {  	_ =	shalt  }
0x6d: {  	_ =	shalt  }
0x6e: {  	_ =	shalt  }
0x6f: {  	_ =	shalt  }
0x70: {  	_ =	shalt  }
0x71: {  	_ =	shalt  }
0x72: {  	_ =	shalt  }
0x73: {  	_ =	shalt  }
0x74: {  	_ =	shalt  }
0x75: {  	_ =	shalt  }
0x76: {  	_ =	shalt  }
0x77: {  	_ =	shalt  }
0x78: {  	_ =	shalt  }
0x79: {  	_ =	shalt  }
0x7a: {  	_ =	shalt  }
0x7b: {  	_ =	shalt  }
0x7c: {  	_ =	shalt  }
0x7d: {  	_ =	shalt  }
0x7e: {  	_ =	shalt  }
0x7f: {  	_ =	shalt  }
0x80: {  	_ =	shalt  }
0x81: {  	_ =	shalt  }
0x82: {  	_ =	shalt  }
0x83: {  	_ =	shalt  }
0x84: {  	_ =	shalt  }
0x85: {  	_ =	shalt  }
0x86: {  	_ =	shalt  }
0x87: {  	_ =	shalt  }
.Lfunc_end0:
.L_simem_size_0:
called_computation_lowered:
.L_overlay_start_0:
0x88: {  	s2 =	sld [smem:$0x3FD9]  }
0x89: {  	s3 =	sld [smem:$0x3FFE];
	_ =	sdelay $0x1  }
0x8a: {  	s1 =	srdreg.scid  }
0x8b: {  	s0 =	sand.u32 $0x1, s1  }
0x8c: {  	s17 =	sshll.u32 s0, $0xA;
	s2 =	sadd.s32 s3, s2  }
0x8d: {  	s2 =	sadd.s32 s2, s17  }
0x8e: {  	[smem:$0x3FC4] =	sst s2  }
0x8f: {  	_ = 	snop  }
0x90: {  	s2 =	sld [smem:$0x3FC9]  }
0x91: {  	s18 =	sld [smem:$0x3FC8]  }
0x92: {  	s4 =	sld [smem:$0x3FD0];
	(tm) =	ssettm $0x1  }
0x93: {  	s5 =	sld [smem:$0x3FFB];
	_ =	sdelay $0x3  }
0x94: {  	_ =	strace s5  }
0x95: {  	s5 =	sld [smem:$0x3FFC];
	_ =	sdelay $0x3  }
0x96: {  	_ =	strace s5  }
0x97: {  	s5 =	sld [smem:$0x3FFD];
	_ =	sdelay $0x3  }
0x98: {  	_ =	strace s5  }
0x99: {  	_ =	strace $0x8FFFFFFF  }
0x9a: {  	s19 =	sld [smem:$0x3FDB];
	_ =	sdelay $0x1  }
0x9b: {  	s6 =	simm.s32 $_scs_section_size  }
0x9c: {  	s7 =	simm.s32 $_size__tile_overlayer_lowered;
	s8 =	simm.s32 $_tile_overlayer_lowered  }
0x9d: {  	s22 =	simm.s32 $0x1BFF;
	s21 =	sshll.u32 s8, $0x1;
	s5 =	sadd.s32 s6, s19  }
0x9e: {  	s9 =	simm.s32 $0x0;
	s20 =	sshll.u32 s7, $0x1;
	s7 =	sadd.s32 s21, s5  }
0x9f: {  	[timem:s9], [sflag:s22] =	dma.local [hbm:s7], s20  }
0xa0: {  	_ =	swait.ge [sflag:s22], s20  }
0xa1: {  	s6 =	ssub.s32 $0x0, s20;
	[sflag:s22] =	ssyncset.done $0x0  }
0xa2: {  	[sflag:s22] =	ssyncadd.s32 s6;
	_ =	sdelay $0x1  }
0xa3: {  	s23 =	simm.s32 $0x1B8B  }
0xa4: {  	_ =	swait.ge [sflag:s23], $0x1  }
0xa5: {  	[sflag:s23] =	ssyncset.done $0x0  }
0xa6: {  	s25 =	simm.s32 $0x1B8E;
	s24 =	sld [smem:$0x3FFE];
	[sflag:s23] =	ssyncadd.s32 $0xFFFFFFFF  }
0xa7: {  	s26 =	simm.s32 $execute0_lowered;
	[smem:$0x3FD2] =	sst s25  }
0xa8: {  	s7 =	sshll.u32 s26, $0x1;
	_ =	strace $0x80000046;
	[dreg:$0x1] =	wrdreg $0xFFFFFFFF  }
0xa9: {  	s28 =	simm.s32 $_size_execute0_lowered;
	s5 =	sadd.s32 s5, s7;
	[dreg:$0x0] =	wrdreg $0x0  }
0xaa: {  	s7 =	sshll.u32 s28, $0x1;
	[dreg:$0x2] =	wrdreg s5  }
0xab: {  	[dreg:$0x3] =	wrdreg s7  }
0xac: {  	[dreg:$0x4] =	wrdreg $0xC0  }
0xad: {  	_ =	task [dreg:s9], $0x5FFFF  }
0xae: {  	[dreg:$0x1] =	wrdreg $0xFFFFFFFF  }
0xaf: {  	[dreg:$0x0] =	wrdreg $0x60  }
0xb0: {  	[dreg:$0x2] =	wrdreg s2  }
0xb1: {  	[dreg:$0x3] =	wrdreg s18  }
0xb2: {  	[dreg:$0x4] =	wrdreg s4  }
0xb3: {  	[dreg:$0x5] =	wrdreg s24  }
0xb4: {  	[dreg:$0x6] =	wrdreg $0x145800  }
0xb5: {  	[dreg:$0x7] =	wrdreg $0x9  }
0xb6: {  	_ =	task.clear_ibuf [dreg:s9], $0x8FFFF;
	_ =	strace $0x90000046  }
0xb7: {  	s29 =	simm.s32 $0x9;
	_ =	strace $0x80000048  }
0xb8: {  	_ =	swait.ge [sflag:s29], $0x1  }
0xb9: {  	[sflag:s29] =	ssyncadd.s32 $0xFFFFFFFF  }
0xba: {  	_ =	strace $0x90000048  }
0xbb: {  	_ =	sfence  }
0xbc: {  	s30 =	sld [smem:$0x0];
	_ =	sdelay $0x2  }
0xbd: {  	s31 =	sshll.u32 s1, $0xD;
	s1 =	sshrl.u32 s1, $0x2  }
0xbe: {  	s3 =	sand.u32 $0x4000, s31;
	s1 =	sadd.s32 s1, s30  }
0xbf: {  	s0 =	sor.u32 s3, s0;
	s1 =	sshll.u32 s1, $0x11  }
0xc0: {  	s0 =	sor.u32 s1, s0  }
0xc1: {  	s0 =	sadd.s32 $0x8F2B, s0  }
0xc2: {  	[sflag:s0] =	ssyncadd.remote.s32 $0x1  }
0xc3: {  	_ =	sfence.sel $0xFFFF  }
0xc4: {  	[dreg:$0x0] =	wrdreg $0xFFFFFFFF;
	(pc) =	sbr.abs _section_cstart, $3  }
0xc5: {  	[dreg:$0x1] =	wrdreg $0xFFFFFFFF  }
0xc6: {  	_ =	task.clear_ibuf [dreg:s9], $0x2FFFF;
	_ =	strace $0x9FFFFFFF  }
0xc7: {  	(tm) =	ssettm $0x7FFFFFFF  }
tec
execute0_lowered:
.L_overlay_start_1:
0x0: {  	(tag) =	ssettag $0x1  }
0x1: {  	s0 =	rddreg [dreg:$0x0]  }
0x2: {  	s1 =	rddreg [dreg:$0x1]  }
0x3: {  	s2 =	rddreg [dreg:$0x2]  }
0x4: {  	s3 =	rddreg [dreg:$0x3];
	s4 =	srdreg.scid  }
0x5: {  	s5 =	rddreg [dreg:$0x4];
	s11 =	stileid.u32  }
0x6: {  	s7 =	simm.s32 $0x0;
	s15 =	simm.s32 $0x500;
	s13 =	simm.s32 $0x8  }
0x7: {  	s18 =	simm.s32 $0x1;
	s28 =	simm.s32 $0x4500;
	s6 =	smul.u32 $0x140, s11  }
0x8: {  	s29 =	simm.s32 $0x5;
	s12 =	sand.u32 $0x1, s4;
	s19 =	smul.u32 $0x29000, s11  }
0x9: {  	[smem:$0x7FF] =	sst s7;
	s8 =	sadd.s32 $0x800, s3;
	s9 =	smul.u32 $0x28000, s11  }
0xa: {  	s10 =	sxor.u32 $0xF, s11;
	_ =	strace $0x80000047;
	[dreg:$0x7] =	wrdreg s8  }
0xb: {  	s31 =	simm.s32 $0x2;
	s4 =	smul.u32 $0x1400, s12;
	[dreg:$0x8] =	wrdreg s10  }
0xc: {  	s20 =	ssub.s32 $0x2, s12;
	[dreg:$0x6] =	wrdreg s12;
	p0 =	seq.s32 s12, $0x0  }
0xd: {  	s21 =	sshrl.u32 s20, $0x1;
	s8 =	sshrl.u32 s19, $0x2;
	s23 =	sshrl.u32 s9, $0x2  }
0xe: {  	s9 =	simm.s32 $0x4;
	s6 =	sadd.s32 s6, s4;
	s22 =	sadd.s32 s8, s5  }
0xf: {  	s8 =	sadd.s32 s23, s5;
	s6 =	sshll.u32 s6, $0x4;
	s24 =	sadd.s32 $0x4000, s22  }
0x10: {  	[dreg:$0x9] =	wrdreg s22;
	s25 =	sadd.s32 $0x8000, s22;
	s22 =	simm.s32 $0x80  }
.Ltmp0:
0x11: {  	s30 =	sshrl.u32 s8, $0x3;
	[dreg:$0xa] =	wrdreg s24;
	(pc) =	sbr.rel .LBB2_1-.Ltmp0, $4  }
0x12: {  	s8 =	simm.s32 $0x3;
	s3 =	sadd.s32 s6, s3;
	[dreg:$0xb] =	wrdreg s25  }
0x13: {  	s6 =	ssub.s32 s20, s21;
	[dreg:$0xe] =	wrdreg s30;
	s3 =	sadd.s32 $0xA00, s3  }
0x14: {  	s25 =	simm.s32 $0x8500;
	s26 =	smax.u32 s6, $0x1;
	[dreg:$0xc] =	wrdreg s3  }
0x15: {  	v1 =	vimm.f32 $0.0e+00;
	v0 =	vmov s4;
	s6 =	simm.s32 $0x0;
	[dreg:$0xd] =	wrdreg s26;
	s3 =	simm.s32 $0x6  }
.LBB2_14:
0x16: {  	p1 =	slt.s32 s13, $0x1;
	s4 =	sand.u32 $0x3, s13  }
0x17: {  	p2 =	sne.s32 @!p1 s4, $0x0  }
0x18: {  	p1 =	por p2, p1  }
0x19: {  	s4 =	simm.s32 @!p1 $0x7  }
0x1a: {  	_ =	swait.ge @!p1 [sflag:s4], $0x4000  }
0x1b: {  	[sflag:s4] =	ssyncset.done @!p1 $0x0  }
0x1c: {  	[sflag:s4] =	ssyncadd.s32 @!p1 $0xFFFFC000  }
0x1d: {  	_ =	swait.ge [sflag:s18], $0x4000  }
0x1e: {  	[sflag:s18] =	ssyncset.done $0x0  }
0x1f: {  	[sflag:s18] =	ssyncadd.s32 $0xFFFFC000  }
0x20: {  	_ =	swait.ge [sflag:s18], $0x4000  }
0x21: {  	[sflag:s18] =	ssyncset.done $0x0  }
0x22: {  	[sflag:s18] =	ssyncadd.s32 $0xFFFFC000  }
0x23: {  	_ =	swait.ge [sflag:s31], $0x4000  }
0x24: {  	[sflag:s31] =	ssyncset.done $0x0  }
0x25: {  	[sflag:s31] =	ssyncadd.s32 $0xFFFFC000  }
0x26: {  	_ =	swait.ge [sflag:s31], $0x4000  }
0x27: {  	[sflag:s31] =	ssyncset.done $0x0  }
0x28: {  	[sflag:s31] =	ssyncadd.s32 $0xFFFFC000  }
0x29: {  	_ =	swait.ge [sflag:s29], $0x100  }
0x2a: {  	[sflag:s29] =	ssyncset.done $0x0  }
0x2b: {  	[sflag:s29] =	ssyncadd.s32 $0xFFFFFF00  }
0x2c: {  	_ =	swait.ge [sflag:s3], $0x100  }
0x2d: {  	[sflag:s3] =	ssyncset.done $0x0  }
0x2e: {  	[sflag:s3] =	ssyncadd.s32 $0xFFFFFF00  }
0x2f: {  	s11 =	stileid.u32;
	[bflag:$0x0] =	sbarrier.arrive $0xFFFF  }
0x30: {  	s24 =	sshll.u32 s11, $0x6;
	s6 =	rddreg [dreg:$0xc]  }
0x31: {  	s13 =	simm.s32 $0x8;
	s4 =	sor.u32 $0x1C08, s24;
	s10 =	rddreg [dreg:$0xe]  }
0x32: {  	[hbm:s6], [sflag:s4] =	dma.local [spmem:s10], $0x1400  }
0x33: {  	_ =	swait.ge [sflag:s13], $0x1400  }
0x34: {  	s26 =	rddreg [dreg:$0xf]  }
0x35: {  	s30 =	rddreg [dreg:$0xd];
	s6 =	sadd.s32 $0x1, s26  }
0x36: {  	p1 =	sne.s32 s6, s30  }
.Ltmp1:
0x37: {  	_ = 	snop;
	(pc) =	sbr.rel @!p1 .LBB2_15-.Ltmp1, $3  }
0x38: {  	_ =	sdelay $0x1  }
0x39: {  	[sflag:s13] =	ssyncset.done $0x0  }
0x3a: {  	[sflag:s13] =	ssyncadd.s32 $0xFFFFEC00  }
.LBB2_1:
0x3b: {  	[dreg:$0xf] =	wrdreg s6;
	s4 =	simm.s32 $0x0;
	s6 =	simm.s32 $0x200  }
.LBB2_2:
0x3c: {  	p1 =	sne.s32 s6, $0xFE00;
	[tilespmem:s4+$0x570] =	vst v1  }
0x3d: {  	[tilespmem:s4+$0x500] =	vst v1  }
0x3e: {  	[tilespmem:s4+$0x510] =	vst v1  }
.Ltmp2:
0x3f: {  	[tilespmem:s4+$0x520] =	vst v1;
	(pc) =	sbr.rel @p1 .LBB2_2-.Ltmp2, $4  }
0x40: {  	[tilespmem:s4+$0x530] =	vst v1  }
0x41: {  	[tilespmem:s4+$0x540] =	vst v1  }
0x42: {  	[tilespmem:s4+$0x550] =	vst v1  }
0x43: {  	[tilespmem:s4+$0x560] =	vst v1;
	s4 =	sshra.s32 s6, $0x2;
	s6 =	sadd.s32 $0x200, s6  }
0x44: {  	[tilespmem:s4+$0x570] =	vst v1  }
0x45: {  	[tilespmem:s4+$0x500] =	vst v1  }
0x46: {  	[tilespmem:s4+$0x510] =	vst v1  }
0x47: {  	[tilespmem:s4+$0x520] =	vst v1  }
0x48: {  	[tilespmem:s4+$0x530] =	vst v1  }
0x49: {  	[tilespmem:s4+$0x540] =	vst v1  }
0x4a: {  	[tilespmem:s4+$0x550] =	vst v1  }
0x4b: {  	[tilespmem:s4+$0x560] =	vst v1;
	s19 =	rddreg [dreg:$0x9]  }
0x4c: {  	[spmem:s19] =	stream.linear.scatter [tilespmem:s15], [sflag:$0x8], $0x4000, $0x38;
	[tilespmem:$0x1E980] =	vst v63  }
0x4d: {  	_ =	swait.ge [sflag:s13], $0x4000  }
0x4e: {  	[sflag:s13] =	ssyncset.done $0x0  }
0x4f: {  	s20 =	rddreg [dreg:$0xa];
	[sflag:s13] =	ssyncadd.s32 $0xFFFFC000  }
0x50: {  	[spmem:s20] =	stream.linear.scatter [tilespmem:s15], [sflag:$0x8], $0x4000, $0x38;
	[tilespmem:$0x1E980] =	vst v63  }
0x51: {  	_ =	swait.ge [sflag:s13], $0x4000  }
0x52: {  	[sflag:s13] =	ssyncset.done $0x0  }
0x53: {  	s21 =	rddreg [dreg:$0xb];
	[sflag:s13] =	ssyncadd.s32 $0xFFFFC000  }
0x54: {  	[spmem:s21] =	stream.linear.scatter [tilespmem:s15], [sflag:$0x8], $0x2400, $0x38;
	[tilespmem:$0x1E980] =	vst v63  }
0x55: {  	_ =	swait.ge [sflag:s13], $0x2400  }
0x56: {  	[sflag:s13] =	ssyncset.done $0x0  }
0x57: {  	[sflag:s13] =	ssyncadd.s32 $0xFFFFDC00  }
0x58: {  	[bflag:$0x0] =	sbarrier.arrive $0xFFFF  }
0x59: {  	s6 =	simm.s32 $0x14500;
	s23 =	rddreg [dreg:$0x7]  }
0x5a: {  	[tilespmem:s6], [sflag:$0x8] =	stream.linear.gather [hbm4b:s23+s7], $0x80, $0x38;
	[tilespmem:$0x1E980] =	vst v63  }
0x5b: {  	_ =	swait.ge [sflag:s13], $0x80  }
0x5c: {  	[sflag:s13] =	ssyncset.done $0x0  }
0x5d: {  	[sflag:s13] =	ssyncadd.s32 $0xFFFFFF80  }
0x5e: {  	v2 =	vld [tilespmem:$0x14500];
	_ =	sdelay $0x4  }
0x5f: {  	(v2sf) =	vpush v2, $0x0;
	_ =	sdelay $0xe  }
0x60: {  	s26 =	rddreg [dreg:$0x6];
	s24 =	spop (v2sf)  }
0x61: {  	s6 =	smul.u32 s26, s24;
	_ =	sdelay $0x1  }
0x62: {  	s12 =	sadd.s32 s11, s6  }
0x63: {  	p1 =	slt.s32 s12, $0x9C3;
	s6 =	smov.u32 s12  }
0x64: {  	s6 =	simm.s32 @!p1 $0x9C3  }
0x65: {  	s10 =	sshll.u32 s6, $0x5  }
0x66: {  	s10 =	sand.u32 $0x1FFFFFE0, s10  }
0x67: {  	s10 =	sadd.s32 s2, s10  }
0x68: {  	[tilespmem:s7], [sflag:$0x8] =	stream.linear.gather [hbm4b:s10+s7], $0x100, $0x38;
	[tilespmem:$0x1E980] =	vst v63  }
0x69: {  	s10 =	sadd.s32 $0x10, s12  }
0x6a: {  	p1 =	slt.s32 s10, $0x9C3  }
0x6b: {  	s10 =	simm.s32 @!p1 $0x9C3  }
0x6c: {  	_ =	swait.ge [sflag:s13], $0x100;
	s30 =	sshll.u32 s10, $0x5  }
0x6d: {  	[sflag:s13] =	ssyncset.done $0x0;
	s11 =	sand.u32 $0x1FFFFFE0, s30  }
0x6e: {  	s14 =	simm.s32 $0x100;
	[sflag:s13] =	ssyncadd.s32 $0xFFFFFF00;
	s11 =	sadd.s32 s2, s11  }
0x6f: {  	[tilespmem:s14], [sflag:$0x8] =	stream.linear.gather [hbm4b:s11+s7], $0x100, $0x38;
	[tilespmem:$0x1E980] =	vst v63  }
0x70: {  	s11 =	sadd.s32 $0x20, s12  }
0x71: {  	p1 =	slt.s32 s11, $0x9C3  }
0x72: {  	s11 =	simm.s32 @!p1 $0x9C3  }
0x73: {  	_ =	swait.ge [sflag:s13], $0x100;
	s11 =	sshll.u32 s11, $0x5  }
0x74: {  	[sflag:s13] =	ssyncset.done $0x0;
	s11 =	sand.u32 $0x1FFFFFE0, s11  }
0x75: {  	s14 =	simm.s32 $0x200;
	[sflag:s13] =	ssyncadd.s32 $0xFFFFFF00;
	s11 =	sadd.s32 s2, s11  }
0x76: {  	[tilespmem:s14], [sflag:$0x5] =	stream.linear.gather [hbm4b:s11+s7], $0x100, $0x38;
	[tilespmem:$0x1E980] =	vst v63  }
0x77: {  	s11 =	sadd.s32 $0x30, s12  }
0x78: {  	p1 =	slt.s32 s11, $0x9C3  }
0x79: {  	s11 =	simm.s32 @!p1 $0x9C3  }
0x7a: {  	s11 =	sshll.u32 s11, $0x5  }
0x7b: {  	s11 =	sand.u32 $0x1FFFFFE0, s11  }
0x7c: {  	s16 =	simm.s32 $0x300;
	s11 =	sadd.s32 s2, s11  }
0x7d: {  	[tilespmem:s16], [sflag:$0x6] =	stream.linear.gather [hbm4b:s11+s7], $0x100, $0x38;
	[tilespmem:$0x1E980] =	vst v63  }
0x7e: {  	s4 =	ssub.s32 $0x9C4, s24;
	s11 =	sadd.s32 $0x1, s24  }
0x7f: {  	s6 =	sshll.u32 s6, $0xB;
	s17 =	rddreg [dreg:$0x8];
	s4 =	smov.u32 @p0 s11  }
0x80: {  	[tilespmem:s25], [sflag:$0x1] =	stream.indirect.gather [hbm4b:s0+s22], $0x80, s22, s22, $0xb8;
	[tilespmem:$0x1E980] =	vst v63  }
0x81: {  	s6 =	sand.u32 $0x1FFFF800, s6;
	s4 =	sadd.s32 s17, s4  }
0x82: {  	s6 =	sadd.s32 s1, s6;
	s11 =	sand.u32 $0xF, s4  }
0x83: {  	[tilespmem:s15], [sflag:$0x1] =	stream.linear.gather [hbm4b:s6+s7], $0x4000, $0x38;
	[tilespmem:$0x1E980] =	vst v63  }
0x84: {  	s19 =	sshra.s32 s4, $0x1F;
	p2 =	slt.s32 s4, $0x1;
	p4 =	sne.s32 s11, $0x0  }
0x85: {  	s6 =	sshrl.u32 s19, $0x1C;
	p1 =	por !p2, !p4  }
0x86: {  	s4 =	sadd.s32 s6, s4;
	s6 =	simm.s32 $0x1;
	p1 =	por !p1, !p1  }
0x87: {  	s4 =	sshra.s32 s4, $0x4;
	s6 =	simm.s32 @!p1 $0x0  }
0x88: {  	s13 =	ssub.s32 s4, s6  }
0x89: {  	s24 =	sadd.s32 $0x3, s13  }
0x8a: {  	s26 =	sand.u32 $0x3, s24  }
0x8b: {  	p5 =	slt.s32 s13, $0xFFFFFFFE;
	p6 =	sne.s32 s26, $0x0  }
0x8c: {  	s30 =	sshrl.u32 s24, $0x1E;
	p1 =	por !p5, !p6  }
0x8d: {  	s6 =	simm.s32 $0x1;
	s4 =	sadd.s32 s30, s24;
	p1 =	por !p1, !p1  }
0x8e: {  	s4 =	sshra.s32 s4, $0x2;
	s6 =	simm.s32 @!p1 $0x0  }
0x8f: {  	s14 =	ssub.s32 s4, s6  }
0x90: {  	p1 =	slt.s32 s14, $0x1  }
.Ltmp3:
0x91: {  	s10 =	sshll.u32 s10, $0xB;
	(pc) =	sbr.rel @p1 .LBB2_14-.Ltmp3, $4  }
0x92: {  	s20 =	simm.s32 $0x180;
	s21 =	simm.s32 $0xC500;
	s10 =	sand.u32 $0x1FFFF800, s10  }
0x93: {  	[tilespmem:s21], [sflag:$0x2] =	stream.indirect.gather [hbm4b:s0+s22], $0x80, s20, s22, $0xb8;
	[tilespmem:$0x1E980] =	vst v63  }
0x94: {  	s23 =	sadd.s32 s1, s10  }
0x95: {  	[tilespmem:s28], [sflag:$0x2] =	stream.linear.gather [hbm4b:s23+s7], $0x4000, $0x38;
	[tilespmem:$0x1E980] =	vst v63  }
0x96: {  	s24 =	sadd.s32 $0xFFFFFFFF, s13;
	s4 =	sadd.s32 $0x40, s12;
	s10 =	sadd.s32 $0x50, s12  }
0x97: {  	s6 =	sadd.s32 $0x60, s12;
	s11 =	sadd.s32 $0x70, s12;
	s30 =	simm.s32 $0x0  }
.LBB2_5:
0x98: {  	_ =	swait.ge [sflag:s18], $0x4000  }
0x99: {  	[sflag:s18] =	ssyncset.done $0x0  }
0x9a: {  	[sflag:s18] =	ssyncadd.s32 $0xFFFFC000  }
0x9b: {  	_ =	swait.ge [sflag:s18], $0x4000  }
0x9c: {  	[sflag:s18] =	ssyncset.done $0x0  }
0x9d: {  	[sflag:s18] =	ssyncadd.s32 $0xFFFFC000  }
0x9e: {  	v2 =	vld [tilespmem:$0x0]  }
0x9f: {  	v3 =	vld [tilespmem:$0x10]  }
0xa0: {  	v4 =	vld [tilespmem:$0x20]  }
0xa1: {  	v5 =	vld [tilespmem:$0x30]  }
0xa2: {  	v6 =	vld [tilespmem:$0x40]  }
0xa3: {  	v7 =	vld [tilespmem:$0x50];
	v2 =	vsub.s32 v2, v0  }
0xa4: {  	v8 =	vld [tilespmem:$0x60];
	v3 =	vsub.s32 v3, v0;
	v2 =	vmin.u32 v2, $0x1400  }
0xa5: {  	[tilespmem:$0x400] =	vst v2;
	v2 =	vmin.u32 v3, $0x1400;
	v3 =	vsub.s32 v4, v0;
	v4 =	vld [tilespmem:$0x70]  }
0xa6: {  	s17 =	sshll.u32 s30, $0x6;
	[tilespmem:$0x410] =	vst v2;
	v2 =	vmin.u32 v3, $0x1400;
	v3 =	vsub.s32 v5, v0  }
0xa7: {  	s16 =	sadd.s32 s17, s4;
	[tilespmem:$0x420] =	vst v2;
	v2 =	vmin.u32 v3, $0x1400;
	v3 =	vsub.s32 v6, v0  }
0xa8: {  	p1 =	slt.s32 s16, $0x9C3;
	[tilespmem:$0x430] =	vst v2;
	v2 =	vmin.u32 v3, $0x1400;
	v3 =	vsub.s32 v7, v0  }
0xa9: {  	s21 =	sshll.u32 s30, $0x2;
	s16 =	simm.s32 @!p1 $0x9C3;
	[tilespmem:$0x440] =	vst v2;
	v2 =	vmin.u32 v3, $0x1400;
	v3 =	vsub.s32 v8, v0  }
0xaa: {  	p1 =	seq.s32 s21, $0x0;
	s19 =	sshll.u32 s16, $0x5;
	[tilespmem:$0x450] =	vst v2;
	v2 =	vmin.u32 v3, $0x1400;
	v3 =	vsub.s32 v4, v0  }
0xab: {  	p2 =	sgt.s32 @!p1 s21, s13;
	s19 =	sand.u32 $0x1FFFFFE0, s19;
	[tilespmem:$0x460] =	vst v2;
	v2 =	vmin.u32 v3, $0x1400  }
0xac: {  	p1 =	por p2, p1;
	s19 =	sadd.s32 s2, s19;
	[tilespmem:$0x470] =	vst v2  }
0xad: {  	[tilespmem:s7], [sflag:$0x3] =	stream.linear.gather [hbm4b:s19+s7], $0x100, $0x38;
	[tilespmem:$0x1E980] =	vst v63  }
0xae: {  	s19 =	simm.s32 @!p1 $0x7  }
0xaf: {  	_ =	swait.ge @!p1 [sflag:s19], $0x4000  }
0xb0: {  	[sflag:s19] =	ssyncset.done @!p1 $0x0  }
0xb1: {  	[sflag:s19] =	ssyncadd.s32 @!p1 $0xFFFFC000;
	s19 =	simm.s32 $0x0  }
0xb2: {  	v2 =	vld [tilespmem:s19+$0x8570]  }
0xb3: {  	v3 =	vld [tilespmem:s19+$0x570]  }
0xb4: {  	v4 =	vld [tilespmem:s19+$0x8500]  }
0xb5: {  	v5 =	vld [tilespmem:s19+$0x500]  }
0xb6: {  	v6 =	vld [tilespmem:s19+$0x8510]  }
0xb7: {  	v7 =	vld [tilespmem:s19+$0x510]  }
0xb8: {  	v8 =	vld [tilespmem:s19+$0x8520]  }
0xb9: {  	v9 =	vld [tilespmem:s19+$0x8530]  }
0xba: {  	v2 =	vmul.f32 v3, v2;
	v3 =	vld [tilespmem:s19+$0x520]  }
0xbb: {  	v10 =	vld [tilespmem:s19+$0x530]  }
0xbc: {  	v11 =	vld [tilespmem:s19+$0x540];
	v4 =	vmul.f32 v5, v4  }
0xbd: {  	[tilespmem:s19+$0x10570] =	vst v2;
	v2 =	vmul.f32 v7, v6;
	v7 =	vld [tilespmem:s19+$0x8540]  }
0xbe: {  	v5 =	vld [tilespmem:s19+$0x550];
	[tilespmem:s19+$0x10500] =	vst v4  }
0xbf: {  	v4 =	vld [tilespmem:s19+$0x8550];
	[tilespmem:s19+$0x10510] =	vst v2;
	v2 =	vmul.f32 v3, v8  }
0xc0: {  	v6 =	vld [tilespmem:s19+$0x560];
	v8 =	vmul.f32 v10, v9  }
0xc1: {  	s20 =	simm.s32 $0x80;
	[tilespmem:s19+$0x10520] =	vst v2;
	v2 =	vld [tilespmem:s19+$0x8560]  }
0xc2: {  	s23 =	simm.s32 $0x400;
	v7 =	vmul.f32 v11, v7;
	v3 =	vld [tilespmem:s20+$0x8570];
	[tilespmem:s19+$0x10530] =	vst v8  }
.LBB2_6:
0xc3: {  	p1 =	sne.s32 s23, $0xFE00;
	v8 =	vld [tilespmem:s20+$0x570]  }
0xc4: {  	v9 =	vld [tilespmem:s20+$0x8500];
	[tilespmem:s19+$0x10540] =	vst v7;
	v4 =	vmul.f32 v5, v4  }
0xc5: {  	v5 =	vld [tilespmem:s20+$0x500]  }
0xc6: {  	v7 =	vld [tilespmem:s20+$0x8510];
	[tilespmem:s19+$0x10550] =	vst v4;
	v2 =	vmul.f32 v6, v2  }
0xc7: {  	v4 =	vld [tilespmem:s20+$0x510]  }
0xc8: {  	v6 =	vld [tilespmem:s20+$0x8520];
	v3 =	vmul.f32 v8, v3;
	[tilespmem:s19+$0x10560] =	vst v2;
	s19 =	smov.u32 s20  }
0xc9: {  	v2 =	vld [tilespmem:s19+$0x520]  }
0xca: {  	v5 =	vmul.f32 v5, v9;
	v8 =	vld [tilespmem:s19+$0x8530];
	[tilespmem:s19+$0x10570] =	vst v3  }
0xcb: {  	v3 =	vld [tilespmem:s19+$0x530]  }
0xcc: {  	[tilespmem:s19+$0x10500] =	vst v5;
	v4 =	vmul.f32 v4, v7;
	v7 =	vld [tilespmem:s19+$0x8540]  }
0xcd: {  	v9 =	vld [tilespmem:s19+$0x540]  }
.Ltmp4:
0xce: {  	[tilespmem:s19+$0x10510] =	vst v4;
	v2 =	vmul.f32 v2, v6;
	v4 =	vld [tilespmem:s19+$0x8550];
	(pc) =	sbr.rel @p1 .LBB2_6-.Ltmp4, $4  }
0xcf: {  	v5 =	vld [tilespmem:s19+$0x550]  }
0xd0: {  	[tilespmem:s19+$0x10520] =	vst v2;
	v8 =	vmul.f32 v3, v8;
	v2 =	vld [tilespmem:s19+$0x8560]  }
0xd1: {  	s20 =	sshra.s32 s23, $0x2;
	v6 =	vld [tilespmem:s19+$0x560]  }
0xd2: {  	s23 =	sadd.s32 $0x200, s23;
	v3 =	vld [tilespmem:s20+$0x8570];
	[tilespmem:s19+$0x10530] =	vst v8;
	v7 =	vmul.f32 v9, v7  }
0xd3: {  	v8 =	vld [tilespmem:s20+$0x570]  }
0xd4: {  	v9 =	vld [tilespmem:s20+$0x8500];
	[tilespmem:s19+$0x10540] =	vst v7;
	v4 =	vmul.f32 v5, v4  }
0xd5: {  	v5 =	vld [tilespmem:s20+$0x500]  }
0xd6: {  	v7 =	vld [tilespmem:s20+$0x8510];
	[tilespmem:s19+$0x10550] =	vst v4;
	v2 =	vmul.f32 v6, v2  }
0xd7: {  	v4 =	vld [tilespmem:s20+$0x510]  }
0xd8: {  	v6 =	vld [tilespmem:s20+$0x8520];
	[tilespmem:s19+$0x10560] =	vst v2  }
0xd9: {  	v2 =	vmul.f32 v8, v3;
	v3 =	vld [tilespmem:s20+$0x520]  }
0xda: {  	v8 =	vld [tilespmem:s20+$0x8530]  }
0xdb: {  	v62 =	vld [tilespmem:s20+$0x560];
	v5 =	vmul.f32 v5, v9  }
0xdc: {  	[tilespmem:s20+$0x10570] =	vst v2;
	v2 =	vld [tilespmem:s20+$0x530]  }
0xdd: {  	[tilespmem:s20+$0x10500] =	vst v5;
	v4 =	vmul.f32 v4, v7;
	v5 =	vld [tilespmem:s20+$0x8540]  }
0xde: {  	v7 =	vld [tilespmem:s20+$0x540]  }
0xdf: {  	[tilespmem:s20+$0x10510] =	vst v4;
	v3 =	vmul.f32 v3, v6;
	v4 =	vld [tilespmem:s20+$0x8550]  }
0xe0: {  	v6 =	vld [tilespmem:s20+$0x550]  }
0xe1: {  	[tilespmem:s20+$0x10520] =	vst v3;
	v3 =	vld [tilespmem:s20+$0x8560];
	_ =	sdelay $0x1  }
0xe2: {  	v2 =	vmul.f32 v2, v8  }
0xe3: {  	v5 =	vmul.f32 v7, v5  }
0xe4: {  	[tilespmem:s20+$0x10530] =	vst v2;
	v2 =	vmul.f32 v6, v4  }
0xe5: {  	[tilespmem:s20+$0x10540] =	vst v5;
	v3 =	vmul.f32 v62, v3  }
0xe6: {  	p1 =	sge.s32 s21, s13;
	[tilespmem:s20+$0x10550] =	vst v2  }
0xe7: {  	s23 =	simm.s32 @!p1 $0x10500;
	s19 =	simm.s32 @!p1 $0x80;
	[tilespmem:s20+$0x10560] =	vst v3;
	s20 =	simm.s32 @!p1 $0x400  }
0xe8: {  	[spmem:s5] =	stream.indirect.scatter.add.f32 @!p1 [tilespmem:s23], [sflag:$0x7], $0x80, s20, s19, $0xb8;
	[tilespmem:$0x1E980] =	vst v63  }
0xe9: {  	s20 =	sor.u32 $0x2, s21  }
0xea: {  	_ =	swait.ge [sflag:s29], $0x100;
	s23 =	sshll.u32 s20, $0x4  }
0xeb: {  	[sflag:s29] =	ssyncset.done $0x0;
	s19 =	sadd.s32 s12, s23  }
0xec: {  	s26 =	simm.s32 $0x280;
	[sflag:s29] =	ssyncadd.s32 $0xFFFFFF00;
	p2 =	slt.s32 s19, $0x9C3  }
0xed: {  	[tilespmem:s25], [sflag:$0x1] =	stream.indirect.gather [hbm4b:s0+s22], $0x80, s26, s22, $0xb8;
	[tilespmem:$0x1E980] =	vst v63  }
0xee: {  	s19 =	simm.s32 @!p2 $0x9C3  }
0xef: {  	s19 =	sshll.u32 s19, $0xB  }
0xf0: {  	s19 =	sand.u32 $0x1FFFF800, s19  }
0xf1: {  	s19 =	sadd.s32 s1, s19  }
0xf2: {  	[tilespmem:s15], [sflag:$0x1] =	stream.linear.gather [hbm4b:s19+s7], $0x4000, $0x38;
	[tilespmem:$0x1E980] =	vst v63  }
0xf3: {  	_ =	swait.ge [sflag:s31], $0x4000  }
0xf4: {  	[sflag:s31] =	ssyncset.done $0x0  }
0xf5: {  	[sflag:s31] =	ssyncadd.s32 $0xFFFFC000  }
0xf6: {  	_ =	swait.ge [sflag:s31], $0x4000  }
0xf7: {  	[sflag:s31] =	ssyncset.done $0x0  }
0xf8: {  	[sflag:s31] =	ssyncadd.s32 $0xFFFFC000  }
0xf9: {  	v2 =	vld [tilespmem:$0x100]  }
0xfa: {  	v3 =	vld [tilespmem:$0x110]  }
0xfb: {  	v4 =	vld [tilespmem:$0x120]  }
0xfc: {  	v5 =	vld [tilespmem:$0x130]  }
0xfd: {  	v6 =	vld [tilespmem:$0x140]  }
0xfe: {  	v7 =	vld [tilespmem:$0x150];
	v2 =	vsub.s32 v2, v0  }
0xff: {  	v8 =	vld [tilespmem:$0x160];
	v3 =	vsub.s32 v3, v0;
	v2 =	vmin.u32 v2, $0x1400  }
0x100: {  	[tilespmem:$0x480] =	vst v2;
	v2 =	vmin.u32 v3, $0x1400;
	v3 =	vsub.s32 v4, v0;
	v4 =	vld [tilespmem:$0x170]  }
0x101: {  	[tilespmem:$0x490] =	vst v2;
	v2 =	vmin.u32 v3, $0x1400;
	v3 =	vsub.s32 v5, v0  }
0x102: {  	s19 =	sadd.s32 s17, s10;
	[tilespmem:$0x4A0] =	vst v2;
	v2 =	vmin.u32 v3, $0x1400;
	v3 =	vsub.s32 v6, v0  }
0x103: {  	p2 =	slt.s32 s19, $0x9C3;
	[tilespmem:$0x4B0] =	vst v2;
	v2 =	vmin.u32 v3, $0x1400;
	v3 =	vsub.s32 v7, v0  }
0x104: {  	s19 =	simm.s32 @!p2 $0x9C3;
	[tilespmem:$0x4C0] =	vst v2;
	v2 =	vmin.u32 v3, $0x1400;
	v3 =	vsub.s32 v8, v0  }
0x105: {  	s25 =	sshll.u32 s19, $0x5;
	[tilespmem:$0x4D0] =	vst v2;
	v2 =	vmin.u32 v3, $0x1400;
	v3 =	vsub.s32 v4, v0  }
0x106: {  	s23 =	sand.u32 $0x1FFFFFE0, s25;
	[tilespmem:$0x4E0] =	vst v2;
	v2 =	vmin.u32 v3, $0x1400  }
0x107: {  	s26 =	simm.s32 $0x100;
	s23 =	sadd.s32 s2, s23;
	[tilespmem:$0x4F0] =	vst v2  }
0x108: {  	[tilespmem:s26], [sflag:$0x4] =	stream.linear.gather [hbm4b:s23+s7], $0x100, $0x38;
	[tilespmem:$0x1E980] =	vst v63  }
0x109: {  	s23 =	simm.s32 @!p1 $0x7  }
0x10a: {  	_ =	swait.ge @!p1 [sflag:s23], $0x4000  }
0x10b: {  	[sflag:s23] =	ssyncset.done @!p1 $0x0  }
0x10c: {  	s25 =	simm.s32 $0x0;
	[sflag:s23] =	ssyncadd.s32 @!p1 $0xFFFFC000  }
0x10d: {  	v2 =	vld [tilespmem:s25+$0xC570]  }
0x10e: {  	v3 =	vld [tilespmem:s25+$0x4570]  }
0x10f: {  	v4 =	vld [tilespmem:s25+$0xC500]  }
0x110: {  	v5 =	vld [tilespmem:s25+$0x4500]  }
0x111: {  	v6 =	vld [tilespmem:s25+$0xC510]  }
0x112: {  	v7 =	vld [tilespmem:s25+$0x4510]  }
0x113: {  	v8 =	vld [tilespmem:s25+$0xC520]  }
0x114: {  	v63 =	vld [tilespmem:s25+$0xC530]  }
0x115: {  	v2 =	vmul.f32 v3, v2;
	v3 =	vld [tilespmem:s25+$0x4520]  }
0x116: {  	v10 =	vld [tilespmem:s25+$0x4530]  }
0x117: {  	v11 =	vld [tilespmem:s25+$0x4540];
	v4 =	vmul.f32 v5, v4  }
0x118: {  	[tilespmem:s25+$0x10570] =	vst v2;
	v2 =	vmul.f32 v7, v6;
	v7 =	vld [tilespmem:s25+$0xC540]  }
0x119: {  	v5 =	vld [tilespmem:s25+$0x4550];
	[tilespmem:s25+$0x10500] =	vst v4  }
0x11a: {  	v4 =	vld [tilespmem:s25+$0xC550];
	[tilespmem:s25+$0x10510] =	vst v2;
	v2 =	vmul.f32 v3, v8  }
0x11b: {  	v6 =	vld [tilespmem:s25+$0x4560];
	v8 =	vmul.f32 v10, v63  }
0x11c: {  	s23 =	simm.s32 $0x80;
	[tilespmem:s25+$0x10520] =	vst v2;
	v2 =	vld [tilespmem:s25+$0xC560]  }
0x11d: {  	s26 =	simm.s32 $0x400;
	v7 =	vmul.f32 v11, v7;
	v3 =	vld [tilespmem:s23+$0xC570];
	[tilespmem:s25+$0x10530] =	vst v8  }
.LBB2_8:
0x11e: {  	p1 =	sne.s32 s26, $0xFE00;
	v8 =	vld [tilespmem:s23+$0x4570]  }
0x11f: {  	v9 =	vld [tilespmem:s23+$0xC500];
	[tilespmem:s25+$0x10540] =	vst v7;
	v4 =	vmul.f32 v5, v4  }
0x120: {  	v5 =	vld [tilespmem:s23+$0x4500]  }
0x121: {  	v7 =	vld [tilespmem:s23+$0xC510];
	[tilespmem:s25+$0x10550] =	vst v4;
	v2 =	vmul.f32 v6, v2  }
0x122: {  	v4 =	vld [tilespmem:s23+$0x4510]  }
0x123: {  	v6 =	vld [tilespmem:s23+$0xC520];
	v3 =	vmul.f32 v8, v3;
	[tilespmem:s25+$0x10560] =	vst v2;
	s25 =	smov.u32 s23  }
0x124: {  	v2 =	vld [tilespmem:s25+$0x4520]  }
0x125: {  	v5 =	vmul.f32 v5, v9;
	v8 =	vld [tilespmem:s25+$0xC530];
	[tilespmem:s25+$0x10570] =	vst v3  }
0x126: {  	v3 =	vld [tilespmem:s25+$0x4530]  }
0x127: {  	[tilespmem:s25+$0x10500] =	vst v5;
	v4 =	vmul.f32 v4, v7;
	v7 =	vld [tilespmem:s25+$0xC540]  }
0x128: {  	v9 =	vld [tilespmem:s25+$0x4540]  }
.Ltmp5:
0x129: {  	[tilespmem:s25+$0x10510] =	vst v4;
	v2 =	vmul.f32 v2, v6;
	v4 =	vld [tilespmem:s25+$0xC550];
	(pc) =	sbr.rel @p1 .LBB2_8-.Ltmp5, $4  }
0x12a: {  	v5 =	vld [tilespmem:s25+$0x4550]  }
0x12b: {  	[tilespmem:s25+$0x10520] =	vst v2;
	v8 =	vmul.f32 v3, v8;
	v2 =	vld [tilespmem:s25+$0xC560]  }
0x12c: {  	s23 =	sshra.s32 s26, $0x2;
	v6 =	vld [tilespmem:s25+$0x4560]  }
0x12d: {  	s26 =	sadd.s32 $0x200, s26;
	v3 =	vld [tilespmem:s23+$0xC570];
	[tilespmem:s25+$0x10530] =	vst v8;
	v7 =	vmul.f32 v9, v7  }
0x12e: {  	v8 =	vld [tilespmem:s23+$0x4570]  }
0x12f: {  	v9 =	vld [tilespmem:s23+$0xC500];
	[tilespmem:s25+$0x10540] =	vst v7;
	v4 =	vmul.f32 v5, v4  }
0x130: {  	v5 =	vld [tilespmem:s23+$0x4500]  }
0x131: {  	v7 =	vld [tilespmem:s23+$0xC510];
	[tilespmem:s25+$0x10550] =	vst v4;
	v2 =	vmul.f32 v6, v2  }
0x132: {  	v4 =	vld [tilespmem:s23+$0x4510]  }
0x133: {  	v6 =	vld [tilespmem:s23+$0xC520];
	[tilespmem:s25+$0x10560] =	vst v2  }
0x134: {  	v2 =	vmul.f32 v8, v3;
	v3 =	vld [tilespmem:s23+$0x4520]  }
0x135: {  	v8 =	vld [tilespmem:s23+$0xC530]  }
0x136: {  	v62 =	vld [tilespmem:s23+$0x4560];
	v5 =	vmul.f32 v5, v9  }
0x137: {  	[tilespmem:s23+$0x10570] =	vst v2;
	v2 =	vld [tilespmem:s23+$0x4530]  }
0x138: {  	[tilespmem:s23+$0x10500] =	vst v5;
	v4 =	vmul.f32 v4, v7;
	v5 =	vld [tilespmem:s23+$0xC540]  }
0x139: {  	v7 =	vld [tilespmem:s23+$0x4540]  }
0x13a: {  	[tilespmem:s23+$0x10510] =	vst v4;
	v3 =	vmul.f32 v3, v6;
	v4 =	vld [tilespmem:s23+$0xC550]  }
0x13b: {  	v6 =	vld [tilespmem:s23+$0x4550]  }
0x13c: {  	[tilespmem:s23+$0x10520] =	vst v3;
	v3 =	vld [tilespmem:s23+$0xC560];
	_ =	sdelay $0x1  }
0x13d: {  	v2 =	vmul.f32 v2, v8  }
0x13e: {  	v5 =	vmul.f32 v7, v5  }
0x13f: {  	[tilespmem:s23+$0x10530] =	vst v2;
	v2 =	vmul.f32 v6, v4  }
0x140: {  	[tilespmem:s23+$0x10540] =	vst v5;
	v3 =	vmul.f32 v62, v3  }
0x141: {  	p1 =	sge.s32 s21, s24;
	[tilespmem:s23+$0x10550] =	vst v2  }
0x142: {  	s26 =	simm.s32 @!p1 $0x10500;
	s25 =	simm.s32 @!p1 $0x480;
	[tilespmem:s23+$0x10560] =	vst v3;
	s23 =	simm.s32 @!p1 $0x80  }
0x143: {  	[spmem:s5] =	stream.indirect.scatter.add.f32 @!p1 [tilespmem:s26], [sflag:$0x7], $0x80, s25, s23, $0xb8;
	[tilespmem:$0x1E980] =	vst v63  }
0x144: {  	_ =	swait.ge [sflag:s3], $0x100  }
0x145: {  	s21 =	sor.u32 $0x3, s21;
	[sflag:s3] =	ssyncset.done $0x0  }
0x146: {  	s25 =	simm.s32 $0xC500;
	s26 =	simm.s32 $0x380;
	[sflag:s3] =	ssyncadd.s32 $0xFFFFFF00  }
0x147: {  	[tilespmem:s25], [sflag:$0x2] =	stream.indirect.gather [hbm4b:s0+s22], $0x80, s26, s22, $0xb8;
	[tilespmem:$0x1E980] =	vst v63  }
0x148: {  	s25 =	sshll.u32 s21, $0x4  }
0x149: {  	s23 =	sadd.s32 s12, s25  }
0x14a: {  	p2 =	slt.s32 s23, $0x9C3  }
0x14b: {  	s23 =	simm.s32 @!p2 $0x9C3  }
0x14c: {  	s23 =	sshll.u32 s23, $0xB  }
0x14d: {  	s23 =	sand.u32 $0x1FFFF800, s23  }
0x14e: {  	s23 =	sadd.s32 s1, s23  }
0x14f: {  	[tilespmem:s28], [sflag:$0x2] =	stream.linear.gather [hbm4b:s23+s7], $0x4000, $0x38;
	[tilespmem:$0x1E980] =	vst v63  }
0x150: {  	_ =	swait.ge [sflag:s18], $0x4000  }
0x151: {  	[sflag:s18] =	ssyncset.done $0x0  }
0x152: {  	[sflag:s18] =	ssyncadd.s32 $0xFFFFC000  }
0x153: {  	_ =	swait.ge [sflag:s18], $0x4000  }
0x154: {  	[sflag:s18] =	ssyncset.done $0x0  }
0x155: {  	[sflag:s18] =	ssyncadd.s32 $0xFFFFC000  }
0x156: {  	v2 =	vld [tilespmem:$0x200]  }
0x157: {  	v3 =	vld [tilespmem:$0x210]  }
0x158: {  	v4 =	vld [tilespmem:$0x220]  }
0x159: {  	v5 =	vld [tilespmem:$0x230]  }
0x15a: {  	v6 =	vld [tilespmem:$0x240]  }
0x15b: {  	v7 =	vld [tilespmem:$0x250];
	v2 =	vsub.s32 v2, v0  }
0x15c: {  	v8 =	vld [tilespmem:$0x260];
	v3 =	vsub.s32 v3, v0;
	v2 =	vmin.u32 v2, $0x1400  }
0x15d: {  	[tilespmem:$0x400] =	vst v2;
	v2 =	vmin.u32 v3, $0x1400;
	v3 =	vsub.s32 v4, v0;
	v4 =	vld [tilespmem:$0x270]  }
0x15e: {  	[tilespmem:$0x410] =	vst v2;
	v2 =	vmin.u32 v3, $0x1400;
	v3 =	vsub.s32 v5, v0  }
0x15f: {  	s23 =	sadd.s32 s17, s6;
	[tilespmem:$0x420] =	vst v2;
	v2 =	vmin.u32 v3, $0x1400;
	v3 =	vsub.s32 v6, v0  }
0x160: {  	p2 =	slt.s32 s23, $0x9C3;
	[tilespmem:$0x430] =	vst v2;
	v2 =	vmin.u32 v3, $0x1400;
	v3 =	vsub.s32 v7, v0  }
0x161: {  	s23 =	simm.s32 @!p2 $0x9C3;
	[tilespmem:$0x440] =	vst v2;
	v2 =	vmin.u32 v3, $0x1400;
	v3 =	vsub.s32 v8, v0  }
0x162: {  	s23 =	sshll.u32 s23, $0x5;
	[tilespmem:$0x450] =	vst v2;
	v2 =	vmin.u32 v3, $0x1400;
	v3 =	vsub.s32 v4, v0  }
0x163: {  	s23 =	sand.u32 $0x1FFFFFE0, s23;
	[tilespmem:$0x460] =	vst v2;
	v2 =	vmin.u32 v3, $0x1400  }
0x164: {  	s26 =	simm.s32 $0x200;
	s23 =	sadd.s32 s2, s23;
	[tilespmem:$0x470] =	vst v2  }
0x165: {  	[tilespmem:s26], [sflag:$0x5] =	stream.linear.gather [hbm4b:s23+s7], $0x100, $0x38;
	[tilespmem:$0x1E980] =	vst v63  }
0x166: {  	s23 =	simm.s32 @!p1 $0x7  }
0x167: {  	_ =	swait.ge @!p1 [sflag:s23], $0x4000  }
0x168: {  	[sflag:s23] =	ssyncset.done @!p1 $0x0  }
0x169: {  	s25 =	simm.s32 $0x0;
	[sflag:s23] =	ssyncadd.s32 @!p1 $0xFFFFC000  }
0x16a: {  	v2 =	vld [tilespmem:s25+$0x8570]  }
0x16b: {  	v3 =	vld [tilespmem:s25+$0x570]  }
0x16c: {  	v4 =	vld [tilespmem:s25+$0x8500]  }
0x16d: {  	v5 =	vld [tilespmem:s25+$0x500]  }
0x16e: {  	v6 =	vld [tilespmem:s25+$0x8510]  }
0x16f: {  	v7 =	vld [tilespmem:s25+$0x510]  }
0x170: {  	v8 =	vld [tilespmem:s25+$0x8520]  }
0x171: {  	v63 =	vld [tilespmem:s25+$0x8530]  }
0x172: {  	v2 =	vmul.f32 v3, v2;
	v3 =	vld [tilespmem:s25+$0x520]  }
0x173: {  	v10 =	vld [tilespmem:s25+$0x530]  }
0x174: {  	v11 =	vld [tilespmem:s25+$0x540];
	v4 =	vmul.f32 v5, v4  }
0x175: {  	[tilespmem:s25+$0x10570] =	vst v2;
	v2 =	vmul.f32 v7, v6;
	v7 =	vld [tilespmem:s25+$0x8540]  }
0x176: {  	v5 =	vld [tilespmem:s25+$0x550];
	[tilespmem:s25+$0x10500] =	vst v4  }
0x177: {  	v4 =	vld [tilespmem:s25+$0x8550];
	[tilespmem:s25+$0x10510] =	vst v2;
	v2 =	vmul.f32 v3, v8  }
0x178: {  	v6 =	vld [tilespmem:s25+$0x560];
	v8 =	vmul.f32 v10, v63  }
0x179: {  	s23 =	simm.s32 $0x80;
	[tilespmem:s25+$0x10520] =	vst v2;
	v2 =	vld [tilespmem:s25+$0x8560]  }
0x17a: {  	s26 =	simm.s32 $0x400;
	v7 =	vmul.f32 v11, v7;
	v3 =	vld [tilespmem:s23+$0x8570];
	[tilespmem:s25+$0x10530] =	vst v8  }
.LBB2_10:
0x17b: {  	p1 =	sne.s32 s26, $0xFE00;
	v8 =	vld [tilespmem:s23+$0x570]  }
0x17c: {  	v9 =	vld [tilespmem:s23+$0x8500];
	[tilespmem:s25+$0x10540] =	vst v7;
	v4 =	vmul.f32 v5, v4  }
0x17d: {  	v5 =	vld [tilespmem:s23+$0x500]  }
0x17e: {  	v7 =	vld [tilespmem:s23+$0x8510];
	[tilespmem:s25+$0x10550] =	vst v4;
	v2 =	vmul.f32 v6, v2  }
0x17f: {  	v4 =	vld [tilespmem:s23+$0x510]  }
0x180: {  	v6 =	vld [tilespmem:s23+$0x8520];
	v3 =	vmul.f32 v8, v3;
	[tilespmem:s25+$0x10560] =	vst v2;
	s25 =	smov.u32 s23  }
0x181: {  	v2 =	vld [tilespmem:s25+$0x520]  }
0x182: {  	v5 =	vmul.f32 v5, v9;
	v8 =	vld [tilespmem:s25+$0x8530];
	[tilespmem:s25+$0x10570] =	vst v3  }
0x183: {  	v3 =	vld [tilespmem:s25+$0x530]  }
0x184: {  	[tilespmem:s25+$0x10500] =	vst v5;
	v4 =	vmul.f32 v4, v7;
	v7 =	vld [tilespmem:s25+$0x8540]  }
0x185: {  	v9 =	vld [tilespmem:s25+$0x540]  }
.Ltmp6:
0x186: {  	[tilespmem:s25+$0x10510] =	vst v4;
	v2 =	vmul.f32 v2, v6;
	v4 =	vld [tilespmem:s25+$0x8550];
	(pc) =	sbr.rel @p1 .LBB2_10-.Ltmp6, $4  }
0x187: {  	v5 =	vld [tilespmem:s25+$0x550]  }
0x188: {  	[tilespmem:s25+$0x10520] =	vst v2;
	v8 =	vmul.f32 v3, v8;
	v2 =	vld [tilespmem:s25+$0x8560]  }
0x189: {  	s23 =	sshra.s32 s26, $0x2;
	v6 =	vld [tilespmem:s25+$0x560]  }
0x18a: {  	s26 =	sadd.s32 $0x200, s26;
	v3 =	vld [tilespmem:s23+$0x8570];
	[tilespmem:s25+$0x10530] =	vst v8;
	v7 =	vmul.f32 v9, v7  }
0x18b: {  	v8 =	vld [tilespmem:s23+$0x570]  }
0x18c: {  	v9 =	vld [tilespmem:s23+$0x8500];
	[tilespmem:s25+$0x10540] =	vst v7;
	v4 =	vmul.f32 v5, v4  }
0x18d: {  	v5 =	vld [tilespmem:s23+$0x500]  }
0x18e: {  	v7 =	vld [tilespmem:s23+$0x8510];
	[tilespmem:s25+$0x10550] =	vst v4;
	v2 =	vmul.f32 v6, v2  }
0x18f: {  	v4 =	vld [tilespmem:s23+$0x510]  }
0x190: {  	v6 =	vld [tilespmem:s23+$0x8520];
	[tilespmem:s25+$0x10560] =	vst v2  }
0x191: {  	v2 =	vmul.f32 v8, v3;
	v3 =	vld [tilespmem:s23+$0x520]  }
0x192: {  	v8 =	vld [tilespmem:s23+$0x8530]  }
0x193: {  	v62 =	vld [tilespmem:s23+$0x560];
	v5 =	vmul.f32 v5, v9  }
0x194: {  	[tilespmem:s23+$0x10570] =	vst v2;
	v2 =	vld [tilespmem:s23+$0x530]  }
0x195: {  	[tilespmem:s23+$0x10500] =	vst v5;
	v4 =	vmul.f32 v4, v7;
	v5 =	vld [tilespmem:s23+$0x8540]  }
0x196: {  	v7 =	vld [tilespmem:s23+$0x540]  }
0x197: {  	[tilespmem:s23+$0x10510] =	vst v4;
	v3 =	vmul.f32 v3, v6;
	v4 =	vld [tilespmem:s23+$0x8550]  }
0x198: {  	v6 =	vld [tilespmem:s23+$0x550]  }
0x199: {  	[tilespmem:s23+$0x10520] =	vst v3;
	v3 =	vld [tilespmem:s23+$0x8560];
	_ =	sdelay $0x1  }
0x19a: {  	v2 =	vmul.f32 v2, v8  }
0x19b: {  	v5 =	vmul.f32 v7, v5  }
0x19c: {  	[tilespmem:s23+$0x10530] =	vst v2;
	v2 =	vmul.f32 v6, v4  }
0x19d: {  	[tilespmem:s23+$0x10540] =	vst v5;
	v3 =	vmul.f32 v62, v3  }
0x19e: {  	p1 =	sge.s32 s20, s13;
	[tilespmem:s23+$0x10550] =	vst v2  }
0x19f: {  	s20 =	simm.s32 @!p1 $0x80;
	s25 =	simm.s32 @!p1 $0x10500;
	[tilespmem:s23+$0x10560] =	vst v3;
	s23 =	simm.s32 @!p1 $0x400  }
0x1a0: {  	[spmem:s5] =	stream.indirect.scatter.add.f32 @!p1 [tilespmem:s25], [sflag:$0x7], $0x80, s23, s20, $0xb8;
	[tilespmem:$0x1E980] =	vst v63  }
0x1a1: {  	_ =	swait.ge [sflag:s8], $0x100  }
0x1a2: {  	s16 =	sshll.u32 s16, $0xB;
	[sflag:s8] =	ssyncset.done $0x0  }
0x1a3: {  	s16 =	sand.u32 $0x1FFFF800, s16;
	s25 =	simm.s32 $0x8500;
	[sflag:s8] =	ssyncadd.s32 $0xFFFFFF00  }
0x1a4: {  	[tilespmem:s25], [sflag:$0x1] =	stream.indirect.gather [hbm4b:s0+s22], $0x80, s22, s22, $0xb8;
	[tilespmem:$0x1E980] =	vst v63  }
0x1a5: {  	s16 =	sadd.s32 s1, s16  }
0x1a6: {  	[tilespmem:s15], [sflag:$0x1] =	stream.linear.gather [hbm4b:s16+s7], $0x4000, $0x38;
	[tilespmem:$0x1E980] =	vst v63  }
0x1a7: {  	_ =	swait.ge [sflag:s31], $0x4000  }
0x1a8: {  	[sflag:s31] =	ssyncset.done $0x0  }
0x1a9: {  	[sflag:s31] =	ssyncadd.s32 $0xFFFFC000  }
0x1aa: {  	_ =	swait.ge [sflag:s31], $0x4000  }
0x1ab: {  	[sflag:s31] =	ssyncset.done $0x0  }
0x1ac: {  	[sflag:s31] =	ssyncadd.s32 $0xFFFFC000  }
0x1ad: {  	v2 =	vld [tilespmem:$0x300]  }
0x1ae: {  	v3 =	vld [tilespmem:$0x310]  }
0x1af: {  	v4 =	vld [tilespmem:$0x320]  }
0x1b0: {  	v5 =	vld [tilespmem:$0x330]  }
0x1b1: {  	v6 =	vld [tilespmem:$0x340]  }
0x1b2: {  	v7 =	vld [tilespmem:$0x350];
	v2 =	vsub.s32 v2, v0  }
0x1b3: {  	v8 =	vld [tilespmem:$0x360];
	v3 =	vsub.s32 v3, v0;
	v2 =	vmin.u32 v2, $0x1400  }
0x1b4: {  	[tilespmem:$0x480] =	vst v2;
	v2 =	vmin.u32 v3, $0x1400;
	v3 =	vsub.s32 v4, v0;
	v4 =	vld [tilespmem:$0x370]  }
0x1b5: {  	[tilespmem:$0x490] =	vst v2;
	v2 =	vmin.u32 v3, $0x1400;
	v3 =	vsub.s32 v5, v0  }
0x1b6: {  	s16 =	sadd.s32 s17, s11;
	[tilespmem:$0x4A0] =	vst v2;
	v2 =	vmin.u32 v3, $0x1400;
	v3 =	vsub.s32 v6, v0  }
0x1b7: {  	p2 =	slt.s32 s16, $0x9C3;
	[tilespmem:$0x4B0] =	vst v2;
	v2 =	vmin.u32 v3, $0x1400;
	v3 =	vsub.s32 v7, v0  }
0x1b8: {  	s16 =	simm.s32 @!p2 $0x9C3;
	[tilespmem:$0x4C0] =	vst v2;
	v2 =	vmin.u32 v3, $0x1400;
	v3 =	vsub.s32 v8, v0  }
0x1b9: {  	s16 =	sshll.u32 s16, $0x5;
	[tilespmem:$0x4D0] =	vst v2;
	v2 =	vmin.u32 v3, $0x1400;
	v3 =	vsub.s32 v4, v0  }
0x1ba: {  	s16 =	sand.u32 $0x1FFFFFE0, s16;
	[tilespmem:$0x4E0] =	vst v2;
	v2 =	vmin.u32 v3, $0x1400  }
0x1bb: {  	s26 =	simm.s32 $0x300;
	s16 =	sadd.s32 s2, s16;
	[tilespmem:$0x4F0] =	vst v2  }
0x1bc: {  	[tilespmem:s26], [sflag:$0x6] =	stream.linear.gather [hbm4b:s16+s7], $0x100, $0x38;
	[tilespmem:$0x1E980] =	vst v63  }
0x1bd: {  	s16 =	simm.s32 @!p1 $0x7  }
0x1be: {  	_ =	swait.ge @!p1 [sflag:s16], $0x4000  }
0x1bf: {  	[sflag:s16] =	ssyncset.done @!p1 $0x0  }
0x1c0: {  	[sflag:s16] =	ssyncadd.s32 @!p1 $0xFFFFC000;
	s16 =	simm.s32 $0x0  }
0x1c1: {  	v2 =	vld [tilespmem:s16+$0xC570]  }
0x1c2: {  	v3 =	vld [tilespmem:s16+$0x4570]  }
0x1c3: {  	v4 =	vld [tilespmem:s16+$0xC500]  }
0x1c4: {  	v5 =	vld [tilespmem:s16+$0x4500]  }
0x1c5: {  	v6 =	vld [tilespmem:s16+$0xC510]  }
0x1c6: {  	v7 =	vld [tilespmem:s16+$0x4510]  }
0x1c7: {  	v8 =	vld [tilespmem:s16+$0xC520]  }
0x1c8: {  	v63 =	vld [tilespmem:s16+$0xC530]  }
0x1c9: {  	v2 =	vmul.f32 v3, v2;
	v3 =	vld [tilespmem:s16+$0x4520]  }
0x1ca: {  	v10 =	vld [tilespmem:s16+$0x4530]  }
0x1cb: {  	v11 =	vld [tilespmem:s16+$0x4540];
	v4 =	vmul.f32 v5, v4  }
0x1cc: {  	[tilespmem:s16+$0x10570] =	vst v2;
	v2 =	vmul.f32 v7, v6;
	v7 =	vld [tilespmem:s16+$0xC540]  }
0x1cd: {  	v5 =	vld [tilespmem:s16+$0x4550];
	[tilespmem:s16+$0x10500] =	vst v4  }
0x1ce: {  	v4 =	vld [tilespmem:s16+$0xC550];
	[tilespmem:s16+$0x10510] =	vst v2;
	v2 =	vmul.f32 v3, v8  }
0x1cf: {  	v6 =	vld [tilespmem:s16+$0x4560];
	v8 =	vmul.f32 v10, v63  }
0x1d0: {  	s17 =	simm.s32 $0x80;
	[tilespmem:s16+$0x10520] =	vst v2;
	v2 =	vld [tilespmem:s16+$0xC560]  }
0x1d1: {  	s20 =	simm.s32 $0x400;
	v7 =	vmul.f32 v11, v7;
	v3 =	vld [tilespmem:s17+$0xC570];
	[tilespmem:s16+$0x10530] =	vst v8  }
.LBB2_12:
0x1d2: {  	p1 =	sne.s32 s20, $0xFE00;
	v8 =	vld [tilespmem:s17+$0x4570]  }
0x1d3: {  	v9 =	vld [tilespmem:s17+$0xC500];
	[tilespmem:s16+$0x10540] =	vst v7;
	v4 =	vmul.f32 v5, v4  }
0x1d4: {  	v5 =	vld [tilespmem:s17+$0x4500]  }
0x1d5: {  	v7 =	vld [tilespmem:s17+$0xC510];
	[tilespmem:s16+$0x10550] =	vst v4;
	v2 =	vmul.f32 v6, v2  }
0x1d6: {  	v4 =	vld [tilespmem:s17+$0x4510]  }
0x1d7: {  	v6 =	vld [tilespmem:s17+$0xC520];
	v3 =	vmul.f32 v8, v3;
	[tilespmem:s16+$0x10560] =	vst v2;
	s16 =	smov.u32 s17  }
0x1d8: {  	v2 =	vld [tilespmem:s16+$0x4520]  }
0x1d9: {  	v5 =	vmul.f32 v5, v9;
	v8 =	vld [tilespmem:s16+$0xC530];
	[tilespmem:s16+$0x10570] =	vst v3  }
0x1da: {  	v3 =	vld [tilespmem:s16+$0x4530]  }
0x1db: {  	[tilespmem:s16+$0x10500] =	vst v5;
	v4 =	vmul.f32 v4, v7;
	v7 =	vld [tilespmem:s16+$0xC540]  }
0x1dc: {  	v9 =	vld [tilespmem:s16+$0x4540]  }
.Ltmp7:
0x1dd: {  	[tilespmem:s16+$0x10510] =	vst v4;
	v2 =	vmul.f32 v2, v6;
	v4 =	vld [tilespmem:s16+$0xC550];
	(pc) =	sbr.rel @p1 .LBB2_12-.Ltmp7, $4  }
0x1de: {  	v5 =	vld [tilespmem:s16+$0x4550]  }
0x1df: {  	[tilespmem:s16+$0x10520] =	vst v2;
	v8 =	vmul.f32 v3, v8;
	v2 =	vld [tilespmem:s16+$0xC560]  }
0x1e0: {  	s17 =	sshra.s32 s20, $0x2;
	v6 =	vld [tilespmem:s16+$0x4560]  }
0x1e1: {  	s20 =	sadd.s32 $0x200, s20;
	v3 =	vld [tilespmem:s17+$0xC570];
	[tilespmem:s16+$0x10530] =	vst v8;
	v7 =	vmul.f32 v9, v7  }
0x1e2: {  	v8 =	vld [tilespmem:s17+$0x4570]  }
0x1e3: {  	v9 =	vld [tilespmem:s17+$0xC500];
	[tilespmem:s16+$0x10540] =	vst v7;
	v4 =	vmul.f32 v5, v4  }
0x1e4: {  	v56 =	vld [tilespmem:s17+$0x4500]  }
0x1e5: {  	v7 =	vld [tilespmem:s17+$0xC510];
	[tilespmem:s16+$0x10550] =	vst v4;
	v2 =	vmul.f32 v6, v2  }
0x1e6: {  	v4 =	vld [tilespmem:s17+$0x4510]  }
0x1e7: {  	v57 =	vld [tilespmem:s17+$0xC520];
	[tilespmem:s16+$0x10560] =	vst v2  }
0x1e8: {  	v2 =	vmul.f32 v8, v3;
	v3 =	vld [tilespmem:s17+$0x4520]  }
0x1e9: {  	v58 =	vld [tilespmem:s17+$0xC530]  }
0x1ea: {  	v59 =	vld [tilespmem:s17+$0xC540]  }
0x1eb: {  	v60 =	vld [tilespmem:s17+$0x4540]  }
0x1ec: {  	v61 =	vld [tilespmem:s17+$0xC550]  }
0x1ed: {  	[tilespmem:s17+$0x10570] =	vst v2;
	v2 =	vld [tilespmem:s17+$0x4530]  }
0x1ee: {  	v62 =	vld [tilespmem:s17+$0x4550];
	v3 =	vmul.f32 v3, v57  }
0x1ef: {  	v63 =	vld [tilespmem:s17+$0x4560]  }
0x1f0: {  	v5 =	vmul.f32 v56, v9;
	[tilespmem:s17+$0x10520] =	vst v3;
	v3 =	vld [tilespmem:s17+$0xC560]  }
0x1f1: {  	v4 =	vmul.f32 v4, v7  }
0x1f2: {  	[tilespmem:s17+$0x10500] =	vst v5;
	v2 =	vmul.f32 v2, v58  }
0x1f3: {  	[tilespmem:s17+$0x10510] =	vst v4;
	v5 =	vmul.f32 v60, v59  }
0x1f4: {  	[tilespmem:s17+$0x10530] =	vst v2;
	v2 =	vmul.f32 v62, v61  }
0x1f5: {  	[tilespmem:s17+$0x10540] =	vst v5;
	v3 =	vmul.f32 v63, v3  }
0x1f6: {  	p1 =	sge.s32 s21, s13;
	s21 =	simm.s32 $0x180;
	s30 =	sadd.s32 $0x1, s30;
	[tilespmem:s17+$0x10550] =	vst v2  }
0x1f7: {  	s20 =	simm.s32 @!p1 $0x10500;
	s16 =	simm.s32 @!p1 $0x80;
	[tilespmem:s17+$0x10560] =	vst v3;
	s17 =	simm.s32 @!p1 $0x480  }
0x1f8: {  	[spmem:s5] =	stream.indirect.scatter.add.f32 @!p1 [tilespmem:s20], [sflag:$0x7], $0x80, s17, s16, $0xb8;
	[tilespmem:$0x1E980] =	vst v63  }
0x1f9: {  	s23 =	simm.s32 $0xC500;
	p1 =	sne.s32 s30, s14;
	_ =	swait.ge [sflag:s9], $0x100  }
.Ltmp8:
0x1fa: {  	s26 =	sshll.u32 s19, $0xB;
	[sflag:s9] =	ssyncset.done $0x0;
	(pc) =	sbr.rel @p1 .LBB2_5-.Ltmp8, $4  }
.Ltmp9:
0x1fb: {  	s16 =	sand.u32 $0x1FFFF800, s26;
	[sflag:s9] =	ssyncadd.s32 $0xFFFFFF00;
	(pc) =	sbr.rel @!p1 .LBB2_14-.Ltmp9, $4  }
0x1fc: {  	[tilespmem:s23], [sflag:$0x2] =	stream.indirect.gather [hbm4b:s0+s22], $0x80, s21, s22, $0xb8;
	[tilespmem:$0x1E980] =	vst v63  }
0x1fd: {  	s16 =	sadd.s32 s1, s16  }
0x1fe: {  	[tilespmem:s28], [sflag:$0x2] =	stream.linear.gather [hbm4b:s16+s7], $0x4000, $0x38;
	[tilespmem:$0x1E980] =	vst v63  }
0x1ff: {  	_ = 	snop  }
.LBB2_15:
0x200: {  	_ =	sfence.sel $0x180000  }
0x201: {  	[bflag:$0x0] =	sbarrier.arrive $0xFFFF  }
0x202: {  	_ =	strace $0x90000047  }
0x203: {  	[bflag:$0x2] =	sbarrier.arrive $0xFFFF  }
0x204: {  	p0 =	sne.s32 s11, $0x0;
	s0 =	rddreg [dreg:$0x5]  }
0x205: {  	s0 =	sadd.s32 @!p0 $0x100000, s0  }
0x206: {  	[sflag:s0] =	ssyncadd.tile.s32 @!p0 $0x1;
	_ =	shalt  }
.Lfunc_end2:
_tile_overlayer_lowered:
.L_overlay_start_2:
0x207: {  	(tag) =	ssettag $0x2  }
0x208: {  	s0 =	rddreg [dreg:$0x0];
	s2 =	stileid.u32  }
0x209: {  	s1 =	rddreg [dreg:$0x1];
	p0 =	sne.s32 s2, $0x0  }
0x20a: {  	s3 =	rddreg [dreg:$0x2];
	[bflag:$0x3] =	sbarrier.arrive $0xFFFF;
	s2 =	simm.s32 @!p0 $0x1C08  }
0x20b: {  	[timem:s3], [sflag:s2] =	dma.local @!p0 [hbm:s0], s1  }
0x20c: {  	s0 =	simm.s32 @!p0 $0x8  }
0x20d: {  	_ =	swait.ge @!p0 [sflag:s0], s1  }
0x20e: {  	s1 =	ssub.s32 @!p0 $0x0, s1;
	[sflag:s0] =	ssyncset.done @!p0 $0x0  }
0x20f: {  	[sflag:s0] =	ssyncadd.s32 @!p0 s1  }
0x210: {  	[bflag:$0x3] =	sbarrier.arrive $0xFFFF  }
0x211: {  	_ =	shalt  }

</sc_bundles>
